<compile_context>
chip_gen: v7x
topology: tpu7x:2x2x1
jax: 0.10.2.dev20260603
libtpu: 0.0.44.dev20260713+nightly
codegen_flags: <defaults>
</compile_context>

<pallas_src>
import functools

import jax
import jax.numpy as jnp
from jax import lax
from jax.experimental import pallas as pl
from jax.experimental.pallas import tpu as pltpu
from jax.experimental.pallas import tpu_sc as plsc

N_TABLE = 100000
N_NODES = 10000
DEG = 32
D = 128

NW = 32
CHUNK = 80
CPAD = 10240
CPW = CPAD // NW
CCH = CPW // CHUNK
NBUF = 5

NB = 400
STAGES = (2000, 2400, 2800, 2800)


def _sc_gather_stage(neigh_t_idx, table, cidx=None):
    n_chunks = neigh_t_idx.shape[1]
    nn = n_chunks * CHUNK
    with_center = cidx is not None
    info = plsc.get_sparse_core_info()
    nc = info.num_cores
    mesh = plsc.VectorSubcoreMesh(core_axis_name="c", subcore_axis_name="s")

    out_type = [jax.ShapeDtypeStruct((DEG, nn, D), jnp.float32)]
    if with_center:
        out_type.append(jax.ShapeDtypeStruct((CPAD, D), jnp.float32))
    scratch = [pltpu.VMEM((n_chunks, CHUNK), jnp.int32)]
    if with_center:
        scratch.append(pltpu.VMEM((CCH, CHUNK), jnp.int32))
    scratch += [pltpu.VMEM((CHUNK, D), jnp.float32) for _ in range(NBUF)]
    scratch += [pltpu.SemaphoreType.DMA for _ in range(NBUF)]

    @functools.partial(pl.kernel, mesh=mesh, out_type=out_type,
                       scratch_types=scratch)
    def k(*refs):
        if with_center:
            (nidx_hbm, cidx_hbm, table_hbm, nout_hbm, cout_hbm,
             idx_v, cidx_v, *bufs_sems) = refs
        else:
            nidx_hbm, table_hbm, nout_hbm, idx_v, *bufs_sems = refs
        bufs = bufs_sems[:NBUF]
        gsems = bufs_sems[NBUF:]
        wid = lax.axis_index("s") * nc + lax.axis_index("c")
        pltpu.sync_copy(nidx_hbm.at[wid], idx_v)
        if with_center:
            pltpu.sync_copy(cidx_hbm.at[wid], cidx_v)

        for b in range(NBUF):
            pltpu.async_copy(table_hbm.at[idx_v.at[b]], bufs[b], gsems[b])

        def group(gi, carry):
            g = gi * NBUF
            for b in range(NBUF):
                j = g + b
                pltpu.make_async_copy(
                    nout_hbm.at[wid, pl.ds(0, CHUNK)], bufs[b], gsems[b]
                ).wait()
                pltpu.sync_copy(bufs[b],
                                nout_hbm.at[wid, pl.ds(j * CHUNK, CHUNK)])

                @pl.when(j + NBUF < n_chunks)
                def _():
                    pltpu.async_copy(
                        table_hbm.at[idx_v.at[j + NBUF]], bufs[b], gsems[b])
            return carry

        lax.fori_loop(0, n_chunks // NBUF, group, 0)

        if with_center:
            for c in range(CCH):
                pltpu.async_copy(
                    table_hbm.at[cidx_v.at[c]], bufs[0], gsems[0]).wait()
                pltpu.sync_copy(
                    bufs[0], cout_hbm.at[pl.ds(wid * CPW + c * CHUNK, CHUNK)])

    if with_center:
        return k(neigh_t_idx, cidx, table)
    return k(neigh_t_idx, table)[0]


def _tc_body(neigh_ref, center_ref, w_ref, w1a_ref, w1b_ref, mw_ref,
             bias1_ref, w2_ref, b2_ref, w3rep_ref, out_ref):
    f32 = jnp.float32
    ne3 = neigh_ref[...]
    ne2 = ne3.reshape(DEG * NB, D)
    ctr = jnp.dot(center_ref[...], w1b_ref[...], preferred_element_type=f32)
    ctr = ctr + bias1_ref[...]
    w_blk = w_ref[...]
    hw = jnp.concatenate(
        [jnp.dot(w_blk, mw_ref[k], preferred_element_type=f32)[None]
         for k in range(DEG)], axis=0)
    h = jnp.dot(ne2, w1a_ref[...], preferred_element_type=f32)
    h = jnp.maximum(h.reshape(DEG, NB, D) + ctr[None] + hw, 0.0)
    h = jnp.dot(h.reshape(DEG * NB, D), w2_ref[...], preferred_element_type=f32)
    h = jnp.maximum(h + b2_ref[...], 0.0)
    lgr = jnp.dot(h, w3rep_ref[...], preferred_element_type=f32)
    e = jnp.exp(lgr.reshape(DEG, NB, D))
    s = jnp.sum(e, axis=0)
    out_ref[...] = jnp.sum(e * ne3, axis=0) / s


def _tc_mlp(neigh, center, weights, w1a, w1b, mw, bias1, w2, b2, w3rep,
            nblocks, off):
    rep = lambda i: (0, 0)
    return pl.pallas_call(
        _tc_body,
        grid=(nblocks,),
        in_specs=[
            pl.BlockSpec((DEG, NB, D), lambda i: (0, i, 0)),
            pl.BlockSpec((NB, D), lambda i, o=off: (i + o, 0)),
            pl.BlockSpec((NB, DEG), lambda i, o=off: (i + o, 0)),
            pl.BlockSpec((D, D), rep),
            pl.BlockSpec((D, D), rep),
            pl.BlockSpec((DEG, DEG, D), lambda i: (0, 0, 0)),
            pl.BlockSpec((1, D), rep),
            pl.BlockSpec((D, D), rep),
            pl.BlockSpec((1, D), rep),
            pl.BlockSpec((D, D), rep),
        ],
        out_specs=pl.BlockSpec((NB, D), lambda i: (i, 0)),
        out_shape=jax.ShapeDtypeStruct((nblocks * NB, D), jnp.float32),
    )(neigh, center, weights, w1a, w1b, mw, bias1, w2, b2, w3rep)


def kernel(video_nodes, video_neighs_list, video_neighs_weights_list,
           video_embeddings, W1, b1, W2, b2, W3, b3):
    neighs_t = video_neighs_list.T
    cidx = jnp.concatenate(
        [video_nodes, jnp.zeros((CPAD - N_NODES,), jnp.int32)]
    ).reshape(NW, CCH, CHUNK)

    neighs = []
    center = None
    base = 0
    for si, n in enumerate(STAGES):
        nidx = neighs_t[:, base:base + n].reshape(DEG, n // CHUNK, CHUNK)
        if si == 0:
            ne, center = _sc_gather_stage(nidx, video_embeddings, cidx)
        else:
            ne = _sc_gather_stage(nidx, video_embeddings)
        neighs.append(ne)
        base += n

    w1a = W1[0:D]
    w1b = W1[D + 1:2 * D + 1]
    bias1 = (b1 + W1[2 * D + 1])[None, :]
    mw = jnp.eye(DEG, dtype=jnp.float32)[:, :, None] * W1[D][None, None, :]
    w3rep = jnp.tile(W3, (1, D))
    b2r = b2[None, :]

    outs = []
    blk_off = 0
    for ne, n in zip(neighs, STAGES):
        outs.append(_tc_mlp(ne, center, video_neighs_weights_list,
                            w1a, w1b, mw, bias1, W2, b2r, w3rep,
                            n // NB, blk_off))
        blk_off += n // NB
    return jnp.concatenate(outs, axis=0)

# --- scband reference (transcript-rebuilt; emitter-appended) ---
"""Pipeline reference for scband-graph-aggregator-54288386621833 (READ-ONLY COPY).

The authoritative reference and input builder live on the scoring server;
editing this copy changes nothing except your own understanding.
"""

import jax, jax.numpy as jnp
import numpy as np

N_TABLE = 100000
N_NODES = 10000
DEG = 32
D = 128

def setup_inputs(seed: int = 0) -> dict:
    key = jax.random.key(seed)
    ks = jax.random.split(key, 8)
    video_embeddings = jax.random.normal(ks[0], (N_TABLE, D), dtype=jnp.float32) * 0.1
    video_nodes = jax.random.randint(ks[1], (N_NODES,), 0, N_TABLE, dtype=jnp.int32)
    video_neighs_list = jax.random.randint(ks[2], (N_NODES, DEG), 0, N_TABLE, dtype=jnp.int32)
    video_neighs_weights_list = jax.random.uniform(ks[3], (N_NODES, DEG), dtype=jnp.float32)
    W1 = jax.random.normal(ks[4], (2 * (D + 1), D), dtype=jnp.float32) * (1.0 / np.sqrt(2 * (D + 1)))
    b1 = jnp.zeros((D,), jnp.float32)
    W2 = jax.random.normal(ks[5], (D, D), dtype=jnp.float32) * (1.0 / np.sqrt(D))
    b2 = jnp.zeros((D,), jnp.float32)
    W3 = jax.random.normal(ks[6], (D, 1), dtype=jnp.float32) * (1.0 / np.sqrt(D))
    b3 = jnp.zeros((1,), jnp.float32)
    return {"video_nodes": video_nodes, "video_neighs_list": video_neighs_list,
            "video_neighs_weights_list": video_neighs_weights_list,
            "video_embeddings": video_embeddings,
            "W1": W1, "b1": b1, "W2": W2, "b2": b2, "W3": W3, "b3": b3}

def reference(video_nodes, video_neighs_list, video_neighs_weights_list, video_embeddings, W1, b1, W2, b2, W3, b3):
    # add_edge=True path, vectorized over the python loop (fixed DEG neighbors per node)
    neigh_emb = jnp.take(video_embeddings, video_neighs_list, axis=0)              # [N, DEG, D] gather
    neigh_in = jnp.concatenate([neigh_emb, video_neighs_weights_list[..., None]], axis=-1)  # [N, DEG, D+1]
    center = jnp.take(video_embeddings, video_nodes, axis=0)                       # [N, D] gather
    center_in = jnp.concatenate([center, jnp.ones((center.shape[0], 1), jnp.float32)], axis=-1)  # [N, D+1]
    center_rep = jnp.broadcast_to(center_in[:, None, :], neigh_in.shape)           # repeat over neighbors
    x = jnp.concatenate([neigh_in, center_rep], axis=-1)                           # [N, DEG, 2*(D+1)]
    h = jax.nn.relu(jnp.einsum('nki,io->nko', x, W1) + b1)
    h = jax.nn.relu(jnp.einsum('nki,io->nko', h, W2) + b2)
    logits = (jnp.einsum('nki,io->nko', h, W3) + b3)[..., 0]                       # [N, DEG]
    att_w = jax.nn.softmax(logits, axis=1)                                         # softmax over neighbors (dim=0 in per-node loop)
    embed_matrix = jnp.einsum('nkd,nk->nd', neigh_emb, att_w)                      # weighted sum of raw neighbor embeddings
    return embed_matrix

if __name__ == "__main__":
    import jax
    _d = setup_inputs()
    print(jax.jit(kernel)(*tuple(_d.values())))

</pallas_src>

<mosaic_0001>
#map = affine_map<(d0, d1) -> (0, 0, 0)>
#map1 = affine_map<(d0, d1) -> (0, 0)>
module attributes {stable_mosaic.version = 14 : i64} {
  func.func @k(%arg0: i32, %arg1: i32, %arg2: memref<32x35x80xi32, #tpu.memory_space<hbm>>, %arg3: memref<100000x128xf32, #tpu.memory_space<hbm>>, %arg4: memref<32x2800x128xf32, #tpu.memory_space<hbm>>, %arg5: memref<35x80xi32, #tpu.memory_space<vmem>>, %arg6: memref<80x128xf32, #tpu.memory_space<vmem>>, %arg7: memref<80x128xf32, #tpu.memory_space<vmem>>, %arg8: memref<80x128xf32, #tpu.memory_space<vmem>>, %arg9: memref<80x128xf32, #tpu.memory_space<vmem>>, %arg10: memref<80x128xf32, #tpu.memory_space<vmem>>, %arg11: memref<!tpu.dma_semaphore, #tpu.memory_space<semaphore_mem>>, %arg12: memref<!tpu.dma_semaphore, #tpu.memory_space<semaphore_mem>>, %arg13: memref<!tpu.dma_semaphore, #tpu.memory_space<semaphore_mem>>, %arg14: memref<!tpu.dma_semaphore, #tpu.memory_space<semaphore_mem>>, %arg15: memref<!tpu.dma_semaphore, #tpu.memory_space<semaphore_mem>>) attributes {dimension_semantics = [#tpu.dimension_semantics<core_parallel>, #tpu.dimension_semantics<subcore_parallel>], iteration_bounds = array<i64: 2, 16>, scalar_prefetch = 0 : i64, scratch_operands = 11 : i64, tpu.core_type = #tpu.core_type<sc_vector_subcore>, window_params = [{transform_indices = #map}, {transform_indices = #map1}, {transform_indices = #map}]} {
    %mul3A = arith.constant 2 : i32
    %mul3A_0 = arith.muli %arg1, %mul3A : i32
    %add3A = arith.addi %mul3A_0, %arg0 : i32
    "tpu.region"() ({
      %run_scoped3A = tpu.sem_alloc : memref<!tpu.dma_semaphore, #tpu.memory_space<semaphore_mem>>
      %dma_start3A_40 = arith.constant 0 : i32
      %dma_start3A_41 = arith.constant 0 : i32
      %dma_start3A_42 = tpu.memref_slice %arg2[%add3A, %dma_start3A_40, %dma_start3A_41] : memref<32x35x80xi32, #tpu.memory_space<hbm>> -> memref<1x35x80xi32, #tpu.memory_space<hbm>>
      %dma_start3A_43 = tpu.memref_squeeze %dma_start3A_42 : memref<1x35x80xi32, #tpu.memory_space<hbm>> -> memref<35x80xi32, #tpu.memory_space<hbm>>
      %dma_start3A_44 = arith.constant 0 : i32
      %dma_start3A_45 = arith.constant 0 : i32
      %dma_start3A_46 = tpu.memref_slice %arg2[%add3A, %dma_start3A_44, %dma_start3A_45] : memref<32x35x80xi32, #tpu.memory_space<hbm>> -> memref<1x35x80xi32, #tpu.memory_space<hbm>>
      %dma_start3A_47 = tpu.memref_squeeze %dma_start3A_46 : memref<1x35x80xi32, #tpu.memory_space<hbm>> -> memref<35x80xi32, #tpu.memory_space<hbm>>
      tpu.enqueue_dma source(%dma_start3A_47 : memref<35x80xi32, #tpu.memory_space<hbm>>) target(%arg5 : memref<35x80xi32, #tpu.memory_space<vmem>>) target_semaphore(%run_scoped3A : memref<!tpu.dma_semaphore, #tpu.memory_space<semaphore_mem>>)
      %dma_wait3A = arith.constant 0 : i32
      %dma_wait3A_48 = arith.constant 0 : i32
      %dma_wait3A_49 = tpu.memref_slice %arg2[%add3A, %dma_wait3A, %dma_wait3A_48] : memref<32x35x80xi32, #tpu.memory_space<hbm>> -> memref<1x35x80xi32, #tpu.memory_space<hbm>>
      %dma_wait3A_50 = tpu.memref_squeeze %dma_wait3A_49 : memref<1x35x80xi32, #tpu.memory_space<hbm>> -> memref<35x80xi32, #tpu.memory_space<hbm>>
      %dma_wait3A_51 = arith.constant 0 : i32
      %dma_wait3A_52 = arith.constant 0 : i32
      %dma_wait3A_53 = tpu.memref_slice %arg2[%add3A, %dma_wait3A_51, %dma_wait3A_52] : memref<32x35x80xi32, #tpu.memory_space<hbm>> -> memref<1x35x80xi32, #tpu.memory_space<hbm>>
      %dma_wait3A_54 = tpu.memref_squeeze %dma_wait3A_53 : memref<1x35x80xi32, #tpu.memory_space<hbm>> -> memref<35x80xi32, #tpu.memory_space<hbm>>
      tpu.wait_dma2 semaphore(%run_scoped3A : memref<!tpu.dma_semaphore, #tpu.memory_space<semaphore_mem>>) src(%dma_wait3A_54 : memref<35x80xi32, #tpu.memory_space<hbm>>) dst(%arg5 : memref<35x80xi32, #tpu.memory_space<vmem>>)
      tpu.yield
    }) : () -> ()
    %dma_start3A = arith.constant 0 : i32
    %dma_start3A_1 = arith.constant 0 : i32
    %dma_start3A_2 = tpu.memref_slice %arg5[%dma_start3A, %dma_start3A_1] : memref<35x80xi32, #tpu.memory_space<vmem>> -> memref<1x80xi32, #tpu.memory_space<vmem>>
    %dma_start3A_3 = tpu.memref_squeeze %dma_start3A_2 : memref<1x80xi32, #tpu.memory_space<vmem>> -> memref<80xi32, #tpu.memory_space<vmem>>
    %dma_start3A_4 = arith.constant 0 : i32
    %dma_start3A_5 = arith.constant 0 : i32
    %dma_start3A_6 = tpu.memref_slice %arg3[%dma_start3A_4, %dma_start3A_5] : memref<100000x128xf32, #tpu.memory_space<hbm>> -> memref<100000x128xf32, #tpu.memory_space<hbm>>
    tpu.enqueue_indirect_dma source(%dma_start3A_6 : memref<100000x128xf32, #tpu.memory_space<hbm>>) target(%arg6 : memref<80x128xf32, #tpu.memory_space<vmem>>) offsets(%dma_start3A_3 : memref<80xi32, #tpu.memory_space<vmem>>) semaphore(%arg11 : memref<!tpu.dma_semaphore, #tpu.memory_space<semaphore_mem>>)
    %dma_start3A_7 = arith.constant 1 : i32
    %dma_start3A_8 = arith.constant 0 : i32
    %dma_start3A_9 = tpu.memref_slice %arg5[%dma_start3A_7, %dma_start3A_8] : memref<35x80xi32, #tpu.memory_space<vmem>> -> memref<1x80xi32, #tpu.memory_space<vmem>>
    %dma_start3A_10 = tpu.memref_squeeze %dma_start3A_9 : memref<1x80xi32, #tpu.memory_space<vmem>> -> memref<80xi32, #tpu.memory_space<vmem>>
    %dma_start3A_11 = arith.constant 0 : i32
    %dma_start3A_12 = arith.constant 0 : i32
    %dma_start3A_13 = tpu.memref_slice %arg3[%dma_start3A_11, %dma_start3A_12] : memref<100000x128xf32, #tpu.memory_space<hbm>> -> memref<100000x128xf32, #tpu.memory_space<hbm>>
    tpu.enqueue_indirect_dma source(%dma_start3A_13 : memref<100000x128xf32, #tpu.memory_space<hbm>>) target(%arg7 : memref<80x128xf32, #tpu.memory_space<vmem>>) offsets(%dma_start3A_10 : memref<80xi32, #tpu.memory_space<vmem>>) semaphore(%arg12 : memref<!tpu.dma_semaphore, #tpu.memory_space<semaphore_mem>>)
    %dma_start3A_14 = arith.constant 2 : i32
    %dma_start3A_15 = arith.constant 0 : i32
    %dma_start3A_16 = tpu.memref_slice %arg5[%dma_start3A_14, %dma_start3A_15] : memref<35x80xi32, #tpu.memory_space<vmem>> -> memref<1x80xi32, #tpu.memory_space<vmem>>
    %dma_start3A_17 = tpu.memref_squeeze %dma_start3A_16 : memref<1x80xi32, #tpu.memory_space<vmem>> -> memref<80xi32, #tpu.memory_space<vmem>>
    %dma_start3A_18 = arith.constant 0 : i32
    %dma_start3A_19 = arith.constant 0 : i32
    %dma_start3A_20 = tpu.memref_slice %arg3[%dma_start3A_18, %dma_start3A_19] : memref<100000x128xf32, #tpu.memory_space<hbm>> -> memref<100000x128xf32, #tpu.memory_space<hbm>>
    tpu.enqueue_indirect_dma source(%dma_start3A_20 : memref<100000x128xf32, #tpu.memory_space<hbm>>) target(%arg8 : memref<80x128xf32, #tpu.memory_space<vmem>>) offsets(%dma_start3A_17 : memref<80xi32, #tpu.memory_space<vmem>>) semaphore(%arg13 : memref<!tpu.dma_semaphore, #tpu.memory_space<semaphore_mem>>)
    %dma_start3A_21 = arith.constant 3 : i32
    %dma_start3A_22 = arith.constant 0 : i32
    %dma_start3A_23 = tpu.memref_slice %arg5[%dma_start3A_21, %dma_start3A_22] : memref<35x80xi32, #tpu.memory_space<vmem>> -> memref<1x80xi32, #tpu.memory_space<vmem>>
    %dma_start3A_24 = tpu.memref_squeeze %dma_start3A_23 : memref<1x80xi32, #tpu.memory_space<vmem>> -> memref<80xi32, #tpu.memory_space<vmem>>
    %dma_start3A_25 = arith.constant 0 : i32
    %dma_start3A_26 = arith.constant 0 : i32
    %dma_start3A_27 = tpu.memref_slice %arg3[%dma_start3A_25, %dma_start3A_26] : memref<100000x128xf32, #tpu.memory_space<hbm>> -> memref<100000x128xf32, #tpu.memory_space<hbm>>
    tpu.enqueue_indirect_dma source(%dma_start3A_27 : memref<100000x128xf32, #tpu.memory_space<hbm>>) target(%arg9 : memref<80x128xf32, #tpu.memory_space<vmem>>) offsets(%dma_start3A_24 : memref<80xi32, #tpu.memory_space<vmem>>) semaphore(%arg14 : memref<!tpu.dma_semaphore, #tpu.memory_space<semaphore_mem>>)
    %dma_start3A_28 = arith.constant 4 : i32
    %dma_start3A_29 = arith.constant 0 : i32
    %dma_start3A_30 = tpu.memref_slice %arg5[%dma_start3A_28, %dma_start3A_29] : memref<35x80xi32, #tpu.memory_space<vmem>> -> memref<1x80xi32, #tpu.memory_space<vmem>>
    %dma_start3A_31 = tpu.memref_squeeze %dma_start3A_30 : memref<1x80xi32, #tpu.memory_space<vmem>> -> memref<80xi32, #tpu.memory_space<vmem>>
    %dma_start3A_32 = arith.constant 0 : i32
    %dma_start3A_33 = arith.constant 0 : i32
    %dma_start3A_34 = tpu.memref_slice %arg3[%dma_start3A_32, %dma_start3A_33] : memref<100000x128xf32, #tpu.memory_space<hbm>> -> memref<100000x128xf32, #tpu.memory_space<hbm>>
    tpu.enqueue_indirect_dma source(%dma_start3A_34 : memref<100000x128xf32, #tpu.memory_space<hbm>>) target(%arg10 : memref<80x128xf32, #tpu.memory_space<vmem>>) offsets(%dma_start3A_31 : memref<80xi32, #tpu.memory_space<vmem>>) semaphore(%arg15 : memref<!tpu.dma_semaphore, #tpu.memory_space<semaphore_mem>>)
    %scan3A = arith.constant 0 : i32
    %scan3A_35 = arith.constant 0 : i32
    %scan3A_36 = arith.constant 7 : i32
    %scan3A_37 = arith.addi %scan3A_35, %scan3A_36 : i32
    %scan3A_38 = arith.constant 1 : i32
    scf.for %scan3A_40 = %scan3A_35 to %scan3A_37 step %scan3A_38  : i32 {
      %mul3A_41 = arith.constant 5 : i32
      %mul3A_42 = arith.muli %scan3A_40, %mul3A_41 : i32
      %add3A_43 = arith.constant 0 : i32
      %add3A_44 = arith.addi %mul3A_42, %add3A_43 : i32
      %dma_wait3A = arith.constant 0 : i32
      %dma_wait3A_45 = arith.constant 0 : i32
      %dma_wait3A_46 = tpu.memref_slice %arg4[%add3A, %dma_wait3A, %dma_wait3A_45] : memref<32x2800x128xf32, #tpu.memory_space<hbm>> -> memref<1x80x128xf32, #tpu.memory_space<hbm>>
      %dma_wait3A_47 = tpu.memref_squeeze %dma_wait3A_46 : memref<1x80x128xf32, #tpu.memory_space<hbm>> -> memref<80x128xf32, #tpu.memory_space<hbm>>
      %dma_wait3A_48 = arith.constant 0 : i32
      %dma_wait3A_49 = arith.constant 0 : i32
      %dma_wait3A_50 = tpu.memref_slice %arg4[%add3A, %dma_wait3A_48, %dma_wait3A_49] : memref<32x2800x128xf32, #tpu.memory_space<hbm>> -> memref<1x80x128xf32, #tpu.memory_space<hbm>>
      %dma_wait3A_51 = tpu.memref_squeeze %dma_wait3A_50 : memref<1x80x128xf32, #tpu.memory_space<hbm>> -> memref<80x128xf32, #tpu.memory_space<hbm>>
      tpu.wait_dma2 semaphore(%arg11 : memref<!tpu.dma_semaphore, #tpu.memory_space<semaphore_mem>>) src(%dma_wait3A_51 : memref<80x128xf32, #tpu.memory_space<hbm>>) dst(%arg6 : memref<80x128xf32, #tpu.memory_space<vmem>>)
      %mul3A_52 = arith.constant 80 : i32
      %mul3A_53 = arith.muli %add3A_44, %mul3A_52 : i32
      "tpu.region"() ({
        %run_scoped3A = tpu.sem_alloc : memref<!tpu.dma_semaphore, #tpu.memory_space<semaphore_mem>>
        %dma_start3A_134 = arith.constant 0 : i32
        %dma_start3A_135 = tpu.memref_slice %arg4[%add3A, %mul3A_53, %dma_start3A_134] : memref<32x2800x128xf32, #tpu.memory_space<hbm>> -> memref<1x80x128xf32, #tpu.memory_space<hbm>>
        %dma_start3A_136 = tpu.memref_squeeze %dma_start3A_135 : memref<1x80x128xf32, #tpu.memory_space<hbm>> -> memref<80x128xf32, #tpu.memory_space<hbm>>
        %dma_start3A_137 = arith.constant 0 : i32
        %dma_start3A_138 = tpu.memref_slice %arg4[%add3A, %mul3A_53, %dma_start3A_137] : memref<32x2800x128xf32, #tpu.memory_space<hbm>> -> memref<1x80x128xf32, #tpu.memory_space<hbm>>
        %dma_start3A_139 = tpu.memref_squeeze %dma_start3A_138 : memref<1x80x128xf32, #tpu.memory_space<hbm>> -> memref<80x128xf32, #tpu.memory_space<hbm>>
        tpu.enqueue_dma source(%arg6 : memref<80x128xf32, #tpu.memory_space<vmem>>) target(%dma_start3A_139 : memref<80x128xf32, #tpu.memory_space<hbm>>) target_semaphore(%run_scoped3A : memref<!tpu.dma_semaphore, #tpu.memory_space<semaphore_mem>>)
        %dma_wait3A_140 = arith.constant 0 : i32
        %dma_wait3A_141 = tpu.memref_slice %arg4[%add3A, %mul3A_53, %dma_wait3A_140] : memref<32x2800x128xf32, #tpu.memory_space<hbm>> -> memref<1x80x128xf32, #tpu.memory_space<hbm>>
        %dma_wait3A_142 = tpu.memref_squeeze %dma_wait3A_141 : memref<1x80x128xf32, #tpu.memory_space<hbm>> -> memref<80x128xf32, #tpu.memory_space<hbm>>
        %dma_wait3A_143 = arith.constant 0 : i32
        %dma_wait3A_144 = tpu.memref_slice %arg4[%add3A, %mul3A_53, %dma_wait3A_143] : memref<32x2800x128xf32, #tpu.memory_space<hbm>> -> memref<1x80x128xf32, #tpu.memory_space<hbm>>
        %dma_wait3A_145 = tpu.memref_squeeze %dma_wait3A_144 : memref<1x80x128xf32, #tpu.memory_space<hbm>> -> memref<80x128xf32, #tpu.memory_space<hbm>>
        tpu.wait_dma2 semaphore(%run_scoped3A : memref<!tpu.dma_semaphore, #tpu.memory_space<semaphore_mem>>) src(%arg6 : memref<80x128xf32, #tpu.memory_space<vmem>>) dst(%dma_wait3A_145 : memref<80x128xf32, #tpu.memory_space<hbm>>)
        tpu.yield
      }) : () -> ()
      %add3A_54 = arith.constant 5 : i32
      %add3A_55 = arith.addi %add3A_44, %add3A_54 : i32
      %lt3A = arith.constant 35 : i32
      %lt3A_56 = arith.cmpi slt, %add3A_55, %lt3A : i32
      %convert_element_type3A = arith.extui %lt3A_56 : i1 to i32
      %cond3A = arith.constant 0 : i32
      %cond3A_57 = arith.cmpi ne, %convert_element_type3A, %cond3A : i32
      scf.if %cond3A_57 {
        %add3A_134 = arith.constant 5 : i32
        %add3A_135 = arith.addi %add3A_44, %add3A_134 : i32
        %dma_start3A_136 = arith.constant 0 : i32
        %dma_start3A_137 = tpu.memref_slice %arg5[%add3A_135, %dma_start3A_136] : memref<35x80xi32, #tpu.memory_space<vmem>> -> memref<1x80xi32, #tpu.memory_space<vmem>>
        %dma_start3A_138 = tpu.memref_squeeze %dma_start3A_137 : memref<1x80xi32, #tpu.memory_space<vmem>> -> memref<80xi32, #tpu.memory_space<vmem>>
        %dma_start3A_139 = arith.constant 0 : i32
        %dma_start3A_140 = arith.constant 0 : i32
        %dma_start3A_141 = tpu.memref_slice %arg3[%dma_start3A_139, %dma_start3A_140] : memref<100000x128xf32, #tpu.memory_space<hbm>> -> memref<100000x128xf32, #tpu.memory_space<hbm>>
        tpu.enqueue_indirect_dma source(%dma_start3A_141 : memref<100000x128xf32, #tpu.memory_space<hbm>>) target(%arg6 : memref<80x128xf32, #tpu.memory_space<vmem>>) offsets(%dma_start3A_138 : memref<80xi32, #tpu.memory_space<vmem>>) semaphore(%arg11 : memref<!tpu.dma_semaphore, #tpu.memory_space<semaphore_mem>>)
      } else {
      }
      %add3A_58 = arith.constant 1 : i32
      %add3A_59 = arith.addi %mul3A_42, %add3A_58 : i32
      %dma_wait3A_60 = arith.constant 0 : i32
      %dma_wait3A_61 = arith.constant 0 : i32
      %dma_wait3A_62 = tpu.memref_slice %arg4[%add3A, %dma_wait3A_60, %dma_wait3A_61] : memref<32x2800x128xf32, #tpu.memory_space<hbm>> -> memref<1x80x128xf32, #tpu.memory_space<hbm>>
      %dma_wait3A_63 = tpu.memref_squeeze %dma_wait3A_62 : memref<1x80x128xf32, #tpu.memory_space<hbm>> -> memref<80x128xf32, #tpu.memory_space<hbm>>
      %dma_wait3A_64 = arith.constant 0 : i32
      %dma_wait3A_65 = arith.constant 0 : i32
      %dma_wait3A_66 = tpu.memref_slice %arg4[%add3A, %dma_wait3A_64, %dma_wait3A_65] : memref<32x2800x128xf32, #tpu.memory_space<hbm>> -> memref<1x80x128xf32, #tpu.memory_space<hbm>>
      %dma_wait3A_67 = tpu.memref_squeeze %dma_wait3A_66 : memref<1x80x128xf32, #tpu.memory_space<hbm>> -> memref<80x128xf32, #tpu.memory_space<hbm>>
      tpu.wait_dma2 semaphore(%arg12 : memref<!tpu.dma_semaphore, #tpu.memory_space<semaphore_mem>>) src(%dma_wait3A_67 : memref<80x128xf32, #tpu.memory_space<hbm>>) dst(%arg7 : memref<80x128xf32, #tpu.memory_space<vmem>>)
      %mul3A_68 = arith.constant 80 : i32
      %mul3A_69 = arith.muli %add3A_59, %mul3A_68 : i32
      "tpu.region"() ({
        %run_scoped3A = tpu.sem_alloc : memref<!tpu.dma_semaphore, #tpu.memory_space<semaphore_mem>>
        %dma_start3A_134 = arith.constant 0 : i32
        %dma_start3A_135 = tpu.memref_slice %arg4[%add3A, %mul3A_69, %dma_start3A_134] : memref<32x2800x128xf32, #tpu.memory_space<hbm>> -> memref<1x80x128xf32, #tpu.memory_space<hbm>>
        %dma_start3A_136 = tpu.memref_squeeze %dma_start3A_135 : memref<1x80x128xf32, #tpu.memory_space<hbm>> -> memref<80x128xf32, #tpu.memory_space<hbm>>
        %dma_start3A_137 = arith.constant 0 : i32
        %dma_start3A_138 = tpu.memref_slice %arg4[%add3A, %mul3A_69, %dma_start3A_137] : memref<32x2800x128xf32, #tpu.memory_space<hbm>> -> memref<1x80x128xf32, #tpu.memory_space<hbm>>
        %dma_start3A_139 = tpu.memref_squeeze %dma_start3A_138 : memref<1x80x128xf32, #tpu.memory_space<hbm>> -> memref<80x128xf32, #tpu.memory_space<hbm>>
        tpu.enqueue_dma source(%arg7 : memref<80x128xf32, #tpu.memory_space<vmem>>) target(%dma_start3A_139 : memref<80x128xf32, #tpu.memory_space<hbm>>) target_semaphore(%run_scoped3A : memref<!tpu.dma_semaphore, #tpu.memory_space<semaphore_mem>>)
        %dma_wait3A_140 = arith.constant 0 : i32
        %dma_wait3A_141 = tpu.memref_slice %arg4[%add3A, %mul3A_69, %dma_wait3A_140] : memref<32x2800x128xf32, #tpu.memory_space<hbm>> -> memref<1x80x128xf32, #tpu.memory_space<hbm>>
        %dma_wait3A_142 = tpu.memref_squeeze %dma_wait3A_141 : memref<1x80x128xf32, #tpu.memory_space<hbm>> -> memref<80x128xf32, #tpu.memory_space<hbm>>
        %dma_wait3A_143 = arith.constant 0 : i32
        %dma_wait3A_144 = tpu.memref_slice %arg4[%add3A, %mul3A_69, %dma_wait3A_143] : memref<32x2800x128xf32, #tpu.memory_space<hbm>> -> memref<1x80x128xf32, #tpu.memory_space<hbm>>
        %dma_wait3A_145 = tpu.memref_squeeze %dma_wait3A_144 : memref<1x80x128xf32, #tpu.memory_space<hbm>> -> memref<80x128xf32, #tpu.memory_space<hbm>>
        tpu.wait_dma2 semaphore(%run_scoped3A : memref<!tpu.dma_semaphore, #tpu.memory_space<semaphore_mem>>) src(%arg7 : memref<80x128xf32, #tpu.memory_space<vmem>>) dst(%dma_wait3A_145 : memref<80x128xf32, #tpu.memory_space<hbm>>)
        tpu.yield
      }) : () -> ()
      %add3A_70 = arith.constant 5 : i32
      %add3A_71 = arith.addi %add3A_59, %add3A_70 : i32
      %lt3A_72 = arith.constant 35 : i32
      %lt3A_73 = arith.cmpi slt, %add3A_71, %lt3A_72 : i32
      %convert_element_type3A_74 = arith.extui %lt3A_73 : i1 to i32
      %cond3A_75 = arith.constant 0 : i32
      %cond3A_76 = arith.cmpi ne, %convert_element_type3A_74, %cond3A_75 : i32
      scf.if %cond3A_76 {
        %add3A_134 = arith.constant 5 : i32
        %add3A_135 = arith.addi %add3A_59, %add3A_134 : i32
        %dma_start3A_136 = arith.constant 0 : i32
        %dma_start3A_137 = tpu.memref_slice %arg5[%add3A_135, %dma_start3A_136] : memref<35x80xi32, #tpu.memory_space<vmem>> -> memref<1x80xi32, #tpu.memory_space<vmem>>
        %dma_start3A_138 = tpu.memref_squeeze %dma_start3A_137 : memref<1x80xi32, #tpu.memory_space<vmem>> -> memref<80xi32, #tpu.memory_space<vmem>>
        %dma_start3A_139 = arith.constant 0 : i32
        %dma_start3A_140 = arith.constant 0 : i32
        %dma_start3A_141 = tpu.memref_slice %arg3[%dma_start3A_139, %dma_start3A_140] : memref<100000x128xf32, #tpu.memory_space<hbm>> -> memref<100000x128xf32, #tpu.memory_space<hbm>>
        tpu.enqueue_indirect_dma source(%dma_start3A_141 : memref<100000x128xf32, #tpu.memory_space<hbm>>) target(%arg7 : memref<80x128xf32, #tpu.memory_space<vmem>>) offsets(%dma_start3A_138 : memref<80xi32, #tpu.memory_space<vmem>>) semaphore(%arg12 : memref<!tpu.dma_semaphore, #tpu.memory_space<semaphore_mem>>)
      } else {
      }
      %add3A_77 = arith.constant 2 : i32
      %add3A_78 = arith.addi %mul3A_42, %add3A_77 : i32
      %dma_wait3A_79 = arith.constant 0 : i32
      %dma_wait3A_80 = arith.constant 0 : i32
      %dma_wait3A_81 = tpu.memref_slice %arg4[%add3A, %dma_wait3A_79, %dma_wait3A_80] : memref<32x2800x128xf32, #tpu.memory_space<hbm>> -> memref<1x80x128xf32, #tpu.memory_space<hbm>>
      %dma_wait3A_82 = tpu.memref_squeeze %dma_wait3A_81 : memref<1x80x128xf32, #tpu.memory_space<hbm>> -> memref<80x128xf32, #tpu.memory_space<hbm>>
      %dma_wait3A_83 = arith.constant 0 : i32
      %dma_wait3A_84 = arith.constant 0 : i32
      %dma_wait3A_85 = tpu.memref_slice %arg4[%add3A, %dma_wait3A_83, %dma_wait3A_84] : memref<32x2800x128xf32, #tpu.memory_space<hbm>> -> memref<1x80x128xf32, #tpu.memory_space<hbm>>
      %dma_wait3A_86 = tpu.memref_squeeze %dma_wait3A_85 : memref<1x80x128xf32, #tpu.memory_space<hbm>> -> memref<80x128xf32, #tpu.memory_space<hbm>>
      tpu.wait_dma2 semaphore(%arg13 : memref<!tpu.dma_semaphore, #tpu.memory_space<semaphore_mem>>) src(%dma_wait3A_86 : memref<80x128xf32, #tpu.memory_space<hbm>>) dst(%arg8 : memref<80x128xf32, #tpu.memory_space<vmem>>)
      %mul3A_87 = arith.constant 80 : i32
      %mul3A_88 = arith.muli %add3A_78, %mul3A_87 : i32
      "tpu.region"() ({
        %run_scoped3A = tpu.sem_alloc : memref<!tpu.dma_semaphore, #tpu.memory_space<semaphore_mem>>
        %dma_start3A_134 = arith.constant 0 : i32
        %dma_start3A_135 = tpu.memref_slice %arg4[%add3A, %mul3A_88, %dma_start3A_134] : memref<32x2800x128xf32, #tpu.memory_space<hbm>> -> memref<1x80x128xf32, #tpu.memory_space<hbm>>
        %dma_start3A_136 = tpu.memref_squeeze %dma_start3A_135 : memref<1x80x128xf32, #tpu.memory_space<hbm>> -> memref<80x128xf32, #tpu.memory_space<hbm>>
        %dma_start3A_137 = arith.constant 0 : i32
        %dma_start3A_138 = tpu.memref_slice %arg4[%add3A, %mul3A_88, %dma_start3A_137] : memref<32x2800x128xf32, #tpu.memory_space<hbm>> -> memref<1x80x128xf32, #tpu.memory_space<hbm>>
        %dma_start3A_139 = tpu.memref_squeeze %dma_start3A_138 : memref<1x80x128xf32, #tpu.memory_space<hbm>> -> memref<80x128xf32, #tpu.memory_space<hbm>>
        tpu.enqueue_dma source(%arg8 : memref<80x128xf32, #tpu.memory_space<vmem>>) target(%dma_start3A_139 : memref<80x128xf32, #tpu.memory_space<hbm>>) target_semaphore(%run_scoped3A : memref<!tpu.dma_semaphore, #tpu.memory_space<semaphore_mem>>)
        %dma_wait3A_140 = arith.constant 0 : i32
        %dma_wait3A_141 = tpu.memref_slice %arg4[%add3A, %mul3A_88, %dma_wait3A_140] : memref<32x2800x128xf32, #tpu.memory_space<hbm>> -> memref<1x80x128xf32, #tpu.memory_space<hbm>>
        %dma_wait3A_142 = tpu.memref_squeeze %dma_wait3A_141 : memref<1x80x128xf32, #tpu.memory_space<hbm>> -> memref<80x128xf32, #tpu.memory_space<hbm>>
        %dma_wait3A_143 = arith.constant 0 : i32
        %dma_wait3A_144 = tpu.memref_slice %arg4[%add3A, %mul3A_88, %dma_wait3A_143] : memref<32x2800x128xf32, #tpu.memory_space<hbm>> -> memref<1x80x128xf32, #tpu.memory_space<hbm>>
        %dma_wait3A_145 = tpu.memref_squeeze %dma_wait3A_144 : memref<1x80x128xf32, #tpu.memory_space<hbm>> -> memref<80x128xf32, #tpu.memory_space<hbm>>
        tpu.wait_dma2 semaphore(%run_scoped3A : memref<!tpu.dma_semaphore, #tpu.memory_space<semaphore_mem>>) src(%arg8 : memref<80x128xf32, #tpu.memory_space<vmem>>) dst(%dma_wait3A_145 : memref<80x128xf32, #tpu.memory_space<hbm>>)
        tpu.yield
      }) : () -> ()
      %add3A_89 = arith.constant 5 : i32
      %add3A_90 = arith.addi %add3A_78, %add3A_89 : i32
      %lt3A_91 = arith.constant 35 : i32
      %lt3A_92 = arith.cmpi slt, %add3A_90, %lt3A_91 : i32
      %convert_element_type3A_93 = arith.extui %lt3A_92 : i1 to i32
      %cond3A_94 = arith.constant 0 : i32
      %cond3A_95 = arith.cmpi ne, %convert_element_type3A_93, %cond3A_94 : i32
      scf.if %cond3A_95 {
        %add3A_134 = arith.constant 5 : i32
        %add3A_135 = arith.addi %add3A_78, %add3A_134 : i32
        %dma_start3A_136 = arith.constant 0 : i32
        %dma_start3A_137 = tpu.memref_slice %arg5[%add3A_135, %dma_start3A_136] : memref<35x80xi32, #tpu.memory_space<vmem>> -> memref<1x80xi32, #tpu.memory_space<vmem>>
        %dma_start3A_138 = tpu.memref_squeeze %dma_start3A_137 : memref<1x80xi32, #tpu.memory_space<vmem>> -> memref<80xi32, #tpu.memory_space<vmem>>
        %dma_start3A_139 = arith.constant 0 : i32
        %dma_start3A_140 = arith.constant 0 : i32
        %dma_start3A_141 = tpu.memref_slice %arg3[%dma_start3A_139, %dma_start3A_140] : memref<100000x128xf32, #tpu.memory_space<hbm>> -> memref<100000x128xf32, #tpu.memory_space<hbm>>
        tpu.enqueue_indirect_dma source(%dma_start3A_141 : memref<100000x128xf32, #tpu.memory_space<hbm>>) target(%arg8 : memref<80x128xf32, #tpu.memory_space<vmem>>) offsets(%dma_start3A_138 : memref<80xi32, #tpu.memory_space<vmem>>) semaphore(%arg13 : memref<!tpu.dma_semaphore, #tpu.memory_space<semaphore_mem>>)
      } else {
      }
      %add3A_96 = arith.constant 3 : i32
      %add3A_97 = arith.addi %mul3A_42, %add3A_96 : i32
      %dma_wait3A_98 = arith.constant 0 : i32
      %dma_wait3A_99 = arith.constant 0 : i32
      %dma_wait3A_100 = tpu.memref_slice %arg4[%add3A, %dma_wait3A_98, %dma_wait3A_99] : memref<32x2800x128xf32, #tpu.memory_space<hbm>> -> memref<1x80x128xf32, #tpu.memory_space<hbm>>
      %dma_wait3A_101 = tpu.memref_squeeze %dma_wait3A_100 : memref<1x80x128xf32, #tpu.memory_space<hbm>> -> memref<80x128xf32, #tpu.memory_space<hbm>>
      %dma_wait3A_102 = arith.constant 0 : i32
      %dma_wait3A_103 = arith.constant 0 : i32
      %dma_wait3A_104 = tpu.memref_slice %arg4[%add3A, %dma_wait3A_102, %dma_wait3A_103] : memref<32x2800x128xf32, #tpu.memory_space<hbm>> -> memref<1x80x128xf32, #tpu.memory_space<hbm>>
      %dma_wait3A_105 = tpu.memref_squeeze %dma_wait3A_104 : memref<1x80x128xf32, #tpu.memory_space<hbm>> -> memref<80x128xf32, #tpu.memory_space<hbm>>
      tpu.wait_dma2 semaphore(%arg14 : memref<!tpu.dma_semaphore, #tpu.memory_space<semaphore_mem>>) src(%dma_wait3A_105 : memref<80x128xf32, #tpu.memory_space<hbm>>) dst(%arg9 : memref<80x128xf32, #tpu.memory_space<vmem>>)
      %mul3A_106 = arith.constant 80 : i32
      %mul3A_107 = arith.muli %add3A_97, %mul3A_106 : i32
      "tpu.region"() ({
        %run_scoped3A = tpu.sem_alloc : memref<!tpu.dma_semaphore, #tpu.memory_space<semaphore_mem>>
        %dma_start3A_134 = arith.constant 0 : i32
        %dma_start3A_135 = tpu.memref_slice %arg4[%add3A, %mul3A_107, %dma_start3A_134] : memref<32x2800x128xf32, #tpu.memory_space<hbm>> -> memref<1x80x128xf32, #tpu.memory_space<hbm>>
        %dma_start3A_136 = tpu.memref_squeeze %dma_start3A_135 : memref<1x80x128xf32, #tpu.memory_space<hbm>> -> memref<80x128xf32, #tpu.memory_space<hbm>>
        %dma_start3A_137 = arith.constant 0 : i32
        %dma_start3A_138 = tpu.memref_slice %arg4[%add3A, %mul3A_107, %dma_start3A_137] : memref<32x2800x128xf32, #tpu.memory_space<hbm>> -> memref<1x80x128xf32, #tpu.memory_space<hbm>>
        %dma_start3A_139 = tpu.memref_squeeze %dma_start3A_138 : memref<1x80x128xf32, #tpu.memory_space<hbm>> -> memref<80x128xf32, #tpu.memory_space<hbm>>
        tpu.enqueue_dma source(%arg9 : memref<80x128xf32, #tpu.memory_space<vmem>>) target(%dma_start3A_139 : memref<80x128xf32, #tpu.memory_space<hbm>>) target_semaphore(%run_scoped3A : memref<!tpu.dma_semaphore, #tpu.memory_space<semaphore_mem>>)
        %dma_wait3A_140 = arith.constant 0 : i32
        %dma_wait3A_141 = tpu.memref_slice %arg4[%add3A, %mul3A_107, %dma_wait3A_140] : memref<32x2800x128xf32, #tpu.memory_space<hbm>> -> memref<1x80x128xf32, #tpu.memory_space<hbm>>
        %dma_wait3A_142 = tpu.memref_squeeze %dma_wait3A_141 : memref<1x80x128xf32, #tpu.memory_space<hbm>> -> memref<80x128xf32, #tpu.memory_space<hbm>>
        %dma_wait3A_143 = arith.constant 0 : i32
        %dma_wait3A_144 = tpu.memref_slice %arg4[%add3A, %mul3A_107, %dma_wait3A_143] : memref<32x2800x128xf32, #tpu.memory_space<hbm>> -> memref<1x80x128xf32, #tpu.memory_space<hbm>>
        %dma_wait3A_145 = tpu.memref_squeeze %dma_wait3A_144 : memref<1x80x128xf32, #tpu.memory_space<hbm>> -> memref<80x128xf32, #tpu.memory_space<hbm>>
        tpu.wait_dma2 semaphore(%run_scoped3A : memref<!tpu.dma_semaphore, #tpu.memory_space<semaphore_mem>>) src(%arg9 : memref<80x128xf32, #tpu.memory_space<vmem>>) dst(%dma_wait3A_145 : memref<80x128xf32, #tpu.memory_space<hbm>>)
        tpu.yield
      }) : () -> ()
      %add3A_108 = arith.constant 5 : i32
      %add3A_109 = arith.addi %add3A_97, %add3A_108 : i32
      %lt3A_110 = arith.constant 35 : i32
      %lt3A_111 = arith.cmpi slt, %add3A_109, %lt3A_110 : i32
      %convert_element_type3A_112 = arith.extui %lt3A_111 : i1 to i32
      %cond3A_113 = arith.constant 0 : i32
      %cond3A_114 = arith.cmpi ne, %convert_element_type3A_112, %cond3A_113 : i32
      scf.if %cond3A_114 {
        %add3A_134 = arith.constant 5 : i32
        %add3A_135 = arith.addi %add3A_97, %add3A_134 : i32
        %dma_start3A_136 = arith.constant 0 : i32
        %dma_start3A_137 = tpu.memref_slice %arg5[%add3A_135, %dma_start3A_136] : memref<35x80xi32, #tpu.memory_space<vmem>> -> memref<1x80xi32, #tpu.memory_space<vmem>>
        %dma_start3A_138 = tpu.memref_squeeze %dma_start3A_137 : memref<1x80xi32, #tpu.memory_space<vmem>> -> memref<80xi32, #tpu.memory_space<vmem>>
        %dma_start3A_139 = arith.constant 0 : i32
        %dma_start3A_140 = arith.constant 0 : i32
        %dma_start3A_141 = tpu.memref_slice %arg3[%dma_start3A_139, %dma_start3A_140] : memref<100000x128xf32, #tpu.memory_space<hbm>> -> memref<100000x128xf32, #tpu.memory_space<hbm>>
        tpu.enqueue_indirect_dma source(%dma_start3A_141 : memref<100000x128xf32, #tpu.memory_space<hbm>>) target(%arg9 : memref<80x128xf32, #tpu.memory_space<vmem>>) offsets(%dma_start3A_138 : memref<80xi32, #tpu.memory_space<vmem>>) semaphore(%arg14 : memref<!tpu.dma_semaphore, #tpu.memory_space<semaphore_mem>>)
      } else {
      }
      %add3A_115 = arith.constant 4 : i32
      %add3A_116 = arith.addi %mul3A_42, %add3A_115 : i32
      %dma_wait3A_117 = arith.constant 0 : i32
      %dma_wait3A_118 = arith.constant 0 : i32
      %dma_wait3A_119 = tpu.memref_slice %arg4[%add3A, %dma_wait3A_117, %dma_wait3A_118] : memref<32x2800x128xf32, #tpu.memory_space<hbm>> -> memref<1x80x128xf32, #tpu.memory_space<hbm>>
      %dma_wait3A_120 = tpu.memref_squeeze %dma_wait3A_119 : memref<1x80x128xf32, #tpu.memory_space<hbm>> -> memref<80x128xf32, #tpu.memory_space<hbm>>
      %dma_wait3A_121 = arith.constant 0 : i32
      %dma_wait3A_122 = arith.constant 0 : i32
      %dma_wait3A_123 = tpu.memref_slice %arg4[%add3A, %dma_wait3A_121, %dma_wait3A_122] : memref<32x2800x128xf32, #tpu.memory_space<hbm>> -> memref<1x80x128xf32, #tpu.memory_space<hbm>>
      %dma_wait3A_124 = tpu.memref_squeeze %dma_wait3A_123 : memref<1x80x128xf32, #tpu.memory_space<hbm>> -> memref<80x128xf32, #tpu.memory_space<hbm>>
      tpu.wait_dma2 semaphore(%arg15 : memref<!tpu.dma_semaphore, #tpu.memory_space<semaphore_mem>>) src(%dma_wait3A_124 : memref<80x128xf32, #tpu.memory_space<hbm>>) dst(%arg10 : memref<80x128xf32, #tpu.memory_space<vmem>>)
      %mul3A_125 = arith.constant 80 : i32
      %mul3A_126 = arith.muli %add3A_116, %mul3A_125 : i32
      "tpu.region"() ({
        %run_scoped3A = tpu.sem_alloc : memref<!tpu.dma_semaphore, #tpu.memory_space<semaphore_mem>>
        %dma_start3A_134 = arith.constant 0 : i32
        %dma_start3A_135 = tpu.memref_slice %arg4[%add3A, %mul3A_126, %dma_start3A_134] : memref<32x2800x128xf32, #tpu.memory_space<hbm>> -> memref<1x80x128xf32, #tpu.memory_space<hbm>>
        %dma_start3A_136 = tpu.memref_squeeze %dma_start3A_135 : memref<1x80x128xf32, #tpu.memory_space<hbm>> -> memref<80x128xf32, #tpu.memory_space<hbm>>
        %dma_start3A_137 = arith.constant 0 : i32
        %dma_start3A_138 = tpu.memref_slice %arg4[%add3A, %mul3A_126, %dma_start3A_137] : memref<32x2800x128xf32, #tpu.memory_space<hbm>> -> memref<1x80x128xf32, #tpu.memory_space<hbm>>
        %dma_start3A_139 = tpu.memref_squeeze %dma_start3A_138 : memref<1x80x128xf32, #tpu.memory_space<hbm>> -> memref<80x128xf32, #tpu.memory_space<hbm>>
        tpu.enqueue_dma source(%arg10 : memref<80x128xf32, #tpu.memory_space<vmem>>) target(%dma_start3A_139 : memref<80x128xf32, #tpu.memory_space<hbm>>) target_semaphore(%run_scoped3A : memref<!tpu.dma_semaphore, #tpu.memory_space<semaphore_mem>>)
        %dma_wait3A_140 = arith.constant 0 : i32
        %dma_wait3A_141 = tpu.memref_slice %arg4[%add3A, %mul3A_126, %dma_wait3A_140] : memref<32x2800x128xf32, #tpu.memory_space<hbm>> -> memref<1x80x128xf32, #tpu.memory_space<hbm>>
        %dma_wait3A_142 = tpu.memref_squeeze %dma_wait3A_141 : memref<1x80x128xf32, #tpu.memory_space<hbm>> -> memref<80x128xf32, #tpu.memory_space<hbm>>
        %dma_wait3A_143 = arith.constant 0 : i32
        %dma_wait3A_144 = tpu.memref_slice %arg4[%add3A, %mul3A_126, %dma_wait3A_143] : memref<32x2800x128xf32, #tpu.memory_space<hbm>> -> memref<1x80x128xf32, #tpu.memory_space<hbm>>
        %dma_wait3A_145 = tpu.memref_squeeze %dma_wait3A_144 : memref<1x80x128xf32, #tpu.memory_space<hbm>> -> memref<80x128xf32, #tpu.memory_space<hbm>>
        tpu.wait_dma2 semaphore(%run_scoped3A : memref<!tpu.dma_semaphore, #tpu.memory_space<semaphore_mem>>) src(%arg10 : memref<80x128xf32, #tpu.memory_space<vmem>>) dst(%dma_wait3A_145 : memref<80x128xf32, #tpu.memory_space<hbm>>)
        tpu.yield
      }) : () -> ()
      %add3A_127 = arith.constant 5 : i32
      %add3A_128 = arith.addi %add3A_116, %add3A_127 : i32
      %lt3A_129 = arith.constant 35 : i32
      %lt3A_130 = arith.cmpi slt, %add3A_128, %lt3A_129 : i32
      %convert_element_type3A_131 = arith.extui %lt3A_130 : i1 to i32
      %cond3A_132 = arith.constant 0 : i32
      %cond3A_133 = arith.cmpi ne, %convert_element_type3A_131, %cond3A_132 : i32
      scf.if %cond3A_133 {
        %add3A_134 = arith.constant 5 : i32
        %add3A_135 = arith.addi %add3A_116, %add3A_134 : i32
        %dma_start3A_136 = arith.constant 0 : i32
        %dma_start3A_137 = tpu.memref_slice %arg5[%add3A_135, %dma_start3A_136] : memref<35x80xi32, #tpu.memory_space<vmem>> -> memref<1x80xi32, #tpu.memory_space<vmem>>
        %dma_start3A_138 = tpu.memref_squeeze %dma_start3A_137 : memref<1x80xi32, #tpu.memory_space<vmem>> -> memref<80xi32, #tpu.memory_space<vmem>>
        %dma_start3A_139 = arith.constant 0 : i32
        %dma_start3A_140 = arith.constant 0 : i32
        %dma_start3A_141 = tpu.memref_slice %arg3[%dma_start3A_139, %dma_start3A_140] : memref<100000x128xf32, #tpu.memory_space<hbm>> -> memref<100000x128xf32, #tpu.memory_space<hbm>>
        tpu.enqueue_indirect_dma source(%dma_start3A_141 : memref<100000x128xf32, #tpu.memory_space<hbm>>) target(%arg10 : memref<80x128xf32, #tpu.memory_space<vmem>>) offsets(%dma_start3A_138 : memref<80xi32, #tpu.memory_space<vmem>>) semaphore(%arg15 : memref<!tpu.dma_semaphore, #tpu.memory_space<semaphore_mem>>)
      } else {
      }
    }
    %scan3A_39 = arith.constant 7 : i32
    return
  }
}

#map = affine_map<(d0, d1) -> (0, 0, 0)>
#map1 = affine_map<(d0, d1) -> (0, 0)>
module attributes {stable_mosaic.version = 14 : i64} {
  func.func @k(%arg0: i32, %arg1: i32, %arg2: memref<32x30x80xi32, #tpu.memory_space<hbm>>, %arg3: memref<100000x128xf32, #tpu.memory_space<hbm>>, %arg4: memref<32x2400x128xf32, #tpu.memory_space<hbm>>, %arg5: memref<30x80xi32, #tpu.memory_space<vmem>>, %arg6: memref<80x128xf32, #tpu.memory_space<vmem>>, %arg7: memref<80x128xf32, #tpu.memory_space<vmem>>, %arg8: memref<80x128xf32, #tpu.memory_space<vmem>>, %arg9: memref<80x128xf32, #tpu.memory_space<vmem>>, %arg10: memref<80x128xf32, #tpu.memory_space<vmem>>, %arg11: memref<!tpu.dma_semaphore, #tpu.memory_space<semaphore_mem>>, %arg12: memref<!tpu.dma_semaphore, #tpu.memory_space<semaphore_mem>>, %arg13: memref<!tpu.dma_semaphore, #tpu.memory_space<semaphore_mem>>, %arg14: memref<!tpu.dma_semaphore, #tpu.memory_space<semaphore_mem>>, %arg15: memref<!tpu.dma_semaphore, #tpu.memory_space<semaphore_mem>>) attributes {dimension_semantics = [#tpu.dimension_semantics<core_parallel>, #tpu.dimension_semantics<subcore_parallel>], iteration_bounds = array<i64: 2, 16>, scalar_prefetch = 0 : i64, scratch_operands = 11 : i64, tpu.core_type = #tpu.core_type<sc_vector_subcore>, window_params = [{transform_indices = #map}, {transform_indices = #map1}, {transform_indices = #map}]} {
    %mul3A = arith.constant 2 : i32
    %mul3A_0 = arith.muli %arg1, %mul3A : i32
    %add3A = arith.addi %mul3A_0, %arg0 : i32
    "tpu.region"() ({
      %run_scoped3A = tpu.sem_alloc : memref<!tpu.dma_semaphore, #tpu.memory_space<semaphore_mem>>
      %dma_start3A_40 = arith.constant 0 : i32
      %dma_start3A_41 = arith.constant 0 : i32
      %dma_start3A_42 = tpu.memref_slice %arg2[%add3A, %dma_start3A_40, %dma_start3A_41] : memref<32x30x80xi32, #tpu.memory_space<hbm>> -> memref<1x30x80xi32, #tpu.memory_space<hbm>>
      %dma_start3A_43 = tpu.memref_squeeze %dma_start3A_42 : memref<1x30x80xi32, #tpu.memory_space<hbm>> -> memref<30x80xi32, #tpu.memory_space<hbm>>
      %dma_start3A_44 = arith.constant 0 : i32
      %dma_start3A_45 = arith.constant 0 : i32
      %dma_start3A_46 = tpu.memref_slice %arg2[%add3A, %dma_start3A_44, %dma_start3A_45] : memref<32x30x80xi32, #tpu.memory_space<hbm>> -> memref<1x30x80xi32, #tpu.memory_space<hbm>>
      %dma_start3A_47 = tpu.memref_squeeze %dma_start3A_46 : memref<1x30x80xi32, #tpu.memory_space<hbm>> -> memref<30x80xi32, #tpu.memory_space<hbm>>
      tpu.enqueue_dma source(%dma_start3A_47 : memref<30x80xi32, #tpu.memory_space<hbm>>) target(%arg5 : memref<30x80xi32, #tpu.memory_space<vmem>>) target_semaphore(%run_scoped3A : memref<!tpu.dma_semaphore, #tpu.memory_space<semaphore_mem>>)
      %dma_wait3A = arith.constant 0 : i32
      %dma_wait3A_48 = arith.constant 0 : i32
      %dma_wait3A_49 = tpu.memref_slice %arg2[%add3A, %dma_wait3A, %dma_wait3A_48] : memref<32x30x80xi32, #tpu.memory_space<hbm>> -> memref<1x30x80xi32, #tpu.memory_space<hbm>>
      %dma_wait3A_50 = tpu.memref_squeeze %dma_wait3A_49 : memref<1x30x80xi32, #tpu.memory_space<hbm>> -> memref<30x80xi32, #tpu.memory_space<hbm>>
      %dma_wait3A_51 = arith.constant 0 : i32
      %dma_wait3A_52 = arith.constant 0 : i32
      %dma_wait3A_53 = tpu.memref_slice %arg2[%add3A, %dma_wait3A_51, %dma_wait3A_52] : memref<32x30x80xi32, #tpu.memory_space<hbm>> -> memref<1x30x80xi32, #tpu.memory_space<hbm>>
      %dma_wait3A_54 = tpu.memref_squeeze %dma_wait3A_53 : memref<1x30x80xi32, #tpu.memory_space<hbm>> -> memref<30x80xi32, #tpu.memory_space<hbm>>
      tpu.wait_dma2 semaphore(%run_scoped3A : memref<!tpu.dma_semaphore, #tpu.memory_space<semaphore_mem>>) src(%dma_wait3A_54 : memref<30x80xi32, #tpu.memory_space<hbm>>) dst(%arg5 : memref<30x80xi32, #tpu.memory_space<vmem>>)
      tpu.yield
    }) : () -> ()
    %dma_start3A = arith.constant 0 : i32
    %dma_start3A_1 = arith.constant 0 : i32
    %dma_start3A_2 = tpu.memref_slice %arg5[%dma_start3A, %dma_start3A_1] : memref<30x80xi32, #tpu.memory_space<vmem>> -> memref<1x80xi32, #tpu.memory_space<vmem>>
    %dma_start3A_3 = tpu.memref_squeeze %dma_start3A_2 : memref<1x80xi32, #tpu.memory_space<vmem>> -> memref<80xi32, #tpu.memory_space<vmem>>
    %dma_start3A_4 = arith.constant 0 : i32
    %dma_start3A_5 = arith.constant 0 : i32
    %dma_start3A_6 = tpu.memref_slice %arg3[%dma_start3A_4, %dma_start3A_5] : memref<100000x128xf32, #tpu.memory_space<hbm>> -> memref<100000x128xf32, #tpu.memory_space<hbm>>
    tpu.enqueue_indirect_dma source(%dma_start3A_6 : memref<100000x128xf32, #tpu.memory_space<hbm>>) target(%arg6 : memref<80x128xf32, #tpu.memory_space<vmem>>) offsets(%dma_start3A_3 : memref<80xi32, #tpu.memory_space<vmem>>) semaphore(%arg11 : memref<!tpu.dma_semaphore, #tpu.memory_space<semaphore_mem>>)
    %dma_start3A_7 = arith.constant 1 : i32
    %dma_start3A_8 = arith.constant 0 : i32
    %dma_start3A_9 = tpu.memref_slice %arg5[%dma_start3A_7, %dma_start3A_8] : memref<30x80xi32, #tpu.memory_space<vmem>> -> memref<1x80xi32, #tpu.memory_space<vmem>>
    %dma_start3A_10 = tpu.memref_squeeze %dma_start3A_9 : memref<1x80xi32, #tpu.memory_space<vmem>> -> memref<80xi32, #tpu.memory_space<vmem>>
    %dma_start3A_11 = arith.constant 0 : i32
    %dma_start3A_12 = arith.constant 0 : i32
    %dma_start3A_13 = tpu.memref_slice %arg3[%dma_start3A_11, %dma_start3A_12] : memref<100000x128xf32, #tpu.memory_space<hbm>> -> memref<100000x128xf32, #tpu.memory_space<hbm>>
    tpu.enqueue_indirect_dma source(%dma_start3A_13 : memref<100000x128xf32, #tpu.memory_space<hbm>>) target(%arg7 : memref<80x128xf32, #tpu.memory_space<vmem>>) offsets(%dma_start3A_10 : memref<80xi32, #tpu.memory_space<vmem>>) semaphore(%arg12 : memref<!tpu.dma_semaphore, #tpu.memory_space<semaphore_mem>>)
    %dma_start3A_14 = arith.constant 2 : i32
    %dma_start3A_15 = arith.constant 0 : i32
    %dma_start3A_16 = tpu.memref_slice %arg5[%dma_start3A_14, %dma_start3A_15] : memref<30x80xi32, #tpu.memory_space<vmem>> -> memref<1x80xi32, #tpu.memory_space<vmem>>
    %dma_start3A_17 = tpu.memref_squeeze %dma_start3A_16 : memref<1x80xi32, #tpu.memory_space<vmem>> -> memref<80xi32, #tpu.memory_space<vmem>>
    %dma_start3A_18 = arith.constant 0 : i32
    %dma_start3A_19 = arith.constant 0 : i32
    %dma_start3A_20 = tpu.memref_slice %arg3[%dma_start3A_18, %dma_start3A_19] : memref<100000x128xf32, #tpu.memory_space<hbm>> -> memref<100000x128xf32, #tpu.memory_space<hbm>>
    tpu.enqueue_indirect_dma source(%dma_start3A_20 : memref<100000x128xf32, #tpu.memory_space<hbm>>) target(%arg8 : memref<80x128xf32, #tpu.memory_space<vmem>>) offsets(%dma_start3A_17 : memref<80xi32, #tpu.memory_space<vmem>>) semaphore(%arg13 : memref<!tpu.dma_semaphore, #tpu.memory_space<semaphore_mem>>)
    %dma_start3A_21 = arith.constant 3 : i32
    %dma_start3A_22 = arith.constant 0 : i32
    %dma_start3A_23 = tpu.memref_slice %arg5[%dma_start3A_21, %dma_start3A_22] : memref<30x80xi32, #tpu.memory_space<vmem>> -> memref<1x80xi32, #tpu.memory_space<vmem>>
    %dma_start3A_24 = tpu.memref_squeeze %dma_start3A_23 : memref<1x80xi32, #tpu.memory_space<vmem>> -> memref<80xi32, #tpu.memory_space<vmem>>
    %dma_start3A_25 = arith.constant 0 : i32
    %dma_start3A_26 = arith.constant 0 : i32
    %dma_start3A_27 = tpu.memref_slice %arg3[%dma_start3A_25, %dma_start3A_26] : memref<100000x128xf32, #tpu.memory_space<hbm>> -> memref<100000x128xf32, #tpu.memory_space<hbm>>
    tpu.enqueue_indirect_dma source(%dma_start3A_27 : memref<100000x128xf32, #tpu.memory_space<hbm>>) target(%arg9 : memref<80x128xf32, #tpu.memory_space<vmem>>) offsets(%dma_start3A_24 : memref<80xi32, #tpu.memory_space<vmem>>) semaphore(%arg14 : memref<!tpu.dma_semaphore, #tpu.memory_space<semaphore_mem>>)
    %dma_start3A_28 = arith.constant 4 : i32
    %dma_start3A_29 = arith.constant 0 : i32
    %dma_start3A_30 = tpu.memref_slice %arg5[%dma_start3A_28, %dma_start3A_29] : memref<30x80xi32, #tpu.memory_space<vmem>> -> memref<1x80xi32, #tpu.memory_space<vmem>>
    %dma_start3A_31 = tpu.memref_squeeze %dma_start3A_30 : memref<1x80xi32, #tpu.memory_space<vmem>> -> memref<80xi32, #tpu.memory_space<vmem>>
    %dma_start3A_32 = arith.constant 0 : i32
    %dma_start3A_33 = arith.constant 0 : i32
    %dma_start3A_34 = tpu.memref_slice %arg3[%dma_start3A_32, %dma_start3A_33] : memref<100000x128xf32, #tpu.memory_space<hbm>> -> memref<100000x128xf32, #tpu.memory_space<hbm>>
    tpu.enqueue_indirect_dma source(%dma_start3A_34 : memref<100000x128xf32, #tpu.memory_space<hbm>>) target(%arg10 : memref<80x128xf32, #tpu.memory_space<vmem>>) offsets(%dma_start3A_31 : memref<80xi32, #tpu.memory_space<vmem>>) semaphore(%arg15 : memref<!tpu.dma_semaphore, #tpu.memory_space<semaphore_mem>>)
    %scan3A = arith.constant 0 : i32
    %scan3A_35 = arith.constant 0 : i32
    %scan3A_36 = arith.constant 6 : i32
    %scan3A_37 = arith.addi %scan3A_35, %scan3A_36 : i32
    %scan3A_38 = arith.constant 1 : i32
    scf.for %scan3A_40 = %scan3A_35 to %scan3A_37 step %scan3A_38  : i32 {
      %mul3A_41 = arith.constant 5 : i32
      %mul3A_42 = arith.muli %scan3A_40, %mul3A_41 : i32
      %add3A_43 = arith.constant 0 : i32
      %add3A_44 = arith.addi %mul3A_42, %add3A_43 : i32
      %dma_wait3A = arith.constant 0 : i32
      %dma_wait3A_45 = arith.constant 0 : i32
      %dma_wait3A_46 = tpu.memref_slice %arg4[%add3A, %dma_wait3A, %dma_wait3A_45] : memref<32x2400x128xf32, #tpu.memory_space<hbm>> -> memref<1x80x128xf32, #tpu.memory_space<hbm>>
      %dma_wait3A_47 = tpu.memref_squeeze %dma_wait3A_46 : memref<1x80x128xf32, #tpu.memory_space<hbm>> -> memref<80x128xf32, #tpu.memory_space<hbm>>
      %dma_wait3A_48 = arith.constant 0 : i32
      %dma_wait3A_49 = arith.constant 0 : i32
      %dma_wait3A_50 = tpu.memref_slice %arg4[%add3A, %dma_wait3A_48, %dma_wait3A_49] : memref<32x2400x128xf32, #tpu.memory_space<hbm>> -> memref<1x80x128xf32, #tpu.memory_space<hbm>>
      %dma_wait3A_51 = tpu.memref_squeeze %dma_wait3A_50 : memref<1x80x128xf32, #tpu.memory_space<hbm>> -> memref<80x128xf32, #tpu.memory_space<hbm>>
      tpu.wait_dma2 semaphore(%arg11 : memref<!tpu.dma_semaphore, #tpu.memory_space<semaphore_mem>>) src(%dma_wait3A_51 : memref<80x128xf32, #tpu.memory_space<hbm>>) dst(%arg6 : memref<80x128xf32, #tpu.memory_space<vmem>>)
      %mul3A_52 = arith.constant 80 : i32
      %mul3A_53 = arith.muli %add3A_44, %mul3A_52 : i32
      "tpu.region"() ({
        %run_scoped3A = tpu.sem_alloc : memref<!tpu.dma_semaphore, #tpu.memory_space<semaphore_mem>>
        %dma_start3A_134 = arith.constant 0 : i32
        %dma_start3A_135 = tpu.memref_slice %arg4[%add3A, %mul3A_53, %dma_start3A_134] : memref<32x2400x128xf32, #tpu.memory_space<hbm>> -> memref<1x80x128xf32, #tpu.memory_space<hbm>>
        %dma_start3A_136 = tpu.memref_squeeze %dma_start3A_135 : memref<1x80x128xf32, #tpu.memory_space<hbm>> -> memref<80x128xf32, #tpu.memory_space<hbm>>
        %dma_start3A_137 = arith.constant 0 : i32
        %dma_start3A_138 = tpu.memref_slice %arg4[%add3A, %mul3A_53, %dma_start3A_137] : memref<32x2400x128xf32, #tpu.memory_space<hbm>> -> memref<1x80x128xf32, #tpu.memory_space<hbm>>
        %dma_start3A_139 = tpu.memref_squeeze %dma_start3A_138 : memref<1x80x128xf32, #tpu.memory_space<hbm>> -> memref<80x128xf32, #tpu.memory_space<hbm>>
        tpu.enqueue_dma source(%arg6 : memref<80x128xf32, #tpu.memory_space<vmem>>) target(%dma_start3A_139 : memref<80x128xf32, #tpu.memory_space<hbm>>) target_semaphore(%run_scoped3A : memref<!tpu.dma_semaphore, #tpu.memory_space<semaphore_mem>>)
        %dma_wait3A_140 = arith.constant 0 : i32
        %dma_wait3A_141 = tpu.memref_slice %arg4[%add3A, %mul3A_53, %dma_wait3A_140] : memref<32x2400x128xf32, #tpu.memory_space<hbm>> -> memref<1x80x128xf32, #tpu.memory_space<hbm>>
        %dma_wait3A_142 = tpu.memref_squeeze %dma_wait3A_141 : memref<1x80x128xf32, #tpu.memory_space<hbm>> -> memref<80x128xf32, #tpu.memory_space<hbm>>
        %dma_wait3A_143 = arith.constant 0 : i32
        %dma_wait3A_144 = tpu.memref_slice %arg4[%add3A, %mul3A_53, %dma_wait3A_143] : memref<32x2400x128xf32, #tpu.memory_space<hbm>> -> memref<1x80x128xf32, #tpu.memory_space<hbm>>
        %dma_wait3A_145 = tpu.memref_squeeze %dma_wait3A_144 : memref<1x80x128xf32, #tpu.memory_space<hbm>> -> memref<80x128xf32, #tpu.memory_space<hbm>>
        tpu.wait_dma2 semaphore(%run_scoped3A : memref<!tpu.dma_semaphore, #tpu.memory_space<semaphore_mem>>) src(%arg6 : memref<80x128xf32, #tpu.memory_space<vmem>>) dst(%dma_wait3A_145 : memref<80x128xf32, #tpu.memory_space<hbm>>)
        tpu.yield
      }) : () -> ()
      %add3A_54 = arith.constant 5 : i32
      %add3A_55 = arith.addi %add3A_44, %add3A_54 : i32
      %lt3A = arith.constant 30 : i32
      %lt3A_56 = arith.cmpi slt, %add3A_55, %lt3A : i32
      %convert_element_type3A = arith.extui %lt3A_56 : i1 to i32
      %cond3A = arith.constant 0 : i32
      %cond3A_57 = arith.cmpi ne, %convert_element_type3A, %cond3A : i32
      scf.if %cond3A_57 {
        %add3A_134 = arith.constant 5 : i32
        %add3A_135 = arith.addi %add3A_44, %add3A_134 : i32
        %dma_start3A_136 = arith.constant 0 : i32
        %dma_start3A_137 = tpu.memref_slice %arg5[%add3A_135, %dma_start3A_136] : memref<30x80xi32, #tpu.memory_space<vmem>> -> memref<1x80xi32, #tpu.memory_space<vmem>>
        %dma_start3A_138 = tpu.memref_squeeze %dma_start3A_137 : memref<1x80xi32, #tpu.memory_space<vmem>> -> memref<80xi32, #tpu.memory_space<vmem>>
        %dma_start3A_139 = arith.constant 0 : i32
        %dma_start3A_140 = arith.constant 0 : i32
        %dma_start3A_141 = tpu.memref_slice %arg3[%dma_start3A_139, %dma_start3A_140] : memref<100000x128xf32, #tpu.memory_space<hbm>> -> memref<100000x128xf32, #tpu.memory_space<hbm>>
        tpu.enqueue_indirect_dma source(%dma_start3A_141 : memref<100000x128xf32, #tpu.memory_space<hbm>>) target(%arg6 : memref<80x128xf32, #tpu.memory_space<vmem>>) offsets(%dma_start3A_138 : memref<80xi32, #tpu.memory_space<vmem>>) semaphore(%arg11 : memref<!tpu.dma_semaphore, #tpu.memory_space<semaphore_mem>>)
      } else {
      }
      %add3A_58 = arith.constant 1 : i32
      %add3A_59 = arith.addi %mul3A_42, %add3A_58 : i32
      %dma_wait3A_60 = arith.constant 0 : i32
      %dma_wait3A_61 = arith.constant 0 : i32
      %dma_wait3A_62 = tpu.memref_slice %arg4[%add3A, %dma_wait3A_60, %dma_wait3A_61] : memref<32x2400x128xf32, #tpu.memory_space<hbm>> -> memref<1x80x128xf32, #tpu.memory_space<hbm>>
      %dma_wait3A_63 = tpu.memref_squeeze %dma_wait3A_62 : memref<1x80x128xf32, #tpu.memory_space<hbm>> -> memref<80x128xf32, #tpu.memory_space<hbm>>
      %dma_wait3A_64 = arith.constant 0 : i32
      %dma_wait3A_65 = arith.constant 0 : i32
      %dma_wait3A_66 = tpu.memref_slice %arg4[%add3A, %dma_wait3A_64, %dma_wait3A_65] : memref<32x2400x128xf32, #tpu.memory_space<hbm>> -> memref<1x80x128xf32, #tpu.memory_space<hbm>>
      %dma_wait3A_67 = tpu.memref_squeeze %dma_wait3A_66 : memref<1x80x128xf32, #tpu.memory_space<hbm>> -> memref<80x128xf32, #tpu.memory_space<hbm>>
      tpu.wait_dma2 semaphore(%arg12 : memref<!tpu.dma_semaphore, #tpu.memory_space<semaphore_mem>>) src(%dma_wait3A_67 : memref<80x128xf32, #tpu.memory_space<hbm>>) dst(%arg7 : memref<80x128xf32, #tpu.memory_space<vmem>>)
      %mul3A_68 = arith.constant 80 : i32
      %mul3A_69 = arith.muli %add3A_59, %mul3A_68 : i32
      "tpu.region"() ({
        %run_scoped3A = tpu.sem_alloc : memref<!tpu.dma_semaphore, #tpu.memory_space<semaphore_mem>>
        %dma_start3A_134 = arith.constant 0 : i32
        %dma_start3A_135 = tpu.memref_slice %arg4[%add3A, %mul3A_69, %dma_start3A_134] : memref<32x2400x128xf32, #tpu.memory_space<hbm>> -> memref<1x80x128xf32, #tpu.memory_space<hbm>>
        %dma_start3A_136 = tpu.memref_squeeze %dma_start3A_135 : memref<1x80x128xf32, #tpu.memory_space<hbm>> -> memref<80x128xf32, #tpu.memory_space<hbm>>
        %dma_start3A_137 = arith.constant 0 : i32
        %dma_start3A_138 = tpu.memref_slice %arg4[%add3A, %mul3A_69, %dma_start3A_137] : memref<32x2400x128xf32, #tpu.memory_space<hbm>> -> memref<1x80x128xf32, #tpu.memory_space<hbm>>
        %dma_start3A_139 = tpu.memref_squeeze %dma_start3A_138 : memref<1x80x128xf32, #tpu.memory_space<hbm>> -> memref<80x128xf32, #tpu.memory_space<hbm>>
        tpu.enqueue_dma source(%arg7 : memref<80x128xf32, #tpu.memory_space<vmem>>) target(%dma_start3A_139 : memref<80x128xf32, #tpu.memory_space<hbm>>) target_semaphore(%run_scoped3A : memref<!tpu.dma_semaphore, #tpu.memory_space<semaphore_mem>>)
        %dma_wait3A_140 = arith.constant 0 : i32
        %dma_wait3A_141 = tpu.memref_slice %arg4[%add3A, %mul3A_69, %dma_wait3A_140] : memref<32x2400x128xf32, #tpu.memory_space<hbm>> -> memref<1x80x128xf32, #tpu.memory_space<hbm>>
        %dma_wait3A_142 = tpu.memref_squeeze %dma_wait3A_141 : memref<1x80x128xf32, #tpu.memory_space<hbm>> -> memref<80x128xf32, #tpu.memory_space<hbm>>
        %dma_wait3A_143 = arith.constant 0 : i32
        %dma_wait3A_144 = tpu.memref_slice %arg4[%add3A, %mul3A_69, %dma_wait3A_143] : memref<32x2400x128xf32, #tpu.memory_space<hbm>> -> memref<1x80x128xf32, #tpu.memory_space<hbm>>
        %dma_wait3A_145 = tpu.memref_squeeze %dma_wait3A_144 : memref<1x80x128xf32, #tpu.memory_space<hbm>> -> memref<80x128xf32, #tpu.memory_space<hbm>>
        tpu.wait_dma2 semaphore(%run_scoped3A : memref<!tpu.dma_semaphore, #tpu.memory_space<semaphore_mem>>) src(%arg7 : memref<80x128xf32, #tpu.memory_space<vmem>>) dst(%dma_wait3A_145 : memref<80x128xf32, #tpu.memory_space<hbm>>)
        tpu.yield
      }) : () -> ()
      %add3A_70 = arith.constant 5 : i32
      %add3A_71 = arith.addi %add3A_59, %add3A_70 : i32
      %lt3A_72 = arith.constant 30 : i32
      %lt3A_73 = arith.cmpi slt, %add3A_71, %lt3A_72 : i32
      %convert_element_type3A_74 = arith.extui %lt3A_73 : i1 to i32
      %cond3A_75 = arith.constant 0 : i32
      %cond3A_76 = arith.cmpi ne, %convert_element_type3A_74, %cond3A_75 : i32
      scf.if %cond3A_76 {
        %add3A_134 = arith.constant 5 : i32
        %add3A_135 = arith.addi %add3A_59, %add3A_134 : i32
        %dma_start3A_136 = arith.constant 0 : i32
        %dma_start3A_137 = tpu.memref_slice %arg5[%add3A_135, %dma_start3A_136] : memref<30x80xi32, #tpu.memory_space<vmem>> -> memref<1x80xi32, #tpu.memory_space<vmem>>
        %dma_start3A_138 = tpu.memref_squeeze %dma_start3A_137 : memref<1x80xi32, #tpu.memory_space<vmem>> -> memref<80xi32, #tpu.memory_space<vmem>>
        %dma_start3A_139 = arith.constant 0 : i32
        %dma_start3A_140 = arith.constant 0 : i32
        %dma_start3A_141 = tpu.memref_slice %arg3[%dma_start3A_139, %dma_start3A_140] : memref<100000x128xf32, #tpu.memory_space<hbm>> -> memref<100000x128xf32, #tpu.memory_space<hbm>>
        tpu.enqueue_indirect_dma source(%dma_start3A_141 : memref<100000x128xf32, #tpu.memory_space<hbm>>) target(%arg7 : memref<80x128xf32, #tpu.memory_space<vmem>>) offsets(%dma_start3A_138 : memref<80xi32, #tpu.memory_space<vmem>>) semaphore(%arg12 : memref<!tpu.dma_semaphore, #tpu.memory_space<semaphore_mem>>)
      } else {
      }
      %add3A_77 = arith.constant 2 : i32
      %add3A_78 = arith.addi %mul3A_42, %add3A_77 : i32
      %dma_wait3A_79 = arith.constant 0 : i32
      %dma_wait3A_80 = arith.constant 0 : i32
      %dma_wait3A_81 = tpu.memref_slice %arg4[%add3A, %dma_wait3A_79, %dma_wait3A_80] : memref<32x2400x128xf32, #tpu.memory_space<hbm>> -> memref<1x80x128xf32, #tpu.memory_space<hbm>>
      %dma_wait3A_82 = tpu.memref_squeeze %dma_wait3A_81 : memref<1x80x128xf32, #tpu.memory_space<hbm>> -> memref<80x128xf32, #tpu.memory_space<hbm>>
      %dma_wait3A_83 = arith.constant 0 : i32
      %dma_wait3A_84 = arith.constant 0 : i32
      %dma_wait3A_85 = tpu.memref_slice %arg4[%add3A, %dma_wait3A_83, %dma_wait3A_84] : memref<32x2400x128xf32, #tpu.memory_space<hbm>> -> memref<1x80x128xf32, #tpu.memory_space<hbm>>
      %dma_wait3A_86 = tpu.memref_squeeze %dma_wait3A_85 : memref<1x80x128xf32, #tpu.memory_space<hbm>> -> memref<80x128xf32, #tpu.memory_space<hbm>>
      tpu.wait_dma2 semaphore(%arg13 : memref<!tpu.dma_semaphore, #tpu.memory_space<semaphore_mem>>) src(%dma_wait3A_86 : memref<80x128xf32, #tpu.memory_space<hbm>>) dst(%arg8 : memref<80x128xf32, #tpu.memory_space<vmem>>)
      %mul3A_87 = arith.constant 80 : i32
      %mul3A_88 = arith.muli %add3A_78, %mul3A_87 : i32
      "tpu.region"() ({
        %run_scoped3A = tpu.sem_alloc : memref<!tpu.dma_semaphore, #tpu.memory_space<semaphore_mem>>
        %dma_start3A_134 = arith.constant 0 : i32
        %dma_start3A_135 = tpu.memref_slice %arg4[%add3A, %mul3A_88, %dma_start3A_134] : memref<32x2400x128xf32, #tpu.memory_space<hbm>> -> memref<1x80x128xf32, #tpu.memory_space<hbm>>
        %dma_start3A_136 = tpu.memref_squeeze %dma_start3A_135 : memref<1x80x128xf32, #tpu.memory_space<hbm>> -> memref<80x128xf32, #tpu.memory_space<hbm>>
        %dma_start3A_137 = arith.constant 0 : i32
        %dma_start3A_138 = tpu.memref_slice %arg4[%add3A, %mul3A_88, %dma_start3A_137] : memref<32x2400x128xf32, #tpu.memory_space<hbm>> -> memref<1x80x128xf32, #tpu.memory_space<hbm>>
        %dma_start3A_139 = tpu.memref_squeeze %dma_start3A_138 : memref<1x80x128xf32, #tpu.memory_space<hbm>> -> memref<80x128xf32, #tpu.memory_space<hbm>>
        tpu.enqueue_dma source(%arg8 : memref<80x128xf32, #tpu.memory_space<vmem>>) target(%dma_start3A_139 : memref<80x128xf32, #tpu.memory_space<hbm>>) target_semaphore(%run_scoped3A : memref<!tpu.dma_semaphore, #tpu.memory_space<semaphore_mem>>)
        %dma_wait3A_140 = arith.constant 0 : i32
        %dma_wait3A_141 = tpu.memref_slice %arg4[%add3A, %mul3A_88, %dma_wait3A_140] : memref<32x2400x128xf32, #tpu.memory_space<hbm>> -> memref<1x80x128xf32, #tpu.memory_space<hbm>>
        %dma_wait3A_142 = tpu.memref_squeeze %dma_wait3A_141 : memref<1x80x128xf32, #tpu.memory_space<hbm>> -> memref<80x128xf32, #tpu.memory_space<hbm>>
        %dma_wait3A_143 = arith.constant 0 : i32
        %dma_wait3A_144 = tpu.memref_slice %arg4[%add3A, %mul3A_88, %dma_wait3A_143] : memref<32x2400x128xf32, #tpu.memory_space<hbm>> -> memref<1x80x128xf32, #tpu.memory_space<hbm>>
        %dma_wait3A_145 = tpu.memref_squeeze %dma_wait3A_144 : memref<1x80x128xf32, #tpu.memory_space<hbm>> -> memref<80x128xf32, #tpu.memory_space<hbm>>
        tpu.wait_dma2 semaphore(%run_scoped3A : memref<!tpu.dma_semaphore, #tpu.memory_space<semaphore_mem>>) src(%arg8 : memref<80x128xf32, #tpu.memory_space<vmem>>) dst(%dma_wait3A_145 : memref<80x128xf32, #tpu.memory_space<hbm>>)
        tpu.yield
      }) : () -> ()
      %add3A_89 = arith.constant 5 : i32
      %add3A_90 = arith.addi %add3A_78, %add3A_89 : i32
      %lt3A_91 = arith.constant 30 : i32
      %lt3A_92 = arith.cmpi slt, %add3A_90, %lt3A_91 : i32
      %convert_element_type3A_93 = arith.extui %lt3A_92 : i1 to i32
      %cond3A_94 = arith.constant 0 : i32
      %cond3A_95 = arith.cmpi ne, %convert_element_type3A_93, %cond3A_94 : i32
      scf.if %cond3A_95 {
        %add3A_134 = arith.constant 5 : i32
        %add3A_135 = arith.addi %add3A_78, %add3A_134 : i32
        %dma_start3A_136 = arith.constant 0 : i32
        %dma_start3A_137 = tpu.memref_slice %arg5[%add3A_135, %dma_start3A_136] : memref<30x80xi32, #tpu.memory_space<vmem>> -> memref<1x80xi32, #tpu.memory_space<vmem>>
        %dma_start3A_138 = tpu.memref_squeeze %dma_start3A_137 : memref<1x80xi32, #tpu.memory_space<vmem>> -> memref<80xi32, #tpu.memory_space<vmem>>
        %dma_start3A_139 = arith.constant 0 : i32
        %dma_start3A_140 = arith.constant 0 : i32
        %dma_start3A_141 = tpu.memref_slice %arg3[%dma_start3A_139, %dma_start3A_140] : memref<100000x128xf32, #tpu.memory_space<hbm>> -> memref<100000x128xf32, #tpu.memory_space<hbm>>
        tpu.enqueue_indirect_dma source(%dma_start3A_141 : memref<100000x128xf32, #tpu.memory_space<hbm>>) target(%arg8 : memref<80x128xf32, #tpu.memory_space<vmem>>) offsets(%dma_start3A_138 : memref<80xi32, #tpu.memory_space<vmem>>) semaphore(%arg13 : memref<!tpu.dma_semaphore, #tpu.memory_space<semaphore_mem>>)
      } else {
      }
      %add3A_96 = arith.constant 3 : i32
      %add3A_97 = arith.addi %mul3A_42, %add3A_96 : i32
      %dma_wait3A_98 = arith.constant 0 : i32
      %dma_wait3A_99 = arith.constant 0 : i32
      %dma_wait3A_100 = tpu.memref_slice %arg4[%add3A, %dma_wait3A_98, %dma_wait3A_99] : memref<32x2400x128xf32, #tpu.memory_space<hbm>> -> memref<1x80x128xf32, #tpu.memory_space<hbm>>
      %dma_wait3A_101 = tpu.memref_squeeze %dma_wait3A_100 : memref<1x80x128xf32, #tpu.memory_space<hbm>> -> memref<80x128xf32, #tpu.memory_space<hbm>>
      %dma_wait3A_102 = arith.constant 0 : i32
      %dma_wait3A_103 = arith.constant 0 : i32
      %dma_wait3A_104 = tpu.memref_slice %arg4[%add3A, %dma_wait3A_102, %dma_wait3A_103] : memref<32x2400x128xf32, #tpu.memory_space<hbm>> -> memref<1x80x128xf32, #tpu.memory_space<hbm>>
      %dma_wait3A_105 = tpu.memref_squeeze %dma_wait3A_104 : memref<1x80x128xf32, #tpu.memory_space<hbm>> -> memref<80x128xf32, #tpu.memory_space<hbm>>
      tpu.wait_dma2 semaphore(%arg14 : memref<!tpu.dma_semaphore, #tpu.memory_space<semaphore_mem>>) src(%dma_wait3A_105 : memref<80x128xf32, #tpu.memory_space<hbm>>) dst(%arg9 : memref<80x128xf32, #tpu.memory_space<vmem>>)
      %mul3A_106 = arith.constant 80 : i32
      %mul3A_107 = arith.muli %add3A_97, %mul3A_106 : i32
      "tpu.region"() ({
        %run_scoped3A = tpu.sem_alloc : memref<!tpu.dma_semaphore, #tpu.memory_space<semaphore_mem>>
        %dma_start3A_134 = arith.constant 0 : i32
        %dma_start3A_135 = tpu.memref_slice %arg4[%add3A, %mul3A_107, %dma_start3A_134] : memref<32x2400x128xf32, #tpu.memory_space<hbm>> -> memref<1x80x128xf32, #tpu.memory_space<hbm>>
        %dma_start3A_136 = tpu.memref_squeeze %dma_start3A_135 : memref<1x80x128xf32, #tpu.memory_space<hbm>> -> memref<80x128xf32, #tpu.memory_space<hbm>>
        %dma_start3A_137 = arith.constant 0 : i32
        %dma_start3A_138 = tpu.memref_slice %arg4[%add3A, %mul3A_107, %dma_start3A_137] : memref<32x2400x128xf32, #tpu.memory_space<hbm>> -> memref<1x80x128xf32, #tpu.memory_space<hbm>>
        %dma_start3A_139 = tpu.memref_squeeze %dma_start3A_138 : memref<1x80x128xf32, #tpu.memory_space<hbm>> -> memref<80x128xf32, #tpu.memory_space<hbm>>
        tpu.enqueue_dma source(%arg9 : memref<80x128xf32, #tpu.memory_space<vmem>>) target(%dma_start3A_139 : memref<80x128xf32, #tpu.memory_space<hbm>>) target_semaphore(%run_scoped3A : memref<!tpu.dma_semaphore, #tpu.memory_space<semaphore_mem>>)
        %dma_wait3A_140 = arith.constant 0 : i32
        %dma_wait3A_141 = tpu.memref_slice %arg4[%add3A, %mul3A_107, %dma_wait3A_140] : memref<32x2400x128xf32, #tpu.memory_space<hbm>> -> memref<1x80x128xf32, #tpu.memory_space<hbm>>
        %dma_wait3A_142 = tpu.memref_squeeze %dma_wait3A_141 : memref<1x80x128xf32, #tpu.memory_space<hbm>> -> memref<80x128xf32, #tpu.memory_space<hbm>>
        %dma_wait3A_143 = arith.constant 0 : i32
        %dma_wait3A_144 = tpu.memref_slice %arg4[%add3A, %mul3A_107, %dma_wait3A_143] : memref<32x2400x128xf32, #tpu.memory_space<hbm>> -> memref<1x80x128xf32, #tpu.memory_space<hbm>>
        %dma_wait3A_145 = tpu.memref_squeeze %dma_wait3A_144 : memref<1x80x128xf32, #tpu.memory_space<hbm>> -> memref<80x128xf32, #tpu.memory_space<hbm>>
        tpu.wait_dma2 semaphore(%run_scoped3A : memref<!tpu.dma_semaphore, #tpu.memory_space<semaphore_mem>>) src(%arg9 : memref<80x128xf32, #tpu.memory_space<vmem>>) dst(%dma_wait3A_145 : memref<80x128xf32, #tpu.memory_space<hbm>>)
        tpu.yield
      }) : () -> ()
      %add3A_108 = arith.constant 5 : i32
      %add3A_109 = arith.addi %add3A_97, %add3A_108 : i32
      %lt3A_110 = arith.constant 30 : i32
      %lt3A_111 = arith.cmpi slt, %add3A_109, %lt3A_110 : i32
      %convert_element_type3A_112 = arith.extui %lt3A_111 : i1 to i32
      %cond3A_113 = arith.constant 0 : i32
      %cond3A_114 = arith.cmpi ne, %convert_element_type3A_112, %cond3A_113 : i32
      scf.if %cond3A_114 {
        %add3A_134 = arith.constant 5 : i32
        %add3A_135 = arith.addi %add3A_97, %add3A_134 : i32
        %dma_start3A_136 = arith.constant 0 : i32
        %dma_start3A_137 = tpu.memref_slice %arg5[%add3A_135, %dma_start3A_136] : memref<30x80xi32, #tpu.memory_space<vmem>> -> memref<1x80xi32, #tpu.memory_space<vmem>>
        %dma_start3A_138 = tpu.memref_squeeze %dma_start3A_137 : memref<1x80xi32, #tpu.memory_space<vmem>> -> memref<80xi32, #tpu.memory_space<vmem>>
        %dma_start3A_139 = arith.constant 0 : i32
        %dma_start3A_140 = arith.constant 0 : i32
        %dma_start3A_141 = tpu.memref_slice %arg3[%dma_start3A_139, %dma_start3A_140] : memref<100000x128xf32, #tpu.memory_space<hbm>> -> memref<100000x128xf32, #tpu.memory_space<hbm>>
        tpu.enqueue_indirect_dma source(%dma_start3A_141 : memref<100000x128xf32, #tpu.memory_space<hbm>>) target(%arg9 : memref<80x128xf32, #tpu.memory_space<vmem>>) offsets(%dma_start3A_138 : memref<80xi32, #tpu.memory_space<vmem>>) semaphore(%arg14 : memref<!tpu.dma_semaphore, #tpu.memory_space<semaphore_mem>>)
      } else {
      }
      %add3A_115 = arith.constant 4 : i32
      %add3A_116 = arith.addi %mul3A_42, %add3A_115 : i32
      %dma_wait3A_117 = arith.constant 0 : i32
      %dma_wait3A_118 = arith.constant 0 : i32
      %dma_wait3A_119 = tpu.memref_slice %arg4[%add3A, %dma_wait3A_117, %dma_wait3A_118] : memref<32x2400x128xf32, #tpu.memory_space<hbm>> -> memref<1x80x128xf32, #tpu.memory_space<hbm>>
      %dma_wait3A_120 = tpu.memref_squeeze %dma_wait3A_119 : memref<1x80x128xf32, #tpu.memory_space<hbm>> -> memref<80x128xf32, #tpu.memory_space<hbm>>
      %dma_wait3A_121 = arith.constant 0 : i32
      %dma_wait3A_122 = arith.constant 0 : i32
      %dma_wait3A_123 = tpu.memref_slice %arg4[%add3A, %dma_wait3A_121, %dma_wait3A_122] : memref<32x2400x128xf32, #tpu.memory_space<hbm>> -> memref<1x80x128xf32, #tpu.memory_space<hbm>>
      %dma_wait3A_124 = tpu.memref_squeeze %dma_wait3A_123 : memref<1x80x128xf32, #tpu.memory_space<hbm>> -> memref<80x128xf32, #tpu.memory_space<hbm>>
      tpu.wait_dma2 semaphore(%arg15 : memref<!tpu.dma_semaphore, #tpu.memory_space<semaphore_mem>>) src(%dma_wait3A_124 : memref<80x128xf32, #tpu.memory_space<hbm>>) dst(%arg10 : memref<80x128xf32, #tpu.memory_space<vmem>>)
      %mul3A_125 = arith.constant 80 : i32
      %mul3A_126 = arith.muli %add3A_116, %mul3A_125 : i32
      "tpu.region"() ({
        %run_scoped3A = tpu.sem_alloc : memref<!tpu.dma_semaphore, #tpu.memory_space<semaphore_mem>>
        %dma_start3A_134 = arith.constant 0 : i32
        %dma_start3A_135 = tpu.memref_slice %arg4[%add3A, %mul3A_126, %dma_start3A_134] : memref<32x2400x128xf32, #tpu.memory_space<hbm>> -> memref<1x80x128xf32, #tpu.memory_space<hbm>>
        %dma_start3A_136 = tpu.memref_squeeze %dma_start3A_135 : memref<1x80x128xf32, #tpu.memory_space<hbm>> -> memref<80x128xf32, #tpu.memory_space<hbm>>
        %dma_start3A_137 = arith.constant 0 : i32
        %dma_start3A_138 = tpu.memref_slice %arg4[%add3A, %mul3A_126, %dma_start3A_137] : memref<32x2400x128xf32, #tpu.memory_space<hbm>> -> memref<1x80x128xf32, #tpu.memory_space<hbm>>
        %dma_start3A_139 = tpu.memref_squeeze %dma_start3A_138 : memref<1x80x128xf32, #tpu.memory_space<hbm>> -> memref<80x128xf32, #tpu.memory_space<hbm>>
        tpu.enqueue_dma source(%arg10 : memref<80x128xf32, #tpu.memory_space<vmem>>) target(%dma_start3A_139 : memref<80x128xf32, #tpu.memory_space<hbm>>) target_semaphore(%run_scoped3A : memref<!tpu.dma_semaphore, #tpu.memory_space<semaphore_mem>>)
        %dma_wait3A_140 = arith.constant 0 : i32
        %dma_wait3A_141 = tpu.memref_slice %arg4[%add3A, %mul3A_126, %dma_wait3A_140] : memref<32x2400x128xf32, #tpu.memory_space<hbm>> -> memref<1x80x128xf32, #tpu.memory_space<hbm>>
        %dma_wait3A_142 = tpu.memref_squeeze %dma_wait3A_141 : memref<1x80x128xf32, #tpu.memory_space<hbm>> -> memref<80x128xf32, #tpu.memory_space<hbm>>
        %dma_wait3A_143 = arith.constant 0 : i32
        %dma_wait3A_144 = tpu.memref_slice %arg4[%add3A, %mul3A_126, %dma_wait3A_143] : memref<32x2400x128xf32, #tpu.memory_space<hbm>> -> memref<1x80x128xf32, #tpu.memory_space<hbm>>
        %dma_wait3A_145 = tpu.memref_squeeze %dma_wait3A_144 : memref<1x80x128xf32, #tpu.memory_space<hbm>> -> memref<80x128xf32, #tpu.memory_space<hbm>>
        tpu.wait_dma2 semaphore(%run_scoped3A : memref<!tpu.dma_semaphore, #tpu.memory_space<semaphore_mem>>) src(%arg10 : memref<80x128xf32, #tpu.memory_space<vmem>>) dst(%dma_wait3A_145 : memref<80x128xf32, #tpu.memory_space<hbm>>)
        tpu.yield
      }) : () -> ()
      %add3A_127 = arith.constant 5 : i32
      %add3A_128 = arith.addi %add3A_116, %add3A_127 : i32
      %lt3A_129 = arith.constant 30 : i32
      %lt3A_130 = arith.cmpi slt, %add3A_128, %lt3A_129 : i32
      %convert_element_type3A_131 = arith.extui %lt3A_130 : i1 to i32
      %cond3A_132 = arith.constant 0 : i32
      %cond3A_133 = arith.cmpi ne, %convert_element_type3A_131, %cond3A_132 : i32
      scf.if %cond3A_133 {
        %add3A_134 = arith.constant 5 : i32
        %add3A_135 = arith.addi %add3A_116, %add3A_134 : i32
        %dma_start3A_136 = arith.constant 0 : i32
        %dma_start3A_137 = tpu.memref_slice %arg5[%add3A_135, %dma_start3A_136] : memref<30x80xi32, #tpu.memory_space<vmem>> -> memref<1x80xi32, #tpu.memory_space<vmem>>
        %dma_start3A_138 = tpu.memref_squeeze %dma_start3A_137 : memref<1x80xi32, #tpu.memory_space<vmem>> -> memref<80xi32, #tpu.memory_space<vmem>>
        %dma_start3A_139 = arith.constant 0 : i32
        %dma_start3A_140 = arith.constant 0 : i32
        %dma_start3A_141 = tpu.memref_slice %arg3[%dma_start3A_139, %dma_start3A_140] : memref<100000x128xf32, #tpu.memory_space<hbm>> -> memref<100000x128xf32, #tpu.memory_space<hbm>>
        tpu.enqueue_indirect_dma source(%dma_start3A_141 : memref<100000x128xf32, #tpu.memory_space<hbm>>) target(%arg10 : memref<80x128xf32, #tpu.memory_space<vmem>>) offsets(%dma_start3A_138 : memref<80xi32, #tpu.memory_space<vmem>>) semaphore(%arg15 : memref<!tpu.dma_semaphore, #tpu.memory_space<semaphore_mem>>)
      } else {
      }
    }
    %scan3A_39 = arith.constant 6 : i32
    return
  }
}

#map = affine_map<(d0, d1) -> (0, 0, 0)>
#map1 = affine_map<(d0, d1) -> (0, 0)>
module attributes {stable_mosaic.version = 14 : i64} {
  func.func @k(%arg0: i32, %arg1: i32, %arg2: memref<32x35x80xi32, #tpu.memory_space<hbm>>, %arg3: memref<100000x128xf32, #tpu.memory_space<hbm>>, %arg4: memref<32x2800x128xf32, #tpu.memory_space<hbm>>, %arg5: memref<35x80xi32, #tpu.memory_space<vmem>>, %arg6: memref<80x128xf32, #tpu.memory_space<vmem>>, %arg7: memref<80x128xf32, #tpu.memory_space<vmem>>, %arg8: memref<80x128xf32, #tpu.memory_space<vmem>>, %arg9: memref<80x128xf32, #tpu.memory_space<vmem>>, %arg10: memref<80x128xf32, #tpu.memory_space<vmem>>, %arg11: memref<!tpu.dma_semaphore, #tpu.memory_space<semaphore_mem>>, %arg12: memref<!tpu.dma_semaphore, #tpu.memory_space<semaphore_mem>>, %arg13: memref<!tpu.dma_semaphore, #tpu.memory_space<semaphore_mem>>, %arg14: memref<!tpu.dma_semaphore, #tpu.memory_space<semaphore_mem>>, %arg15: memref<!tpu.dma_semaphore, #tpu.memory_space<semaphore_mem>>) attributes {dimension_semantics = [#tpu.dimension_semantics<core_parallel>, #tpu.dimension_semantics<subcore_parallel>], iteration_bounds = array<i64: 2, 16>, scalar_prefetch = 0 : i64, scratch_operands = 11 : i64, tpu.core_type = #tpu.core_type<sc_vector_subcore>, window_params = [{transform_indices = #map}, {transform_indices = #map1}, {transform_indices = #map}]} {
    %mul3A = arith.constant 2 : i32
    %mul3A_0 = arith.muli %arg1, %mul3A : i32
    %add3A = arith.addi %mul3A_0, %arg0 : i32
    "tpu.region"() ({
      %run_scoped3A = tpu.sem_alloc : memref<!tpu.dma_semaphore, #tpu.memory_space<semaphore_mem>>
      %dma_start3A_40 = arith.constant 0 : i32
      %dma_start3A_41 = arith.constant 0 : i32
      %dma_start3A_42 = tpu.memref_slice %arg2[%add3A, %dma_start3A_40, %dma_start3A_41] : memref<32x35x80xi32, #tpu.memory_space<hbm>> -> memref<1x35x80xi32, #tpu.memory_space<hbm>>
      %dma_start3A_43 = tpu.memref_squeeze %dma_start3A_42 : memref<1x35x80xi32, #tpu.memory_space<hbm>> -> memref<35x80xi32, #tpu.memory_space<hbm>>
      %dma_start3A_44 = arith.constant 0 : i32
      %dma_start3A_45 = arith.constant 0 : i32
      %dma_start3A_46 = tpu.memref_slice %arg2[%add3A, %dma_start3A_44, %dma_start3A_45] : memref<32x35x80xi32, #tpu.memory_space<hbm>> -> memref<1x35x80xi32, #tpu.memory_space<hbm>>
      %dma_start3A_47 = tpu.memref_squeeze %dma_start3A_46 : memref<1x35x80xi32, #tpu.memory_space<hbm>> -> memref<35x80xi32, #tpu.memory_space<hbm>>
      tpu.enqueue_dma source(%dma_start3A_47 : memref<35x80xi32, #tpu.memory_space<hbm>>) target(%arg5 : memref<35x80xi32, #tpu.memory_space<vmem>>) target_semaphore(%run_scoped3A : memref<!tpu.dma_semaphore, #tpu.memory_space<semaphore_mem>>)
      %dma_wait3A = arith.constant 0 : i32
      %dma_wait3A_48 = arith.constant 0 : i32
      %dma_wait3A_49 = tpu.memref_slice %arg2[%add3A, %dma_wait3A, %dma_wait3A_48] : memref<32x35x80xi32, #tpu.memory_space<hbm>> -> memref<1x35x80xi32, #tpu.memory_space<hbm>>
      %dma_wait3A_50 = tpu.memref_squeeze %dma_wait3A_49 : memref<1x35x80xi32, #tpu.memory_space<hbm>> -> memref<35x80xi32, #tpu.memory_space<hbm>>
      %dma_wait3A_51 = arith.constant 0 : i32
      %dma_wait3A_52 = arith.constant 0 : i32
      %dma_wait3A_53 = tpu.memref_slice %arg2[%add3A, %dma_wait3A_51, %dma_wait3A_52] : memref<32x35x80xi32, #tpu.memory_space<hbm>> -> memref<1x35x80xi32, #tpu.memory_space<hbm>>
      %dma_wait3A_54 = tpu.memref_squeeze %dma_wait3A_53 : memref<1x35x80xi32, #tpu.memory_space<hbm>> -> memref<35x80xi32, #tpu.memory_space<hbm>>
      tpu.wait_dma2 semaphore(%run_scoped3A : memref<!tpu.dma_semaphore, #tpu.memory_space<semaphore_mem>>) src(%dma_wait3A_54 : memref<35x80xi32, #tpu.memory_space<hbm>>) dst(%arg5 : memref<35x80xi32, #tpu.memory_space<vmem>>)
      tpu.yield
    }) : () -> ()
    %dma_start3A = arith.constant 0 : i32
    %dma_start3A_1 = arith.constant 0 : i32
    %dma_start3A_2 = tpu.memref_slice %arg5[%dma_start3A, %dma_start3A_1] : memref<35x80xi32, #tpu.memory_space<vmem>> -> memref<1x80xi32, #tpu.memory_space<vmem>>
    %dma_start3A_3 = tpu.memref_squeeze %dma_start3A_2 : memref<1x80xi32, #tpu.memory_space<vmem>> -> memref<80xi32, #tpu.memory_space<vmem>>
    %dma_start3A_4 = arith.constant 0 : i32
    %dma_start3A_5 = arith.constant 0 : i32
    %dma_start3A_6 = tpu.memref_slice %arg3[%dma_start3A_4, %dma_start3A_5] : memref<100000x128xf32, #tpu.memory_space<hbm>> -> memref<100000x128xf32, #tpu.memory_space<hbm>>
    tpu.enqueue_indirect_dma source(%dma_start3A_6 : memref<100000x128xf32, #tpu.memory_space<hbm>>) target(%arg6 : memref<80x128xf32, #tpu.memory_space<vmem>>) offsets(%dma_start3A_3 : memref<80xi32, #tpu.memory_space<vmem>>) semaphore(%arg11 : memref<!tpu.dma_semaphore, #tpu.memory_space<semaphore_mem>>)
    %dma_start3A_7 = arith.constant 1 : i32
    %dma_start3A_8 = arith.constant 0 : i32
    %dma_start3A_9 = tpu.memref_slice %arg5[%dma_start3A_7, %dma_start3A_8] : memref<35x80xi32, #tpu.memory_space<vmem>> -> memref<1x80xi32, #tpu.memory_space<vmem>>
    %dma_start3A_10 = tpu.memref_squeeze %dma_start3A_9 : memref<1x80xi32, #tpu.memory_space<vmem>> -> memref<80xi32, #tpu.memory_space<vmem>>
    %dma_start3A_11 = arith.constant 0 : i32
    %dma_start3A_12 = arith.constant 0 : i32
    %dma_start3A_13 = tpu.memref_slice %arg3[%dma_start3A_11, %dma_start3A_12] : memref<100000x128xf32, #tpu.memory_space<hbm>> -> memref<100000x128xf32, #tpu.memory_space<hbm>>
    tpu.enqueue_indirect_dma source(%dma_start3A_13 : memref<100000x128xf32, #tpu.memory_space<hbm>>) target(%arg7 : memref<80x128xf32, #tpu.memory_space<vmem>>) offsets(%dma_start3A_10 : memref<80xi32, #tpu.memory_space<vmem>>) semaphore(%arg12 : memref<!tpu.dma_semaphore, #tpu.memory_space<semaphore_mem>>)
    %dma_start3A_14 = arith.constant 2 : i32
    %dma_start3A_15 = arith.constant 0 : i32
    %dma_start3A_16 = tpu.memref_slice %arg5[%dma_start3A_14, %dma_start3A_15] : memref<35x80xi32, #tpu.memory_space<vmem>> -> memref<1x80xi32, #tpu.memory_space<vmem>>
    %dma_start3A_17 = tpu.memref_squeeze %dma_start3A_16 : memref<1x80xi32, #tpu.memory_space<vmem>> -> memref<80xi32, #tpu.memory_space<vmem>>
    %dma_start3A_18 = arith.constant 0 : i32
    %dma_start3A_19 = arith.constant 0 : i32
    %dma_start3A_20 = tpu.memref_slice %arg3[%dma_start3A_18, %dma_start3A_19] : memref<100000x128xf32, #tpu.memory_space<hbm>> -> memref<100000x128xf32, #tpu.memory_space<hbm>>
    tpu.enqueue_indirect_dma source(%dma_start3A_20 : memref<100000x128xf32, #tpu.memory_space<hbm>>) target(%arg8 : memref<80x128xf32, #tpu.memory_space<vmem>>) offsets(%dma_start3A_17 : memref<80xi32, #tpu.memory_space<vmem>>) semaphore(%arg13 : memref<!tpu.dma_semaphore, #tpu.memory_space<semaphore_mem>>)
    %dma_start3A_21 = arith.constant 3 : i32
    %dma_start3A_22 = arith.constant 0 : i32
    %dma_start3A_23 = tpu.memref_slice %arg5[%dma_start3A_21, %dma_start3A_22] : memref<35x80xi32, #tpu.memory_space<vmem>> -> memref<1x80xi32, #tpu.memory_space<vmem>>
    %dma_start3A_24 = tpu.memref_squeeze %dma_start3A_23 : memref<1x80xi32, #tpu.memory_space<vmem>> -> memref<80xi32, #tpu.memory_space<vmem>>
    %dma_start3A_25 = arith.constant 0 : i32
    %dma_start3A_26 = arith.constant 0 : i32
    %dma_start3A_27 = tpu.memref_slice %arg3[%dma_start3A_25, %dma_start3A_26] : memref<100000x128xf32, #tpu.memory_space<hbm>> -> memref<100000x128xf32, #tpu.memory_space<hbm>>
    tpu.enqueue_indirect_dma source(%dma_start3A_27 : memref<100000x128xf32, #tpu.memory_space<hbm>>) target(%arg9 : memref<80x128xf32, #tpu.memory_space<vmem>>) offsets(%dma_start3A_24 : memref<80xi32, #tpu.memory_space<vmem>>) semaphore(%arg14 : memref<!tpu.dma_semaphore, #tpu.memory_space<semaphore_mem>>)
    %dma_start3A_28 = arith.constant 4 : i32
    %dma_start3A_29 = arith.constant 0 : i32
    %dma_start3A_30 = tpu.memref_slice %arg5[%dma_start3A_28, %dma_start3A_29] : memref<35x80xi32, #tpu.memory_space<vmem>> -> memref<1x80xi32, #tpu.memory_space<vmem>>
    %dma_start3A_31 = tpu.memref_squeeze %dma_start3A_30 : memref<1x80xi32, #tpu.memory_space<vmem>> -> memref<80xi32, #tpu.memory_space<vmem>>
    %dma_start3A_32 = arith.constant 0 : i32
    %dma_start3A_33 = arith.constant 0 : i32
    %dma_start3A_34 = tpu.memref_slice %arg3[%dma_start3A_32, %dma_start3A_33] : memref<100000x128xf32, #tpu.memory_space<hbm>> -> memref<100000x128xf32, #tpu.memory_space<hbm>>
    tpu.enqueue_indirect_dma source(%dma_start3A_34 : memref<100000x128xf32, #tpu.memory_space<hbm>>) target(%arg10 : memref<80x128xf32, #tpu.memory_space<vmem>>) offsets(%dma_start3A_31 : memref<80xi32, #tpu.memory_space<vmem>>) semaphore(%arg15 : memref<!tpu.dma_semaphore, #tpu.memory_space<semaphore_mem>>)
    %scan3A = arith.constant 0 : i32
    %scan3A_35 = arith.constant 0 : i32
    %scan3A_36 = arith.constant 7 : i32
    %scan3A_37 = arith.addi %scan3A_35, %scan3A_36 : i32
    %scan3A_38 = arith.constant 1 : i32
    scf.for %scan3A_40 = %scan3A_35 to %scan3A_37 step %scan3A_38  : i32 {
      %mul3A_41 = arith.constant 5 : i32
      %mul3A_42 = arith.muli %scan3A_40, %mul3A_41 : i32
      %add3A_43 = arith.constant 0 : i32
      %add3A_44 = arith.addi %mul3A_42, %add3A_43 : i32
      %dma_wait3A = arith.constant 0 : i32
      %dma_wait3A_45 = arith.constant 0 : i32
      %dma_wait3A_46 = tpu.memref_slice %arg4[%add3A, %dma_wait3A, %dma_wait3A_45] : memref<32x2800x128xf32, #tpu.memory_space<hbm>> -> memref<1x80x128xf32, #tpu.memory_space<hbm>>
      %dma_wait3A_47 = tpu.memref_squeeze %dma_wait3A_46 : memref<1x80x128xf32, #tpu.memory_space<hbm>> -> memref<80x128xf32, #tpu.memory_space<hbm>>
      %dma_wait3A_48 = arith.constant 0 : i32
      %dma_wait3A_49 = arith.constant 0 : i32
      %dma_wait3A_50 = tpu.memref_slice %arg4[%add3A, %dma_wait3A_48, %dma_wait3A_49] : memref<32x2800x128xf32, #tpu.memory_space<hbm>> -> memref<1x80x128xf32, #tpu.memory_space<hbm>>
      %dma_wait3A_51 = tpu.memref_squeeze %dma_wait3A_50 : memref<1x80x128xf32, #tpu.memory_space<hbm>> -> memref<80x128xf32, #tpu.memory_space<hbm>>
      tpu.wait_dma2 semaphore(%arg11 : memref<!tpu.dma_semaphore, #tpu.memory_space<semaphore_mem>>) src(%dma_wait3A_51 : memref<80x128xf32, #tpu.memory_space<hbm>>) dst(%arg6 : memref<80x128xf32, #tpu.memory_space<vmem>>)
      %mul3A_52 = arith.constant 80 : i32
      %mul3A_53 = arith.muli %add3A_44, %mul3A_52 : i32
      "tpu.region"() ({
        %run_scoped3A = tpu.sem_alloc : memref<!tpu.dma_semaphore, #tpu.memory_space<semaphore_mem>>
        %dma_start3A_134 = arith.constant 0 : i32
        %dma_start3A_135 = tpu.memref_slice %arg4[%add3A, %mul3A_53, %dma_start3A_134] : memref<32x2800x128xf32, #tpu.memory_space<hbm>> -> memref<1x80x128xf32, #tpu.memory_space<hbm>>
        %dma_start3A_136 = tpu.memref_squeeze %dma_start3A_135 : memref<1x80x128xf32, #tpu.memory_space<hbm>> -> memref<80x128xf32, #tpu.memory_space<hbm>>
        %dma_start3A_137 = arith.constant 0 : i32
        %dma_start3A_138 = tpu.memref_slice %arg4[%add3A, %mul3A_53, %dma_start3A_137] : memref<32x2800x128xf32, #tpu.memory_space<hbm>> -> memref<1x80x128xf32, #tpu.memory_space<hbm>>
        %dma_start3A_139 = tpu.memref_squeeze %dma_start3A_138 : memref<1x80x128xf32, #tpu.memory_space<hbm>> -> memref<80x128xf32, #tpu.memory_space<hbm>>
        tpu.enqueue_dma source(%arg6 : memref<80x128xf32, #tpu.memory_space<vmem>>) target(%dma_start3A_139 : memref<80x128xf32, #tpu.memory_space<hbm>>) target_semaphore(%run_scoped3A : memref<!tpu.dma_semaphore, #tpu.memory_space<semaphore_mem>>)
        %dma_wait3A_140 = arith.constant 0 : i32
        %dma_wait3A_141 = tpu.memref_slice %arg4[%add3A, %mul3A_53, %dma_wait3A_140] : memref<32x2800x128xf32, #tpu.memory_space<hbm>> -> memref<1x80x128xf32, #tpu.memory_space<hbm>>
        %dma_wait3A_142 = tpu.memref_squeeze %dma_wait3A_141 : memref<1x80x128xf32, #tpu.memory_space<hbm>> -> memref<80x128xf32, #tpu.memory_space<hbm>>
        %dma_wait3A_143 = arith.constant 0 : i32
        %dma_wait3A_144 = tpu.memref_slice %arg4[%add3A, %mul3A_53, %dma_wait3A_143] : memref<32x2800x128xf32, #tpu.memory_space<hbm>> -> memref<1x80x128xf32, #tpu.memory_space<hbm>>
        %dma_wait3A_145 = tpu.memref_squeeze %dma_wait3A_144 : memref<1x80x128xf32, #tpu.memory_space<hbm>> -> memref<80x128xf32, #tpu.memory_space<hbm>>
        tpu.wait_dma2 semaphore(%run_scoped3A : memref<!tpu.dma_semaphore, #tpu.memory_space<semaphore_mem>>) src(%arg6 : memref<80x128xf32, #tpu.memory_space<vmem>>) dst(%dma_wait3A_145 : memref<80x128xf32, #tpu.memory_space<hbm>>)
        tpu.yield
      }) : () -> ()
      %add3A_54 = arith.constant 5 : i32
      %add3A_55 = arith.addi %add3A_44, %add3A_54 : i32
      %lt3A = arith.constant 35 : i32
      %lt3A_56 = arith.cmpi slt, %add3A_55, %lt3A : i32
      %convert_element_type3A = arith.extui %lt3A_56 : i1 to i32
      %cond3A = arith.constant 0 : i32
      %cond3A_57 = arith.cmpi ne, %convert_element_type3A, %cond3A : i32
      scf.if %cond3A_57 {
        %add3A_134 = arith.constant 5 : i32
        %add3A_135 = arith.addi %add3A_44, %add3A_134 : i32
        %dma_start3A_136 = arith.constant 0 : i32
        %dma_start3A_137 = tpu.memref_slice %arg5[%add3A_135, %dma_start3A_136] : memref<35x80xi32, #tpu.memory_space<vmem>> -> memref<1x80xi32, #tpu.memory_space<vmem>>
        %dma_start3A_138 = tpu.memref_squeeze %dma_start3A_137 : memref<1x80xi32, #tpu.memory_space<vmem>> -> memref<80xi32, #tpu.memory_space<vmem>>
        %dma_start3A_139 = arith.constant 0 : i32
        %dma_start3A_140 = arith.constant 0 : i32
        %dma_start3A_141 = tpu.memref_slice %arg3[%dma_start3A_139, %dma_start3A_140] : memref<100000x128xf32, #tpu.memory_space<hbm>> -> memref<100000x128xf32, #tpu.memory_space<hbm>>
        tpu.enqueue_indirect_dma source(%dma_start3A_141 : memref<100000x128xf32, #tpu.memory_space<hbm>>) target(%arg6 : memref<80x128xf32, #tpu.memory_space<vmem>>) offsets(%dma_start3A_138 : memref<80xi32, #tpu.memory_space<vmem>>) semaphore(%arg11 : memref<!tpu.dma_semaphore, #tpu.memory_space<semaphore_mem>>)
      } else {
      }
      %add3A_58 = arith.constant 1 : i32
      %add3A_59 = arith.addi %mul3A_42, %add3A_58 : i32
      %dma_wait3A_60 = arith.constant 0 : i32
      %dma_wait3A_61 = arith.constant 0 : i32
      %dma_wait3A_62 = tpu.memref_slice %arg4[%add3A, %dma_wait3A_60, %dma_wait3A_61] : memref<32x2800x128xf32, #tpu.memory_space<hbm>> -> memref<1x80x128xf32, #tpu.memory_space<hbm>>
      %dma_wait3A_63 = tpu.memref_squeeze %dma_wait3A_62 : memref<1x80x128xf32, #tpu.memory_space<hbm>> -> memref<80x128xf32, #tpu.memory_space<hbm>>
      %dma_wait3A_64 = arith.constant 0 : i32
      %dma_wait3A_65 = arith.constant 0 : i32
      %dma_wait3A_66 = tpu.memref_slice %arg4[%add3A, %dma_wait3A_64, %dma_wait3A_65] : memref<32x2800x128xf32, #tpu.memory_space<hbm>> -> memref<1x80x128xf32, #tpu.memory_space<hbm>>
      %dma_wait3A_67 = tpu.memref_squeeze %dma_wait3A_66 : memref<1x80x128xf32, #tpu.memory_space<hbm>> -> memref<80x128xf32, #tpu.memory_space<hbm>>
      tpu.wait_dma2 semaphore(%arg12 : memref<!tpu.dma_semaphore, #tpu.memory_space<semaphore_mem>>) src(%dma_wait3A_67 : memref<80x128xf32, #tpu.memory_space<hbm>>) dst(%arg7 : memref<80x128xf32, #tpu.memory_space<vmem>>)
      %mul3A_68 = arith.constant 80 : i32
      %mul3A_69 = arith.muli %add3A_59, %mul3A_68 : i32
      "tpu.region"() ({
        %run_scoped3A = tpu.sem_alloc : memref<!tpu.dma_semaphore, #tpu.memory_space<semaphore_mem>>
        %dma_start3A_134 = arith.constant 0 : i32
        %dma_start3A_135 = tpu.memref_slice %arg4[%add3A, %mul3A_69, %dma_start3A_134] : memref<32x2800x128xf32, #tpu.memory_space<hbm>> -> memref<1x80x128xf32, #tpu.memory_space<hbm>>
        %dma_start3A_136 = tpu.memref_squeeze %dma_start3A_135 : memref<1x80x128xf32, #tpu.memory_space<hbm>> -> memref<80x128xf32, #tpu.memory_space<hbm>>
        %dma_start3A_137 = arith.constant 0 : i32
        %dma_start3A_138 = tpu.memref_slice %arg4[%add3A, %mul3A_69, %dma_start3A_137] : memref<32x2800x128xf32, #tpu.memory_space<hbm>> -> memref<1x80x128xf32, #tpu.memory_space<hbm>>
        %dma_start3A_139 = tpu.memref_squeeze %dma_start3A_138 : memref<1x80x128xf32, #tpu.memory_space<hbm>> -> memref<80x128xf32, #tpu.memory_space<hbm>>
        tpu.enqueue_dma source(%arg7 : memref<80x128xf32, #tpu.memory_space<vmem>>) target(%dma_start3A_139 : memref<80x128xf32, #tpu.memory_space<hbm>>) target_semaphore(%run_scoped3A : memref<!tpu.dma_semaphore, #tpu.memory_space<semaphore_mem>>)
        %dma_wait3A_140 = arith.constant 0 : i32
        %dma_wait3A_141 = tpu.memref_slice %arg4[%add3A, %mul3A_69, %dma_wait3A_140] : memref<32x2800x128xf32, #tpu.memory_space<hbm>> -> memref<1x80x128xf32, #tpu.memory_space<hbm>>
        %dma_wait3A_142 = tpu.memref_squeeze %dma_wait3A_141 : memref<1x80x128xf32, #tpu.memory_space<hbm>> -> memref<80x128xf32, #tpu.memory_space<hbm>>
        %dma_wait3A_143 = arith.constant 0 : i32
        %dma_wait3A_144 = tpu.memref_slice %arg4[%add3A, %mul3A_69, %dma_wait3A_143] : memref<32x2800x128xf32, #tpu.memory_space<hbm>> -> memref<1x80x128xf32, #tpu.memory_space<hbm>>
        %dma_wait3A_145 = tpu.memref_squeeze %dma_wait3A_144 : memref<1x80x128xf32, #tpu.memory_space<hbm>> -> memref<80x128xf32, #tpu.memory_space<hbm>>
        tpu.wait_dma2 semaphore(%run_scoped3A : memref<!tpu.dma_semaphore, #tpu.memory_space<semaphore_mem>>) src(%arg7 : memref<80x128xf32, #tpu.memory_space<vmem>>) dst(%dma_wait3A_145 : memref<80x128xf32, #tpu.memory_space<hbm>>)
        tpu.yield
      }) : () -> ()
      %add3A_70 = arith.constant 5 : i32
      %add3A_71 = arith.addi %add3A_59, %add3A_70 : i32
      %lt3A_72 = arith.constant 35 : i32
      %lt3A_73 = arith.cmpi slt, %add3A_71, %lt3A_72 : i32
      %convert_element_type3A_74 = arith.extui %lt3A_73 : i1 to i32
      %cond3A_75 = arith.constant 0 : i32
      %cond3A_76 = arith.cmpi ne, %convert_element_type3A_74, %cond3A_75 : i32
      scf.if %cond3A_76 {
        %add3A_134 = arith.constant 5 : i32
        %add3A_135 = arith.addi %add3A_59, %add3A_134 : i32
        %dma_start3A_136 = arith.constant 0 : i32
        %dma_start3A_137 = tpu.memref_slice %arg5[%add3A_135, %dma_start3A_136] : memref<35x80xi32, #tpu.memory_space<vmem>> -> memref<1x80xi32, #tpu.memory_space<vmem>>
        %dma_start3A_138 = tpu.memref_squeeze %dma_start3A_137 : memref<1x80xi32, #tpu.memory_space<vmem>> -> memref<80xi32, #tpu.memory_space<vmem>>
        %dma_start3A_139 = arith.constant 0 : i32
        %dma_start3A_140 = arith.constant 0 : i32
        %dma_start3A_141 = tpu.memref_slice %arg3[%dma_start3A_139, %dma_start3A_140] : memref<100000x128xf32, #tpu.memory_space<hbm>> -> memref<100000x128xf32, #tpu.memory_space<hbm>>
        tpu.enqueue_indirect_dma source(%dma_start3A_141 : memref<100000x128xf32, #tpu.memory_space<hbm>>) target(%arg7 : memref<80x128xf32, #tpu.memory_space<vmem>>) offsets(%dma_start3A_138 : memref<80xi32, #tpu.memory_space<vmem>>) semaphore(%arg12 : memref<!tpu.dma_semaphore, #tpu.memory_space<semaphore_mem>>)
      } else {
      }
      %add3A_77 = arith.constant 2 : i32
      %add3A_78 = arith.addi %mul3A_42, %add3A_77 : i32
      %dma_wait3A_79 = arith.constant 0 : i32
      %dma_wait3A_80 = arith.constant 0 : i32
      %dma_wait3A_81 = tpu.memref_slice %arg4[%add3A, %dma_wait3A_79, %dma_wait3A_80] : memref<32x2800x128xf32, #tpu.memory_space<hbm>> -> memref<1x80x128xf32, #tpu.memory_space<hbm>>
      %dma_wait3A_82 = tpu.memref_squeeze %dma_wait3A_81 : memref<1x80x128xf32, #tpu.memory_space<hbm>> -> memref<80x128xf32, #tpu.memory_space<hbm>>
      %dma_wait3A_83 = arith.constant 0 : i32
      %dma_wait3A_84 = arith.constant 0 : i32
      %dma_wait3A_85 = tpu.memref_slice %arg4[%add3A, %dma_wait3A_83, %dma_wait3A_84] : memref<32x2800x128xf32, #tpu.memory_space<hbm>> -> memref<1x80x128xf32, #tpu.memory_space<hbm>>
      %dma_wait3A_86 = tpu.memref_squeeze %dma_wait3A_85 : memref<1x80x128xf32, #tpu.memory_space<hbm>> -> memref<80x128xf32, #tpu.memory_space<hbm>>
      tpu.wait_dma2 semaphore(%arg13 : memref<!tpu.dma_semaphore, #tpu.memory_space<semaphore_mem>>) src(%dma_wait3A_86 : memref<80x128xf32, #tpu.memory_space<hbm>>) dst(%arg8 : memref<80x128xf32, #tpu.memory_space<vmem>>)
      %mul3A_87 = arith.constant 80 : i32
      %mul3A_88 = arith.muli %add3A_78, %mul3A_87 : i32
      "tpu.region"() ({
        %run_scoped3A = tpu.sem_alloc : memref<!tpu.dma_semaphore, #tpu.memory_space<semaphore_mem>>
        %dma_start3A_134 = arith.constant 0 : i32
        %dma_start3A_135 = tpu.memref_slice %arg4[%add3A, %mul3A_88, %dma_start3A_134] : memref<32x2800x128xf32, #tpu.memory_space<hbm>> -> memref<1x80x128xf32, #tpu.memory_space<hbm>>
        %dma_start3A_136 = tpu.memref_squeeze %dma_start3A_135 : memref<1x80x128xf32, #tpu.memory_space<hbm>> -> memref<80x128xf32, #tpu.memory_space<hbm>>
        %dma_start3A_137 = arith.constant 0 : i32
        %dma_start3A_138 = tpu.memref_slice %arg4[%add3A, %mul3A_88, %dma_start3A_137] : memref<32x2800x128xf32, #tpu.memory_space<hbm>> -> memref<1x80x128xf32, #tpu.memory_space<hbm>>
        %dma_start3A_139 = tpu.memref_squeeze %dma_start3A_138 : memref<1x80x128xf32, #tpu.memory_space<hbm>> -> memref<80x128xf32, #tpu.memory_space<hbm>>
        tpu.enqueue_dma source(%arg8 : memref<80x128xf32, #tpu.memory_space<vmem>>) target(%dma_start3A_139 : memref<80x128xf32, #tpu.memory_space<hbm>>) target_semaphore(%run_scoped3A : memref<!tpu.dma_semaphore, #tpu.memory_space<semaphore_mem>>)
        %dma_wait3A_140 = arith.constant 0 : i32
        %dma_wait3A_141 = tpu.memref_slice %arg4[%add3A, %mul3A_88, %dma_wait3A_140] : memref<32x2800x128xf32, #tpu.memory_space<hbm>> -> memref<1x80x128xf32, #tpu.memory_space<hbm>>
        %dma_wait3A_142 = tpu.memref_squeeze %dma_wait3A_141 : memref<1x80x128xf32, #tpu.memory_space<hbm>> -> memref<80x128xf32, #tpu.memory_space<hbm>>
        %dma_wait3A_143 = arith.constant 0 : i32
        %dma_wait3A_144 = tpu.memref_slice %arg4[%add3A, %mul3A_88, %dma_wait3A_143] : memref<32x2800x128xf32, #tpu.memory_space<hbm>> -> memref<1x80x128xf32, #tpu.memory_space<hbm>>
        %dma_wait3A_145 = tpu.memref_squeeze %dma_wait3A_144 : memref<1x80x128xf32, #tpu.memory_space<hbm>> -> memref<80x128xf32, #tpu.memory_space<hbm>>
        tpu.wait_dma2 semaphore(%run_scoped3A : memref<!tpu.dma_semaphore, #tpu.memory_space<semaphore_mem>>) src(%arg8 : memref<80x128xf32, #tpu.memory_space<vmem>>) dst(%dma_wait3A_145 : memref<80x128xf32, #tpu.memory_space<hbm>>)
        tpu.yield
      }) : () -> ()
      %add3A_89 = arith.constant 5 : i32
      %add3A_90 = arith.addi %add3A_78, %add3A_89 : i32
      %lt3A_91 = arith.constant 35 : i32
      %lt3A_92 = arith.cmpi slt, %add3A_90, %lt3A_91 : i32
      %convert_element_type3A_93 = arith.extui %lt3A_92 : i1 to i32
      %cond3A_94 = arith.constant 0 : i32
      %cond3A_95 = arith.cmpi ne, %convert_element_type3A_93, %cond3A_94 : i32
      scf.if %cond3A_95 {
        %add3A_134 = arith.constant 5 : i32
        %add3A_135 = arith.addi %add3A_78, %add3A_134 : i32
        %dma_start3A_136 = arith.constant 0 : i32
        %dma_start3A_137 = tpu.memref_slice %arg5[%add3A_135, %dma_start3A_136] : memref<35x80xi32, #tpu.memory_space<vmem>> -> memref<1x80xi32, #tpu.memory_space<vmem>>
        %dma_start3A_138 = tpu.memref_squeeze %dma_start3A_137 : memref<1x80xi32, #tpu.memory_space<vmem>> -> memref<80xi32, #tpu.memory_space<vmem>>
        %dma_start3A_139 = arith.constant 0 : i32
        %dma_start3A_140 = arith.constant 0 : i32
        %dma_start3A_141 = tpu.memref_slice %arg3[%dma_start3A_139, %dma_start3A_140] : memref<100000x128xf32, #tpu.memory_space<hbm>> -> memref<100000x128xf32, #tpu.memory_space<hbm>>
        tpu.enqueue_indirect_dma source(%dma_start3A_141 : memref<100000x128xf32, #tpu.memory_space<hbm>>) target(%arg8 : memref<80x128xf32, #tpu.memory_space<vmem>>) offsets(%dma_start3A_138 : memref<80xi32, #tpu.memory_space<vmem>>) semaphore(%arg13 : memref<!tpu.dma_semaphore, #tpu.memory_space<semaphore_mem>>)
      } else {
      }
      %add3A_96 = arith.constant 3 : i32
      %add3A_97 = arith.addi %mul3A_42, %add3A_96 : i32
      %dma_wait3A_98 = arith.constant 0 : i32
      %dma_wait3A_99 = arith.constant 0 : i32
      %dma_wait3A_100 = tpu.memref_slice %arg4[%add3A, %dma_wait3A_98, %dma_wait3A_99] : memref<32x2800x128xf32, #tpu.memory_space<hbm>> -> memref<1x80x128xf32, #tpu.memory_space<hbm>>
      %dma_wait3A_101 = tpu.memref_squeeze %dma_wait3A_100 : memref<1x80x128xf32, #tpu.memory_space<hbm>> -> memref<80x128xf32, #tpu.memory_space<hbm>>
      %dma_wait3A_102 = arith.constant 0 : i32
      %dma_wait3A_103 = arith.constant 0 : i32
      %dma_wait3A_104 = tpu.memref_slice %arg4[%add3A, %dma_wait3A_102, %dma_wait3A_103] : memref<32x2800x128xf32, #tpu.memory_space<hbm>> -> memref<1x80x128xf32, #tpu.memory_space<hbm>>
      %dma_wait3A_105 = tpu.memref_squeeze %dma_wait3A_104 : memref<1x80x128xf32, #tpu.memory_space<hbm>> -> memref<80x128xf32, #tpu.memory_space<hbm>>
      tpu.wait_dma2 semaphore(%arg14 : memref<!tpu.dma_semaphore, #tpu.memory_space<semaphore_mem>>) src(%dma_wait3A_105 : memref<80x128xf32, #tpu.memory_space<hbm>>) dst(%arg9 : memref<80x128xf32, #tpu.memory_space<vmem>>)
      %mul3A_106 = arith.constant 80 : i32
      %mul3A_107 = arith.muli %add3A_97, %mul3A_106 : i32
      "tpu.region"() ({
        %run_scoped3A = tpu.sem_alloc : memref<!tpu.dma_semaphore, #tpu.memory_space<semaphore_mem>>
        %dma_start3A_134 = arith.constant 0 : i32
        %dma_start3A_135 = tpu.memref_slice %arg4[%add3A, %mul3A_107, %dma_start3A_134] : memref<32x2800x128xf32, #tpu.memory_space<hbm>> -> memref<1x80x128xf32, #tpu.memory_space<hbm>>
        %dma_start3A_136 = tpu.memref_squeeze %dma_start3A_135 : memref<1x80x128xf32, #tpu.memory_space<hbm>> -> memref<80x128xf32, #tpu.memory_space<hbm>>
        %dma_start3A_137 = arith.constant 0 : i32
        %dma_start3A_138 = tpu.memref_slice %arg4[%add3A, %mul3A_107, %dma_start3A_137] : memref<32x2800x128xf32, #tpu.memory_space<hbm>> -> memref<1x80x128xf32, #tpu.memory_space<hbm>>
        %dma_start3A_139 = tpu.memref_squeeze %dma_start3A_138 : memref<1x80x128xf32, #tpu.memory_space<hbm>> -> memref<80x128xf32, #tpu.memory_space<hbm>>
        tpu.enqueue_dma source(%arg9 : memref<80x128xf32, #tpu.memory_space<vmem>>) target(%dma_start3A_139 : memref<80x128xf32, #tpu.memory_space<hbm>>) target_semaphore(%run_scoped3A : memref<!tpu.dma_semaphore, #tpu.memory_space<semaphore_mem>>)
        %dma_wait3A_140 = arith.constant 0 : i32
        %dma_wait3A_141 = tpu.memref_slice %arg4[%add3A, %mul3A_107, %dma_wait3A_140] : memref<32x2800x128xf32, #tpu.memory_space<hbm>> -> memref<1x80x128xf32, #tpu.memory_space<hbm>>
        %dma_wait3A_142 = tpu.memref_squeeze %dma_wait3A_141 : memref<1x80x128xf32, #tpu.memory_space<hbm>> -> memref<80x128xf32, #tpu.memory_space<hbm>>
        %dma_wait3A_143 = arith.constant 0 : i32
        %dma_wait3A_144 = tpu.memref_slice %arg4[%add3A, %mul3A_107, %dma_wait3A_143] : memref<32x2800x128xf32, #tpu.memory_space<hbm>> -> memref<1x80x128xf32, #tpu.memory_space<hbm>>
        %dma_wait3A_145 = tpu.memref_squeeze %dma_wait3A_144 : memref<1x80x128xf32, #tpu.memory_space<hbm>> -> memref<80x128xf32, #tpu.memory_space<hbm>>
        tpu.wait_dma2 semaphore(%run_scoped3A : memref<!tpu.dma_semaphore, #tpu.memory_space<semaphore_mem>>) src(%arg9 : memref<80x128xf32, #tpu.memory_space<vmem>>) dst(%dma_wait3A_145 : memref<80x128xf32, #tpu.memory_space<hbm>>)
        tpu.yield
      }) : () -> ()
      %add3A_108 = arith.constant 5 : i32
      %add3A_109 = arith.addi %add3A_97, %add3A_108 : i32
      %lt3A_110 = arith.constant 35 : i32
      %lt3A_111 = arith.cmpi slt, %add3A_109, %lt3A_110 : i32
      %convert_element_type3A_112 = arith.extui %lt3A_111 : i1 to i32
      %cond3A_113 = arith.constant 0 : i32
      %cond3A_114 = arith.cmpi ne, %convert_element_type3A_112, %cond3A_113 : i32
      scf.if %cond3A_114 {
        %add3A_134 = arith.constant 5 : i32
        %add3A_135 = arith.addi %add3A_97, %add3A_134 : i32
        %dma_start3A_136 = arith.constant 0 : i32
        %dma_start3A_137 = tpu.memref_slice %arg5[%add3A_135, %dma_start3A_136] : memref<35x80xi32, #tpu.memory_space<vmem>> -> memref<1x80xi32, #tpu.memory_space<vmem>>
        %dma_start3A_138 = tpu.memref_squeeze %dma_start3A_137 : memref<1x80xi32, #tpu.memory_space<vmem>> -> memref<80xi32, #tpu.memory_space<vmem>>
        %dma_start3A_139 = arith.constant 0 : i32
        %dma_start3A_140 = arith.constant 0 : i32
        %dma_start3A_141 = tpu.memref_slice %arg3[%dma_start3A_139, %dma_start3A_140] : memref<100000x128xf32, #tpu.memory_space<hbm>> -> memref<100000x128xf32, #tpu.memory_space<hbm>>
        tpu.enqueue_indirect_dma source(%dma_start3A_141 : memref<100000x128xf32, #tpu.memory_space<hbm>>) target(%arg9 : memref<80x128xf32, #tpu.memory_space<vmem>>) offsets(%dma_start3A_138 : memref<80xi32, #tpu.memory_space<vmem>>) semaphore(%arg14 : memref<!tpu.dma_semaphore, #tpu.memory_space<semaphore_mem>>)
      } else {
      }
      %add3A_115 = arith.constant 4 : i32
      %add3A_116 = arith.addi %mul3A_42, %add3A_115 : i32
      %dma_wait3A_117 = arith.constant 0 : i32
      %dma_wait3A_118 = arith.constant 0 : i32
      %dma_wait3A_119 = tpu.memref_slice %arg4[%add3A, %dma_wait3A_117, %dma_wait3A_118] : memref<32x2800x128xf32, #tpu.memory_space<hbm>> -> memref<1x80x128xf32, #tpu.memory_space<hbm>>
      %dma_wait3A_120 = tpu.memref_squeeze %dma_wait3A_119 : memref<1x80x128xf32, #tpu.memory_space<hbm>> -> memref<80x128xf32, #tpu.memory_space<hbm>>
      %dma_wait3A_121 = arith.constant 0 : i32
      %dma_wait3A_122 = arith.constant 0 : i32
      %dma_wait3A_123 = tpu.memref_slice %arg4[%add3A, %dma_wait3A_121, %dma_wait3A_122] : memref<32x2800x128xf32, #tpu.memory_space<hbm>> -> memref<1x80x128xf32, #tpu.memory_space<hbm>>
      %dma_wait3A_124 = tpu.memref_squeeze %dma_wait3A_123 : memref<1x80x128xf32, #tpu.memory_space<hbm>> -> memref<80x128xf32, #tpu.memory_space<hbm>>
      tpu.wait_dma2 semaphore(%arg15 : memref<!tpu.dma_semaphore, #tpu.memory_space<semaphore_mem>>) src(%dma_wait3A_124 : memref<80x128xf32, #tpu.memory_space<hbm>>) dst(%arg10 : memref<80x128xf32, #tpu.memory_space<vmem>>)
      %mul3A_125 = arith.constant 80 : i32
      %mul3A_126 = arith.muli %add3A_116, %mul3A_125 : i32
      "tpu.region"() ({
        %run_scoped3A = tpu.sem_alloc : memref<!tpu.dma_semaphore, #tpu.memory_space<semaphore_mem>>
        %dma_start3A_134 = arith.constant 0 : i32
        %dma_start3A_135 = tpu.memref_slice %arg4[%add3A, %mul3A_126, %dma_start3A_134] : memref<32x2800x128xf32, #tpu.memory_space<hbm>> -> memref<1x80x128xf32, #tpu.memory_space<hbm>>
        %dma_start3A_136 = tpu.memref_squeeze %dma_start3A_135 : memref<1x80x128xf32, #tpu.memory_space<hbm>> -> memref<80x128xf32, #tpu.memory_space<hbm>>
        %dma_start3A_137 = arith.constant 0 : i32
        %dma_start3A_138 = tpu.memref_slice %arg4[%add3A, %mul3A_126, %dma_start3A_137] : memref<32x2800x128xf32, #tpu.memory_space<hbm>> -> memref<1x80x128xf32, #tpu.memory_space<hbm>>
        %dma_start3A_139 = tpu.memref_squeeze %dma_start3A_138 : memref<1x80x128xf32, #tpu.memory_space<hbm>> -> memref<80x128xf32, #tpu.memory_space<hbm>>
        tpu.enqueue_dma source(%arg10 : memref<80x128xf32, #tpu.memory_space<vmem>>) target(%dma_start3A_139 : memref<80x128xf32, #tpu.memory_space<hbm>>) target_semaphore(%run_scoped3A : memref<!tpu.dma_semaphore, #tpu.memory_space<semaphore_mem>>)
        %dma_wait3A_140 = arith.constant 0 : i32
        %dma_wait3A_141 = tpu.memref_slice %arg4[%add3A, %mul3A_126, %dma_wait3A_140] : memref<32x2800x128xf32, #tpu.memory_space<hbm>> -> memref<1x80x128xf32, #tpu.memory_space<hbm>>
        %dma_wait3A_142 = tpu.memref_squeeze %dma_wait3A_141 : memref<1x80x128xf32, #tpu.memory_space<hbm>> -> memref<80x128xf32, #tpu.memory_space<hbm>>
        %dma_wait3A_143 = arith.constant 0 : i32
        %dma_wait3A_144 = tpu.memref_slice %arg4[%add3A, %mul3A_126, %dma_wait3A_143] : memref<32x2800x128xf32, #tpu.memory_space<hbm>> -> memref<1x80x128xf32, #tpu.memory_space<hbm>>
        %dma_wait3A_145 = tpu.memref_squeeze %dma_wait3A_144 : memref<1x80x128xf32, #tpu.memory_space<hbm>> -> memref<80x128xf32, #tpu.memory_space<hbm>>
        tpu.wait_dma2 semaphore(%run_scoped3A : memref<!tpu.dma_semaphore, #tpu.memory_space<semaphore_mem>>) src(%arg10 : memref<80x128xf32, #tpu.memory_space<vmem>>) dst(%dma_wait3A_145 : memref<80x128xf32, #tpu.memory_space<hbm>>)
        tpu.yield
      }) : () -> ()
      %add3A_127 = arith.constant 5 : i32
      %add3A_128 = arith.addi %add3A_116, %add3A_127 : i32
      %lt3A_129 = arith.constant 35 : i32
      %lt3A_130 = arith.cmpi slt, %add3A_128, %lt3A_129 : i32
      %convert_element_type3A_131 = arith.extui %lt3A_130 : i1 to i32
      %cond3A_132 = arith.constant 0 : i32
      %cond3A_133 = arith.cmpi ne, %convert_element_type3A_131, %cond3A_132 : i32
      scf.if %cond3A_133 {
        %add3A_134 = arith.constant 5 : i32
        %add3A_135 = arith.addi %add3A_116, %add3A_134 : i32
        %dma_start3A_136 = arith.constant 0 : i32
        %dma_start3A_137 = tpu.memref_slice %arg5[%add3A_135, %dma_start3A_136] : memref<35x80xi32, #tpu.memory_space<vmem>> -> memref<1x80xi32, #tpu.memory_space<vmem>>
        %dma_start3A_138 = tpu.memref_squeeze %dma_start3A_137 : memref<1x80xi32, #tpu.memory_space<vmem>> -> memref<80xi32, #tpu.memory_space<vmem>>
        %dma_start3A_139 = arith.constant 0 : i32
        %dma_start3A_140 = arith.constant 0 : i32
        %dma_start3A_141 = tpu.memref_slice %arg3[%dma_start3A_139, %dma_start3A_140] : memref<100000x128xf32, #tpu.memory_space<hbm>> -> memref<100000x128xf32, #tpu.memory_space<hbm>>
        tpu.enqueue_indirect_dma source(%dma_start3A_141 : memref<100000x128xf32, #tpu.memory_space<hbm>>) target(%arg10 : memref<80x128xf32, #tpu.memory_space<vmem>>) offsets(%dma_start3A_138 : memref<80xi32, #tpu.memory_space<vmem>>) semaphore(%arg15 : memref<!tpu.dma_semaphore, #tpu.memory_space<semaphore_mem>>)
      } else {
      }
    }
    %scan3A_39 = arith.constant 7 : i32
    return
  }
}

#map = affine_map<(d0, d1) -> (0, 0, 0)>
#map1 = affine_map<(d0, d1) -> (0, 0)>
module attributes {stable_mosaic.version = 14 : i64} {
  func.func @k(%arg0: i32, %arg1: i32, %arg2: memref<32x25x80xi32, #tpu.memory_space<hbm>>, %arg3: memref<32x4x80xi32, #tpu.memory_space<hbm>>, %arg4: memref<100000x128xf32, #tpu.memory_space<hbm>>, %arg5: memref<32x2000x128xf32, #tpu.memory_space<hbm>>, %arg6: memref<10240x128xf32, #tpu.memory_space<hbm>>, %arg7: memref<25x80xi32, #tpu.memory_space<vmem>>, %arg8: memref<4x80xi32, #tpu.memory_space<vmem>>, %arg9: memref<80x128xf32, #tpu.memory_space<vmem>>, %arg10: memref<80x128xf32, #tpu.memory_space<vmem>>, %arg11: memref<80x128xf32, #tpu.memory_space<vmem>>, %arg12: memref<80x128xf32, #tpu.memory_space<vmem>>, %arg13: memref<80x128xf32, #tpu.memory_space<vmem>>, %arg14: memref<!tpu.dma_semaphore, #tpu.memory_space<semaphore_mem>>, %arg15: memref<!tpu.dma_semaphore, #tpu.memory_space<semaphore_mem>>, %arg16: memref<!tpu.dma_semaphore, #tpu.memory_space<semaphore_mem>>, %arg17: memref<!tpu.dma_semaphore, #tpu.memory_space<semaphore_mem>>, %arg18: memref<!tpu.dma_semaphore, #tpu.memory_space<semaphore_mem>>) attributes {dimension_semantics = [#tpu.dimension_semantics<core_parallel>, #tpu.dimension_semantics<subcore_parallel>], iteration_bounds = array<i64: 2, 16>, scalar_prefetch = 0 : i64, scratch_operands = 12 : i64, tpu.core_type = #tpu.core_type<sc_vector_subcore>, window_params = [{transform_indices = #map}, {transform_indices = #map}, {transform_indices = #map1}, {transform_indices = #map}, {transform_indices = #map1}]} {
    %mul3A = arith.constant 2 : i32
    %mul3A_0 = arith.muli %arg1, %mul3A : i32
    %add3A = arith.addi %mul3A_0, %arg0 : i32
    "tpu.region"() ({
      %run_scoped3A = tpu.sem_alloc : memref<!tpu.dma_semaphore, #tpu.memory_space<semaphore_mem>>
      %dma_start3A_111 = arith.constant 0 : i32
      %dma_start3A_112 = arith.constant 0 : i32
      %dma_start3A_113 = tpu.memref_slice %arg2[%add3A, %dma_start3A_111, %dma_start3A_112] : memref<32x25x80xi32, #tpu.memory_space<hbm>> -> memref<1x25x80xi32, #tpu.memory_space<hbm>>
      %dma_start3A_114 = tpu.memref_squeeze %dma_start3A_113 : memref<1x25x80xi32, #tpu.memory_space<hbm>> -> memref<25x80xi32, #tpu.memory_space<hbm>>
      %dma_start3A_115 = arith.constant 0 : i32
      %dma_start3A_116 = arith.constant 0 : i32
      %dma_start3A_117 = tpu.memref_slice %arg2[%add3A, %dma_start3A_115, %dma_start3A_116] : memref<32x25x80xi32, #tpu.memory_space<hbm>> -> memref<1x25x80xi32, #tpu.memory_space<hbm>>
      %dma_start3A_118 = tpu.memref_squeeze %dma_start3A_117 : memref<1x25x80xi32, #tpu.memory_space<hbm>> -> memref<25x80xi32, #tpu.memory_space<hbm>>
      tpu.enqueue_dma source(%dma_start3A_118 : memref<25x80xi32, #tpu.memory_space<hbm>>) target(%arg7 : memref<25x80xi32, #tpu.memory_space<vmem>>) target_semaphore(%run_scoped3A : memref<!tpu.dma_semaphore, #tpu.memory_space<semaphore_mem>>)
      %dma_wait3A_119 = arith.constant 0 : i32
      %dma_wait3A_120 = arith.constant 0 : i32
      %dma_wait3A_121 = tpu.memref_slice %arg2[%add3A, %dma_wait3A_119, %dma_wait3A_120] : memref<32x25x80xi32, #tpu.memory_space<hbm>> -> memref<1x25x80xi32, #tpu.memory_space<hbm>>
      %dma_wait3A_122 = tpu.memref_squeeze %dma_wait3A_121 : memref<1x25x80xi32, #tpu.memory_space<hbm>> -> memref<25x80xi32, #tpu.memory_space<hbm>>
      %dma_wait3A_123 = arith.constant 0 : i32
      %dma_wait3A_124 = arith.constant 0 : i32
      %dma_wait3A_125 = tpu.memref_slice %arg2[%add3A, %dma_wait3A_123, %dma_wait3A_124] : memref<32x25x80xi32, #tpu.memory_space<hbm>> -> memref<1x25x80xi32, #tpu.memory_space<hbm>>
      %dma_wait3A_126 = tpu.memref_squeeze %dma_wait3A_125 : memref<1x25x80xi32, #tpu.memory_space<hbm>> -> memref<25x80xi32, #tpu.memory_space<hbm>>
      tpu.wait_dma2 semaphore(%run_scoped3A : memref<!tpu.dma_semaphore, #tpu.memory_space<semaphore_mem>>) src(%dma_wait3A_126 : memref<25x80xi32, #tpu.memory_space<hbm>>) dst(%arg7 : memref<25x80xi32, #tpu.memory_space<vmem>>)
      tpu.yield
    }) : () -> ()
    "tpu.region"() ({
      %run_scoped3A = tpu.sem_alloc : memref<!tpu.dma_semaphore, #tpu.memory_space<semaphore_mem>>
      %dma_start3A_111 = arith.constant 0 : i32
      %dma_start3A_112 = arith.constant 0 : i32
      %dma_start3A_113 = tpu.memref_slice %arg3[%add3A, %dma_start3A_111, %dma_start3A_112] : memref<32x4x80xi32, #tpu.memory_space<hbm>> -> memref<1x4x80xi32, #tpu.memory_space<hbm>>
      %dma_start3A_114 = tpu.memref_squeeze %dma_start3A_113 : memref<1x4x80xi32, #tpu.memory_space<hbm>> -> memref<4x80xi32, #tpu.memory_space<hbm>>
      %dma_start3A_115 = arith.constant 0 : i32
      %dma_start3A_116 = arith.constant 0 : i32
      %dma_start3A_117 = tpu.memref_slice %arg3[%add3A, %dma_start3A_115, %dma_start3A_116] : memref<32x4x80xi32, #tpu.memory_space<hbm>> -> memref<1x4x80xi32, #tpu.memory_space<hbm>>
      %dma_start3A_118 = tpu.memref_squeeze %dma_start3A_117 : memref<1x4x80xi32, #tpu.memory_space<hbm>> -> memref<4x80xi32, #tpu.memory_space<hbm>>
      tpu.enqueue_dma source(%dma_start3A_118 : memref<4x80xi32, #tpu.memory_space<hbm>>) target(%arg8 : memref<4x80xi32, #tpu.memory_space<vmem>>) target_semaphore(%run_scoped3A : memref<!tpu.dma_semaphore, #tpu.memory_space<semaphore_mem>>)
      %dma_wait3A_119 = arith.constant 0 : i32
      %dma_wait3A_120 = arith.constant 0 : i32
      %dma_wait3A_121 = tpu.memref_slice %arg3[%add3A, %dma_wait3A_119, %dma_wait3A_120] : memref<32x4x80xi32, #tpu.memory_space<hbm>> -> memref<1x4x80xi32, #tpu.memory_space<hbm>>
      %dma_wait3A_122 = tpu.memref_squeeze %dma_wait3A_121 : memref<1x4x80xi32, #tpu.memory_space<hbm>> -> memref<4x80xi32, #tpu.memory_space<hbm>>
      %dma_wait3A_123 = arith.constant 0 : i32
      %dma_wait3A_124 = arith.constant 0 : i32
      %dma_wait3A_125 = tpu.memref_slice %arg3[%add3A, %dma_wait3A_123, %dma_wait3A_124] : memref<32x4x80xi32, #tpu.memory_space<hbm>> -> memref<1x4x80xi32, #tpu.memory_space<hbm>>
      %dma_wait3A_126 = tpu.memref_squeeze %dma_wait3A_125 : memref<1x4x80xi32, #tpu.memory_space<hbm>> -> memref<4x80xi32, #tpu.memory_space<hbm>>
      tpu.wait_dma2 semaphore(%run_scoped3A : memref<!tpu.dma_semaphore, #tpu.memory_space<semaphore_mem>>) src(%dma_wait3A_126 : memref<4x80xi32, #tpu.memory_space<hbm>>) dst(%arg8 : memref<4x80xi32, #tpu.memory_space<vmem>>)
      tpu.yield
    }) : () -> ()
    %dma_start3A = arith.constant 0 : i32
    %dma_start3A_1 = arith.constant 0 : i32
    %dma_start3A_2 = tpu.memref_slice %arg7[%dma_start3A, %dma_start3A_1] : memref<25x80xi32, #tpu.memory_space<vmem>> -> memref<1x80xi32, #tpu.memory_space<vmem>>
    %dma_start3A_3 = tpu.memref_squeeze %dma_start3A_2 : memref<1x80xi32, #tpu.memory_space<vmem>> -> memref<80xi32, #tpu.memory_space<vmem>>
    %dma_start3A_4 = arith.constant 0 : i32
    %dma_start3A_5 = arith.constant 0 : i32
    %dma_start3A_6 = tpu.memref_slice %arg4[%dma_start3A_4, %dma_start3A_5] : memref<100000x128xf32, #tpu.memory_space<hbm>> -> memref<100000x128xf32, #tpu.memory_space<hbm>>
    tpu.enqueue_indirect_dma source(%dma_start3A_6 : memref<100000x128xf32, #tpu.memory_space<hbm>>) target(%arg9 : memref<80x128xf32, #tpu.memory_space<vmem>>) offsets(%dma_start3A_3 : memref<80xi32, #tpu.memory_space<vmem>>) semaphore(%arg14 : memref<!tpu.dma_semaphore, #tpu.memory_space<semaphore_mem>>)
    %dma_start3A_7 = arith.constant 1 : i32
    %dma_start3A_8 = arith.constant 0 : i32
    %dma_start3A_9 = tpu.memref_slice %arg7[%dma_start3A_7, %dma_start3A_8] : memref<25x80xi32, #tpu.memory_space<vmem>> -> memref<1x80xi32, #tpu.memory_space<vmem>>
    %dma_start3A_10 = tpu.memref_squeeze %dma_start3A_9 : memref<1x80xi32, #tpu.memory_space<vmem>> -> memref<80xi32, #tpu.memory_space<vmem>>
    %dma_start3A_11 = arith.constant 0 : i32
    %dma_start3A_12 = arith.constant 0 : i32
    %dma_start3A_13 = tpu.memref_slice %arg4[%dma_start3A_11, %dma_start3A_12] : memref<100000x128xf32, #tpu.memory_space<hbm>> -> memref<100000x128xf32, #tpu.memory_space<hbm>>
    tpu.enqueue_indirect_dma source(%dma_start3A_13 : memref<100000x128xf32, #tpu.memory_space<hbm>>) target(%arg10 : memref<80x128xf32, #tpu.memory_space<vmem>>) offsets(%dma_start3A_10 : memref<80xi32, #tpu.memory_space<vmem>>) semaphore(%arg15 : memref<!tpu.dma_semaphore, #tpu.memory_space<semaphore_mem>>)
    %dma_start3A_14 = arith.constant 2 : i32
    %dma_start3A_15 = arith.constant 0 : i32
    %dma_start3A_16 = tpu.memref_slice %arg7[%dma_start3A_14, %dma_start3A_15] : memref<25x80xi32, #tpu.memory_space<vmem>> -> memref<1x80xi32, #tpu.memory_space<vmem>>
    %dma_start3A_17 = tpu.memref_squeeze %dma_start3A_16 : memref<1x80xi32, #tpu.memory_space<vmem>> -> memref<80xi32, #tpu.memory_space<vmem>>
    %dma_start3A_18 = arith.constant 0 : i32
    %dma_start3A_19 = arith.constant 0 : i32
    %dma_start3A_20 = tpu.memref_slice %arg4[%dma_start3A_18, %dma_start3A_19] : memref<100000x128xf32, #tpu.memory_space<hbm>> -> memref<100000x128xf32, #tpu.memory_space<hbm>>
    tpu.enqueue_indirect_dma source(%dma_start3A_20 : memref<100000x128xf32, #tpu.memory_space<hbm>>) target(%arg11 : memref<80x128xf32, #tpu.memory_space<vmem>>) offsets(%dma_start3A_17 : memref<80xi32, #tpu.memory_space<vmem>>) semaphore(%arg16 : memref<!tpu.dma_semaphore, #tpu.memory_space<semaphore_mem>>)
    %dma_start3A_21 = arith.constant 3 : i32
    %dma_start3A_22 = arith.constant 0 : i32
    %dma_start3A_23 = tpu.memref_slice %arg7[%dma_start3A_21, %dma_start3A_22] : memref<25x80xi32, #tpu.memory_space<vmem>> -> memref<1x80xi32, #tpu.memory_space<vmem>>
    %dma_start3A_24 = tpu.memref_squeeze %dma_start3A_23 : memref<1x80xi32, #tpu.memory_space<vmem>> -> memref<80xi32, #tpu.memory_space<vmem>>
    %dma_start3A_25 = arith.constant 0 : i32
    %dma_start3A_26 = arith.constant 0 : i32
    %dma_start3A_27 = tpu.memref_slice %arg4[%dma_start3A_25, %dma_start3A_26] : memref<100000x128xf32, #tpu.memory_space<hbm>> -> memref<100000x128xf32, #tpu.memory_space<hbm>>
    tpu.enqueue_indirect_dma source(%dma_start3A_27 : memref<100000x128xf32, #tpu.memory_space<hbm>>) target(%arg12 : memref<80x128xf32, #tpu.memory_space<vmem>>) offsets(%dma_start3A_24 : memref<80xi32, #tpu.memory_space<vmem>>) semaphore(%arg17 : memref<!tpu.dma_semaphore, #tpu.memory_space<semaphore_mem>>)
    %dma_start3A_28 = arith.constant 4 : i32
    %dma_start3A_29 = arith.constant 0 : i32
    %dma_start3A_30 = tpu.memref_slice %arg7[%dma_start3A_28, %dma_start3A_29] : memref<25x80xi32, #tpu.memory_space<vmem>> -> memref<1x80xi32, #tpu.memory_space<vmem>>
    %dma_start3A_31 = tpu.memref_squeeze %dma_start3A_30 : memref<1x80xi32, #tpu.memory_space<vmem>> -> memref<80xi32, #tpu.memory_space<vmem>>
    %dma_start3A_32 = arith.constant 0 : i32
    %dma_start3A_33 = arith.constant 0 : i32
    %dma_start3A_34 = tpu.memref_slice %arg4[%dma_start3A_32, %dma_start3A_33] : memref<100000x128xf32, #tpu.memory_space<hbm>> -> memref<100000x128xf32, #tpu.memory_space<hbm>>
    tpu.enqueue_indirect_dma source(%dma_start3A_34 : memref<100000x128xf32, #tpu.memory_space<hbm>>) target(%arg13 : memref<80x128xf32, #tpu.memory_space<vmem>>) offsets(%dma_start3A_31 : memref<80xi32, #tpu.memory_space<vmem>>) semaphore(%arg18 : memref<!tpu.dma_semaphore, #tpu.memory_space<semaphore_mem>>)
    %scan3A = arith.constant 0 : i32
    %scan3A_35 = arith.constant 0 : i32
    %scan3A_36 = arith.constant 5 : i32
    %scan3A_37 = arith.addi %scan3A_35, %scan3A_36 : i32
    %scan3A_38 = arith.constant 1 : i32
    scf.for %scan3A_111 = %scan3A_35 to %scan3A_37 step %scan3A_38  : i32 {
      %mul3A_112 = arith.constant 5 : i32
      %mul3A_113 = arith.muli %scan3A_111, %mul3A_112 : i32
      %add3A_114 = arith.constant 0 : i32
      %add3A_115 = arith.addi %mul3A_113, %add3A_114 : i32
      %dma_wait3A_116 = arith.constant 0 : i32
      %dma_wait3A_117 = arith.constant 0 : i32
      %dma_wait3A_118 = tpu.memref_slice %arg5[%add3A, %dma_wait3A_116, %dma_wait3A_117] : memref<32x2000x128xf32, #tpu.memory_space<hbm>> -> memref<1x80x128xf32, #tpu.memory_space<hbm>>
      %dma_wait3A_119 = tpu.memref_squeeze %dma_wait3A_118 : memref<1x80x128xf32, #tpu.memory_space<hbm>> -> memref<80x128xf32, #tpu.memory_space<hbm>>
      %dma_wait3A_120 = arith.constant 0 : i32
      %dma_wait3A_121 = arith.constant 0 : i32
      %dma_wait3A_122 = tpu.memref_slice %arg5[%add3A, %dma_wait3A_120, %dma_wait3A_121] : memref<32x2000x128xf32, #tpu.memory_space<hbm>> -> memref<1x80x128xf32, #tpu.memory_space<hbm>>
      %dma_wait3A_123 = tpu.memref_squeeze %dma_wait3A_122 : memref<1x80x128xf32, #tpu.memory_space<hbm>> -> memref<80x128xf32, #tpu.memory_space<hbm>>
      tpu.wait_dma2 semaphore(%arg14 : memref<!tpu.dma_semaphore, #tpu.memory_space<semaphore_mem>>) src(%dma_wait3A_123 : memref<80x128xf32, #tpu.memory_space<hbm>>) dst(%arg9 : memref<80x128xf32, #tpu.memory_space<vmem>>)
      %mul3A_124 = arith.constant 80 : i32
      %mul3A_125 = arith.muli %add3A_115, %mul3A_124 : i32
      "tpu.region"() ({
        %run_scoped3A = tpu.sem_alloc : memref<!tpu.dma_semaphore, #tpu.memory_space<semaphore_mem>>
        %dma_start3A_206 = arith.constant 0 : i32
        %dma_start3A_207 = tpu.memref_slice %arg5[%add3A, %mul3A_125, %dma_start3A_206] : memref<32x2000x128xf32, #tpu.memory_space<hbm>> -> memref<1x80x128xf32, #tpu.memory_space<hbm>>
        %dma_start3A_208 = tpu.memref_squeeze %dma_start3A_207 : memref<1x80x128xf32, #tpu.memory_space<hbm>> -> memref<80x128xf32, #tpu.memory_space<hbm>>
        %dma_start3A_209 = arith.constant 0 : i32
        %dma_start3A_210 = tpu.memref_slice %arg5[%add3A, %mul3A_125, %dma_start3A_209] : memref<32x2000x128xf32, #tpu.memory_space<hbm>> -> memref<1x80x128xf32, #tpu.memory_space<hbm>>
        %dma_start3A_211 = tpu.memref_squeeze %dma_start3A_210 : memref<1x80x128xf32, #tpu.memory_space<hbm>> -> memref<80x128xf32, #tpu.memory_space<hbm>>
        tpu.enqueue_dma source(%arg9 : memref<80x128xf32, #tpu.memory_space<vmem>>) target(%dma_start3A_211 : memref<80x128xf32, #tpu.memory_space<hbm>>) target_semaphore(%run_scoped3A : memref<!tpu.dma_semaphore, #tpu.memory_space<semaphore_mem>>)
        %dma_wait3A_212 = arith.constant 0 : i32
        %dma_wait3A_213 = tpu.memref_slice %arg5[%add3A, %mul3A_125, %dma_wait3A_212] : memref<32x2000x128xf32, #tpu.memory_space<hbm>> -> memref<1x80x128xf32, #tpu.memory_space<hbm>>
        %dma_wait3A_214 = tpu.memref_squeeze %dma_wait3A_213 : memref<1x80x128xf32, #tpu.memory_space<hbm>> -> memref<80x128xf32, #tpu.memory_space<hbm>>
        %dma_wait3A_215 = arith.constant 0 : i32
        %dma_wait3A_216 = tpu.memref_slice %arg5[%add3A, %mul3A_125, %dma_wait3A_215] : memref<32x2000x128xf32, #tpu.memory_space<hbm>> -> memref<1x80x128xf32, #tpu.memory_space<hbm>>
        %dma_wait3A_217 = tpu.memref_squeeze %dma_wait3A_216 : memref<1x80x128xf32, #tpu.memory_space<hbm>> -> memref<80x128xf32, #tpu.memory_space<hbm>>
        tpu.wait_dma2 semaphore(%run_scoped3A : memref<!tpu.dma_semaphore, #tpu.memory_space<semaphore_mem>>) src(%arg9 : memref<80x128xf32, #tpu.memory_space<vmem>>) dst(%dma_wait3A_217 : memref<80x128xf32, #tpu.memory_space<hbm>>)
        tpu.yield
      }) : () -> ()
      %add3A_126 = arith.constant 5 : i32
      %add3A_127 = arith.addi %add3A_115, %add3A_126 : i32
      %lt3A = arith.constant 25 : i32
      %lt3A_128 = arith.cmpi slt, %add3A_127, %lt3A : i32
      %convert_element_type3A = arith.extui %lt3A_128 : i1 to i32
      %cond3A = arith.constant 0 : i32
      %cond3A_129 = arith.cmpi ne, %convert_element_type3A, %cond3A : i32
      scf.if %cond3A_129 {
        %add3A_206 = arith.constant 5 : i32
        %add3A_207 = arith.addi %add3A_115, %add3A_206 : i32
        %dma_start3A_208 = arith.constant 0 : i32
        %dma_start3A_209 = tpu.memref_slice %arg7[%add3A_207, %dma_start3A_208] : memref<25x80xi32, #tpu.memory_space<vmem>> -> memref<1x80xi32, #tpu.memory_space<vmem>>
        %dma_start3A_210 = tpu.memref_squeeze %dma_start3A_209 : memref<1x80xi32, #tpu.memory_space<vmem>> -> memref<80xi32, #tpu.memory_space<vmem>>
        %dma_start3A_211 = arith.constant 0 : i32
        %dma_start3A_212 = arith.constant 0 : i32
        %dma_start3A_213 = tpu.memref_slice %arg4[%dma_start3A_211, %dma_start3A_212] : memref<100000x128xf32, #tpu.memory_space<hbm>> -> memref<100000x128xf32, #tpu.memory_space<hbm>>
        tpu.enqueue_indirect_dma source(%dma_start3A_213 : memref<100000x128xf32, #tpu.memory_space<hbm>>) target(%arg9 : memref<80x128xf32, #tpu.memory_space<vmem>>) offsets(%dma_start3A_210 : memref<80xi32, #tpu.memory_space<vmem>>) semaphore(%arg14 : memref<!tpu.dma_semaphore, #tpu.memory_space<semaphore_mem>>)
      } else {
      }
      %add3A_130 = arith.constant 1 : i32
      %add3A_131 = arith.addi %mul3A_113, %add3A_130 : i32
      %dma_wait3A_132 = arith.constant 0 : i32
      %dma_wait3A_133 = arith.constant 0 : i32
      %dma_wait3A_134 = tpu.memref_slice %arg5[%add3A, %dma_wait3A_132, %dma_wait3A_133] : memref<32x2000x128xf32, #tpu.memory_space<hbm>> -> memref<1x80x128xf32, #tpu.memory_space<hbm>>
      %dma_wait3A_135 = tpu.memref_squeeze %dma_wait3A_134 : memref<1x80x128xf32, #tpu.memory_space<hbm>> -> memref<80x128xf32, #tpu.memory_space<hbm>>
      %dma_wait3A_136 = arith.constant 0 : i32
      %dma_wait3A_137 = arith.constant 0 : i32
      %dma_wait3A_138 = tpu.memref_slice %arg5[%add3A, %dma_wait3A_136, %dma_wait3A_137] : memref<32x2000x128xf32, #tpu.memory_space<hbm>> -> memref<1x80x128xf32, #tpu.memory_space<hbm>>
      %dma_wait3A_139 = tpu.memref_squeeze %dma_wait3A_138 : memref<1x80x128xf32, #tpu.memory_space<hbm>> -> memref<80x128xf32, #tpu.memory_space<hbm>>
      tpu.wait_dma2 semaphore(%arg15 : memref<!tpu.dma_semaphore, #tpu.memory_space<semaphore_mem>>) src(%dma_wait3A_139 : memref<80x128xf32, #tpu.memory_space<hbm>>) dst(%arg10 : memref<80x128xf32, #tpu.memory_space<vmem>>)
      %mul3A_140 = arith.constant 80 : i32
      %mul3A_141 = arith.muli %add3A_131, %mul3A_140 : i32
      "tpu.region"() ({
        %run_scoped3A = tpu.sem_alloc : memref<!tpu.dma_semaphore, #tpu.memory_space<semaphore_mem>>
        %dma_start3A_206 = arith.constant 0 : i32
        %dma_start3A_207 = tpu.memref_slice %arg5[%add3A, %mul3A_141, %dma_start3A_206] : memref<32x2000x128xf32, #tpu.memory_space<hbm>> -> memref<1x80x128xf32, #tpu.memory_space<hbm>>
        %dma_start3A_208 = tpu.memref_squeeze %dma_start3A_207 : memref<1x80x128xf32, #tpu.memory_space<hbm>> -> memref<80x128xf32, #tpu.memory_space<hbm>>
        %dma_start3A_209 = arith.constant 0 : i32
        %dma_start3A_210 = tpu.memref_slice %arg5[%add3A, %mul3A_141, %dma_start3A_209] : memref<32x2000x128xf32, #tpu.memory_space<hbm>> -> memref<1x80x128xf32, #tpu.memory_space<hbm>>
        %dma_start3A_211 = tpu.memref_squeeze %dma_start3A_210 : memref<1x80x128xf32, #tpu.memory_space<hbm>> -> memref<80x128xf32, #tpu.memory_space<hbm>>
        tpu.enqueue_dma source(%arg10 : memref<80x128xf32, #tpu.memory_space<vmem>>) target(%dma_start3A_211 : memref<80x128xf32, #tpu.memory_space<hbm>>) target_semaphore(%run_scoped3A : memref<!tpu.dma_semaphore, #tpu.memory_space<semaphore_mem>>)
        %dma_wait3A_212 = arith.constant 0 : i32
        %dma_wait3A_213 = tpu.memref_slice %arg5[%add3A, %mul3A_141, %dma_wait3A_212] : memref<32x2000x128xf32, #tpu.memory_space<hbm>> -> memref<1x80x128xf32, #tpu.memory_space<hbm>>
        %dma_wait3A_214 = tpu.memref_squeeze %dma_wait3A_213 : memref<1x80x128xf32, #tpu.memory_space<hbm>> -> memref<80x128xf32, #tpu.memory_space<hbm>>
        %dma_wait3A_215 = arith.constant 0 : i32
        %dma_wait3A_216 = tpu.memref_slice %arg5[%add3A, %mul3A_141, %dma_wait3A_215] : memref<32x2000x128xf32, #tpu.memory_space<hbm>> -> memref<1x80x128xf32, #tpu.memory_space<hbm>>
        %dma_wait3A_217 = tpu.memref_squeeze %dma_wait3A_216 : memref<1x80x128xf32, #tpu.memory_space<hbm>> -> memref<80x128xf32, #tpu.memory_space<hbm>>
        tpu.wait_dma2 semaphore(%run_scoped3A : memref<!tpu.dma_semaphore, #tpu.memory_space<semaphore_mem>>) src(%arg10 : memref<80x128xf32, #tpu.memory_space<vmem>>) dst(%dma_wait3A_217 : memref<80x128xf32, #tpu.memory_space<hbm>>)
        tpu.yield
      }) : () -> ()
      %add3A_142 = arith.constant 5 : i32
      %add3A_143 = arith.addi %add3A_131, %add3A_142 : i32
      %lt3A_144 = arith.constant 25 : i32
      %lt3A_145 = arith.cmpi slt, %add3A_143, %lt3A_144 : i32
      %convert_element_type3A_146 = arith.extui %lt3A_145 : i1 to i32
      %cond3A_147 = arith.constant 0 : i32
      %cond3A_148 = arith.cmpi ne, %convert_element_type3A_146, %cond3A_147 : i32
      scf.if %cond3A_148 {
        %add3A_206 = arith.constant 5 : i32
        %add3A_207 = arith.addi %add3A_131, %add3A_206 : i32
        %dma_start3A_208 = arith.constant 0 : i32
        %dma_start3A_209 = tpu.memref_slice %arg7[%add3A_207, %dma_start3A_208] : memref<25x80xi32, #tpu.memory_space<vmem>> -> memref<1x80xi32, #tpu.memory_space<vmem>>
        %dma_start3A_210 = tpu.memref_squeeze %dma_start3A_209 : memref<1x80xi32, #tpu.memory_space<vmem>> -> memref<80xi32, #tpu.memory_space<vmem>>
        %dma_start3A_211 = arith.constant 0 : i32
        %dma_start3A_212 = arith.constant 0 : i32
        %dma_start3A_213 = tpu.memref_slice %arg4[%dma_start3A_211, %dma_start3A_212] : memref<100000x128xf32, #tpu.memory_space<hbm>> -> memref<100000x128xf32, #tpu.memory_space<hbm>>
        tpu.enqueue_indirect_dma source(%dma_start3A_213 : memref<100000x128xf32, #tpu.memory_space<hbm>>) target(%arg10 : memref<80x128xf32, #tpu.memory_space<vmem>>) offsets(%dma_start3A_210 : memref<80xi32, #tpu.memory_space<vmem>>) semaphore(%arg15 : memref<!tpu.dma_semaphore, #tpu.memory_space<semaphore_mem>>)
      } else {
      }
      %add3A_149 = arith.constant 2 : i32
      %add3A_150 = arith.addi %mul3A_113, %add3A_149 : i32
      %dma_wait3A_151 = arith.constant 0 : i32
      %dma_wait3A_152 = arith.constant 0 : i32
      %dma_wait3A_153 = tpu.memref_slice %arg5[%add3A, %dma_wait3A_151, %dma_wait3A_152] : memref<32x2000x128xf32, #tpu.memory_space<hbm>> -> memref<1x80x128xf32, #tpu.memory_space<hbm>>
      %dma_wait3A_154 = tpu.memref_squeeze %dma_wait3A_153 : memref<1x80x128xf32, #tpu.memory_space<hbm>> -> memref<80x128xf32, #tpu.memory_space<hbm>>
      %dma_wait3A_155 = arith.constant 0 : i32
      %dma_wait3A_156 = arith.constant 0 : i32
      %dma_wait3A_157 = tpu.memref_slice %arg5[%add3A, %dma_wait3A_155, %dma_wait3A_156] : memref<32x2000x128xf32, #tpu.memory_space<hbm>> -> memref<1x80x128xf32, #tpu.memory_space<hbm>>
      %dma_wait3A_158 = tpu.memref_squeeze %dma_wait3A_157 : memref<1x80x128xf32, #tpu.memory_space<hbm>> -> memref<80x128xf32, #tpu.memory_space<hbm>>
      tpu.wait_dma2 semaphore(%arg16 : memref<!tpu.dma_semaphore, #tpu.memory_space<semaphore_mem>>) src(%dma_wait3A_158 : memref<80x128xf32, #tpu.memory_space<hbm>>) dst(%arg11 : memref<80x128xf32, #tpu.memory_space<vmem>>)
      %mul3A_159 = arith.constant 80 : i32
      %mul3A_160 = arith.muli %add3A_150, %mul3A_159 : i32
      "tpu.region"() ({
        %run_scoped3A = tpu.sem_alloc : memref<!tpu.dma_semaphore, #tpu.memory_space<semaphore_mem>>
        %dma_start3A_206 = arith.constant 0 : i32
        %dma_start3A_207 = tpu.memref_slice %arg5[%add3A, %mul3A_160, %dma_start3A_206] : memref<32x2000x128xf32, #tpu.memory_space<hbm>> -> memref<1x80x128xf32, #tpu.memory_space<hbm>>
        %dma_start3A_208 = tpu.memref_squeeze %dma_start3A_207 : memref<1x80x128xf32, #tpu.memory_space<hbm>> -> memref<80x128xf32, #tpu.memory_space<hbm>>
        %dma_start3A_209 = arith.constant 0 : i32
        %dma_start3A_210 = tpu.memref_slice %arg5[%add3A, %mul3A_160, %dma_start3A_209] : memref<32x2000x128xf32, #tpu.memory_space<hbm>> -> memref<1x80x128xf32, #tpu.memory_space<hbm>>
        %dma_start3A_211 = tpu.memref_squeeze %dma_start3A_210 : memref<1x80x128xf32, #tpu.memory_space<hbm>> -> memref<80x128xf32, #tpu.memory_space<hbm>>
        tpu.enqueue_dma source(%arg11 : memref<80x128xf32, #tpu.memory_space<vmem>>) target(%dma_start3A_211 : memref<80x128xf32, #tpu.memory_space<hbm>>) target_semaphore(%run_scoped3A : memref<!tpu.dma_semaphore, #tpu.memory_space<semaphore_mem>>)
        %dma_wait3A_212 = arith.constant 0 : i32
        %dma_wait3A_213 = tpu.memref_slice %arg5[%add3A, %mul3A_160, %dma_wait3A_212] : memref<32x2000x128xf32, #tpu.memory_space<hbm>> -> memref<1x80x128xf32, #tpu.memory_space<hbm>>
        %dma_wait3A_214 = tpu.memref_squeeze %dma_wait3A_213 : memref<1x80x128xf32, #tpu.memory_space<hbm>> -> memref<80x128xf32, #tpu.memory_space<hbm>>
        %dma_wait3A_215 = arith.constant 0 : i32
        %dma_wait3A_216 = tpu.memref_slice %arg5[%add3A, %mul3A_160, %dma_wait3A_215] : memref<32x2000x128xf32, #tpu.memory_space<hbm>> -> memref<1x80x128xf32, #tpu.memory_space<hbm>>
        %dma_wait3A_217 = tpu.memref_squeeze %dma_wait3A_216 : memref<1x80x128xf32, #tpu.memory_space<hbm>> -> memref<80x128xf32, #tpu.memory_space<hbm>>
        tpu.wait_dma2 semaphore(%run_scoped3A : memref<!tpu.dma_semaphore, #tpu.memory_space<semaphore_mem>>) src(%arg11 : memref<80x128xf32, #tpu.memory_space<vmem>>) dst(%dma_wait3A_217 : memref<80x128xf32, #tpu.memory_space<hbm>>)
        tpu.yield
      }) : () -> ()
      %add3A_161 = arith.constant 5 : i32
      %add3A_162 = arith.addi %add3A_150, %add3A_161 : i32
      %lt3A_163 = arith.constant 25 : i32
      %lt3A_164 = arith.cmpi slt, %add3A_162, %lt3A_163 : i32
      %convert_element_type3A_165 = arith.extui %lt3A_164 : i1 to i32
      %cond3A_166 = arith.constant 0 : i32
      %cond3A_167 = arith.cmpi ne, %convert_element_type3A_165, %cond3A_166 : i32
      scf.if %cond3A_167 {
        %add3A_206 = arith.constant 5 : i32
        %add3A_207 = arith.addi %add3A_150, %add3A_206 : i32
        %dma_start3A_208 = arith.constant 0 : i32
        %dma_start3A_209 = tpu.memref_slice %arg7[%add3A_207, %dma_start3A_208] : memref<25x80xi32, #tpu.memory_space<vmem>> -> memref<1x80xi32, #tpu.memory_space<vmem>>
        %dma_start3A_210 = tpu.memref_squeeze %dma_start3A_209 : memref<1x80xi32, #tpu.memory_space<vmem>> -> memref<80xi32, #tpu.memory_space<vmem>>
        %dma_start3A_211 = arith.constant 0 : i32
        %dma_start3A_212 = arith.constant 0 : i32
        %dma_start3A_213 = tpu.memref_slice %arg4[%dma_start3A_211, %dma_start3A_212] : memref<100000x128xf32, #tpu.memory_space<hbm>> -> memref<100000x128xf32, #tpu.memory_space<hbm>>
        tpu.enqueue_indirect_dma source(%dma_start3A_213 : memref<100000x128xf32, #tpu.memory_space<hbm>>) target(%arg11 : memref<80x128xf32, #tpu.memory_space<vmem>>) offsets(%dma_start3A_210 : memref<80xi32, #tpu.memory_space<vmem>>) semaphore(%arg16 : memref<!tpu.dma_semaphore, #tpu.memory_space<semaphore_mem>>)
      } else {
      }
      %add3A_168 = arith.constant 3 : i32
      %add3A_169 = arith.addi %mul3A_113, %add3A_168 : i32
      %dma_wait3A_170 = arith.constant 0 : i32
      %dma_wait3A_171 = arith.constant 0 : i32
      %dma_wait3A_172 = tpu.memref_slice %arg5[%add3A, %dma_wait3A_170, %dma_wait3A_171] : memref<32x2000x128xf32, #tpu.memory_space<hbm>> -> memref<1x80x128xf32, #tpu.memory_space<hbm>>
      %dma_wait3A_173 = tpu.memref_squeeze %dma_wait3A_172 : memref<1x80x128xf32, #tpu.memory_space<hbm>> -> memref<80x128xf32, #tpu.memory_space<hbm>>
      %dma_wait3A_174 = arith.constant 0 : i32
      %dma_wait3A_175 = arith.constant 0 : i32
      %dma_wait3A_176 = tpu.memref_slice %arg5[%add3A, %dma_wait3A_174, %dma_wait3A_175] : memref<32x2000x128xf32, #tpu.memory_space<hbm>> -> memref<1x80x128xf32, #tpu.memory_space<hbm>>
      %dma_wait3A_177 = tpu.memref_squeeze %dma_wait3A_176 : memref<1x80x128xf32, #tpu.memory_space<hbm>> -> memref<80x128xf32, #tpu.memory_space<hbm>>
      tpu.wait_dma2 semaphore(%arg17 : memref<!tpu.dma_semaphore, #tpu.memory_space<semaphore_mem>>) src(%dma_wait3A_177 : memref<80x128xf32, #tpu.memory_space<hbm>>) dst(%arg12 : memref<80x128xf32, #tpu.memory_space<vmem>>)
      %mul3A_178 = arith.constant 80 : i32
      %mul3A_179 = arith.muli %add3A_169, %mul3A_178 : i32
      "tpu.region"() ({
        %run_scoped3A = tpu.sem_alloc : memref<!tpu.dma_semaphore, #tpu.memory_space<semaphore_mem>>
        %dma_start3A_206 = arith.constant 0 : i32
        %dma_start3A_207 = tpu.memref_slice %arg5[%add3A, %mul3A_179, %dma_start3A_206] : memref<32x2000x128xf32, #tpu.memory_space<hbm>> -> memref<1x80x128xf32, #tpu.memory_space<hbm>>
        %dma_start3A_208 = tpu.memref_squeeze %dma_start3A_207 : memref<1x80x128xf32, #tpu.memory_space<hbm>> -> memref<80x128xf32, #tpu.memory_space<hbm>>
        %dma_start3A_209 = arith.constant 0 : i32
        %dma_start3A_210 = tpu.memref_slice %arg5[%add3A, %mul3A_179, %dma_start3A_209] : memref<32x2000x128xf32, #tpu.memory_space<hbm>> -> memref<1x80x128xf32, #tpu.memory_space<hbm>>
        %dma_start3A_211 = tpu.memref_squeeze %dma_start3A_210 : memref<1x80x128xf32, #tpu.memory_space<hbm>> -> memref<80x128xf32, #tpu.memory_space<hbm>>
        tpu.enqueue_dma source(%arg12 : memref<80x128xf32, #tpu.memory_space<vmem>>) target(%dma_start3A_211 : memref<80x128xf32, #tpu.memory_space<hbm>>) target_semaphore(%run_scoped3A : memref<!tpu.dma_semaphore, #tpu.memory_space<semaphore_mem>>)
        %dma_wait3A_212 = arith.constant 0 : i32
        %dma_wait3A_213 = tpu.memref_slice %arg5[%add3A, %mul3A_179, %dma_wait3A_212] : memref<32x2000x128xf32, #tpu.memory_space<hbm>> -> memref<1x80x128xf32, #tpu.memory_space<hbm>>
        %dma_wait3A_214 = tpu.memref_squeeze %dma_wait3A_213 : memref<1x80x128xf32, #tpu.memory_space<hbm>> -> memref<80x128xf32, #tpu.memory_space<hbm>>
        %dma_wait3A_215 = arith.constant 0 : i32
        %dma_wait3A_216 = tpu.memref_slice %arg5[%add3A, %mul3A_179, %dma_wait3A_215] : memref<32x2000x128xf32, #tpu.memory_space<hbm>> -> memref<1x80x128xf32, #tpu.memory_space<hbm>>
        %dma_wait3A_217 = tpu.memref_squeeze %dma_wait3A_216 : memref<1x80x128xf32, #tpu.memory_space<hbm>> -> memref<80x128xf32, #tpu.memory_space<hbm>>
        tpu.wait_dma2 semaphore(%run_scoped3A : memref<!tpu.dma_semaphore, #tpu.memory_space<semaphore_mem>>) src(%arg12 : memref<80x128xf32, #tpu.memory_space<vmem>>) dst(%dma_wait3A_217 : memref<80x128xf32, #tpu.memory_space<hbm>>)
        tpu.yield
      }) : () -> ()
      %add3A_180 = arith.constant 5 : i32
      %add3A_181 = arith.addi %add3A_169, %add3A_180 : i32
      %lt3A_182 = arith.constant 25 : i32
      %lt3A_183 = arith.cmpi slt, %add3A_181, %lt3A_182 : i32
      %convert_element_type3A_184 = arith.extui %lt3A_183 : i1 to i32
      %cond3A_185 = arith.constant 0 : i32
      %cond3A_186 = arith.cmpi ne, %convert_element_type3A_184, %cond3A_185 : i32
      scf.if %cond3A_186 {
        %add3A_206 = arith.constant 5 : i32
        %add3A_207 = arith.addi %add3A_169, %add3A_206 : i32
        %dma_start3A_208 = arith.constant 0 : i32
        %dma_start3A_209 = tpu.memref_slice %arg7[%add3A_207, %dma_start3A_208] : memref<25x80xi32, #tpu.memory_space<vmem>> -> memref<1x80xi32, #tpu.memory_space<vmem>>
        %dma_start3A_210 = tpu.memref_squeeze %dma_start3A_209 : memref<1x80xi32, #tpu.memory_space<vmem>> -> memref<80xi32, #tpu.memory_space<vmem>>
        %dma_start3A_211 = arith.constant 0 : i32
        %dma_start3A_212 = arith.constant 0 : i32
        %dma_start3A_213 = tpu.memref_slice %arg4[%dma_start3A_211, %dma_start3A_212] : memref<100000x128xf32, #tpu.memory_space<hbm>> -> memref<100000x128xf32, #tpu.memory_space<hbm>>
        tpu.enqueue_indirect_dma source(%dma_start3A_213 : memref<100000x128xf32, #tpu.memory_space<hbm>>) target(%arg12 : memref<80x128xf32, #tpu.memory_space<vmem>>) offsets(%dma_start3A_210 : memref<80xi32, #tpu.memory_space<vmem>>) semaphore(%arg17 : memref<!tpu.dma_semaphore, #tpu.memory_space<semaphore_mem>>)
      } else {
      }
      %add3A_187 = arith.constant 4 : i32
      %add3A_188 = arith.addi %mul3A_113, %add3A_187 : i32
      %dma_wait3A_189 = arith.constant 0 : i32
      %dma_wait3A_190 = arith.constant 0 : i32
      %dma_wait3A_191 = tpu.memref_slice %arg5[%add3A, %dma_wait3A_189, %dma_wait3A_190] : memref<32x2000x128xf32, #tpu.memory_space<hbm>> -> memref<1x80x128xf32, #tpu.memory_space<hbm>>
      %dma_wait3A_192 = tpu.memref_squeeze %dma_wait3A_191 : memref<1x80x128xf32, #tpu.memory_space<hbm>> -> memref<80x128xf32, #tpu.memory_space<hbm>>
      %dma_wait3A_193 = arith.constant 0 : i32
      %dma_wait3A_194 = arith.constant 0 : i32
      %dma_wait3A_195 = tpu.memref_slice %arg5[%add3A, %dma_wait3A_193, %dma_wait3A_194] : memref<32x2000x128xf32, #tpu.memory_space<hbm>> -> memref<1x80x128xf32, #tpu.memory_space<hbm>>
      %dma_wait3A_196 = tpu.memref_squeeze %dma_wait3A_195 : memref<1x80x128xf32, #tpu.memory_space<hbm>> -> memref<80x128xf32, #tpu.memory_space<hbm>>
      tpu.wait_dma2 semaphore(%arg18 : memref<!tpu.dma_semaphore, #tpu.memory_space<semaphore_mem>>) src(%dma_wait3A_196 : memref<80x128xf32, #tpu.memory_space<hbm>>) dst(%arg13 : memref<80x128xf32, #tpu.memory_space<vmem>>)
      %mul3A_197 = arith.constant 80 : i32
      %mul3A_198 = arith.muli %add3A_188, %mul3A_197 : i32
      "tpu.region"() ({
        %run_scoped3A = tpu.sem_alloc : memref<!tpu.dma_semaphore, #tpu.memory_space<semaphore_mem>>
        %dma_start3A_206 = arith.constant 0 : i32
        %dma_start3A_207 = tpu.memref_slice %arg5[%add3A, %mul3A_198, %dma_start3A_206] : memref<32x2000x128xf32, #tpu.memory_space<hbm>> -> memref<1x80x128xf32, #tpu.memory_space<hbm>>
        %dma_start3A_208 = tpu.memref_squeeze %dma_start3A_207 : memref<1x80x128xf32, #tpu.memory_space<hbm>> -> memref<80x128xf32, #tpu.memory_space<hbm>>
        %dma_start3A_209 = arith.constant 0 : i32
        %dma_start3A_210 = tpu.memref_slice %arg5[%add3A, %mul3A_198, %dma_start3A_209] : memref<32x2000x128xf32, #tpu.memory_space<hbm>> -> memref<1x80x128xf32, #tpu.memory_space<hbm>>
        %dma_start3A_211 = tpu.memref_squeeze %dma_start3A_210 : memref<1x80x128xf32, #tpu.memory_space<hbm>> -> memref<80x128xf32, #tpu.memory_space<hbm>>
        tpu.enqueue_dma source(%arg13 : memref<80x128xf32, #tpu.memory_space<vmem>>) target(%dma_start3A_211 : memref<80x128xf32, #tpu.memory_space<hbm>>) target_semaphore(%run_scoped3A : memref<!tpu.dma_semaphore, #tpu.memory_space<semaphore_mem>>)
        %dma_wait3A_212 = arith.constant 0 : i32
        %dma_wait3A_213 = tpu.memref_slice %arg5[%add3A, %mul3A_198, %dma_wait3A_212] : memref<32x2000x128xf32, #tpu.memory_space<hbm>> -> memref<1x80x128xf32, #tpu.memory_space<hbm>>
        %dma_wait3A_214 = tpu.memref_squeeze %dma_wait3A_213 : memref<1x80x128xf32, #tpu.memory_space<hbm>> -> memref<80x128xf32, #tpu.memory_space<hbm>>
        %dma_wait3A_215 = arith.constant 0 : i32
        %dma_wait3A_216 = tpu.memref_slice %arg5[%add3A, %mul3A_198, %dma_wait3A_215] : memref<32x2000x128xf32, #tpu.memory_space<hbm>> -> memref<1x80x128xf32, #tpu.memory_space<hbm>>
        %dma_wait3A_217 = tpu.memref_squeeze %dma_wait3A_216 : memref<1x80x128xf32, #tpu.memory_space<hbm>> -> memref<80x128xf32, #tpu.memory_space<hbm>>
        tpu.wait_dma2 semaphore(%run_scoped3A : memref<!tpu.dma_semaphore, #tpu.memory_space<semaphore_mem>>) src(%arg13 : memref<80x128xf32, #tpu.memory_space<vmem>>) dst(%dma_wait3A_217 : memref<80x128xf32, #tpu.memory_space<hbm>>)
        tpu.yield
      }) : () -> ()
      %add3A_199 = arith.constant 5 : i32
      %add3A_200 = arith.addi %add3A_188, %add3A_199 : i32
      %lt3A_201 = arith.constant 25 : i32
      %lt3A_202 = arith.cmpi slt, %add3A_200, %lt3A_201 : i32
      %convert_element_type3A_203 = arith.extui %lt3A_202 : i1 to i32
      %cond3A_204 = arith.constant 0 : i32
      %cond3A_205 = arith.cmpi ne, %convert_element_type3A_203, %cond3A_204 : i32
      scf.if %cond3A_205 {
        %add3A_206 = arith.constant 5 : i32
        %add3A_207 = arith.addi %add3A_188, %add3A_206 : i32
        %dma_start3A_208 = arith.constant 0 : i32
        %dma_start3A_209 = tpu.memref_slice %arg7[%add3A_207, %dma_start3A_208] : memref<25x80xi32, #tpu.memory_space<vmem>> -> memref<1x80xi32, #tpu.memory_space<vmem>>
        %dma_start3A_210 = tpu.memref_squeeze %dma_start3A_209 : memref<1x80xi32, #tpu.memory_space<vmem>> -> memref<80xi32, #tpu.memory_space<vmem>>
        %dma_start3A_211 = arith.constant 0 : i32
        %dma_start3A_212 = arith.constant 0 : i32
        %dma_start3A_213 = tpu.memref_slice %arg4[%dma_start3A_211, %dma_start3A_212] : memref<100000x128xf32, #tpu.memory_space<hbm>> -> memref<100000x128xf32, #tpu.memory_space<hbm>>
        tpu.enqueue_indirect_dma source(%dma_start3A_213 : memref<100000x128xf32, #tpu.memory_space<hbm>>) target(%arg13 : memref<80x128xf32, #tpu.memory_space<vmem>>) offsets(%dma_start3A_210 : memref<80xi32, #tpu.memory_space<vmem>>) semaphore(%arg18 : memref<!tpu.dma_semaphore, #tpu.memory_space<semaphore_mem>>)
      } else {
      }
    }
    %scan3A_39 = arith.constant 5 : i32
    %dma_start3A_40 = arith.constant 0 : i32
    %dma_start3A_41 = arith.constant 0 : i32
    %dma_start3A_42 = tpu.memref_slice %arg8[%dma_start3A_40, %dma_start3A_41] : memref<4x80xi32, #tpu.memory_space<vmem>> -> memref<1x80xi32, #tpu.memory_space<vmem>>
    %dma_start3A_43 = tpu.memref_squeeze %dma_start3A_42 : memref<1x80xi32, #tpu.memory_space<vmem>> -> memref<80xi32, #tpu.memory_space<vmem>>
    %dma_start3A_44 = arith.constant 0 : i32
    %dma_start3A_45 = arith.constant 0 : i32
    %dma_start3A_46 = tpu.memref_slice %arg4[%dma_start3A_44, %dma_start3A_45] : memref<100000x128xf32, #tpu.memory_space<hbm>> -> memref<100000x128xf32, #tpu.memory_space<hbm>>
    tpu.enqueue_indirect_dma source(%dma_start3A_46 : memref<100000x128xf32, #tpu.memory_space<hbm>>) target(%arg9 : memref<80x128xf32, #tpu.memory_space<vmem>>) offsets(%dma_start3A_43 : memref<80xi32, #tpu.memory_space<vmem>>) semaphore(%arg14 : memref<!tpu.dma_semaphore, #tpu.memory_space<semaphore_mem>>)
    %dma_wait3A = arith.constant 0 : i32
    %dma_wait3A_47 = arith.constant 0 : i32
    %dma_wait3A_48 = tpu.memref_slice %arg8[%dma_wait3A, %dma_wait3A_47] : memref<4x80xi32, #tpu.memory_space<vmem>> -> memref<1x80xi32, #tpu.memory_space<vmem>>
    %dma_wait3A_49 = tpu.memref_squeeze %dma_wait3A_48 : memref<1x80xi32, #tpu.memory_space<vmem>> -> memref<80xi32, #tpu.memory_space<vmem>>
    %dma_wait3A_50 = arith.constant 0 : i32
    %dma_wait3A_51 = arith.constant 0 : i32
    %dma_wait3A_52 = tpu.memref_slice %arg4[%dma_wait3A_50, %dma_wait3A_51] : memref<100000x128xf32, #tpu.memory_space<hbm>> -> memref<100000x128xf32, #tpu.memory_space<hbm>>
    tpu.wait_indirect_dma semaphore(%arg14 : memref<!tpu.dma_semaphore, #tpu.memory_space<semaphore_mem>>) src(%dma_wait3A_52 : memref<100000x128xf32, #tpu.memory_space<hbm>>) dst(%arg9 : memref<80x128xf32, #tpu.memory_space<vmem>>)
    %mul3A_53 = arith.constant 320 : i32
    %mul3A_54 = arith.muli %add3A, %mul3A_53 : i32
    %add3A_55 = arith.constant 0 : i32
    %add3A_56 = arith.addi %mul3A_54, %add3A_55 : i32
    "tpu.region"() ({
      %run_scoped3A = tpu.sem_alloc : memref<!tpu.dma_semaphore, #tpu.memory_space<semaphore_mem>>
      %dma_start3A_111 = arith.constant 0 : i32
      %dma_start3A_112 = tpu.memref_slice %arg6[%add3A_56, %dma_start3A_111] : memref<10240x128xf32, #tpu.memory_space<hbm>> -> memref<80x128xf32, #tpu.memory_space<hbm>>
      %dma_start3A_113 = arith.constant 0 : i32
      %dma_start3A_114 = tpu.memref_slice %arg6[%add3A_56, %dma_start3A_113] : memref<10240x128xf32, #tpu.memory_space<hbm>> -> memref<80x128xf32, #tpu.memory_space<hbm>>
      tpu.enqueue_dma source(%arg9 : memref<80x128xf32, #tpu.memory_space<vmem>>) target(%dma_start3A_114 : memref<80x128xf32, #tpu.memory_space<hbm>>) target_semaphore(%run_scoped3A : memref<!tpu.dma_semaphore, #tpu.memory_space<semaphore_mem>>)
      %dma_wait3A_115 = arith.constant 0 : i32
      %dma_wait3A_116 = tpu.memref_slice %arg6[%add3A_56, %dma_wait3A_115] : memref<10240x128xf32, #tpu.memory_space<hbm>> -> memref<80x128xf32, #tpu.memory_space<hbm>>
      %dma_wait3A_117 = arith.constant 0 : i32
      %dma_wait3A_118 = tpu.memref_slice %arg6[%add3A_56, %dma_wait3A_117] : memref<10240x128xf32, #tpu.memory_space<hbm>> -> memref<80x128xf32, #tpu.memory_space<hbm>>
      tpu.wait_dma2 semaphore(%run_scoped3A : memref<!tpu.dma_semaphore, #tpu.memory_space<semaphore_mem>>) src(%arg9 : memref<80x128xf32, #tpu.memory_space<vmem>>) dst(%dma_wait3A_118 : memref<80x128xf32, #tpu.memory_space<hbm>>)
      tpu.yield
    }) : () -> ()
    %dma_start3A_57 = arith.constant 1 : i32
    %dma_start3A_58 = arith.constant 0 : i32
    %dma_start3A_59 = tpu.memref_slice %arg8[%dma_start3A_57, %dma_start3A_58] : memref<4x80xi32, #tpu.memory_space<vmem>> -> memref<1x80xi32, #tpu.memory_space<vmem>>
    %dma_start3A_60 = tpu.memref_squeeze %dma_start3A_59 : memref<1x80xi32, #tpu.memory_space<vmem>> -> memref<80xi32, #tpu.memory_space<vmem>>
    %dma_start3A_61 = arith.constant 0 : i32
    %dma_start3A_62 = arith.constant 0 : i32
    %dma_start3A_63 = tpu.memref_slice %arg4[%dma_start3A_61, %dma_start3A_62] : memref<100000x128xf32, #tpu.memory_space<hbm>> -> memref<100000x128xf32, #tpu.memory_space<hbm>>
    tpu.enqueue_indirect_dma source(%dma_start3A_63 : memref<100000x128xf32, #tpu.memory_space<hbm>>) target(%arg9 : memref<80x128xf32, #tpu.memory_space<vmem>>) offsets(%dma_start3A_60 : memref<80xi32, #tpu.memory_space<vmem>>) semaphore(%arg14 : memref<!tpu.dma_semaphore, #tpu.memory_space<semaphore_mem>>)
    %dma_wait3A_64 = arith.constant 1 : i32
    %dma_wait3A_65 = arith.constant 0 : i32
    %dma_wait3A_66 = tpu.memref_slice %arg8[%dma_wait3A_64, %dma_wait3A_65] : memref<4x80xi32, #tpu.memory_space<vmem>> -> memref<1x80xi32, #tpu.memory_space<vmem>>
    %dma_wait3A_67 = tpu.memref_squeeze %dma_wait3A_66 : memref<1x80xi32, #tpu.memory_space<vmem>> -> memref<80xi32, #tpu.memory_space<vmem>>
    %dma_wait3A_68 = arith.constant 0 : i32
    %dma_wait3A_69 = arith.constant 0 : i32
    %dma_wait3A_70 = tpu.memref_slice %arg4[%dma_wait3A_68, %dma_wait3A_69] : memref<100000x128xf32, #tpu.memory_space<hbm>> -> memref<100000x128xf32, #tpu.memory_space<hbm>>
    tpu.wait_indirect_dma semaphore(%arg14 : memref<!tpu.dma_semaphore, #tpu.memory_space<semaphore_mem>>) src(%dma_wait3A_70 : memref<100000x128xf32, #tpu.memory_space<hbm>>) dst(%arg9 : memref<80x128xf32, #tpu.memory_space<vmem>>)
    %mul3A_71 = arith.constant 320 : i32
    %mul3A_72 = arith.muli %add3A, %mul3A_71 : i32
    %add3A_73 = arith.constant 80 : i32
    %add3A_74 = arith.addi %mul3A_72, %add3A_73 : i32
    "tpu.region"() ({
      %run_scoped3A = tpu.sem_alloc : memref<!tpu.dma_semaphore, #tpu.memory_space<semaphore_mem>>
      %dma_start3A_111 = arith.constant 0 : i32
      %dma_start3A_112 = tpu.memref_slice %arg6[%add3A_74, %dma_start3A_111] : memref<10240x128xf32, #tpu.memory_space<hbm>> -> memref<80x128xf32, #tpu.memory_space<hbm>>
      %dma_start3A_113 = arith.constant 0 : i32
      %dma_start3A_114 = tpu.memref_slice %arg6[%add3A_74, %dma_start3A_113] : memref<10240x128xf32, #tpu.memory_space<hbm>> -> memref<80x128xf32, #tpu.memory_space<hbm>>
      tpu.enqueue_dma source(%arg9 : memref<80x128xf32, #tpu.memory_space<vmem>>) target(%dma_start3A_114 : memref<80x128xf32, #tpu.memory_space<hbm>>) target_semaphore(%run_scoped3A : memref<!tpu.dma_semaphore, #tpu.memory_space<semaphore_mem>>)
      %dma_wait3A_115 = arith.constant 0 : i32
      %dma_wait3A_116 = tpu.memref_slice %arg6[%add3A_74, %dma_wait3A_115] : memref<10240x128xf32, #tpu.memory_space<hbm>> -> memref<80x128xf32, #tpu.memory_space<hbm>>
      %dma_wait3A_117 = arith.constant 0 : i32
      %dma_wait3A_118 = tpu.memref_slice %arg6[%add3A_74, %dma_wait3A_117] : memref<10240x128xf32, #tpu.memory_space<hbm>> -> memref<80x128xf32, #tpu.memory_space<hbm>>
      tpu.wait_dma2 semaphore(%run_scoped3A : memref<!tpu.dma_semaphore, #tpu.memory_space<semaphore_mem>>) src(%arg9 : memref<80x128xf32, #tpu.memory_space<vmem>>) dst(%dma_wait3A_118 : memref<80x128xf32, #tpu.memory_space<hbm>>)
      tpu.yield
    }) : () -> ()
    %dma_start3A_75 = arith.constant 2 : i32
    %dma_start3A_76 = arith.constant 0 : i32
    %dma_start3A_77 = tpu.memref_slice %arg8[%dma_start3A_75, %dma_start3A_76] : memref<4x80xi32, #tpu.memory_space<vmem>> -> memref<1x80xi32, #tpu.memory_space<vmem>>
    %dma_start3A_78 = tpu.memref_squeeze %dma_start3A_77 : memref<1x80xi32, #tpu.memory_space<vmem>> -> memref<80xi32, #tpu.memory_space<vmem>>
    %dma_start3A_79 = arith.constant 0 : i32
    %dma_start3A_80 = arith.constant 0 : i32
    %dma_start3A_81 = tpu.memref_slice %arg4[%dma_start3A_79, %dma_start3A_80] : memref<100000x128xf32, #tpu.memory_space<hbm>> -> memref<100000x128xf32, #tpu.memory_space<hbm>>
    tpu.enqueue_indirect_dma source(%dma_start3A_81 : memref<100000x128xf32, #tpu.memory_space<hbm>>) target(%arg9 : memref<80x128xf32, #tpu.memory_space<vmem>>) offsets(%dma_start3A_78 : memref<80xi32, #tpu.memory_space<vmem>>) semaphore(%arg14 : memref<!tpu.dma_semaphore, #tpu.memory_space<semaphore_mem>>)
    %dma_wait3A_82 = arith.constant 2 : i32
    %dma_wait3A_83 = arith.constant 0 : i32
    %dma_wait3A_84 = tpu.memref_slice %arg8[%dma_wait3A_82, %dma_wait3A_83] : memref<4x80xi32, #tpu.memory_space<vmem>> -> memref<1x80xi32, #tpu.memory_space<vmem>>
    %dma_wait3A_85 = tpu.memref_squeeze %dma_wait3A_84 : memref<1x80xi32, #tpu.memory_space<vmem>> -> memref<80xi32, #tpu.memory_space<vmem>>
    %dma_wait3A_86 = arith.constant 0 : i32
    %dma_wait3A_87 = arith.constant 0 : i32
    %dma_wait3A_88 = tpu.memref_slice %arg4[%dma_wait3A_86, %dma_wait3A_87] : memref<100000x128xf32, #tpu.memory_space<hbm>> -> memref<100000x128xf32, #tpu.memory_space<hbm>>
    tpu.wait_indirect_dma semaphore(%arg14 : memref<!tpu.dma_semaphore, #tpu.memory_space<semaphore_mem>>) src(%dma_wait3A_88 : memref<100000x128xf32, #tpu.memory_space<hbm>>) dst(%arg9 : memref<80x128xf32, #tpu.memory_space<vmem>>)
    %mul3A_89 = arith.constant 320 : i32
    %mul3A_90 = arith.muli %add3A, %mul3A_89 : i32
    %add3A_91 = arith.constant 160 : i32
    %add3A_92 = arith.addi %mul3A_90, %add3A_91 : i32
    "tpu.region"() ({
      %run_scoped3A = tpu.sem_alloc : memref<!tpu.dma_semaphore, #tpu.memory_space<semaphore_mem>>
      %dma_start3A_111 = arith.constant 0 : i32
      %dma_start3A_112 = tpu.memref_slice %arg6[%add3A_92, %dma_start3A_111] : memref<10240x128xf32, #tpu.memory_space<hbm>> -> memref<80x128xf32, #tpu.memory_space<hbm>>
      %dma_start3A_113 = arith.constant 0 : i32
      %dma_start3A_114 = tpu.memref_slice %arg6[%add3A_92, %dma_start3A_113] : memref<10240x128xf32, #tpu.memory_space<hbm>> -> memref<80x128xf32, #tpu.memory_space<hbm>>
      tpu.enqueue_dma source(%arg9 : memref<80x128xf32, #tpu.memory_space<vmem>>) target(%dma_start3A_114 : memref<80x128xf32, #tpu.memory_space<hbm>>) target_semaphore(%run_scoped3A : memref<!tpu.dma_semaphore, #tpu.memory_space<semaphore_mem>>)
      %dma_wait3A_115 = arith.constant 0 : i32
      %dma_wait3A_116 = tpu.memref_slice %arg6[%add3A_92, %dma_wait3A_115] : memref<10240x128xf32, #tpu.memory_space<hbm>> -> memref<80x128xf32, #tpu.memory_space<hbm>>
      %dma_wait3A_117 = arith.constant 0 : i32
      %dma_wait3A_118 = tpu.memref_slice %arg6[%add3A_92, %dma_wait3A_117] : memref<10240x128xf32, #tpu.memory_space<hbm>> -> memref<80x128xf32, #tpu.memory_space<hbm>>
      tpu.wait_dma2 semaphore(%run_scoped3A : memref<!tpu.dma_semaphore, #tpu.memory_space<semaphore_mem>>) src(%arg9 : memref<80x128xf32, #tpu.memory_space<vmem>>) dst(%dma_wait3A_118 : memref<80x128xf32, #tpu.memory_space<hbm>>)
      tpu.yield
    }) : () -> ()
    %dma_start3A_93 = arith.constant 3 : i32
    %dma_start3A_94 = arith.constant 0 : i32
    %dma_start3A_95 = tpu.memref_slice %arg8[%dma_start3A_93, %dma_start3A_94] : memref<4x80xi32, #tpu.memory_space<vmem>> -> memref<1x80xi32, #tpu.memory_space<vmem>>
    %dma_start3A_96 = tpu.memref_squeeze %dma_start3A_95 : memref<1x80xi32, #tpu.memory_space<vmem>> -> memref<80xi32, #tpu.memory_space<vmem>>
    %dma_start3A_97 = arith.constant 0 : i32
    %dma_start3A_98 = arith.constant 0 : i32
    %dma_start3A_99 = tpu.memref_slice %arg4[%dma_start3A_97, %dma_start3A_98] : memref<100000x128xf32, #tpu.memory_space<hbm>> -> memref<100000x128xf32, #tpu.memory_space<hbm>>
    tpu.enqueue_indirect_dma source(%dma_start3A_99 : memref<100000x128xf32, #tpu.memory_space<hbm>>) target(%arg9 : memref<80x128xf32, #tpu.memory_space<vmem>>) offsets(%dma_start3A_96 : memref<80xi32, #tpu.memory_space<vmem>>) semaphore(%arg14 : memref<!tpu.dma_semaphore, #tpu.memory_space<semaphore_mem>>)
    %dma_wait3A_100 = arith.constant 3 : i32
    %dma_wait3A_101 = arith.constant 0 : i32
    %dma_wait3A_102 = tpu.memref_slice %arg8[%dma_wait3A_100, %dma_wait3A_101] : memref<4x80xi32, #tpu.memory_space<vmem>> -> memref<1x80xi32, #tpu.memory_space<vmem>>
    %dma_wait3A_103 = tpu.memref_squeeze %dma_wait3A_102 : memref<1x80xi32, #tpu.memory_space<vmem>> -> memref<80xi32, #tpu.memory_space<vmem>>
    %dma_wait3A_104 = arith.constant 0 : i32
    %dma_wait3A_105 = arith.constant 0 : i32
    %dma_wait3A_106 = tpu.memref_slice %arg4[%dma_wait3A_104, %dma_wait3A_105] : memref<100000x128xf32, #tpu.memory_space<hbm>> -> memref<100000x128xf32, #tpu.memory_space<hbm>>
    tpu.wait_indirect_dma semaphore(%arg14 : memref<!tpu.dma_semaphore, #tpu.memory_space<semaphore_mem>>) src(%dma_wait3A_106 : memref<100000x128xf32, #tpu.memory_space<hbm>>) dst(%arg9 : memref<80x128xf32, #tpu.memory_space<vmem>>)
    %mul3A_107 = arith.constant 320 : i32
    %mul3A_108 = arith.muli %add3A, %mul3A_107 : i32
    %add3A_109 = arith.constant 240 : i32
    %add3A_110 = arith.addi %mul3A_108, %add3A_109 : i32
    "tpu.region"() ({
      %run_scoped3A = tpu.sem_alloc : memref<!tpu.dma_semaphore, #tpu.memory_space<semaphore_mem>>
      %dma_start3A_111 = arith.constant 0 : i32
      %dma_start3A_112 = tpu.memref_slice %arg6[%add3A_110, %dma_start3A_111] : memref<10240x128xf32, #tpu.memory_space<hbm>> -> memref<80x128xf32, #tpu.memory_space<hbm>>
      %dma_start3A_113 = arith.constant 0 : i32
      %dma_start3A_114 = tpu.memref_slice %arg6[%add3A_110, %dma_start3A_113] : memref<10240x128xf32, #tpu.memory_space<hbm>> -> memref<80x128xf32, #tpu.memory_space<hbm>>
      tpu.enqueue_dma source(%arg9 : memref<80x128xf32, #tpu.memory_space<vmem>>) target(%dma_start3A_114 : memref<80x128xf32, #tpu.memory_space<hbm>>) target_semaphore(%run_scoped3A : memref<!tpu.dma_semaphore, #tpu.memory_space<semaphore_mem>>)
      %dma_wait3A_115 = arith.constant 0 : i32
      %dma_wait3A_116 = tpu.memref_slice %arg6[%add3A_110, %dma_wait3A_115] : memref<10240x128xf32, #tpu.memory_space<hbm>> -> memref<80x128xf32, #tpu.memory_space<hbm>>
      %dma_wait3A_117 = arith.constant 0 : i32
      %dma_wait3A_118 = tpu.memref_slice %arg6[%add3A_110, %dma_wait3A_117] : memref<10240x128xf32, #tpu.memory_space<hbm>> -> memref<80x128xf32, #tpu.memory_space<hbm>>
      tpu.wait_dma2 semaphore(%run_scoped3A : memref<!tpu.dma_semaphore, #tpu.memory_space<semaphore_mem>>) src(%arg9 : memref<80x128xf32, #tpu.memory_space<vmem>>) dst(%dma_wait3A_118 : memref<80x128xf32, #tpu.memory_space<hbm>>)
      tpu.yield
    }) : () -> ()
    return
  }
}

module attributes {stable_mosaic.version = 14 : i64} {
  func.func @_tc_body(%arg0: i32, %arg1: memref<32x400x128xf32, #tpu.memory_space<vmem>>, %arg2: memref<400x128xf32, #tpu.memory_space<vmem>>, %arg3: memref<400x32xf32, #tpu.memory_space<vmem>>, %arg4: memref<128x128xf32, #tpu.memory_space<vmem>>, %arg5: memref<128x128xf32, #tpu.memory_space<vmem>>, %arg6: memref<32x32x128xf32, #tpu.memory_space<vmem>>, %arg7: memref<1x128xf32, #tpu.memory_space<vmem>>, %arg8: memref<128x128xf32, #tpu.memory_space<vmem>>, %arg9: memref<1x128xf32, #tpu.memory_space<vmem>>, %arg10: memref<128x128xf32, #tpu.memory_space<vmem>>, %arg11: memref<400x128xf32, #tpu.memory_space<vmem>>) attributes {dimension_semantics = [#tpu.dimension_semantics<arbitrary>], iteration_bounds = array<i64: 5>, scalar_prefetch = 0 : i64, scratch_operands = 0 : i64, tpu.core_type = #tpu.core_type<tc>, window_params = [{transform_indices = @transform_0, window_bounds = array<i64: 32, 400, 128>}, {transform_indices = @transform_1, window_bounds = array<i64: 400, 128>}, {transform_indices = @transform_2, window_bounds = array<i64: 400, 32>}, {pipeline_mode = #tpu.pipeline_mode<synchronous>, transform_indices = @transform_3, window_bounds = array<i64: 128, 128>}, {pipeline_mode = #tpu.pipeline_mode<synchronous>, transform_indices = @transform_4, window_bounds = array<i64: 128, 128>}, {pipeline_mode = #tpu.pipeline_mode<synchronous>, transform_indices = @transform_5, window_bounds = array<i64: 32, 32, 128>}, {pipeline_mode = #tpu.pipeline_mode<synchronous>, transform_indices = @transform_6, window_bounds = array<i64: 1, 128>}, {pipeline_mode = #tpu.pipeline_mode<synchronous>, transform_indices = @transform_7, window_bounds = array<i64: 128, 128>}, {pipeline_mode = #tpu.pipeline_mode<synchronous>, transform_indices = @transform_8, window_bounds = array<i64: 1, 128>}, {pipeline_mode = #tpu.pipeline_mode<synchronous>, transform_indices = @transform_9, window_bounds = array<i64: 128, 128>}, {transform_indices = @transform_10, window_bounds = array<i64: 400, 128>}]} {
    %get3A = arith.constant 0 : index
    %get3A_0 = arith.constant 0 : index
    %get3A_1 = arith.constant 0 : index
    %get3A_2 = vector.load %arg1[%get3A, %get3A_0, %get3A_1] : memref<32x400x128xf32, #tpu.memory_space<vmem>>, vector<32x400x128xf32>
    %reshape3A = vector.shape_cast %get3A_2 : vector<32x400x128xf32> to vector<12800x128xf32>
    %get3A_3 = arith.constant 0 : index
    %get3A_4 = arith.constant 0 : index
    %get3A_5 = vector.load %arg2[%get3A_3, %get3A_4] : memref<400x128xf32, #tpu.memory_space<vmem>>, vector<400x128xf32>
    %get3A_6 = arith.constant 0 : index
    %get3A_7 = arith.constant 0 : index
    %get3A_8 = vector.load %arg5[%get3A_6, %get3A_7] : memref<128x128xf32, #tpu.memory_space<vmem>>, vector<128x128xf32>
    %dot_general3A = arith.constant dense<0.000000e+00> : vector<400x128xf32>
    %dot_general3A_9 = tpu.matmul %get3A_5, %get3A_8, %dot_general3A {dimension_numbers = #tpu.dot_dimension_numbers<[1], [0], [0], [1], [0, 0, 1, 1], [], []>, transpose_lhs_hint = false} : vector<400x128xf32>, vector<128x128xf32>, vector<400x128xf32> -> vector<400x128xf32>
    %get3A_10 = arith.constant 0 : index
    %get3A_11 = arith.constant 0 : index
    %get3A_12 = vector.load %arg7[%get3A_10, %get3A_11] : memref<1x128xf32, #tpu.memory_space<vmem>>, vector<1x128xf32>
    %add3A = vector.broadcast %get3A_12 : vector<1x128xf32> to vector<400x128xf32>
    %add3A_13 = arith.addf %dot_general3A_9, %add3A : vector<400x128xf32>
    %get3A_14 = arith.constant 0 : index
    %get3A_15 = arith.constant 0 : index
    %get3A_16 = vector.load %arg3[%get3A_14, %get3A_15] : memref<400x32xf32, #tpu.memory_space<vmem>>, vector<400x32xf32>
    %get3A_17 = arith.constant 0 : index
    %get3A_18 = arith.constant 0 : index
    %get3A_19 = arith.constant 0 : index
    %get3A_20 = vector.load %arg6[%get3A_17, %get3A_18, %get3A_19] : memref<32x32x128xf32, #tpu.memory_space<vmem>>, vector<1x32x128xf32>
    %get3A_21 = vector.shape_cast %get3A_20 : vector<1x32x128xf32> to vector<32x128xf32>
    %dot_general3A_22 = arith.constant dense<0.000000e+00> : vector<400x128xf32>
    %dot_general3A_23 = tpu.matmul %get3A_16, %get3A_21, %dot_general3A_22 {dimension_numbers = #tpu.dot_dimension_numbers<[1], [0], [0], [1], [0, 0, 1, 1], [], []>, transpose_lhs_hint = false} : vector<400x32xf32>, vector<32x128xf32>, vector<400x128xf32> -> vector<400x128xf32>
    %broadcast_in_dim3A = vector.shape_cast %dot_general3A_23 : vector<400x128xf32> to vector<1x400x128xf32>
    %get3A_24 = arith.constant 1 : index
    %get3A_25 = arith.constant 0 : index
    %get3A_26 = arith.constant 0 : index
    %get3A_27 = vector.load %arg6[%get3A_24, %get3A_25, %get3A_26] : memref<32x32x128xf32, #tpu.memory_space<vmem>>, vector<1x32x128xf32>
    %get3A_28 = vector.shape_cast %get3A_27 : vector<1x32x128xf32> to vector<32x128xf32>
    %dot_general3A_29 = arith.constant dense<0.000000e+00> : vector<400x128xf32>
    %dot_general3A_30 = tpu.matmul %get3A_16, %get3A_28, %dot_general3A_29 {dimension_numbers = #tpu.dot_dimension_numbers<[1], [0], [0], [1], [0, 0, 1, 1], [], []>, transpose_lhs_hint = false} : vector<400x32xf32>, vector<32x128xf32>, vector<400x128xf32> -> vector<400x128xf32>
    %broadcast_in_dim3A_31 = vector.shape_cast %dot_general3A_30 : vector<400x128xf32> to vector<1x400x128xf32>
    %get3A_32 = arith.constant 2 : index
    %get3A_33 = arith.constant 0 : index
    %get3A_34 = arith.constant 0 : index
    %get3A_35 = vector.load %arg6[%get3A_32, %get3A_33, %get3A_34] : memref<32x32x128xf32, #tpu.memory_space<vmem>>, vector<1x32x128xf32>
    %get3A_36 = vector.shape_cast %get3A_35 : vector<1x32x128xf32> to vector<32x128xf32>
    %dot_general3A_37 = arith.constant dense<0.000000e+00> : vector<400x128xf32>
    %dot_general3A_38 = tpu.matmul %get3A_16, %get3A_36, %dot_general3A_37 {dimension_numbers = #tpu.dot_dimension_numbers<[1], [0], [0], [1], [0, 0, 1, 1], [], []>, transpose_lhs_hint = false} : vector<400x32xf32>, vector<32x128xf32>, vector<400x128xf32> -> vector<400x128xf32>
    %broadcast_in_dim3A_39 = vector.shape_cast %dot_general3A_38 : vector<400x128xf32> to vector<1x400x128xf32>
    %get3A_40 = arith.constant 3 : index
    %get3A_41 = arith.constant 0 : index
    %get3A_42 = arith.constant 0 : index
    %get3A_43 = vector.load %arg6[%get3A_40, %get3A_41, %get3A_42] : memref<32x32x128xf32, #tpu.memory_space<vmem>>, vector<1x32x128xf32>
    %get3A_44 = vector.shape_cast %get3A_43 : vector<1x32x128xf32> to vector<32x128xf32>
    %dot_general3A_45 = arith.constant dense<0.000000e+00> : vector<400x128xf32>
    %dot_general3A_46 = tpu.matmul %get3A_16, %get3A_44, %dot_general3A_45 {dimension_numbers = #tpu.dot_dimension_numbers<[1], [0], [0], [1], [0, 0, 1, 1], [], []>, transpose_lhs_hint = false} : vector<400x32xf32>, vector<32x128xf32>, vector<400x128xf32> -> vector<400x128xf32>
    %broadcast_in_dim3A_47 = vector.shape_cast %dot_general3A_46 : vector<400x128xf32> to vector<1x400x128xf32>
    %get3A_48 = arith.constant 4 : index
    %get3A_49 = arith.constant 0 : index
    %get3A_50 = arith.constant 0 : index
    %get3A_51 = vector.load %arg6[%get3A_48, %get3A_49, %get3A_50] : memref<32x32x128xf32, #tpu.memory_space<vmem>>, vector<1x32x128xf32>
    %get3A_52 = vector.shape_cast %get3A_51 : vector<1x32x128xf32> to vector<32x128xf32>
    %dot_general3A_53 = arith.constant dense<0.000000e+00> : vector<400x128xf32>
    %dot_general3A_54 = tpu.matmul %get3A_16, %get3A_52, %dot_general3A_53 {dimension_numbers = #tpu.dot_dimension_numbers<[1], [0], [0], [1], [0, 0, 1, 1], [], []>, transpose_lhs_hint = false} : vector<400x32xf32>, vector<32x128xf32>, vector<400x128xf32> -> vector<400x128xf32>
    %broadcast_in_dim3A_55 = vector.shape_cast %dot_general3A_54 : vector<400x128xf32> to vector<1x400x128xf32>
    %get3A_56 = arith.constant 5 : index
    %get3A_57 = arith.constant 0 : index
    %get3A_58 = arith.constant 0 : index
    %get3A_59 = vector.load %arg6[%get3A_56, %get3A_57, %get3A_58] : memref<32x32x128xf32, #tpu.memory_space<vmem>>, vector<1x32x128xf32>
    %get3A_60 = vector.shape_cast %get3A_59 : vector<1x32x128xf32> to vector<32x128xf32>
    %dot_general3A_61 = arith.constant dense<0.000000e+00> : vector<400x128xf32>
    %dot_general3A_62 = tpu.matmul %get3A_16, %get3A_60, %dot_general3A_61 {dimension_numbers = #tpu.dot_dimension_numbers<[1], [0], [0], [1], [0, 0, 1, 1], [], []>, transpose_lhs_hint = false} : vector<400x32xf32>, vector<32x128xf32>, vector<400x128xf32> -> vector<400x128xf32>
    %broadcast_in_dim3A_63 = vector.shape_cast %dot_general3A_62 : vector<400x128xf32> to vector<1x400x128xf32>
    %get3A_64 = arith.constant 6 : index
    %get3A_65 = arith.constant 0 : index
    %get3A_66 = arith.constant 0 : index
    %get3A_67 = vector.load %arg6[%get3A_64, %get3A_65, %get3A_66] : memref<32x32x128xf32, #tpu.memory_space<vmem>>, vector<1x32x128xf32>
    %get3A_68 = vector.shape_cast %get3A_67 : vector<1x32x128xf32> to vector<32x128xf32>
    %dot_general3A_69 = arith.constant dense<0.000000e+00> : vector<400x128xf32>
    %dot_general3A_70 = tpu.matmul %get3A_16, %get3A_68, %dot_general3A_69 {dimension_numbers = #tpu.dot_dimension_numbers<[1], [0], [0], [1], [0, 0, 1, 1], [], []>, transpose_lhs_hint = false} : vector<400x32xf32>, vector<32x128xf32>, vector<400x128xf32> -> vector<400x128xf32>
    %broadcast_in_dim3A_71 = vector.shape_cast %dot_general3A_70 : vector<400x128xf32> to vector<1x400x128xf32>
    %get3A_72 = arith.constant 7 : index
    %get3A_73 = arith.constant 0 : index
    %get3A_74 = arith.constant 0 : index
    %get3A_75 = vector.load %arg6[%get3A_72, %get3A_73, %get3A_74] : memref<32x32x128xf32, #tpu.memory_space<vmem>>, vector<1x32x128xf32>
    %get3A_76 = vector.shape_cast %get3A_75 : vector<1x32x128xf32> to vector<32x128xf32>
    %dot_general3A_77 = arith.constant dense<0.000000e+00> : vector<400x128xf32>
    %dot_general3A_78 = tpu.matmul %get3A_16, %get3A_76, %dot_general3A_77 {dimension_numbers = #tpu.dot_dimension_numbers<[1], [0], [0], [1], [0, 0, 1, 1], [], []>, transpose_lhs_hint = false} : vector<400x32xf32>, vector<32x128xf32>, vector<400x128xf32> -> vector<400x128xf32>
    %broadcast_in_dim3A_79 = vector.shape_cast %dot_general3A_78 : vector<400x128xf32> to vector<1x400x128xf32>
    %get3A_80 = arith.constant 8 : index
    %get3A_81 = arith.constant 0 : index
    %get3A_82 = arith.constant 0 : index
    %get3A_83 = vector.load %arg6[%get3A_80, %get3A_81, %get3A_82] : memref<32x32x128xf32, #tpu.memory_space<vmem>>, vector<1x32x128xf32>
    %get3A_84 = vector.shape_cast %get3A_83 : vector<1x32x128xf32> to vector<32x128xf32>
    %dot_general3A_85 = arith.constant dense<0.000000e+00> : vector<400x128xf32>
    %dot_general3A_86 = tpu.matmul %get3A_16, %get3A_84, %dot_general3A_85 {dimension_numbers = #tpu.dot_dimension_numbers<[1], [0], [0], [1], [0, 0, 1, 1], [], []>, transpose_lhs_hint = false} : vector<400x32xf32>, vector<32x128xf32>, vector<400x128xf32> -> vector<400x128xf32>
    %broadcast_in_dim3A_87 = vector.shape_cast %dot_general3A_86 : vector<400x128xf32> to vector<1x400x128xf32>
    %get3A_88 = arith.constant 9 : index
    %get3A_89 = arith.constant 0 : index
    %get3A_90 = arith.constant 0 : index
    %get3A_91 = vector.load %arg6[%get3A_88, %get3A_89, %get3A_90] : memref<32x32x128xf32, #tpu.memory_space<vmem>>, vector<1x32x128xf32>
    %get3A_92 = vector.shape_cast %get3A_91 : vector<1x32x128xf32> to vector<32x128xf32>
    %dot_general3A_93 = arith.constant dense<0.000000e+00> : vector<400x128xf32>
    %dot_general3A_94 = tpu.matmul %get3A_16, %get3A_92, %dot_general3A_93 {dimension_numbers = #tpu.dot_dimension_numbers<[1], [0], [0], [1], [0, 0, 1, 1], [], []>, transpose_lhs_hint = false} : vector<400x32xf32>, vector<32x128xf32>, vector<400x128xf32> -> vector<400x128xf32>
    %broadcast_in_dim3A_95 = vector.shape_cast %dot_general3A_94 : vector<400x128xf32> to vector<1x400x128xf32>
    %get3A_96 = arith.constant 10 : index
    %get3A_97 = arith.constant 0 : index
    %get3A_98 = arith.constant 0 : index
    %get3A_99 = vector.load %arg6[%get3A_96, %get3A_97, %get3A_98] : memref<32x32x128xf32, #tpu.memory_space<vmem>>, vector<1x32x128xf32>
    %get3A_100 = vector.shape_cast %get3A_99 : vector<1x32x128xf32> to vector<32x128xf32>
    %dot_general3A_101 = arith.constant dense<0.000000e+00> : vector<400x128xf32>
    %dot_general3A_102 = tpu.matmul %get3A_16, %get3A_100, %dot_general3A_101 {dimension_numbers = #tpu.dot_dimension_numbers<[1], [0], [0], [1], [0, 0, 1, 1], [], []>, transpose_lhs_hint = false} : vector<400x32xf32>, vector<32x128xf32>, vector<400x128xf32> -> vector<400x128xf32>
    %broadcast_in_dim3A_103 = vector.shape_cast %dot_general3A_102 : vector<400x128xf32> to vector<1x400x128xf32>
    %get3A_104 = arith.constant 11 : index
    %get3A_105 = arith.constant 0 : index
    %get3A_106 = arith.constant 0 : index
    %get3A_107 = vector.load %arg6[%get3A_104, %get3A_105, %get3A_106] : memref<32x32x128xf32, #tpu.memory_space<vmem>>, vector<1x32x128xf32>
    %get3A_108 = vector.shape_cast %get3A_107 : vector<1x32x128xf32> to vector<32x128xf32>
    %dot_general3A_109 = arith.constant dense<0.000000e+00> : vector<400x128xf32>
    %dot_general3A_110 = tpu.matmul %get3A_16, %get3A_108, %dot_general3A_109 {dimension_numbers = #tpu.dot_dimension_numbers<[1], [0], [0], [1], [0, 0, 1, 1], [], []>, transpose_lhs_hint = false} : vector<400x32xf32>, vector<32x128xf32>, vector<400x128xf32> -> vector<400x128xf32>
    %broadcast_in_dim3A_111 = vector.shape_cast %dot_general3A_110 : vector<400x128xf32> to vector<1x400x128xf32>
    %get3A_112 = arith.constant 12 : index
    %get3A_113 = arith.constant 0 : index
    %get3A_114 = arith.constant 0 : index
    %get3A_115 = vector.load %arg6[%get3A_112, %get3A_113, %get3A_114] : memref<32x32x128xf32, #tpu.memory_space<vmem>>, vector<1x32x128xf32>
    %get3A_116 = vector.shape_cast %get3A_115 : vector<1x32x128xf32> to vector<32x128xf32>
    %dot_general3A_117 = arith.constant dense<0.000000e+00> : vector<400x128xf32>
    %dot_general3A_118 = tpu.matmul %get3A_16, %get3A_116, %dot_general3A_117 {dimension_numbers = #tpu.dot_dimension_numbers<[1], [0], [0], [1], [0, 0, 1, 1], [], []>, transpose_lhs_hint = false} : vector<400x32xf32>, vector<32x128xf32>, vector<400x128xf32> -> vector<400x128xf32>
    %broadcast_in_dim3A_119 = vector.shape_cast %dot_general3A_118 : vector<400x128xf32> to vector<1x400x128xf32>
    %get3A_120 = arith.constant 13 : index
    %get3A_121 = arith.constant 0 : index
    %get3A_122 = arith.constant 0 : index
    %get3A_123 = vector.load %arg6[%get3A_120, %get3A_121, %get3A_122] : memref<32x32x128xf32, #tpu.memory_space<vmem>>, vector<1x32x128xf32>
    %get3A_124 = vector.shape_cast %get3A_123 : vector<1x32x128xf32> to vector<32x128xf32>
    %dot_general3A_125 = arith.constant dense<0.000000e+00> : vector<400x128xf32>
    %dot_general3A_126 = tpu.matmul %get3A_16, %get3A_124, %dot_general3A_125 {dimension_numbers = #tpu.dot_dimension_numbers<[1], [0], [0], [1], [0, 0, 1, 1], [], []>, transpose_lhs_hint = false} : vector<400x32xf32>, vector<32x128xf32>, vector<400x128xf32> -> vector<400x128xf32>
    %broadcast_in_dim3A_127 = vector.shape_cast %dot_general3A_126 : vector<400x128xf32> to vector<1x400x128xf32>
    %get3A_128 = arith.constant 14 : index
    %get3A_129 = arith.constant 0 : index
    %get3A_130 = arith.constant 0 : index
    %get3A_131 = vector.load %arg6[%get3A_128, %get3A_129, %get3A_130] : memref<32x32x128xf32, #tpu.memory_space<vmem>>, vector<1x32x128xf32>
    %get3A_132 = vector.shape_cast %get3A_131 : vector<1x32x128xf32> to vector<32x128xf32>
    %dot_general3A_133 = arith.constant dense<0.000000e+00> : vector<400x128xf32>
    %dot_general3A_134 = tpu.matmul %get3A_16, %get3A_132, %dot_general3A_133 {dimension_numbers = #tpu.dot_dimension_numbers<[1], [0], [0], [1], [0, 0, 1, 1], [], []>, transpose_lhs_hint = false} : vector<400x32xf32>, vector<32x128xf32>, vector<400x128xf32> -> vector<400x128xf32>
    %broadcast_in_dim3A_135 = vector.shape_cast %dot_general3A_134 : vector<400x128xf32> to vector<1x400x128xf32>
    %get3A_136 = arith.constant 15 : index
    %get3A_137 = arith.constant 0 : index
    %get3A_138 = arith.constant 0 : index
    %get3A_139 = vector.load %arg6[%get3A_136, %get3A_137, %get3A_138] : memref<32x32x128xf32, #tpu.memory_space<vmem>>, vector<1x32x128xf32>
    %get3A_140 = vector.shape_cast %get3A_139 : vector<1x32x128xf32> to vector<32x128xf32>
    %dot_general3A_141 = arith.constant dense<0.000000e+00> : vector<400x128xf32>
    %dot_general3A_142 = tpu.matmul %get3A_16, %get3A_140, %dot_general3A_141 {dimension_numbers = #tpu.dot_dimension_numbers<[1], [0], [0], [1], [0, 0, 1, 1], [], []>, transpose_lhs_hint = false} : vector<400x32xf32>, vector<32x128xf32>, vector<400x128xf32> -> vector<400x128xf32>
    %broadcast_in_dim3A_143 = vector.shape_cast %dot_general3A_142 : vector<400x128xf32> to vector<1x400x128xf32>
    %get3A_144 = arith.constant 16 : index
    %get3A_145 = arith.constant 0 : index
    %get3A_146 = arith.constant 0 : index
    %get3A_147 = vector.load %arg6[%get3A_144, %get3A_145, %get3A_146] : memref<32x32x128xf32, #tpu.memory_space<vmem>>, vector<1x32x128xf32>
    %get3A_148 = vector.shape_cast %get3A_147 : vector<1x32x128xf32> to vector<32x128xf32>
    %dot_general3A_149 = arith.constant dense<0.000000e+00> : vector<400x128xf32>
    %dot_general3A_150 = tpu.matmul %get3A_16, %get3A_148, %dot_general3A_149 {dimension_numbers = #tpu.dot_dimension_numbers<[1], [0], [0], [1], [0, 0, 1, 1], [], []>, transpose_lhs_hint = false} : vector<400x32xf32>, vector<32x128xf32>, vector<400x128xf32> -> vector<400x128xf32>
    %broadcast_in_dim3A_151 = vector.shape_cast %dot_general3A_150 : vector<400x128xf32> to vector<1x400x128xf32>
    %get3A_152 = arith.constant 17 : index
    %get3A_153 = arith.constant 0 : index
    %get3A_154 = arith.constant 0 : index
    %get3A_155 = vector.load %arg6[%get3A_152, %get3A_153, %get3A_154] : memref<32x32x128xf32, #tpu.memory_space<vmem>>, vector<1x32x128xf32>
    %get3A_156 = vector.shape_cast %get3A_155 : vector<1x32x128xf32> to vector<32x128xf32>
    %dot_general3A_157 = arith.constant dense<0.000000e+00> : vector<400x128xf32>
    %dot_general3A_158 = tpu.matmul %get3A_16, %get3A_156, %dot_general3A_157 {dimension_numbers = #tpu.dot_dimension_numbers<[1], [0], [0], [1], [0, 0, 1, 1], [], []>, transpose_lhs_hint = false} : vector<400x32xf32>, vector<32x128xf32>, vector<400x128xf32> -> vector<400x128xf32>
    %broadcast_in_dim3A_159 = vector.shape_cast %dot_general3A_158 : vector<400x128xf32> to vector<1x400x128xf32>
    %get3A_160 = arith.constant 18 : index
    %get3A_161 = arith.constant 0 : index
    %get3A_162 = arith.constant 0 : index
    %get3A_163 = vector.load %arg6[%get3A_160, %get3A_161, %get3A_162] : memref<32x32x128xf32, #tpu.memory_space<vmem>>, vector<1x32x128xf32>
    %get3A_164 = vector.shape_cast %get3A_163 : vector<1x32x128xf32> to vector<32x128xf32>
    %dot_general3A_165 = arith.constant dense<0.000000e+00> : vector<400x128xf32>
    %dot_general3A_166 = tpu.matmul %get3A_16, %get3A_164, %dot_general3A_165 {dimension_numbers = #tpu.dot_dimension_numbers<[1], [0], [0], [1], [0, 0, 1, 1], [], []>, transpose_lhs_hint = false} : vector<400x32xf32>, vector<32x128xf32>, vector<400x128xf32> -> vector<400x128xf32>
    %broadcast_in_dim3A_167 = vector.shape_cast %dot_general3A_166 : vector<400x128xf32> to vector<1x400x128xf32>
    %get3A_168 = arith.constant 19 : index
    %get3A_169 = arith.constant 0 : index
    %get3A_170 = arith.constant 0 : index
    %get3A_171 = vector.load %arg6[%get3A_168, %get3A_169, %get3A_170] : memref<32x32x128xf32, #tpu.memory_space<vmem>>, vector<1x32x128xf32>
    %get3A_172 = vector.shape_cast %get3A_171 : vector<1x32x128xf32> to vector<32x128xf32>
    %dot_general3A_173 = arith.constant dense<0.000000e+00> : vector<400x128xf32>
    %dot_general3A_174 = tpu.matmul %get3A_16, %get3A_172, %dot_general3A_173 {dimension_numbers = #tpu.dot_dimension_numbers<[1], [0], [0], [1], [0, 0, 1, 1], [], []>, transpose_lhs_hint = false} : vector<400x32xf32>, vector<32x128xf32>, vector<400x128xf32> -> vector<400x128xf32>
    %broadcast_in_dim3A_175 = vector.shape_cast %dot_general3A_174 : vector<400x128xf32> to vector<1x400x128xf32>
    %get3A_176 = arith.constant 20 : index
    %get3A_177 = arith.constant 0 : index
    %get3A_178 = arith.constant 0 : index
    %get3A_179 = vector.load %arg6[%get3A_176, %get3A_177, %get3A_178] : memref<32x32x128xf32, #tpu.memory_space<vmem>>, vector<1x32x128xf32>
    %get3A_180 = vector.shape_cast %get3A_179 : vector<1x32x128xf32> to vector<32x128xf32>
    %dot_general3A_181 = arith.constant dense<0.000000e+00> : vector<400x128xf32>
    %dot_general3A_182 = tpu.matmul %get3A_16, %get3A_180, %dot_general3A_181 {dimension_numbers = #tpu.dot_dimension_numbers<[1], [0], [0], [1], [0, 0, 1, 1], [], []>, transpose_lhs_hint = false} : vector<400x32xf32>, vector<32x128xf32>, vector<400x128xf32> -> vector<400x128xf32>
    %broadcast_in_dim3A_183 = vector.shape_cast %dot_general3A_182 : vector<400x128xf32> to vector<1x400x128xf32>
    %get3A_184 = arith.constant 21 : index
    %get3A_185 = arith.constant 0 : index
    %get3A_186 = arith.constant 0 : index
    %get3A_187 = vector.load %arg6[%get3A_184, %get3A_185, %get3A_186] : memref<32x32x128xf32, #tpu.memory_space<vmem>>, vector<1x32x128xf32>
    %get3A_188 = vector.shape_cast %get3A_187 : vector<1x32x128xf32> to vector<32x128xf32>
    %dot_general3A_189 = arith.constant dense<0.000000e+00> : vector<400x128xf32>
    %dot_general3A_190 = tpu.matmul %get3A_16, %get3A_188, %dot_general3A_189 {dimension_numbers = #tpu.dot_dimension_numbers<[1], [0], [0], [1], [0, 0, 1, 1], [], []>, transpose_lhs_hint = false} : vector<400x32xf32>, vector<32x128xf32>, vector<400x128xf32> -> vector<400x128xf32>
    %broadcast_in_dim3A_191 = vector.shape_cast %dot_general3A_190 : vector<400x128xf32> to vector<1x400x128xf32>
    %get3A_192 = arith.constant 22 : index
    %get3A_193 = arith.constant 0 : index
    %get3A_194 = arith.constant 0 : index
    %get3A_195 = vector.load %arg6[%get3A_192, %get3A_193, %get3A_194] : memref<32x32x128xf32, #tpu.memory_space<vmem>>, vector<1x32x128xf32>
    %get3A_196 = vector.shape_cast %get3A_195 : vector<1x32x128xf32> to vector<32x128xf32>
    %dot_general3A_197 = arith.constant dense<0.000000e+00> : vector<400x128xf32>
    %dot_general3A_198 = tpu.matmul %get3A_16, %get3A_196, %dot_general3A_197 {dimension_numbers = #tpu.dot_dimension_numbers<[1], [0], [0], [1], [0, 0, 1, 1], [], []>, transpose_lhs_hint = false} : vector<400x32xf32>, vector<32x128xf32>, vector<400x128xf32> -> vector<400x128xf32>
    %broadcast_in_dim3A_199 = vector.shape_cast %dot_general3A_198 : vector<400x128xf32> to vector<1x400x128xf32>
    %get3A_200 = arith.constant 23 : index
    %get3A_201 = arith.constant 0 : index
    %get3A_202 = arith.constant 0 : index
    %get3A_203 = vector.load %arg6[%get3A_200, %get3A_201, %get3A_202] : memref<32x32x128xf32, #tpu.memory_space<vmem>>, vector<1x32x128xf32>
    %get3A_204 = vector.shape_cast %get3A_203 : vector<1x32x128xf32> to vector<32x128xf32>
    %dot_general3A_205 = arith.constant dense<0.000000e+00> : vector<400x128xf32>
    %dot_general3A_206 = tpu.matmul %get3A_16, %get3A_204, %dot_general3A_205 {dimension_numbers = #tpu.dot_dimension_numbers<[1], [0], [0], [1], [0, 0, 1, 1], [], []>, transpose_lhs_hint = false} : vector<400x32xf32>, vector<32x128xf32>, vector<400x128xf32> -> vector<400x128xf32>
    %broadcast_in_dim3A_207 = vector.shape_cast %dot_general3A_206 : vector<400x128xf32> to vector<1x400x128xf32>
    %get3A_208 = arith.constant 24 : index
    %get3A_209 = arith.constant 0 : index
    %get3A_210 = arith.constant 0 : index
    %get3A_211 = vector.load %arg6[%get3A_208, %get3A_209, %get3A_210] : memref<32x32x128xf32, #tpu.memory_space<vmem>>, vector<1x32x128xf32>
    %get3A_212 = vector.shape_cast %get3A_211 : vector<1x32x128xf32> to vector<32x128xf32>
    %dot_general3A_213 = arith.constant dense<0.000000e+00> : vector<400x128xf32>
    %dot_general3A_214 = tpu.matmul %get3A_16, %get3A_212, %dot_general3A_213 {dimension_numbers = #tpu.dot_dimension_numbers<[1], [0], [0], [1], [0, 0, 1, 1], [], []>, transpose_lhs_hint = false} : vector<400x32xf32>, vector<32x128xf32>, vector<400x128xf32> -> vector<400x128xf32>
    %broadcast_in_dim3A_215 = vector.shape_cast %dot_general3A_214 : vector<400x128xf32> to vector<1x400x128xf32>
    %get3A_216 = arith.constant 25 : index
    %get3A_217 = arith.constant 0 : index
    %get3A_218 = arith.constant 0 : index
    %get3A_219 = vector.load %arg6[%get3A_216, %get3A_217, %get3A_218] : memref<32x32x128xf32, #tpu.memory_space<vmem>>, vector<1x32x128xf32>
    %get3A_220 = vector.shape_cast %get3A_219 : vector<1x32x128xf32> to vector<32x128xf32>
    %dot_general3A_221 = arith.constant dense<0.000000e+00> : vector<400x128xf32>
    %dot_general3A_222 = tpu.matmul %get3A_16, %get3A_220, %dot_general3A_221 {dimension_numbers = #tpu.dot_dimension_numbers<[1], [0], [0], [1], [0, 0, 1, 1], [], []>, transpose_lhs_hint = false} : vector<400x32xf32>, vector<32x128xf32>, vector<400x128xf32> -> vector<400x128xf32>
    %broadcast_in_dim3A_223 = vector.shape_cast %dot_general3A_222 : vector<400x128xf32> to vector<1x400x128xf32>
    %get3A_224 = arith.constant 26 : index
    %get3A_225 = arith.constant 0 : index
    %get3A_226 = arith.constant 0 : index
    %get3A_227 = vector.load %arg6[%get3A_224, %get3A_225, %get3A_226] : memref<32x32x128xf32, #tpu.memory_space<vmem>>, vector<1x32x128xf32>
    %get3A_228 = vector.shape_cast %get3A_227 : vector<1x32x128xf32> to vector<32x128xf32>
    %dot_general3A_229 = arith.constant dense<0.000000e+00> : vector<400x128xf32>
    %dot_general3A_230 = tpu.matmul %get3A_16, %get3A_228, %dot_general3A_229 {dimension_numbers = #tpu.dot_dimension_numbers<[1], [0], [0], [1], [0, 0, 1, 1], [], []>, transpose_lhs_hint = false} : vector<400x32xf32>, vector<32x128xf32>, vector<400x128xf32> -> vector<400x128xf32>
    %broadcast_in_dim3A_231 = vector.shape_cast %dot_general3A_230 : vector<400x128xf32> to vector<1x400x128xf32>
    %get3A_232 = arith.constant 27 : index
    %get3A_233 = arith.constant 0 : index
    %get3A_234 = arith.constant 0 : index
    %get3A_235 = vector.load %arg6[%get3A_232, %get3A_233, %get3A_234] : memref<32x32x128xf32, #tpu.memory_space<vmem>>, vector<1x32x128xf32>
    %get3A_236 = vector.shape_cast %get3A_235 : vector<1x32x128xf32> to vector<32x128xf32>
    %dot_general3A_237 = arith.constant dense<0.000000e+00> : vector<400x128xf32>
    %dot_general3A_238 = tpu.matmul %get3A_16, %get3A_236, %dot_general3A_237 {dimension_numbers = #tpu.dot_dimension_numbers<[1], [0], [0], [1], [0, 0, 1, 1], [], []>, transpose_lhs_hint = false} : vector<400x32xf32>, vector<32x128xf32>, vector<400x128xf32> -> vector<400x128xf32>
    %broadcast_in_dim3A_239 = vector.shape_cast %dot_general3A_238 : vector<400x128xf32> to vector<1x400x128xf32>
    %get3A_240 = arith.constant 28 : index
    %get3A_241 = arith.constant 0 : index
    %get3A_242 = arith.constant 0 : index
    %get3A_243 = vector.load %arg6[%get3A_240, %get3A_241, %get3A_242] : memref<32x32x128xf32, #tpu.memory_space<vmem>>, vector<1x32x128xf32>
    %get3A_244 = vector.shape_cast %get3A_243 : vector<1x32x128xf32> to vector<32x128xf32>
    %dot_general3A_245 = arith.constant dense<0.000000e+00> : vector<400x128xf32>
    %dot_general3A_246 = tpu.matmul %get3A_16, %get3A_244, %dot_general3A_245 {dimension_numbers = #tpu.dot_dimension_numbers<[1], [0], [0], [1], [0, 0, 1, 1], [], []>, transpose_lhs_hint = false} : vector<400x32xf32>, vector<32x128xf32>, vector<400x128xf32> -> vector<400x128xf32>
    %broadcast_in_dim3A_247 = vector.shape_cast %dot_general3A_246 : vector<400x128xf32> to vector<1x400x128xf32>
    %get3A_248 = arith.constant 29 : index
    %get3A_249 = arith.constant 0 : index
    %get3A_250 = arith.constant 0 : index
    %get3A_251 = vector.load %arg6[%get3A_248, %get3A_249, %get3A_250] : memref<32x32x128xf32, #tpu.memory_space<vmem>>, vector<1x32x128xf32>
    %get3A_252 = vector.shape_cast %get3A_251 : vector<1x32x128xf32> to vector<32x128xf32>
    %dot_general3A_253 = arith.constant dense<0.000000e+00> : vector<400x128xf32>
    %dot_general3A_254 = tpu.matmul %get3A_16, %get3A_252, %dot_general3A_253 {dimension_numbers = #tpu.dot_dimension_numbers<[1], [0], [0], [1], [0, 0, 1, 1], [], []>, transpose_lhs_hint = false} : vector<400x32xf32>, vector<32x128xf32>, vector<400x128xf32> -> vector<400x128xf32>
    %broadcast_in_dim3A_255 = vector.shape_cast %dot_general3A_254 : vector<400x128xf32> to vector<1x400x128xf32>
    %get3A_256 = arith.constant 30 : index
    %get3A_257 = arith.constant 0 : index
    %get3A_258 = arith.constant 0 : index
    %get3A_259 = vector.load %arg6[%get3A_256, %get3A_257, %get3A_258] : memref<32x32x128xf32, #tpu.memory_space<vmem>>, vector<1x32x128xf32>
    %get3A_260 = vector.shape_cast %get3A_259 : vector<1x32x128xf32> to vector<32x128xf32>
    %dot_general3A_261 = arith.constant dense<0.000000e+00> : vector<400x128xf32>
    %dot_general3A_262 = tpu.matmul %get3A_16, %get3A_260, %dot_general3A_261 {dimension_numbers = #tpu.dot_dimension_numbers<[1], [0], [0], [1], [0, 0, 1, 1], [], []>, transpose_lhs_hint = false} : vector<400x32xf32>, vector<32x128xf32>, vector<400x128xf32> -> vector<400x128xf32>
    %broadcast_in_dim3A_263 = vector.shape_cast %dot_general3A_262 : vector<400x128xf32> to vector<1x400x128xf32>
    %get3A_264 = arith.constant 31 : index
    %get3A_265 = arith.constant 0 : index
    %get3A_266 = arith.constant 0 : index
    %get3A_267 = vector.load %arg6[%get3A_264, %get3A_265, %get3A_266] : memref<32x32x128xf32, #tpu.memory_space<vmem>>, vector<1x32x128xf32>
    %get3A_268 = vector.shape_cast %get3A_267 : vector<1x32x128xf32> to vector<32x128xf32>
    %dot_general3A_269 = arith.constant dense<0.000000e+00> : vector<400x128xf32>
    %dot_general3A_270 = tpu.matmul %get3A_16, %get3A_268, %dot_general3A_269 {dimension_numbers = #tpu.dot_dimension_numbers<[1], [0], [0], [1], [0, 0, 1, 1], [], []>, transpose_lhs_hint = false} : vector<400x32xf32>, vector<32x128xf32>, vector<400x128xf32> -> vector<400x128xf32>
    %broadcast_in_dim3A_271 = vector.shape_cast %dot_general3A_270 : vector<400x128xf32> to vector<1x400x128xf32>
    %concatenate3A = tpu.concatenate %broadcast_in_dim3A, %broadcast_in_dim3A_31, %broadcast_in_dim3A_39, %broadcast_in_dim3A_47, %broadcast_in_dim3A_55, %broadcast_in_dim3A_63, %broadcast_in_dim3A_71, %broadcast_in_dim3A_79, %broadcast_in_dim3A_87, %broadcast_in_dim3A_95, %broadcast_in_dim3A_103, %broadcast_in_dim3A_111, %broadcast_in_dim3A_119, %broadcast_in_dim3A_127, %broadcast_in_dim3A_135, %broadcast_in_dim3A_143, %broadcast_in_dim3A_151, %broadcast_in_dim3A_159, %broadcast_in_dim3A_167, %broadcast_in_dim3A_175, %broadcast_in_dim3A_183, %broadcast_in_dim3A_191, %broadcast_in_dim3A_199, %broadcast_in_dim3A_207, %broadcast_in_dim3A_215, %broadcast_in_dim3A_223, %broadcast_in_dim3A_231, %broadcast_in_dim3A_239, %broadcast_in_dim3A_247, %broadcast_in_dim3A_255, %broadcast_in_dim3A_263, %broadcast_in_dim3A_271 in 0 : vector<1x400x128xf32>, vector<1x400x128xf32>, vector<1x400x128xf32>, vector<1x400x128xf32>, vector<1x400x128xf32>, vector<1x400x128xf32>, vector<1x400x128xf32>, vector<1x400x128xf32>, vector<1x400x128xf32>, vector<1x400x128xf32>, vector<1x400x128xf32>, vector<1x400x128xf32>, vector<1x400x128xf32>, vector<1x400x128xf32>, vector<1x400x128xf32>, vector<1x400x128xf32>, vector<1x400x128xf32>, vector<1x400x128xf32>, vector<1x400x128xf32>, vector<1x400x128xf32>, vector<1x400x128xf32>, vector<1x400x128xf32>, vector<1x400x128xf32>, vector<1x400x128xf32>, vector<1x400x128xf32>, vector<1x400x128xf32>, vector<1x400x128xf32>, vector<1x400x128xf32>, vector<1x400x128xf32>, vector<1x400x128xf32>, vector<1x400x128xf32>, vector<1x400x128xf32> -> vector<32x400x128xf32>
    %get3A_272 = arith.constant 0 : index
    %get3A_273 = arith.constant 0 : index
    %get3A_274 = vector.load %arg4[%get3A_272, %get3A_273] : memref<128x128xf32, #tpu.memory_space<vmem>>, vector<128x128xf32>
    %dot_general3A_275 = arith.constant dense<0.000000e+00> : vector<12800x128xf32>
    %dot_general3A_276 = tpu.matmul %reshape3A, %get3A_274, %dot_general3A_275 {dimension_numbers = #tpu.dot_dimension_numbers<[1], [0], [0], [1], [0, 0, 1, 1], [], []>, transpose_lhs_hint = false} : vector<12800x128xf32>, vector<128x128xf32>, vector<12800x128xf32> -> vector<12800x128xf32>
    %reshape3A_277 = vector.shape_cast %dot_general3A_276 : vector<12800x128xf32> to vector<32x400x128xf32>
    %broadcast_in_dim3A_278 = vector.shape_cast %add3A_13 : vector<400x128xf32> to vector<1x400x128xf32>
    %add3A_279 = vector.broadcast %broadcast_in_dim3A_278 : vector<1x400x128xf32> to vector<32x400x128xf32>
    %add3A_280 = arith.addf %reshape3A_277, %add3A_279 : vector<32x400x128xf32>
    %add3A_281 = arith.addf %add3A_280, %concatenate3A : vector<32x400x128xf32>
    %max3A = arith.constant 0.000000e+00 : f32
    %max3A_282 = vector.broadcast %max3A : f32 to vector<32x400x128xf32>
    %max3A_283 = arith.maximumf %add3A_281, %max3A_282 : vector<32x400x128xf32>
    %reshape3A_284 = vector.shape_cast %max3A_283 : vector<32x400x128xf32> to vector<12800x128xf32>
    %get3A_285 = arith.constant 0 : index
    %get3A_286 = arith.constant 0 : index
    %get3A_287 = vector.load %arg8[%get3A_285, %get3A_286] : memref<128x128xf32, #tpu.memory_space<vmem>>, vector<128x128xf32>
    %dot_general3A_288 = arith.constant dense<0.000000e+00> : vector<12800x128xf32>
    %dot_general3A_289 = tpu.matmul %reshape3A_284, %get3A_287, %dot_general3A_288 {dimension_numbers = #tpu.dot_dimension_numbers<[1], [0], [0], [1], [0, 0, 1, 1], [], []>, transpose_lhs_hint = false} : vector<12800x128xf32>, vector<128x128xf32>, vector<12800x128xf32> -> vector<12800x128xf32>
    %get3A_290 = arith.constant 0 : index
    %get3A_291 = arith.constant 0 : index
    %get3A_292 = vector.load %arg9[%get3A_290, %get3A_291] : memref<1x128xf32, #tpu.memory_space<vmem>>, vector<1x128xf32>
    %add3A_293 = vector.broadcast %get3A_292 : vector<1x128xf32> to vector<12800x128xf32>
    %add3A_294 = arith.addf %dot_general3A_289, %add3A_293 : vector<12800x128xf32>
    %max3A_295 = arith.constant 0.000000e+00 : f32
    %max3A_296 = vector.broadcast %max3A_295 : f32 to vector<12800x128xf32>
    %max3A_297 = arith.maximumf %add3A_294, %max3A_296 : vector<12800x128xf32>
    %get3A_298 = arith.constant 0 : index
    %get3A_299 = arith.constant 0 : index
    %get3A_300 = vector.load %arg10[%get3A_298, %get3A_299] : memref<128x128xf32, #tpu.memory_space<vmem>>, vector<128x128xf32>
    %dot_general3A_301 = arith.constant dense<0.000000e+00> : vector<12800x128xf32>
    %dot_general3A_302 = tpu.matmul %max3A_297, %get3A_300, %dot_general3A_301 {dimension_numbers = #tpu.dot_dimension_numbers<[1], [0], [0], [1], [0, 0, 1, 1], [], []>, transpose_lhs_hint = false} : vector<12800x128xf32>, vector<128x128xf32>, vector<12800x128xf32> -> vector<12800x128xf32>
    %reshape3A_303 = vector.shape_cast %dot_general3A_302 : vector<12800x128xf32> to vector<32x400x128xf32>
    %exp3A = math.exp %reshape3A_303 : vector<32x400x128xf32>
    %reduce_sum3A = arith.constant dense<0.000000e+00> : vector<400x128xf32>
    %reduce_sum3A_304 = vector.multi_reduction <add>, %exp3A, %reduce_sum3A [0] : vector<32x400x128xf32> to vector<400x128xf32>
    %mul3A = arith.mulf %exp3A, %get3A_2 : vector<32x400x128xf32>
    %reduce_sum3A_305 = arith.constant dense<0.000000e+00> : vector<400x128xf32>
    %reduce_sum3A_306 = vector.multi_reduction <add>, %mul3A, %reduce_sum3A_305 [0] : vector<32x400x128xf32> to vector<400x128xf32>
    %div3A = arith.divf %reduce_sum3A_306, %reduce_sum3A_304 : vector<400x128xf32>
    %swap3A = arith.constant 0 : index
    %swap3A_307 = arith.constant 0 : index
    %swap3A_308 = vector.load %arg11[%swap3A, %swap3A_307] : memref<400x128xf32, #tpu.memory_space<vmem>>, vector<400x128xf32>
    tpu.vector_store %arg11[%swap3A, %swap3A_307], %div3A {strides = array<i32>} : memref<400x128xf32, #tpu.memory_space<vmem>>, vector<400x128xf32>,
    return
  }
  func.func @transform_0(%arg0: i32) -> (i32, i32, i32) {
    %c0_i32 = arith.constant 0 : i32
    %c0_i32_0 = arith.constant 0 : i32
    %c0_i32_1 = arith.constant 0 : i32
    return %c0_i32, %arg0, %c0_i32_0 : i32, i32, i32
  }
  func.func @transform_1(%arg0: i32) -> (i32, i32) {
    %add3A = arith.constant 0 : i32
    %add3A_0 = arith.addi %arg0, %add3A : i32
    %c0_i32 = arith.constant 0 : i32
    %c0_i32_1 = arith.constant 0 : i32
    return %add3A_0, %c0_i32 : i32, i32
  }
  func.func @transform_2(%arg0: i32) -> (i32, i32) {
    %add3A = arith.constant 0 : i32
    %add3A_0 = arith.addi %arg0, %add3A : i32
    %c0_i32 = arith.constant 0 : i32
    %c0_i32_1 = arith.constant 0 : i32
    return %add3A_0, %c0_i32 : i32, i32
  }
  func.func @transform_3(%arg0: i32) -> (i32, i32) {
    %c0_i32 = arith.constant 0 : i32
    %c0_i32_0 = arith.constant 0 : i32
    %c0_i32_1 = arith.constant 0 : i32
    return %c0_i32, %c0_i32_0 : i32, i32
  }
  func.func @transform_4(%arg0: i32) -> (i32, i32) {
    %c0_i32 = arith.constant 0 : i32
    %c0_i32_0 = arith.constant 0 : i32
    %c0_i32_1 = arith.constant 0 : i32
    return %c0_i32, %c0_i32_0 : i32, i32
  }
  func.func @transform_5(%arg0: i32) -> (i32, i32, i32) {
    %c0_i32 = arith.constant 0 : i32
    %c0_i32_0 = arith.constant 0 : i32
    %c0_i32_1 = arith.constant 0 : i32
    %c0_i32_2 = arith.constant 0 : i32
    return %c0_i32, %c0_i32_0, %c0_i32_1 : i32, i32, i32
  }
  func.func @transform_6(%arg0: i32) -> (i32, i32) {
    %c0_i32 = arith.constant 0 : i32
    %c0_i32_0 = arith.constant 0 : i32
    %c0_i32_1 = arith.constant 0 : i32
    return %c0_i32, %c0_i32_0 : i32, i32
  }
  func.func @transform_7(%arg0: i32) -> (i32, i32) {
    %c0_i32 = arith.constant 0 : i32
    %c0_i32_0 = arith.constant 0 : i32
    %c0_i32_1 = arith.constant 0 : i32
    return %c0_i32, %c0_i32_0 : i32, i32
  }
  func.func @transform_8(%arg0: i32) -> (i32, i32) {
    %c0_i32 = arith.constant 0 : i32
    %c0_i32_0 = arith.constant 0 : i32
    %c0_i32_1 = arith.constant 0 : i32
    return %c0_i32, %c0_i32_0 : i32, i32
  }
  func.func @transform_9(%arg0: i32) -> (i32, i32) {
    %c0_i32 = arith.constant 0 : i32
    %c0_i32_0 = arith.constant 0 : i32
    %c0_i32_1 = arith.constant 0 : i32
    return %c0_i32, %c0_i32_0 : i32, i32
  }
  func.func @transform_10(%arg0: i32) -> (i32, i32) {
    %c0_i32 = arith.constant 0 : i32
    %c0_i32_0 = arith.constant 0 : i32
    return %arg0, %c0_i32 : i32, i32
  }
}

module attributes {stable_mosaic.version = 14 : i64} {
  func.func @_tc_body(%arg0: i32, %arg1: memref<32x400x128xf32, #tpu.memory_space<vmem>>, %arg2: memref<400x128xf32, #tpu.memory_space<vmem>>, %arg3: memref<400x32xf32, #tpu.memory_space<vmem>>, %arg4: memref<128x128xf32, #tpu.memory_space<vmem>>, %arg5: memref<128x128xf32, #tpu.memory_space<vmem>>, %arg6: memref<32x32x128xf32, #tpu.memory_space<vmem>>, %arg7: memref<1x128xf32, #tpu.memory_space<vmem>>, %arg8: memref<128x128xf32, #tpu.memory_space<vmem>>, %arg9: memref<1x128xf32, #tpu.memory_space<vmem>>, %arg10: memref<128x128xf32, #tpu.memory_space<vmem>>, %arg11: memref<400x128xf32, #tpu.memory_space<vmem>>) attributes {dimension_semantics = [#tpu.dimension_semantics<arbitrary>], iteration_bounds = array<i64: 7>, scalar_prefetch = 0 : i64, scratch_operands = 0 : i64, tpu.core_type = #tpu.core_type<tc>, window_params = [{transform_indices = @transform_0, window_bounds = array<i64: 32, 400, 128>}, {transform_indices = @transform_1, window_bounds = array<i64: 400, 128>}, {transform_indices = @transform_2, window_bounds = array<i64: 400, 32>}, {pipeline_mode = #tpu.pipeline_mode<synchronous>, transform_indices = @transform_3, window_bounds = array<i64: 128, 128>}, {pipeline_mode = #tpu.pipeline_mode<synchronous>, transform_indices = @transform_4, window_bounds = array<i64: 128, 128>}, {pipeline_mode = #tpu.pipeline_mode<synchronous>, transform_indices = @transform_5, window_bounds = array<i64: 32, 32, 128>}, {pipeline_mode = #tpu.pipeline_mode<synchronous>, transform_indices = @transform_6, window_bounds = array<i64: 1, 128>}, {pipeline_mode = #tpu.pipeline_mode<synchronous>, transform_indices = @transform_7, window_bounds = array<i64: 128, 128>}, {pipeline_mode = #tpu.pipeline_mode<synchronous>, transform_indices = @transform_8, window_bounds = array<i64: 1, 128>}, {pipeline_mode = #tpu.pipeline_mode<synchronous>, transform_indices = @transform_9, window_bounds = array<i64: 128, 128>}, {transform_indices = @transform_10, window_bounds = array<i64: 400, 128>}]} {
    %get3A = arith.constant 0 : index
    %get3A_0 = arith.constant 0 : index
    %get3A_1 = arith.constant 0 : index
    %get3A_2 = vector.load %arg1[%get3A, %get3A_0, %get3A_1] : memref<32x400x128xf32, #tpu.memory_space<vmem>>, vector<32x400x128xf32>
    %reshape3A = vector.shape_cast %get3A_2 : vector<32x400x128xf32> to vector<12800x128xf32>
    %get3A_3 = arith.constant 0 : index
    %get3A_4 = arith.constant 0 : index
    %get3A_5 = vector.load %arg2[%get3A_3, %get3A_4] : memref<400x128xf32, #tpu.memory_space<vmem>>, vector<400x128xf32>
    %get3A_6 = arith.constant 0 : index
    %get3A_7 = arith.constant 0 : index
    %get3A_8 = vector.load %arg5[%get3A_6, %get3A_7] : memref<128x128xf32, #tpu.memory_space<vmem>>, vector<128x128xf32>
    %dot_general3A = arith.constant dense<0.000000e+00> : vector<400x128xf32>
    %dot_general3A_9 = tpu.matmul %get3A_5, %get3A_8, %dot_general3A {dimension_numbers = #tpu.dot_dimension_numbers<[1], [0], [0], [1], [0, 0, 1, 1], [], []>, transpose_lhs_hint = false} : vector<400x128xf32>, vector<128x128xf32>, vector<400x128xf32> -> vector<400x128xf32>
    %get3A_10 = arith.constant 0 : index
    %get3A_11 = arith.constant 0 : index
    %get3A_12 = vector.load %arg7[%get3A_10, %get3A_11] : memref<1x128xf32, #tpu.memory_space<vmem>>, vector<1x128xf32>
    %add3A = vector.broadcast %get3A_12 : vector<1x128xf32> to vector<400x128xf32>
    %add3A_13 = arith.addf %dot_general3A_9, %add3A : vector<400x128xf32>
    %get3A_14 = arith.constant 0 : index
    %get3A_15 = arith.constant 0 : index
    %get3A_16 = vector.load %arg3[%get3A_14, %get3A_15] : memref<400x32xf32, #tpu.memory_space<vmem>>, vector<400x32xf32>
    %get3A_17 = arith.constant 0 : index
    %get3A_18 = arith.constant 0 : index
    %get3A_19 = arith.constant 0 : index
    %get3A_20 = vector.load %arg6[%get3A_17, %get3A_18, %get3A_19] : memref<32x32x128xf32, #tpu.memory_space<vmem>>, vector<1x32x128xf32>
    %get3A_21 = vector.shape_cast %get3A_20 : vector<1x32x128xf32> to vector<32x128xf32>
    %dot_general3A_22 = arith.constant dense<0.000000e+00> : vector<400x128xf32>
    %dot_general3A_23 = tpu.matmul %get3A_16, %get3A_21, %dot_general3A_22 {dimension_numbers = #tpu.dot_dimension_numbers<[1], [0], [0], [1], [0, 0, 1, 1], [], []>, transpose_lhs_hint = false} : vector<400x32xf32>, vector<32x128xf32>, vector<400x128xf32> -> vector<400x128xf32>
    %broadcast_in_dim3A = vector.shape_cast %dot_general3A_23 : vector<400x128xf32> to vector<1x400x128xf32>
    %get3A_24 = arith.constant 1 : index
    %get3A_25 = arith.constant 0 : index
    %get3A_26 = arith.constant 0 : index
    %get3A_27 = vector.load %arg6[%get3A_24, %get3A_25, %get3A_26] : memref<32x32x128xf32, #tpu.memory_space<vmem>>, vector<1x32x128xf32>
    %get3A_28 = vector.shape_cast %get3A_27 : vector<1x32x128xf32> to vector<32x128xf32>
    %dot_general3A_29 = arith.constant dense<0.000000e+00> : vector<400x128xf32>
    %dot_general3A_30 = tpu.matmul %get3A_16, %get3A_28, %dot_general3A_29 {dimension_numbers = #tpu.dot_dimension_numbers<[1], [0], [0], [1], [0, 0, 1, 1], [], []>, transpose_lhs_hint = false} : vector<400x32xf32>, vector<32x128xf32>, vector<400x128xf32> -> vector<400x128xf32>
    %broadcast_in_dim3A_31 = vector.shape_cast %dot_general3A_30 : vector<400x128xf32> to vector<1x400x128xf32>
    %get3A_32 = arith.constant 2 : index
    %get3A_33 = arith.constant 0 : index
    %get3A_34 = arith.constant 0 : index
    %get3A_35 = vector.load %arg6[%get3A_32, %get3A_33, %get3A_34] : memref<32x32x128xf32, #tpu.memory_space<vmem>>, vector<1x32x128xf32>
    %get3A_36 = vector.shape_cast %get3A_35 : vector<1x32x128xf32> to vector<32x128xf32>
    %dot_general3A_37 = arith.constant dense<0.000000e+00> : vector<400x128xf32>
    %dot_general3A_38 = tpu.matmul %get3A_16, %get3A_36, %dot_general3A_37 {dimension_numbers = #tpu.dot_dimension_numbers<[1], [0], [0], [1], [0, 0, 1, 1], [], []>, transpose_lhs_hint = false} : vector<400x32xf32>, vector<32x128xf32>, vector<400x128xf32> -> vector<400x128xf32>
    %broadcast_in_dim3A_39 = vector.shape_cast %dot_general3A_38 : vector<400x128xf32> to vector<1x400x128xf32>
    %get3A_40 = arith.constant 3 : index
    %get3A_41 = arith.constant 0 : index
    %get3A_42 = arith.constant 0 : index
    %get3A_43 = vector.load %arg6[%get3A_40, %get3A_41, %get3A_42] : memref<32x32x128xf32, #tpu.memory_space<vmem>>, vector<1x32x128xf32>
    %get3A_44 = vector.shape_cast %get3A_43 : vector<1x32x128xf32> to vector<32x128xf32>
    %dot_general3A_45 = arith.constant dense<0.000000e+00> : vector<400x128xf32>
    %dot_general3A_46 = tpu.matmul %get3A_16, %get3A_44, %dot_general3A_45 {dimension_numbers = #tpu.dot_dimension_numbers<[1], [0], [0], [1], [0, 0, 1, 1], [], []>, transpose_lhs_hint = false} : vector<400x32xf32>, vector<32x128xf32>, vector<400x128xf32> -> vector<400x128xf32>
    %broadcast_in_dim3A_47 = vector.shape_cast %dot_general3A_46 : vector<400x128xf32> to vector<1x400x128xf32>
    %get3A_48 = arith.constant 4 : index
    %get3A_49 = arith.constant 0 : index
    %get3A_50 = arith.constant 0 : index
    %get3A_51 = vector.load %arg6[%get3A_48, %get3A_49, %get3A_50] : memref<32x32x128xf32, #tpu.memory_space<vmem>>, vector<1x32x128xf32>
    %get3A_52 = vector.shape_cast %get3A_51 : vector<1x32x128xf32> to vector<32x128xf32>
    %dot_general3A_53 = arith.constant dense<0.000000e+00> : vector<400x128xf32>
    %dot_general3A_54 = tpu.matmul %get3A_16, %get3A_52, %dot_general3A_53 {dimension_numbers = #tpu.dot_dimension_numbers<[1], [0], [0], [1], [0, 0, 1, 1], [], []>, transpose_lhs_hint = false} : vector<400x32xf32>, vector<32x128xf32>, vector<400x128xf32> -> vector<400x128xf32>
    %broadcast_in_dim3A_55 = vector.shape_cast %dot_general3A_54 : vector<400x128xf32> to vector<1x400x128xf32>
    %get3A_56 = arith.constant 5 : index
    %get3A_57 = arith.constant 0 : index
    %get3A_58 = arith.constant 0 : index
    %get3A_59 = vector.load %arg6[%get3A_56, %get3A_57, %get3A_58] : memref<32x32x128xf32, #tpu.memory_space<vmem>>, vector<1x32x128xf32>
    %get3A_60 = vector.shape_cast %get3A_59 : vector<1x32x128xf32> to vector<32x128xf32>
    %dot_general3A_61 = arith.constant dense<0.000000e+00> : vector<400x128xf32>
    %dot_general3A_62 = tpu.matmul %get3A_16, %get3A_60, %dot_general3A_61 {dimension_numbers = #tpu.dot_dimension_numbers<[1], [0], [0], [1], [0, 0, 1, 1], [], []>, transpose_lhs_hint = false} : vector<400x32xf32>, vector<32x128xf32>, vector<400x128xf32> -> vector<400x128xf32>
    %broadcast_in_dim3A_63 = vector.shape_cast %dot_general3A_62 : vector<400x128xf32> to vector<1x400x128xf32>
    %get3A_64 = arith.constant 6 : index
    %get3A_65 = arith.constant 0 : index
    %get3A_66 = arith.constant 0 : index
    %get3A_67 = vector.load %arg6[%get3A_64, %get3A_65, %get3A_66] : memref<32x32x128xf32, #tpu.memory_space<vmem>>, vector<1x32x128xf32>
    %get3A_68 = vector.shape_cast %get3A_67 : vector<1x32x128xf32> to vector<32x128xf32>
    %dot_general3A_69 = arith.constant dense<0.000000e+00> : vector<400x128xf32>
    %dot_general3A_70 = tpu.matmul %get3A_16, %get3A_68, %dot_general3A_69 {dimension_numbers = #tpu.dot_dimension_numbers<[1], [0], [0], [1], [0, 0, 1, 1], [], []>, transpose_lhs_hint = false} : vector<400x32xf32>, vector<32x128xf32>, vector<400x128xf32> -> vector<400x128xf32>
    %broadcast_in_dim3A_71 = vector.shape_cast %dot_general3A_70 : vector<400x128xf32> to vector<1x400x128xf32>
    %get3A_72 = arith.constant 7 : index
    %get3A_73 = arith.constant 0 : index
    %get3A_74 = arith.constant 0 : index
    %get3A_75 = vector.load %arg6[%get3A_72, %get3A_73, %get3A_74] : memref<32x32x128xf32, #tpu.memory_space<vmem>>, vector<1x32x128xf32>
    %get3A_76 = vector.shape_cast %get3A_75 : vector<1x32x128xf32> to vector<32x128xf32>
    %dot_general3A_77 = arith.constant dense<0.000000e+00> : vector<400x128xf32>
    %dot_general3A_78 = tpu.matmul %get3A_16, %get3A_76, %dot_general3A_77 {dimension_numbers = #tpu.dot_dimension_numbers<[1], [0], [0], [1], [0, 0, 1, 1], [], []>, transpose_lhs_hint = false} : vector<400x32xf32>, vector<32x128xf32>, vector<400x128xf32> -> vector<400x128xf32>
    %broadcast_in_dim3A_79 = vector.shape_cast %dot_general3A_78 : vector<400x128xf32> to vector<1x400x128xf32>
    %get3A_80 = arith.constant 8 : index
    %get3A_81 = arith.constant 0 : index
    %get3A_82 = arith.constant 0 : index
    %get3A_83 = vector.load %arg6[%get3A_80, %get3A_81, %get3A_82] : memref<32x32x128xf32, #tpu.memory_space<vmem>>, vector<1x32x128xf32>
    %get3A_84 = vector.shape_cast %get3A_83 : vector<1x32x128xf32> to vector<32x128xf32>
    %dot_general3A_85 = arith.constant dense<0.000000e+00> : vector<400x128xf32>
    %dot_general3A_86 = tpu.matmul %get3A_16, %get3A_84, %dot_general3A_85 {dimension_numbers = #tpu.dot_dimension_numbers<[1], [0], [0], [1], [0, 0, 1, 1], [], []>, transpose_lhs_hint = false} : vector<400x32xf32>, vector<32x128xf32>, vector<400x128xf32> -> vector<400x128xf32>
    %broadcast_in_dim3A_87 = vector.shape_cast %dot_general3A_86 : vector<400x128xf32> to vector<1x400x128xf32>
    %get3A_88 = arith.constant 9 : index
    %get3A_89 = arith.constant 0 : index
    %get3A_90 = arith.constant 0 : index
    %get3A_91 = vector.load %arg6[%get3A_88, %get3A_89, %get3A_90] : memref<32x32x128xf32, #tpu.memory_space<vmem>>, vector<1x32x128xf32>
    %get3A_92 = vector.shape_cast %get3A_91 : vector<1x32x128xf32> to vector<32x128xf32>
    %dot_general3A_93 = arith.constant dense<0.000000e+00> : vector<400x128xf32>
    %dot_general3A_94 = tpu.matmul %get3A_16, %get3A_92, %dot_general3A_93 {dimension_numbers = #tpu.dot_dimension_numbers<[1], [0], [0], [1], [0, 0, 1, 1], [], []>, transpose_lhs_hint = false} : vector<400x32xf32>, vector<32x128xf32>, vector<400x128xf32> -> vector<400x128xf32>
    %broadcast_in_dim3A_95 = vector.shape_cast %dot_general3A_94 : vector<400x128xf32> to vector<1x400x128xf32>
    %get3A_96 = arith.constant 10 : index
    %get3A_97 = arith.constant 0 : index
    %get3A_98 = arith.constant 0 : index
    %get3A_99 = vector.load %arg6[%get3A_96, %get3A_97, %get3A_98] : memref<32x32x128xf32, #tpu.memory_space<vmem>>, vector<1x32x128xf32>
    %get3A_100 = vector.shape_cast %get3A_99 : vector<1x32x128xf32> to vector<32x128xf32>
    %dot_general3A_101 = arith.constant dense<0.000000e+00> : vector<400x128xf32>
    %dot_general3A_102 = tpu.matmul %get3A_16, %get3A_100, %dot_general3A_101 {dimension_numbers = #tpu.dot_dimension_numbers<[1], [0], [0], [1], [0, 0, 1, 1], [], []>, transpose_lhs_hint = false} : vector<400x32xf32>, vector<32x128xf32>, vector<400x128xf32> -> vector<400x128xf32>
    %broadcast_in_dim3A_103 = vector.shape_cast %dot_general3A_102 : vector<400x128xf32> to vector<1x400x128xf32>
    %get3A_104 = arith.constant 11 : index
    %get3A_105 = arith.constant 0 : index
    %get3A_106 = arith.constant 0 : index
    %get3A_107 = vector.load %arg6[%get3A_104, %get3A_105, %get3A_106] : memref<32x32x128xf32, #tpu.memory_space<vmem>>, vector<1x32x128xf32>
    %get3A_108 = vector.shape_cast %get3A_107 : vector<1x32x128xf32> to vector<32x128xf32>
    %dot_general3A_109 = arith.constant dense<0.000000e+00> : vector<400x128xf32>
    %dot_general3A_110 = tpu.matmul %get3A_16, %get3A_108, %dot_general3A_109 {dimension_numbers = #tpu.dot_dimension_numbers<[1], [0], [0], [1], [0, 0, 1, 1], [], []>, transpose_lhs_hint = false} : vector<400x32xf32>, vector<32x128xf32>, vector<400x128xf32> -> vector<400x128xf32>
    %broadcast_in_dim3A_111 = vector.shape_cast %dot_general3A_110 : vector<400x128xf32> to vector<1x400x128xf32>
    %get3A_112 = arith.constant 12 : index
    %get3A_113 = arith.constant 0 : index
    %get3A_114 = arith.constant 0 : index
    %get3A_115 = vector.load %arg6[%get3A_112, %get3A_113, %get3A_114] : memref<32x32x128xf32, #tpu.memory_space<vmem>>, vector<1x32x128xf32>
    %get3A_116 = vector.shape_cast %get3A_115 : vector<1x32x128xf32> to vector<32x128xf32>
    %dot_general3A_117 = arith.constant dense<0.000000e+00> : vector<400x128xf32>
    %dot_general3A_118 = tpu.matmul %get3A_16, %get3A_116, %dot_general3A_117 {dimension_numbers = #tpu.dot_dimension_numbers<[1], [0], [0], [1], [0, 0, 1, 1], [], []>, transpose_lhs_hint = false} : vector<400x32xf32>, vector<32x128xf32>, vector<400x128xf32> -> vector<400x128xf32>
    %broadcast_in_dim3A_119 = vector.shape_cast %dot_general3A_118 : vector<400x128xf32> to vector<1x400x128xf32>
    %get3A_120 = arith.constant 13 : index
    %get3A_121 = arith.constant 0 : index
    %get3A_122 = arith.constant 0 : index
    %get3A_123 = vector.load %arg6[%get3A_120, %get3A_121, %get3A_122] : memref<32x32x128xf32, #tpu.memory_space<vmem>>, vector<1x32x128xf32>
    %get3A_124 = vector.shape_cast %get3A_123 : vector<1x32x128xf32> to vector<32x128xf32>
    %dot_general3A_125 = arith.constant dense<0.000000e+00> : vector<400x128xf32>
    %dot_general3A_126 = tpu.matmul %get3A_16, %get3A_124, %dot_general3A_125 {dimension_numbers = #tpu.dot_dimension_numbers<[1], [0], [0], [1], [0, 0, 1, 1], [], []>, transpose_lhs_hint = false} : vector<400x32xf32>, vector<32x128xf32>, vector<400x128xf32> -> vector<400x128xf32>
    %broadcast_in_dim3A_127 = vector.shape_cast %dot_general3A_126 : vector<400x128xf32> to vector<1x400x128xf32>
    %get3A_128 = arith.constant 14 : index
    %get3A_129 = arith.constant 0 : index
    %get3A_130 = arith.constant 0 : index
    %get3A_131 = vector.load %arg6[%get3A_128, %get3A_129, %get3A_130] : memref<32x32x128xf32, #tpu.memory_space<vmem>>, vector<1x32x128xf32>
    %get3A_132 = vector.shape_cast %get3A_131 : vector<1x32x128xf32> to vector<32x128xf32>
    %dot_general3A_133 = arith.constant dense<0.000000e+00> : vector<400x128xf32>
    %dot_general3A_134 = tpu.matmul %get3A_16, %get3A_132, %dot_general3A_133 {dimension_numbers = #tpu.dot_dimension_numbers<[1], [0], [0], [1], [0, 0, 1, 1], [], []>, transpose_lhs_hint = false} : vector<400x32xf32>, vector<32x128xf32>, vector<400x128xf32> -> vector<400x128xf32>
    %broadcast_in_dim3A_135 = vector.shape_cast %dot_general3A_134 : vector<400x128xf32> to vector<1x400x128xf32>
    %get3A_136 = arith.constant 15 : index
    %get3A_137 = arith.constant 0 : index
    %get3A_138 = arith.constant 0 : index
    %get3A_139 = vector.load %arg6[%get3A_136, %get3A_137, %get3A_138] : memref<32x32x128xf32, #tpu.memory_space<vmem>>, vector<1x32x128xf32>
    %get3A_140 = vector.shape_cast %get3A_139 : vector<1x32x128xf32> to vector<32x128xf32>
    %dot_general3A_141 = arith.constant dense<0.000000e+00> : vector<400x128xf32>
    %dot_general3A_142 = tpu.matmul %get3A_16, %get3A_140, %dot_general3A_141 {dimension_numbers = #tpu.dot_dimension_numbers<[1], [0], [0], [1], [0, 0, 1, 1], [], []>, transpose_lhs_hint = false} : vector<400x32xf32>, vector<32x128xf32>, vector<400x128xf32> -> vector<400x128xf32>
    %broadcast_in_dim3A_143 = vector.shape_cast %dot_general3A_142 : vector<400x128xf32> to vector<1x400x128xf32>
    %get3A_144 = arith.constant 16 : index
    %get3A_145 = arith.constant 0 : index
    %get3A_146 = arith.constant 0 : index
    %get3A_147 = vector.load %arg6[%get3A_144, %get3A_145, %get3A_146] : memref<32x32x128xf32, #tpu.memory_space<vmem>>, vector<1x32x128xf32>
    %get3A_148 = vector.shape_cast %get3A_147 : vector<1x32x128xf32> to vector<32x128xf32>
    %dot_general3A_149 = arith.constant dense<0.000000e+00> : vector<400x128xf32>
    %dot_general3A_150 = tpu.matmul %get3A_16, %get3A_148, %dot_general3A_149 {dimension_numbers = #tpu.dot_dimension_numbers<[1], [0], [0], [1], [0, 0, 1, 1], [], []>, transpose_lhs_hint = false} : vector<400x32xf32>, vector<32x128xf32>, vector<400x128xf32> -> vector<400x128xf32>
    %broadcast_in_dim3A_151 = vector.shape_cast %dot_general3A_150 : vector<400x128xf32> to vector<1x400x128xf32>
    %get3A_152 = arith.constant 17 : index
    %get3A_153 = arith.constant 0 : index
    %get3A_154 = arith.constant 0 : index
    %get3A_155 = vector.load %arg6[%get3A_152, %get3A_153, %get3A_154] : memref<32x32x128xf32, #tpu.memory_space<vmem>>, vector<1x32x128xf32>
    %get3A_156 = vector.shape_cast %get3A_155 : vector<1x32x128xf32> to vector<32x128xf32>
    %dot_general3A_157 = arith.constant dense<0.000000e+00> : vector<400x128xf32>
    %dot_general3A_158 = tpu.matmul %get3A_16, %get3A_156, %dot_general3A_157 {dimension_numbers = #tpu.dot_dimension_numbers<[1], [0], [0], [1], [0, 0, 1, 1], [], []>, transpose_lhs_hint = false} : vector<400x32xf32>, vector<32x128xf32>, vector<400x128xf32> -> vector<400x128xf32>
    %broadcast_in_dim3A_159 = vector.shape_cast %dot_general3A_158 : vector<400x128xf32> to vector<1x400x128xf32>
    %get3A_160 = arith.constant 18 : index
    %get3A_161 = arith.constant 0 : index
    %get3A_162 = arith.constant 0 : index
    %get3A_163 = vector.load %arg6[%get3A_160, %get3A_161, %get3A_162] : memref<32x32x128xf32, #tpu.memory_space<vmem>>, vector<1x32x128xf32>
    %get3A_164 = vector.shape_cast %get3A_163 : vector<1x32x128xf32> to vector<32x128xf32>
    %dot_general3A_165 = arith.constant dense<0.000000e+00> : vector<400x128xf32>
    %dot_general3A_166 = tpu.matmul %get3A_16, %get3A_164, %dot_general3A_165 {dimension_numbers = #tpu.dot_dimension_numbers<[1], [0], [0], [1], [0, 0, 1, 1], [], []>, transpose_lhs_hint = false} : vector<400x32xf32>, vector<32x128xf32>, vector<400x128xf32> -> vector<400x128xf32>
    %broadcast_in_dim3A_167 = vector.shape_cast %dot_general3A_166 : vector<400x128xf32> to vector<1x400x128xf32>
    %get3A_168 = arith.constant 19 : index
    %get3A_169 = arith.constant 0 : index
    %get3A_170 = arith.constant 0 : index
    %get3A_171 = vector.load %arg6[%get3A_168, %get3A_169, %get3A_170] : memref<32x32x128xf32, #tpu.memory_space<vmem>>, vector<1x32x128xf32>
    %get3A_172 = vector.shape_cast %get3A_171 : vector<1x32x128xf32> to vector<32x128xf32>
    %dot_general3A_173 = arith.constant dense<0.000000e+00> : vector<400x128xf32>
    %dot_general3A_174 = tpu.matmul %get3A_16, %get3A_172, %dot_general3A_173 {dimension_numbers = #tpu.dot_dimension_numbers<[1], [0], [0], [1], [0, 0, 1, 1], [], []>, transpose_lhs_hint = false} : vector<400x32xf32>, vector<32x128xf32>, vector<400x128xf32> -> vector<400x128xf32>
    %broadcast_in_dim3A_175 = vector.shape_cast %dot_general3A_174 : vector<400x128xf32> to vector<1x400x128xf32>
    %get3A_176 = arith.constant 20 : index
    %get3A_177 = arith.constant 0 : index
    %get3A_178 = arith.constant 0 : index
    %get3A_179 = vector.load %arg6[%get3A_176, %get3A_177, %get3A_178] : memref<32x32x128xf32, #tpu.memory_space<vmem>>, vector<1x32x128xf32>
    %get3A_180 = vector.shape_cast %get3A_179 : vector<1x32x128xf32> to vector<32x128xf32>
    %dot_general3A_181 = arith.constant dense<0.000000e+00> : vector<400x128xf32>
    %dot_general3A_182 = tpu.matmul %get3A_16, %get3A_180, %dot_general3A_181 {dimension_numbers = #tpu.dot_dimension_numbers<[1], [0], [0], [1], [0, 0, 1, 1], [], []>, transpose_lhs_hint = false} : vector<400x32xf32>, vector<32x128xf32>, vector<400x128xf32> -> vector<400x128xf32>
    %broadcast_in_dim3A_183 = vector.shape_cast %dot_general3A_182 : vector<400x128xf32> to vector<1x400x128xf32>
    %get3A_184 = arith.constant 21 : index
    %get3A_185 = arith.constant 0 : index
    %get3A_186 = arith.constant 0 : index
    %get3A_187 = vector.load %arg6[%get3A_184, %get3A_185, %get3A_186] : memref<32x32x128xf32, #tpu.memory_space<vmem>>, vector<1x32x128xf32>
    %get3A_188 = vector.shape_cast %get3A_187 : vector<1x32x128xf32> to vector<32x128xf32>
    %dot_general3A_189 = arith.constant dense<0.000000e+00> : vector<400x128xf32>
    %dot_general3A_190 = tpu.matmul %get3A_16, %get3A_188, %dot_general3A_189 {dimension_numbers = #tpu.dot_dimension_numbers<[1], [0], [0], [1], [0, 0, 1, 1], [], []>, transpose_lhs_hint = false} : vector<400x32xf32>, vector<32x128xf32>, vector<400x128xf32> -> vector<400x128xf32>
    %broadcast_in_dim3A_191 = vector.shape_cast %dot_general3A_190 : vector<400x128xf32> to vector<1x400x128xf32>
    %get3A_192 = arith.constant 22 : index
    %get3A_193 = arith.constant 0 : index
    %get3A_194 = arith.constant 0 : index
    %get3A_195 = vector.load %arg6[%get3A_192, %get3A_193, %get3A_194] : memref<32x32x128xf32, #tpu.memory_space<vmem>>, vector<1x32x128xf32>
    %get3A_196 = vector.shape_cast %get3A_195 : vector<1x32x128xf32> to vector<32x128xf32>
    %dot_general3A_197 = arith.constant dense<0.000000e+00> : vector<400x128xf32>
    %dot_general3A_198 = tpu.matmul %get3A_16, %get3A_196, %dot_general3A_197 {dimension_numbers = #tpu.dot_dimension_numbers<[1], [0], [0], [1], [0, 0, 1, 1], [], []>, transpose_lhs_hint = false} : vector<400x32xf32>, vector<32x128xf32>, vector<400x128xf32> -> vector<400x128xf32>
    %broadcast_in_dim3A_199 = vector.shape_cast %dot_general3A_198 : vector<400x128xf32> to vector<1x400x128xf32>
    %get3A_200 = arith.constant 23 : index
    %get3A_201 = arith.constant 0 : index
    %get3A_202 = arith.constant 0 : index
    %get3A_203 = vector.load %arg6[%get3A_200, %get3A_201, %get3A_202] : memref<32x32x128xf32, #tpu.memory_space<vmem>>, vector<1x32x128xf32>
    %get3A_204 = vector.shape_cast %get3A_203 : vector<1x32x128xf32> to vector<32x128xf32>
    %dot_general3A_205 = arith.constant dense<0.000000e+00> : vector<400x128xf32>
    %dot_general3A_206 = tpu.matmul %get3A_16, %get3A_204, %dot_general3A_205 {dimension_numbers = #tpu.dot_dimension_numbers<[1], [0], [0], [1], [0, 0, 1, 1], [], []>, transpose_lhs_hint = false} : vector<400x32xf32>, vector<32x128xf32>, vector<400x128xf32> -> vector<400x128xf32>
    %broadcast_in_dim3A_207 = vector.shape_cast %dot_general3A_206 : vector<400x128xf32> to vector<1x400x128xf32>
    %get3A_208 = arith.constant 24 : index
    %get3A_209 = arith.constant 0 : index
    %get3A_210 = arith.constant 0 : index
    %get3A_211 = vector.load %arg6[%get3A_208, %get3A_209, %get3A_210] : memref<32x32x128xf32, #tpu.memory_space<vmem>>, vector<1x32x128xf32>
    %get3A_212 = vector.shape_cast %get3A_211 : vector<1x32x128xf32> to vector<32x128xf32>
    %dot_general3A_213 = arith.constant dense<0.000000e+00> : vector<400x128xf32>
    %dot_general3A_214 = tpu.matmul %get3A_16, %get3A_212, %dot_general3A_213 {dimension_numbers = #tpu.dot_dimension_numbers<[1], [0], [0], [1], [0, 0, 1, 1], [], []>, transpose_lhs_hint = false} : vector<400x32xf32>, vector<32x128xf32>, vector<400x128xf32> -> vector<400x128xf32>
    %broadcast_in_dim3A_215 = vector.shape_cast %dot_general3A_214 : vector<400x128xf32> to vector<1x400x128xf32>
    %get3A_216 = arith.constant 25 : index
    %get3A_217 = arith.constant 0 : index
    %get3A_218 = arith.constant 0 : index
    %get3A_219 = vector.load %arg6[%get3A_216, %get3A_217, %get3A_218] : memref<32x32x128xf32, #tpu.memory_space<vmem>>, vector<1x32x128xf32>
    %get3A_220 = vector.shape_cast %get3A_219 : vector<1x32x128xf32> to vector<32x128xf32>
    %dot_general3A_221 = arith.constant dense<0.000000e+00> : vector<400x128xf32>
    %dot_general3A_222 = tpu.matmul %get3A_16, %get3A_220, %dot_general3A_221 {dimension_numbers = #tpu.dot_dimension_numbers<[1], [0], [0], [1], [0, 0, 1, 1], [], []>, transpose_lhs_hint = false} : vector<400x32xf32>, vector<32x128xf32>, vector<400x128xf32> -> vector<400x128xf32>
    %broadcast_in_dim3A_223 = vector.shape_cast %dot_general3A_222 : vector<400x128xf32> to vector<1x400x128xf32>
    %get3A_224 = arith.constant 26 : index
    %get3A_225 = arith.constant 0 : index
    %get3A_226 = arith.constant 0 : index
    %get3A_227 = vector.load %arg6[%get3A_224, %get3A_225, %get3A_226] : memref<32x32x128xf32, #tpu.memory_space<vmem>>, vector<1x32x128xf32>
    %get3A_228 = vector.shape_cast %get3A_227 : vector<1x32x128xf32> to vector<32x128xf32>
    %dot_general3A_229 = arith.constant dense<0.000000e+00> : vector<400x128xf32>
    %dot_general3A_230 = tpu.matmul %get3A_16, %get3A_228, %dot_general3A_229 {dimension_numbers = #tpu.dot_dimension_numbers<[1], [0], [0], [1], [0, 0, 1, 1], [], []>, transpose_lhs_hint = false} : vector<400x32xf32>, vector<32x128xf32>, vector<400x128xf32> -> vector<400x128xf32>
    %broadcast_in_dim3A_231 = vector.shape_cast %dot_general3A_230 : vector<400x128xf32> to vector<1x400x128xf32>
    %get3A_232 = arith.constant 27 : index
    %get3A_233 = arith.constant 0 : index
    %get3A_234 = arith.constant 0 : index
    %get3A_235 = vector.load %arg6[%get3A_232, %get3A_233, %get3A_234] : memref<32x32x128xf32, #tpu.memory_space<vmem>>, vector<1x32x128xf32>
    %get3A_236 = vector.shape_cast %get3A_235 : vector<1x32x128xf32> to vector<32x128xf32>
    %dot_general3A_237 = arith.constant dense<0.000000e+00> : vector<400x128xf32>
    %dot_general3A_238 = tpu.matmul %get3A_16, %get3A_236, %dot_general3A_237 {dimension_numbers = #tpu.dot_dimension_numbers<[1], [0], [0], [1], [0, 0, 1, 1], [], []>, transpose_lhs_hint = false} : vector<400x32xf32>, vector<32x128xf32>, vector<400x128xf32> -> vector<400x128xf32>
    %broadcast_in_dim3A_239 = vector.shape_cast %dot_general3A_238 : vector<400x128xf32> to vector<1x400x128xf32>
    %get3A_240 = arith.constant 28 : index
    %get3A_241 = arith.constant 0 : index
    %get3A_242 = arith.constant 0 : index
    %get3A_243 = vector.load %arg6[%get3A_240, %get3A_241, %get3A_242] : memref<32x32x128xf32, #tpu.memory_space<vmem>>, vector<1x32x128xf32>
    %get3A_244 = vector.shape_cast %get3A_243 : vector<1x32x128xf32> to vector<32x128xf32>
    %dot_general3A_245 = arith.constant dense<0.000000e+00> : vector<400x128xf32>
    %dot_general3A_246 = tpu.matmul %get3A_16, %get3A_244, %dot_general3A_245 {dimension_numbers = #tpu.dot_dimension_numbers<[1], [0], [0], [1], [0, 0, 1, 1], [], []>, transpose_lhs_hint = false} : vector<400x32xf32>, vector<32x128xf32>, vector<400x128xf32> -> vector<400x128xf32>
    %broadcast_in_dim3A_247 = vector.shape_cast %dot_general3A_246 : vector<400x128xf32> to vector<1x400x128xf32>
    %get3A_248 = arith.constant 29 : index
    %get3A_249 = arith.constant 0 : index
    %get3A_250 = arith.constant 0 : index
    %get3A_251 = vector.load %arg6[%get3A_248, %get3A_249, %get3A_250] : memref<32x32x128xf32, #tpu.memory_space<vmem>>, vector<1x32x128xf32>
    %get3A_252 = vector.shape_cast %get3A_251 : vector<1x32x128xf32> to vector<32x128xf32>
    %dot_general3A_253 = arith.constant dense<0.000000e+00> : vector<400x128xf32>
    %dot_general3A_254 = tpu.matmul %get3A_16, %get3A_252, %dot_general3A_253 {dimension_numbers = #tpu.dot_dimension_numbers<[1], [0], [0], [1], [0, 0, 1, 1], [], []>, transpose_lhs_hint = false} : vector<400x32xf32>, vector<32x128xf32>, vector<400x128xf32> -> vector<400x128xf32>
    %broadcast_in_dim3A_255 = vector.shape_cast %dot_general3A_254 : vector<400x128xf32> to vector<1x400x128xf32>
    %get3A_256 = arith.constant 30 : index
    %get3A_257 = arith.constant 0 : index
    %get3A_258 = arith.constant 0 : index
    %get3A_259 = vector.load %arg6[%get3A_256, %get3A_257, %get3A_258] : memref<32x32x128xf32, #tpu.memory_space<vmem>>, vector<1x32x128xf32>
    %get3A_260 = vector.shape_cast %get3A_259 : vector<1x32x128xf32> to vector<32x128xf32>
    %dot_general3A_261 = arith.constant dense<0.000000e+00> : vector<400x128xf32>
    %dot_general3A_262 = tpu.matmul %get3A_16, %get3A_260, %dot_general3A_261 {dimension_numbers = #tpu.dot_dimension_numbers<[1], [0], [0], [1], [0, 0, 1, 1], [], []>, transpose_lhs_hint = false} : vector<400x32xf32>, vector<32x128xf32>, vector<400x128xf32> -> vector<400x128xf32>
    %broadcast_in_dim3A_263 = vector.shape_cast %dot_general3A_262 : vector<400x128xf32> to vector<1x400x128xf32>
    %get3A_264 = arith.constant 31 : index
    %get3A_265 = arith.constant 0 : index
    %get3A_266 = arith.constant 0 : index
    %get3A_267 = vector.load %arg6[%get3A_264, %get3A_265, %get3A_266] : memref<32x32x128xf32, #tpu.memory_space<vmem>>, vector<1x32x128xf32>
    %get3A_268 = vector.shape_cast %get3A_267 : vector<1x32x128xf32> to vector<32x128xf32>
    %dot_general3A_269 = arith.constant dense<0.000000e+00> : vector<400x128xf32>
    %dot_general3A_270 = tpu.matmul %get3A_16, %get3A_268, %dot_general3A_269 {dimension_numbers = #tpu.dot_dimension_numbers<[1], [0], [0], [1], [0, 0, 1, 1], [], []>, transpose_lhs_hint = false} : vector<400x32xf32>, vector<32x128xf32>, vector<400x128xf32> -> vector<400x128xf32>
    %broadcast_in_dim3A_271 = vector.shape_cast %dot_general3A_270 : vector<400x128xf32> to vector<1x400x128xf32>
    %concatenate3A = tpu.concatenate %broadcast_in_dim3A, %broadcast_in_dim3A_31, %broadcast_in_dim3A_39, %broadcast_in_dim3A_47, %broadcast_in_dim3A_55, %broadcast_in_dim3A_63, %broadcast_in_dim3A_71, %broadcast_in_dim3A_79, %broadcast_in_dim3A_87, %broadcast_in_dim3A_95, %broadcast_in_dim3A_103, %broadcast_in_dim3A_111, %broadcast_in_dim3A_119, %broadcast_in_dim3A_127, %broadcast_in_dim3A_135, %broadcast_in_dim3A_143, %broadcast_in_dim3A_151, %broadcast_in_dim3A_159, %broadcast_in_dim3A_167, %broadcast_in_dim3A_175, %broadcast_in_dim3A_183, %broadcast_in_dim3A_191, %broadcast_in_dim3A_199, %broadcast_in_dim3A_207, %broadcast_in_dim3A_215, %broadcast_in_dim3A_223, %broadcast_in_dim3A_231, %broadcast_in_dim3A_239, %broadcast_in_dim3A_247, %broadcast_in_dim3A_255, %broadcast_in_dim3A_263, %broadcast_in_dim3A_271 in 0 : vector<1x400x128xf32>, vector<1x400x128xf32>, vector<1x400x128xf32>, vector<1x400x128xf32>, vector<1x400x128xf32>, vector<1x400x128xf32>, vector<1x400x128xf32>, vector<1x400x128xf32>, vector<1x400x128xf32>, vector<1x400x128xf32>, vector<1x400x128xf32>, vector<1x400x128xf32>, vector<1x400x128xf32>, vector<1x400x128xf32>, vector<1x400x128xf32>, vector<1x400x128xf32>, vector<1x400x128xf32>, vector<1x400x128xf32>, vector<1x400x128xf32>, vector<1x400x128xf32>, vector<1x400x128xf32>, vector<1x400x128xf32>, vector<1x400x128xf32>, vector<1x400x128xf32>, vector<1x400x128xf32>, vector<1x400x128xf32>, vector<1x400x128xf32>, vector<1x400x128xf32>, vector<1x400x128xf32>, vector<1x400x128xf32>, vector<1x400x128xf32>, vector<1x400x128xf32> -> vector<32x400x128xf32>
    %get3A_272 = arith.constant 0 : index
    %get3A_273 = arith.constant 0 : index
    %get3A_274 = vector.load %arg4[%get3A_272, %get3A_273] : memref<128x128xf32, #tpu.memory_space<vmem>>, vector<128x128xf32>
    %dot_general3A_275 = arith.constant dense<0.000000e+00> : vector<12800x128xf32>
    %dot_general3A_276 = tpu.matmul %reshape3A, %get3A_274, %dot_general3A_275 {dimension_numbers = #tpu.dot_dimension_numbers<[1], [0], [0], [1], [0, 0, 1, 1], [], []>, transpose_lhs_hint = false} : vector<12800x128xf32>, vector<128x128xf32>, vector<12800x128xf32> -> vector<12800x128xf32>
    %reshape3A_277 = vector.shape_cast %dot_general3A_276 : vector<12800x128xf32> to vector<32x400x128xf32>
    %broadcast_in_dim3A_278 = vector.shape_cast %add3A_13 : vector<400x128xf32> to vector<1x400x128xf32>
    %add3A_279 = vector.broadcast %broadcast_in_dim3A_278 : vector<1x400x128xf32> to vector<32x400x128xf32>
    %add3A_280 = arith.addf %reshape3A_277, %add3A_279 : vector<32x400x128xf32>
    %add3A_281 = arith.addf %add3A_280, %concatenate3A : vector<32x400x128xf32>
    %max3A = arith.constant 0.000000e+00 : f32
    %max3A_282 = vector.broadcast %max3A : f32 to vector<32x400x128xf32>
    %max3A_283 = arith.maximumf %add3A_281, %max3A_282 : vector<32x400x128xf32>
    %reshape3A_284 = vector.shape_cast %max3A_283 : vector<32x400x128xf32> to vector<12800x128xf32>
    %get3A_285 = arith.constant 0 : index
    %get3A_286 = arith.constant 0 : index
    %get3A_287 = vector.load %arg8[%get3A_285, %get3A_286] : memref<128x128xf32, #tpu.memory_space<vmem>>, vector<128x128xf32>
    %dot_general3A_288 = arith.constant dense<0.000000e+00> : vector<12800x128xf32>
    %dot_general3A_289 = tpu.matmul %reshape3A_284, %get3A_287, %dot_general3A_288 {dimension_numbers = #tpu.dot_dimension_numbers<[1], [0], [0], [1], [0, 0, 1, 1], [], []>, transpose_lhs_hint = false} : vector<12800x128xf32>, vector<128x128xf32>, vector<12800x128xf32> -> vector<12800x128xf32>
    %get3A_290 = arith.constant 0 : index
    %get3A_291 = arith.constant 0 : index
    %get3A_292 = vector.load %arg9[%get3A_290, %get3A_291] : memref<1x128xf32, #tpu.memory_space<vmem>>, vector<1x128xf32>
    %add3A_293 = vector.broadcast %get3A_292 : vector<1x128xf32> to vector<12800x128xf32>
    %add3A_294 = arith.addf %dot_general3A_289, %add3A_293 : vector<12800x128xf32>
    %max3A_295 = arith.constant 0.000000e+00 : f32
    %max3A_296 = vector.broadcast %max3A_295 : f32 to vector<12800x128xf32>
    %max3A_297 = arith.maximumf %add3A_294, %max3A_296 : vector<12800x128xf32>
    %get3A_298 = arith.constant 0 : index
    %get3A_299 = arith.constant 0 : index
    %get3A_300 = vector.load %arg10[%get3A_298, %get3A_299] : memref<128x128xf32, #tpu.memory_space<vmem>>, vector<128x128xf32>
    %dot_general3A_301 = arith.constant dense<0.000000e+00> : vector<12800x128xf32>
    %dot_general3A_302 = tpu.matmul %max3A_297, %get3A_300, %dot_general3A_301 {dimension_numbers = #tpu.dot_dimension_numbers<[1], [0], [0], [1], [0, 0, 1, 1], [], []>, transpose_lhs_hint = false} : vector<12800x128xf32>, vector<128x128xf32>, vector<12800x128xf32> -> vector<12800x128xf32>
    %reshape3A_303 = vector.shape_cast %dot_general3A_302 : vector<12800x128xf32> to vector<32x400x128xf32>
    %exp3A = math.exp %reshape3A_303 : vector<32x400x128xf32>
    %reduce_sum3A = arith.constant dense<0.000000e+00> : vector<400x128xf32>
    %reduce_sum3A_304 = vector.multi_reduction <add>, %exp3A, %reduce_sum3A [0] : vector<32x400x128xf32> to vector<400x128xf32>
    %mul3A = arith.mulf %exp3A, %get3A_2 : vector<32x400x128xf32>
    %reduce_sum3A_305 = arith.constant dense<0.000000e+00> : vector<400x128xf32>
    %reduce_sum3A_306 = vector.multi_reduction <add>, %mul3A, %reduce_sum3A_305 [0] : vector<32x400x128xf32> to vector<400x128xf32>
    %div3A = arith.divf %reduce_sum3A_306, %reduce_sum3A_304 : vector<400x128xf32>
    %swap3A = arith.constant 0 : index
    %swap3A_307 = arith.constant 0 : index
    %swap3A_308 = vector.load %arg11[%swap3A, %swap3A_307] : memref<400x128xf32, #tpu.memory_space<vmem>>, vector<400x128xf32>
    tpu.vector_store %arg11[%swap3A, %swap3A_307], %div3A {strides = array<i32>} : memref<400x128xf32, #tpu.memory_space<vmem>>, vector<400x128xf32>,
    return
  }
  func.func @transform_0(%arg0: i32) -> (i32, i32, i32) {
    %c0_i32 = arith.constant 0 : i32
    %c0_i32_0 = arith.constant 0 : i32
    %c0_i32_1 = arith.constant 0 : i32
    return %c0_i32, %arg0, %c0_i32_0 : i32, i32, i32
  }
  func.func @transform_1(%arg0: i32) -> (i32, i32) {
    %add3A = arith.constant 18 : i32
    %add3A_0 = arith.addi %arg0, %add3A : i32
    %c0_i32 = arith.constant 0 : i32
    %c0_i32_1 = arith.constant 0 : i32
    return %add3A_0, %c0_i32 : i32, i32
  }
  func.func @transform_2(%arg0: i32) -> (i32, i32) {
    %add3A = arith.constant 18 : i32
    %add3A_0 = arith.addi %arg0, %add3A : i32
    %c0_i32 = arith.constant 0 : i32
    %c0_i32_1 = arith.constant 0 : i32
    return %add3A_0, %c0_i32 : i32, i32
  }
  func.func @transform_3(%arg0: i32) -> (i32, i32) {
    %c0_i32 = arith.constant 0 : i32
    %c0_i32_0 = arith.constant 0 : i32
    %c0_i32_1 = arith.constant 0 : i32
    return %c0_i32, %c0_i32_0 : i32, i32
  }
  func.func @transform_4(%arg0: i32) -> (i32, i32) {
    %c0_i32 = arith.constant 0 : i32
    %c0_i32_0 = arith.constant 0 : i32
    %c0_i32_1 = arith.constant 0 : i32
    return %c0_i32, %c0_i32_0 : i32, i32
  }
  func.func @transform_5(%arg0: i32) -> (i32, i32, i32) {
    %c0_i32 = arith.constant 0 : i32
    %c0_i32_0 = arith.constant 0 : i32
    %c0_i32_1 = arith.constant 0 : i32
    %c0_i32_2 = arith.constant 0 : i32
    return %c0_i32, %c0_i32_0, %c0_i32_1 : i32, i32, i32
  }
  func.func @transform_6(%arg0: i32) -> (i32, i32) {
    %c0_i32 = arith.constant 0 : i32
    %c0_i32_0 = arith.constant 0 : i32
    %c0_i32_1 = arith.constant 0 : i32
    return %c0_i32, %c0_i32_0 : i32, i32
  }
  func.func @transform_7(%arg0: i32) -> (i32, i32) {
    %c0_i32 = arith.constant 0 : i32
    %c0_i32_0 = arith.constant 0 : i32
    %c0_i32_1 = arith.constant 0 : i32
    return %c0_i32, %c0_i32_0 : i32, i32
  }
  func.func @transform_8(%arg0: i32) -> (i32, i32) {
    %c0_i32 = arith.constant 0 : i32
    %c0_i32_0 = arith.constant 0 : i32
    %c0_i32_1 = arith.constant 0 : i32
    return %c0_i32, %c0_i32_0 : i32, i32
  }
  func.func @transform_9(%arg0: i32) -> (i32, i32) {
    %c0_i32 = arith.constant 0 : i32
    %c0_i32_0 = arith.constant 0 : i32
    %c0_i32_1 = arith.constant 0 : i32
    return %c0_i32, %c0_i32_0 : i32, i32
  }
  func.func @transform_10(%arg0: i32) -> (i32, i32) {
    %c0_i32 = arith.constant 0 : i32
    %c0_i32_0 = arith.constant 0 : i32
    return %arg0, %c0_i32 : i32, i32
  }
}

module attributes {stable_mosaic.version = 14 : i64} {
  func.func @_tc_body(%arg0: i32, %arg1: memref<32x400x128xf32, #tpu.memory_space<vmem>>, %arg2: memref<400x128xf32, #tpu.memory_space<vmem>>, %arg3: memref<400x32xf32, #tpu.memory_space<vmem>>, %arg4: memref<128x128xf32, #tpu.memory_space<vmem>>, %arg5: memref<128x128xf32, #tpu.memory_space<vmem>>, %arg6: memref<32x32x128xf32, #tpu.memory_space<vmem>>, %arg7: memref<1x128xf32, #tpu.memory_space<vmem>>, %arg8: memref<128x128xf32, #tpu.memory_space<vmem>>, %arg9: memref<1x128xf32, #tpu.memory_space<vmem>>, %arg10: memref<128x128xf32, #tpu.memory_space<vmem>>, %arg11: memref<400x128xf32, #tpu.memory_space<vmem>>) attributes {dimension_semantics = [#tpu.dimension_semantics<arbitrary>], iteration_bounds = array<i64: 6>, scalar_prefetch = 0 : i64, scratch_operands = 0 : i64, tpu.core_type = #tpu.core_type<tc>, window_params = [{transform_indices = @transform_0, window_bounds = array<i64: 32, 400, 128>}, {transform_indices = @transform_1, window_bounds = array<i64: 400, 128>}, {transform_indices = @transform_2, window_bounds = array<i64: 400, 32>}, {pipeline_mode = #tpu.pipeline_mode<synchronous>, transform_indices = @transform_3, window_bounds = array<i64: 128, 128>}, {pipeline_mode = #tpu.pipeline_mode<synchronous>, transform_indices = @transform_4, window_bounds = array<i64: 128, 128>}, {pipeline_mode = #tpu.pipeline_mode<synchronous>, transform_indices = @transform_5, window_bounds = array<i64: 32, 32, 128>}, {pipeline_mode = #tpu.pipeline_mode<synchronous>, transform_indices = @transform_6, window_bounds = array<i64: 1, 128>}, {pipeline_mode = #tpu.pipeline_mode<synchronous>, transform_indices = @transform_7, window_bounds = array<i64: 128, 128>}, {pipeline_mode = #tpu.pipeline_mode<synchronous>, transform_indices = @transform_8, window_bounds = array<i64: 1, 128>}, {pipeline_mode = #tpu.pipeline_mode<synchronous>, transform_indices = @transform_9, window_bounds = array<i64: 128, 128>}, {transform_indices = @transform_10, window_bounds = array<i64: 400, 128>}]} {
    %get3A = arith.constant 0 : index
    %get3A_0 = arith.constant 0 : index
    %get3A_1 = arith.constant 0 : index
    %get3A_2 = vector.load %arg1[%get3A, %get3A_0, %get3A_1] : memref<32x400x128xf32, #tpu.memory_space<vmem>>, vector<32x400x128xf32>
    %reshape3A = vector.shape_cast %get3A_2 : vector<32x400x128xf32> to vector<12800x128xf32>
    %get3A_3 = arith.constant 0 : index
    %get3A_4 = arith.constant 0 : index
    %get3A_5 = vector.load %arg2[%get3A_3, %get3A_4] : memref<400x128xf32, #tpu.memory_space<vmem>>, vector<400x128xf32>
    %get3A_6 = arith.constant 0 : index
    %get3A_7 = arith.constant 0 : index
    %get3A_8 = vector.load %arg5[%get3A_6, %get3A_7] : memref<128x128xf32, #tpu.memory_space<vmem>>, vector<128x128xf32>
    %dot_general3A = arith.constant dense<0.000000e+00> : vector<400x128xf32>
    %dot_general3A_9 = tpu.matmul %get3A_5, %get3A_8, %dot_general3A {dimension_numbers = #tpu.dot_dimension_numbers<[1], [0], [0], [1], [0, 0, 1, 1], [], []>, transpose_lhs_hint = false} : vector<400x128xf32>, vector<128x128xf32>, vector<400x128xf32> -> vector<400x128xf32>
    %get3A_10 = arith.constant 0 : index
    %get3A_11 = arith.constant 0 : index
    %get3A_12 = vector.load %arg7[%get3A_10, %get3A_11] : memref<1x128xf32, #tpu.memory_space<vmem>>, vector<1x128xf32>
    %add3A = vector.broadcast %get3A_12 : vector<1x128xf32> to vector<400x128xf32>
    %add3A_13 = arith.addf %dot_general3A_9, %add3A : vector<400x128xf32>
    %get3A_14 = arith.constant 0 : index
    %get3A_15 = arith.constant 0 : index
    %get3A_16 = vector.load %arg3[%get3A_14, %get3A_15] : memref<400x32xf32, #tpu.memory_space<vmem>>, vector<400x32xf32>
    %get3A_17 = arith.constant 0 : index
    %get3A_18 = arith.constant 0 : index
    %get3A_19 = arith.constant 0 : index
    %get3A_20 = vector.load %arg6[%get3A_17, %get3A_18, %get3A_19] : memref<32x32x128xf32, #tpu.memory_space<vmem>>, vector<1x32x128xf32>
    %get3A_21 = vector.shape_cast %get3A_20 : vector<1x32x128xf32> to vector<32x128xf32>
    %dot_general3A_22 = arith.constant dense<0.000000e+00> : vector<400x128xf32>
    %dot_general3A_23 = tpu.matmul %get3A_16, %get3A_21, %dot_general3A_22 {dimension_numbers = #tpu.dot_dimension_numbers<[1], [0], [0], [1], [0, 0, 1, 1], [], []>, transpose_lhs_hint = false} : vector<400x32xf32>, vector<32x128xf32>, vector<400x128xf32> -> vector<400x128xf32>
    %broadcast_in_dim3A = vector.shape_cast %dot_general3A_23 : vector<400x128xf32> to vector<1x400x128xf32>
    %get3A_24 = arith.constant 1 : index
    %get3A_25 = arith.constant 0 : index
    %get3A_26 = arith.constant 0 : index
    %get3A_27 = vector.load %arg6[%get3A_24, %get3A_25, %get3A_26] : memref<32x32x128xf32, #tpu.memory_space<vmem>>, vector<1x32x128xf32>
    %get3A_28 = vector.shape_cast %get3A_27 : vector<1x32x128xf32> to vector<32x128xf32>
    %dot_general3A_29 = arith.constant dense<0.000000e+00> : vector<400x128xf32>
    %dot_general3A_30 = tpu.matmul %get3A_16, %get3A_28, %dot_general3A_29 {dimension_numbers = #tpu.dot_dimension_numbers<[1], [0], [0], [1], [0, 0, 1, 1], [], []>, transpose_lhs_hint = false} : vector<400x32xf32>, vector<32x128xf32>, vector<400x128xf32> -> vector<400x128xf32>
    %broadcast_in_dim3A_31 = vector.shape_cast %dot_general3A_30 : vector<400x128xf32> to vector<1x400x128xf32>
    %get3A_32 = arith.constant 2 : index
    %get3A_33 = arith.constant 0 : index
    %get3A_34 = arith.constant 0 : index
    %get3A_35 = vector.load %arg6[%get3A_32, %get3A_33, %get3A_34] : memref<32x32x128xf32, #tpu.memory_space<vmem>>, vector<1x32x128xf32>
    %get3A_36 = vector.shape_cast %get3A_35 : vector<1x32x128xf32> to vector<32x128xf32>
    %dot_general3A_37 = arith.constant dense<0.000000e+00> : vector<400x128xf32>
    %dot_general3A_38 = tpu.matmul %get3A_16, %get3A_36, %dot_general3A_37 {dimension_numbers = #tpu.dot_dimension_numbers<[1], [0], [0], [1], [0, 0, 1, 1], [], []>, transpose_lhs_hint = false} : vector<400x32xf32>, vector<32x128xf32>, vector<400x128xf32> -> vector<400x128xf32>
    %broadcast_in_dim3A_39 = vector.shape_cast %dot_general3A_38 : vector<400x128xf32> to vector<1x400x128xf32>
    %get3A_40 = arith.constant 3 : index
    %get3A_41 = arith.constant 0 : index
    %get3A_42 = arith.constant 0 : index
    %get3A_43 = vector.load %arg6[%get3A_40, %get3A_41, %get3A_42] : memref<32x32x128xf32, #tpu.memory_space<vmem>>, vector<1x32x128xf32>
    %get3A_44 = vector.shape_cast %get3A_43 : vector<1x32x128xf32> to vector<32x128xf32>
    %dot_general3A_45 = arith.constant dense<0.000000e+00> : vector<400x128xf32>
    %dot_general3A_46 = tpu.matmul %get3A_16, %get3A_44, %dot_general3A_45 {dimension_numbers = #tpu.dot_dimension_numbers<[1], [0], [0], [1], [0, 0, 1, 1], [], []>, transpose_lhs_hint = false} : vector<400x32xf32>, vector<32x128xf32>, vector<400x128xf32> -> vector<400x128xf32>
    %broadcast_in_dim3A_47 = vector.shape_cast %dot_general3A_46 : vector<400x128xf32> to vector<1x400x128xf32>
    %get3A_48 = arith.constant 4 : index
    %get3A_49 = arith.constant 0 : index
    %get3A_50 = arith.constant 0 : index
    %get3A_51 = vector.load %arg6[%get3A_48, %get3A_49, %get3A_50] : memref<32x32x128xf32, #tpu.memory_space<vmem>>, vector<1x32x128xf32>
    %get3A_52 = vector.shape_cast %get3A_51 : vector<1x32x128xf32> to vector<32x128xf32>
    %dot_general3A_53 = arith.constant dense<0.000000e+00> : vector<400x128xf32>
    %dot_general3A_54 = tpu.matmul %get3A_16, %get3A_52, %dot_general3A_53 {dimension_numbers = #tpu.dot_dimension_numbers<[1], [0], [0], [1], [0, 0, 1, 1], [], []>, transpose_lhs_hint = false} : vector<400x32xf32>, vector<32x128xf32>, vector<400x128xf32> -> vector<400x128xf32>
    %broadcast_in_dim3A_55 = vector.shape_cast %dot_general3A_54 : vector<400x128xf32> to vector<1x400x128xf32>
    %get3A_56 = arith.constant 5 : index
    %get3A_57 = arith.constant 0 : index
    %get3A_58 = arith.constant 0 : index
    %get3A_59 = vector.load %arg6[%get3A_56, %get3A_57, %get3A_58] : memref<32x32x128xf32, #tpu.memory_space<vmem>>, vector<1x32x128xf32>
    %get3A_60 = vector.shape_cast %get3A_59 : vector<1x32x128xf32> to vector<32x128xf32>
    %dot_general3A_61 = arith.constant dense<0.000000e+00> : vector<400x128xf32>
    %dot_general3A_62 = tpu.matmul %get3A_16, %get3A_60, %dot_general3A_61 {dimension_numbers = #tpu.dot_dimension_numbers<[1], [0], [0], [1], [0, 0, 1, 1], [], []>, transpose_lhs_hint = false} : vector<400x32xf32>, vector<32x128xf32>, vector<400x128xf32> -> vector<400x128xf32>
    %broadcast_in_dim3A_63 = vector.shape_cast %dot_general3A_62 : vector<400x128xf32> to vector<1x400x128xf32>
    %get3A_64 = arith.constant 6 : index
    %get3A_65 = arith.constant 0 : index
    %get3A_66 = arith.constant 0 : index
    %get3A_67 = vector.load %arg6[%get3A_64, %get3A_65, %get3A_66] : memref<32x32x128xf32, #tpu.memory_space<vmem>>, vector<1x32x128xf32>
    %get3A_68 = vector.shape_cast %get3A_67 : vector<1x32x128xf32> to vector<32x128xf32>
    %dot_general3A_69 = arith.constant dense<0.000000e+00> : vector<400x128xf32>
    %dot_general3A_70 = tpu.matmul %get3A_16, %get3A_68, %dot_general3A_69 {dimension_numbers = #tpu.dot_dimension_numbers<[1], [0], [0], [1], [0, 0, 1, 1], [], []>, transpose_lhs_hint = false} : vector<400x32xf32>, vector<32x128xf32>, vector<400x128xf32> -> vector<400x128xf32>
    %broadcast_in_dim3A_71 = vector.shape_cast %dot_general3A_70 : vector<400x128xf32> to vector<1x400x128xf32>
    %get3A_72 = arith.constant 7 : index
    %get3A_73 = arith.constant 0 : index
    %get3A_74 = arith.constant 0 : index
    %get3A_75 = vector.load %arg6[%get3A_72, %get3A_73, %get3A_74] : memref<32x32x128xf32, #tpu.memory_space<vmem>>, vector<1x32x128xf32>
    %get3A_76 = vector.shape_cast %get3A_75 : vector<1x32x128xf32> to vector<32x128xf32>
    %dot_general3A_77 = arith.constant dense<0.000000e+00> : vector<400x128xf32>
    %dot_general3A_78 = tpu.matmul %get3A_16, %get3A_76, %dot_general3A_77 {dimension_numbers = #tpu.dot_dimension_numbers<[1], [0], [0], [1], [0, 0, 1, 1], [], []>, transpose_lhs_hint = false} : vector<400x32xf32>, vector<32x128xf32>, vector<400x128xf32> -> vector<400x128xf32>
    %broadcast_in_dim3A_79 = vector.shape_cast %dot_general3A_78 : vector<400x128xf32> to vector<1x400x128xf32>
    %get3A_80 = arith.constant 8 : index
    %get3A_81 = arith.constant 0 : index
    %get3A_82 = arith.constant 0 : index
    %get3A_83 = vector.load %arg6[%get3A_80, %get3A_81, %get3A_82] : memref<32x32x128xf32, #tpu.memory_space<vmem>>, vector<1x32x128xf32>
    %get3A_84 = vector.shape_cast %get3A_83 : vector<1x32x128xf32> to vector<32x128xf32>
    %dot_general3A_85 = arith.constant dense<0.000000e+00> : vector<400x128xf32>
    %dot_general3A_86 = tpu.matmul %get3A_16, %get3A_84, %dot_general3A_85 {dimension_numbers = #tpu.dot_dimension_numbers<[1], [0], [0], [1], [0, 0, 1, 1], [], []>, transpose_lhs_hint = false} : vector<400x32xf32>, vector<32x128xf32>, vector<400x128xf32> -> vector<400x128xf32>
    %broadcast_in_dim3A_87 = vector.shape_cast %dot_general3A_86 : vector<400x128xf32> to vector<1x400x128xf32>
    %get3A_88 = arith.constant 9 : index
    %get3A_89 = arith.constant 0 : index
    %get3A_90 = arith.constant 0 : index
    %get3A_91 = vector.load %arg6[%get3A_88, %get3A_89, %get3A_90] : memref<32x32x128xf32, #tpu.memory_space<vmem>>, vector<1x32x128xf32>
    %get3A_92 = vector.shape_cast %get3A_91 : vector<1x32x128xf32> to vector<32x128xf32>
    %dot_general3A_93 = arith.constant dense<0.000000e+00> : vector<400x128xf32>
    %dot_general3A_94 = tpu.matmul %get3A_16, %get3A_92, %dot_general3A_93 {dimension_numbers = #tpu.dot_dimension_numbers<[1], [0], [0], [1], [0, 0, 1, 1], [], []>, transpose_lhs_hint = false} : vector<400x32xf32>, vector<32x128xf32>, vector<400x128xf32> -> vector<400x128xf32>
    %broadcast_in_dim3A_95 = vector.shape_cast %dot_general3A_94 : vector<400x128xf32> to vector<1x400x128xf32>
    %get3A_96 = arith.constant 10 : index
    %get3A_97 = arith.constant 0 : index
    %get3A_98 = arith.constant 0 : index
    %get3A_99 = vector.load %arg6[%get3A_96, %get3A_97, %get3A_98] : memref<32x32x128xf32, #tpu.memory_space<vmem>>, vector<1x32x128xf32>
    %get3A_100 = vector.shape_cast %get3A_99 : vector<1x32x128xf32> to vector<32x128xf32>
    %dot_general3A_101 = arith.constant dense<0.000000e+00> : vector<400x128xf32>
    %dot_general3A_102 = tpu.matmul %get3A_16, %get3A_100, %dot_general3A_101 {dimension_numbers = #tpu.dot_dimension_numbers<[1], [0], [0], [1], [0, 0, 1, 1], [], []>, transpose_lhs_hint = false} : vector<400x32xf32>, vector<32x128xf32>, vector<400x128xf32> -> vector<400x128xf32>
    %broadcast_in_dim3A_103 = vector.shape_cast %dot_general3A_102 : vector<400x128xf32> to vector<1x400x128xf32>
    %get3A_104 = arith.constant 11 : index
    %get3A_105 = arith.constant 0 : index
    %get3A_106 = arith.constant 0 : index
    %get3A_107 = vector.load %arg6[%get3A_104, %get3A_105, %get3A_106] : memref<32x32x128xf32, #tpu.memory_space<vmem>>, vector<1x32x128xf32>
    %get3A_108 = vector.shape_cast %get3A_107 : vector<1x32x128xf32> to vector<32x128xf32>
    %dot_general3A_109 = arith.constant dense<0.000000e+00> : vector<400x128xf32>
    %dot_general3A_110 = tpu.matmul %get3A_16, %get3A_108, %dot_general3A_109 {dimension_numbers = #tpu.dot_dimension_numbers<[1], [0], [0], [1], [0, 0, 1, 1], [], []>, transpose_lhs_hint = false} : vector<400x32xf32>, vector<32x128xf32>, vector<400x128xf32> -> vector<400x128xf32>
    %broadcast_in_dim3A_111 = vector.shape_cast %dot_general3A_110 : vector<400x128xf32> to vector<1x400x128xf32>
    %get3A_112 = arith.constant 12 : index
    %get3A_113 = arith.constant 0 : index
    %get3A_114 = arith.constant 0 : index
    %get3A_115 = vector.load %arg6[%get3A_112, %get3A_113, %get3A_114] : memref<32x32x128xf32, #tpu.memory_space<vmem>>, vector<1x32x128xf32>
    %get3A_116 = vector.shape_cast %get3A_115 : vector<1x32x128xf32> to vector<32x128xf32>
    %dot_general3A_117 = arith.constant dense<0.000000e+00> : vector<400x128xf32>
    %dot_general3A_118 = tpu.matmul %get3A_16, %get3A_116, %dot_general3A_117 {dimension_numbers = #tpu.dot_dimension_numbers<[1], [0], [0], [1], [0, 0, 1, 1], [], []>, transpose_lhs_hint = false} : vector<400x32xf32>, vector<32x128xf32>, vector<400x128xf32> -> vector<400x128xf32>
    %broadcast_in_dim3A_119 = vector.shape_cast %dot_general3A_118 : vector<400x128xf32> to vector<1x400x128xf32>
    %get3A_120 = arith.constant 13 : index
    %get3A_121 = arith.constant 0 : index
    %get3A_122 = arith.constant 0 : index
    %get3A_123 = vector.load %arg6[%get3A_120, %get3A_121, %get3A_122] : memref<32x32x128xf32, #tpu.memory_space<vmem>>, vector<1x32x128xf32>
    %get3A_124 = vector.shape_cast %get3A_123 : vector<1x32x128xf32> to vector<32x128xf32>
    %dot_general3A_125 = arith.constant dense<0.000000e+00> : vector<400x128xf32>
    %dot_general3A_126 = tpu.matmul %get3A_16, %get3A_124, %dot_general3A_125 {dimension_numbers = #tpu.dot_dimension_numbers<[1], [0], [0], [1], [0, 0, 1, 1], [], []>, transpose_lhs_hint = false} : vector<400x32xf32>, vector<32x128xf32>, vector<400x128xf32> -> vector<400x128xf32>
    %broadcast_in_dim3A_127 = vector.shape_cast %dot_general3A_126 : vector<400x128xf32> to vector<1x400x128xf32>
    %get3A_128 = arith.constant 14 : index
    %get3A_129 = arith.constant 0 : index
    %get3A_130 = arith.constant 0 : index
    %get3A_131 = vector.load %arg6[%get3A_128, %get3A_129, %get3A_130] : memref<32x32x128xf32, #tpu.memory_space<vmem>>, vector<1x32x128xf32>
    %get3A_132 = vector.shape_cast %get3A_131 : vector<1x32x128xf32> to vector<32x128xf32>
    %dot_general3A_133 = arith.constant dense<0.000000e+00> : vector<400x128xf32>
    %dot_general3A_134 = tpu.matmul %get3A_16, %get3A_132, %dot_general3A_133 {dimension_numbers = #tpu.dot_dimension_numbers<[1], [0], [0], [1], [0, 0, 1, 1], [], []>, transpose_lhs_hint = false} : vector<400x32xf32>, vector<32x128xf32>, vector<400x128xf32> -> vector<400x128xf32>
    %broadcast_in_dim3A_135 = vector.shape_cast %dot_general3A_134 : vector<400x128xf32> to vector<1x400x128xf32>
    %get3A_136 = arith.constant 15 : index
    %get3A_137 = arith.constant 0 : index
    %get3A_138 = arith.constant 0 : index
    %get3A_139 = vector.load %arg6[%get3A_136, %get3A_137, %get3A_138] : memref<32x32x128xf32, #tpu.memory_space<vmem>>, vector<1x32x128xf32>
    %get3A_140 = vector.shape_cast %get3A_139 : vector<1x32x128xf32> to vector<32x128xf32>
    %dot_general3A_141 = arith.constant dense<0.000000e+00> : vector<400x128xf32>
    %dot_general3A_142 = tpu.matmul %get3A_16, %get3A_140, %dot_general3A_141 {dimension_numbers = #tpu.dot_dimension_numbers<[1], [0], [0], [1], [0, 0, 1, 1], [], []>, transpose_lhs_hint = false} : vector<400x32xf32>, vector<32x128xf32>, vector<400x128xf32> -> vector<400x128xf32>
    %broadcast_in_dim3A_143 = vector.shape_cast %dot_general3A_142 : vector<400x128xf32> to vector<1x400x128xf32>
    %get3A_144 = arith.constant 16 : index
    %get3A_145 = arith.constant 0 : index
    %get3A_146 = arith.constant 0 : index
    %get3A_147 = vector.load %arg6[%get3A_144, %get3A_145, %get3A_146] : memref<32x32x128xf32, #tpu.memory_space<vmem>>, vector<1x32x128xf32>
    %get3A_148 = vector.shape_cast %get3A_147 : vector<1x32x128xf32> to vector<32x128xf32>
    %dot_general3A_149 = arith.constant dense<0.000000e+00> : vector<400x128xf32>
    %dot_general3A_150 = tpu.matmul %get3A_16, %get3A_148, %dot_general3A_149 {dimension_numbers = #tpu.dot_dimension_numbers<[1], [0], [0], [1], [0, 0, 1, 1], [], []>, transpose_lhs_hint = false} : vector<400x32xf32>, vector<32x128xf32>, vector<400x128xf32> -> vector<400x128xf32>
    %broadcast_in_dim3A_151 = vector.shape_cast %dot_general3A_150 : vector<400x128xf32> to vector<1x400x128xf32>
    %get3A_152 = arith.constant 17 : index
    %get3A_153 = arith.constant 0 : index
    %get3A_154 = arith.constant 0 : index
    %get3A_155 = vector.load %arg6[%get3A_152, %get3A_153, %get3A_154] : memref<32x32x128xf32, #tpu.memory_space<vmem>>, vector<1x32x128xf32>
    %get3A_156 = vector.shape_cast %get3A_155 : vector<1x32x128xf32> to vector<32x128xf32>
    %dot_general3A_157 = arith.constant dense<0.000000e+00> : vector<400x128xf32>
    %dot_general3A_158 = tpu.matmul %get3A_16, %get3A_156, %dot_general3A_157 {dimension_numbers = #tpu.dot_dimension_numbers<[1], [0], [0], [1], [0, 0, 1, 1], [], []>, transpose_lhs_hint = false} : vector<400x32xf32>, vector<32x128xf32>, vector<400x128xf32> -> vector<400x128xf32>
    %broadcast_in_dim3A_159 = vector.shape_cast %dot_general3A_158 : vector<400x128xf32> to vector<1x400x128xf32>
    %get3A_160 = arith.constant 18 : index
    %get3A_161 = arith.constant 0 : index
    %get3A_162 = arith.constant 0 : index
    %get3A_163 = vector.load %arg6[%get3A_160, %get3A_161, %get3A_162] : memref<32x32x128xf32, #tpu.memory_space<vmem>>, vector<1x32x128xf32>
    %get3A_164 = vector.shape_cast %get3A_163 : vector<1x32x128xf32> to vector<32x128xf32>
    %dot_general3A_165 = arith.constant dense<0.000000e+00> : vector<400x128xf32>
    %dot_general3A_166 = tpu.matmul %get3A_16, %get3A_164, %dot_general3A_165 {dimension_numbers = #tpu.dot_dimension_numbers<[1], [0], [0], [1], [0, 0, 1, 1], [], []>, transpose_lhs_hint = false} : vector<400x32xf32>, vector<32x128xf32>, vector<400x128xf32> -> vector<400x128xf32>
    %broadcast_in_dim3A_167 = vector.shape_cast %dot_general3A_166 : vector<400x128xf32> to vector<1x400x128xf32>
    %get3A_168 = arith.constant 19 : index
    %get3A_169 = arith.constant 0 : index
    %get3A_170 = arith.constant 0 : index
    %get3A_171 = vector.load %arg6[%get3A_168, %get3A_169, %get3A_170] : memref<32x32x128xf32, #tpu.memory_space<vmem>>, vector<1x32x128xf32>
    %get3A_172 = vector.shape_cast %get3A_171 : vector<1x32x128xf32> to vector<32x128xf32>
    %dot_general3A_173 = arith.constant dense<0.000000e+00> : vector<400x128xf32>
    %dot_general3A_174 = tpu.matmul %get3A_16, %get3A_172, %dot_general3A_173 {dimension_numbers = #tpu.dot_dimension_numbers<[1], [0], [0], [1], [0, 0, 1, 1], [], []>, transpose_lhs_hint = false} : vector<400x32xf32>, vector<32x128xf32>, vector<400x128xf32> -> vector<400x128xf32>
    %broadcast_in_dim3A_175 = vector.shape_cast %dot_general3A_174 : vector<400x128xf32> to vector<1x400x128xf32>
    %get3A_176 = arith.constant 20 : index
    %get3A_177 = arith.constant 0 : index
    %get3A_178 = arith.constant 0 : index
    %get3A_179 = vector.load %arg6[%get3A_176, %get3A_177, %get3A_178] : memref<32x32x128xf32, #tpu.memory_space<vmem>>, vector<1x32x128xf32>
    %get3A_180 = vector.shape_cast %get3A_179 : vector<1x32x128xf32> to vector<32x128xf32>
    %dot_general3A_181 = arith.constant dense<0.000000e+00> : vector<400x128xf32>
    %dot_general3A_182 = tpu.matmul %get3A_16, %get3A_180, %dot_general3A_181 {dimension_numbers = #tpu.dot_dimension_numbers<[1], [0], [0], [1], [0, 0, 1, 1], [], []>, transpose_lhs_hint = false} : vector<400x32xf32>, vector<32x128xf32>, vector<400x128xf32> -> vector<400x128xf32>
    %broadcast_in_dim3A_183 = vector.shape_cast %dot_general3A_182 : vector<400x128xf32> to vector<1x400x128xf32>
    %get3A_184 = arith.constant 21 : index
    %get3A_185 = arith.constant 0 : index
    %get3A_186 = arith.constant 0 : index
    %get3A_187 = vector.load %arg6[%get3A_184, %get3A_185, %get3A_186] : memref<32x32x128xf32, #tpu.memory_space<vmem>>, vector<1x32x128xf32>
    %get3A_188 = vector.shape_cast %get3A_187 : vector<1x32x128xf32> to vector<32x128xf32>
    %dot_general3A_189 = arith.constant dense<0.000000e+00> : vector<400x128xf32>
    %dot_general3A_190 = tpu.matmul %get3A_16, %get3A_188, %dot_general3A_189 {dimension_numbers = #tpu.dot_dimension_numbers<[1], [0], [0], [1], [0, 0, 1, 1], [], []>, transpose_lhs_hint = false} : vector<400x32xf32>, vector<32x128xf32>, vector<400x128xf32> -> vector<400x128xf32>
    %broadcast_in_dim3A_191 = vector.shape_cast %dot_general3A_190 : vector<400x128xf32> to vector<1x400x128xf32>
    %get3A_192 = arith.constant 22 : index
    %get3A_193 = arith.constant 0 : index
    %get3A_194 = arith.constant 0 : index
    %get3A_195 = vector.load %arg6[%get3A_192, %get3A_193, %get3A_194] : memref<32x32x128xf32, #tpu.memory_space<vmem>>, vector<1x32x128xf32>
    %get3A_196 = vector.shape_cast %get3A_195 : vector<1x32x128xf32> to vector<32x128xf32>
    %dot_general3A_197 = arith.constant dense<0.000000e+00> : vector<400x128xf32>
    %dot_general3A_198 = tpu.matmul %get3A_16, %get3A_196, %dot_general3A_197 {dimension_numbers = #tpu.dot_dimension_numbers<[1], [0], [0], [1], [0, 0, 1, 1], [], []>, transpose_lhs_hint = false} : vector<400x32xf32>, vector<32x128xf32>, vector<400x128xf32> -> vector<400x128xf32>
    %broadcast_in_dim3A_199 = vector.shape_cast %dot_general3A_198 : vector<400x128xf32> to vector<1x400x128xf32>
    %get3A_200 = arith.constant 23 : index
    %get3A_201 = arith.constant 0 : index
    %get3A_202 = arith.constant 0 : index
    %get3A_203 = vector.load %arg6[%get3A_200, %get3A_201, %get3A_202] : memref<32x32x128xf32, #tpu.memory_space<vmem>>, vector<1x32x128xf32>
    %get3A_204 = vector.shape_cast %get3A_203 : vector<1x32x128xf32> to vector<32x128xf32>
    %dot_general3A_205 = arith.constant dense<0.000000e+00> : vector<400x128xf32>
    %dot_general3A_206 = tpu.matmul %get3A_16, %get3A_204, %dot_general3A_205 {dimension_numbers = #tpu.dot_dimension_numbers<[1], [0], [0], [1], [0, 0, 1, 1], [], []>, transpose_lhs_hint = false} : vector<400x32xf32>, vector<32x128xf32>, vector<400x128xf32> -> vector<400x128xf32>
    %broadcast_in_dim3A_207 = vector.shape_cast %dot_general3A_206 : vector<400x128xf32> to vector<1x400x128xf32>
    %get3A_208 = arith.constant 24 : index
    %get3A_209 = arith.constant 0 : index
    %get3A_210 = arith.constant 0 : index
    %get3A_211 = vector.load %arg6[%get3A_208, %get3A_209, %get3A_210] : memref<32x32x128xf32, #tpu.memory_space<vmem>>, vector<1x32x128xf32>
    %get3A_212 = vector.shape_cast %get3A_211 : vector<1x32x128xf32> to vector<32x128xf32>
    %dot_general3A_213 = arith.constant dense<0.000000e+00> : vector<400x128xf32>
    %dot_general3A_214 = tpu.matmul %get3A_16, %get3A_212, %dot_general3A_213 {dimension_numbers = #tpu.dot_dimension_numbers<[1], [0], [0], [1], [0, 0, 1, 1], [], []>, transpose_lhs_hint = false} : vector<400x32xf32>, vector<32x128xf32>, vector<400x128xf32> -> vector<400x128xf32>
    %broadcast_in_dim3A_215 = vector.shape_cast %dot_general3A_214 : vector<400x128xf32> to vector<1x400x128xf32>
    %get3A_216 = arith.constant 25 : index
    %get3A_217 = arith.constant 0 : index
    %get3A_218 = arith.constant 0 : index
    %get3A_219 = vector.load %arg6[%get3A_216, %get3A_217, %get3A_218] : memref<32x32x128xf32, #tpu.memory_space<vmem>>, vector<1x32x128xf32>
    %get3A_220 = vector.shape_cast %get3A_219 : vector<1x32x128xf32> to vector<32x128xf32>
    %dot_general3A_221 = arith.constant dense<0.000000e+00> : vector<400x128xf32>
    %dot_general3A_222 = tpu.matmul %get3A_16, %get3A_220, %dot_general3A_221 {dimension_numbers = #tpu.dot_dimension_numbers<[1], [0], [0], [1], [0, 0, 1, 1], [], []>, transpose_lhs_hint = false} : vector<400x32xf32>, vector<32x128xf32>, vector<400x128xf32> -> vector<400x128xf32>
    %broadcast_in_dim3A_223 = vector.shape_cast %dot_general3A_222 : vector<400x128xf32> to vector<1x400x128xf32>
    %get3A_224 = arith.constant 26 : index
    %get3A_225 = arith.constant 0 : index
    %get3A_226 = arith.constant 0 : index
    %get3A_227 = vector.load %arg6[%get3A_224, %get3A_225, %get3A_226] : memref<32x32x128xf32, #tpu.memory_space<vmem>>, vector<1x32x128xf32>
    %get3A_228 = vector.shape_cast %get3A_227 : vector<1x32x128xf32> to vector<32x128xf32>
    %dot_general3A_229 = arith.constant dense<0.000000e+00> : vector<400x128xf32>
    %dot_general3A_230 = tpu.matmul %get3A_16, %get3A_228, %dot_general3A_229 {dimension_numbers = #tpu.dot_dimension_numbers<[1], [0], [0], [1], [0, 0, 1, 1], [], []>, transpose_lhs_hint = false} : vector<400x32xf32>, vector<32x128xf32>, vector<400x128xf32> -> vector<400x128xf32>
    %broadcast_in_dim3A_231 = vector.shape_cast %dot_general3A_230 : vector<400x128xf32> to vector<1x400x128xf32>
    %get3A_232 = arith.constant 27 : index
    %get3A_233 = arith.constant 0 : index
    %get3A_234 = arith.constant 0 : index
    %get3A_235 = vector.load %arg6[%get3A_232, %get3A_233, %get3A_234] : memref<32x32x128xf32, #tpu.memory_space<vmem>>, vector<1x32x128xf32>
    %get3A_236 = vector.shape_cast %get3A_235 : vector<1x32x128xf32> to vector<32x128xf32>
    %dot_general3A_237 = arith.constant dense<0.000000e+00> : vector<400x128xf32>
    %dot_general3A_238 = tpu.matmul %get3A_16, %get3A_236, %dot_general3A_237 {dimension_numbers = #tpu.dot_dimension_numbers<[1], [0], [0], [1], [0, 0, 1, 1], [], []>, transpose_lhs_hint = false} : vector<400x32xf32>, vector<32x128xf32>, vector<400x128xf32> -> vector<400x128xf32>
    %broadcast_in_dim3A_239 = vector.shape_cast %dot_general3A_238 : vector<400x128xf32> to vector<1x400x128xf32>
    %get3A_240 = arith.constant 28 : index
    %get3A_241 = arith.constant 0 : index
    %get3A_242 = arith.constant 0 : index
    %get3A_243 = vector.load %arg6[%get3A_240, %get3A_241, %get3A_242] : memref<32x32x128xf32, #tpu.memory_space<vmem>>, vector<1x32x128xf32>
    %get3A_244 = vector.shape_cast %get3A_243 : vector<1x32x128xf32> to vector<32x128xf32>
    %dot_general3A_245 = arith.constant dense<0.000000e+00> : vector<400x128xf32>
    %dot_general3A_246 = tpu.matmul %get3A_16, %get3A_244, %dot_general3A_245 {dimension_numbers = #tpu.dot_dimension_numbers<[1], [0], [0], [1], [0, 0, 1, 1], [], []>, transpose_lhs_hint = false} : vector<400x32xf32>, vector<32x128xf32>, vector<400x128xf32> -> vector<400x128xf32>
    %broadcast_in_dim3A_247 = vector.shape_cast %dot_general3A_246 : vector<400x128xf32> to vector<1x400x128xf32>
    %get3A_248 = arith.constant 29 : index
    %get3A_249 = arith.constant 0 : index
    %get3A_250 = arith.constant 0 : index
    %get3A_251 = vector.load %arg6[%get3A_248, %get3A_249, %get3A_250] : memref<32x32x128xf32, #tpu.memory_space<vmem>>, vector<1x32x128xf32>
    %get3A_252 = vector.shape_cast %get3A_251 : vector<1x32x128xf32> to vector<32x128xf32>
    %dot_general3A_253 = arith.constant dense<0.000000e+00> : vector<400x128xf32>
    %dot_general3A_254 = tpu.matmul %get3A_16, %get3A_252, %dot_general3A_253 {dimension_numbers = #tpu.dot_dimension_numbers<[1], [0], [0], [1], [0, 0, 1, 1], [], []>, transpose_lhs_hint = false} : vector<400x32xf32>, vector<32x128xf32>, vector<400x128xf32> -> vector<400x128xf32>
    %broadcast_in_dim3A_255 = vector.shape_cast %dot_general3A_254 : vector<400x128xf32> to vector<1x400x128xf32>
    %get3A_256 = arith.constant 30 : index
    %get3A_257 = arith.constant 0 : index
    %get3A_258 = arith.constant 0 : index
    %get3A_259 = vector.load %arg6[%get3A_256, %get3A_257, %get3A_258] : memref<32x32x128xf32, #tpu.memory_space<vmem>>, vector<1x32x128xf32>
    %get3A_260 = vector.shape_cast %get3A_259 : vector<1x32x128xf32> to vector<32x128xf32>
    %dot_general3A_261 = arith.constant dense<0.000000e+00> : vector<400x128xf32>
    %dot_general3A_262 = tpu.matmul %get3A_16, %get3A_260, %dot_general3A_261 {dimension_numbers = #tpu.dot_dimension_numbers<[1], [0], [0], [1], [0, 0, 1, 1], [], []>, transpose_lhs_hint = false} : vector<400x32xf32>, vector<32x128xf32>, vector<400x128xf32> -> vector<400x128xf32>
    %broadcast_in_dim3A_263 = vector.shape_cast %dot_general3A_262 : vector<400x128xf32> to vector<1x400x128xf32>
    %get3A_264 = arith.constant 31 : index
    %get3A_265 = arith.constant 0 : index
    %get3A_266 = arith.constant 0 : index
    %get3A_267 = vector.load %arg6[%get3A_264, %get3A_265, %get3A_266] : memref<32x32x128xf32, #tpu.memory_space<vmem>>, vector<1x32x128xf32>
    %get3A_268 = vector.shape_cast %get3A_267 : vector<1x32x128xf32> to vector<32x128xf32>
    %dot_general3A_269 = arith.constant dense<0.000000e+00> : vector<400x128xf32>
    %dot_general3A_270 = tpu.matmul %get3A_16, %get3A_268, %dot_general3A_269 {dimension_numbers = #tpu.dot_dimension_numbers<[1], [0], [0], [1], [0, 0, 1, 1], [], []>, transpose_lhs_hint = false} : vector<400x32xf32>, vector<32x128xf32>, vector<400x128xf32> -> vector<400x128xf32>
    %broadcast_in_dim3A_271 = vector.shape_cast %dot_general3A_270 : vector<400x128xf32> to vector<1x400x128xf32>
    %concatenate3A = tpu.concatenate %broadcast_in_dim3A, %broadcast_in_dim3A_31, %broadcast_in_dim3A_39, %broadcast_in_dim3A_47, %broadcast_in_dim3A_55, %broadcast_in_dim3A_63, %broadcast_in_dim3A_71, %broadcast_in_dim3A_79, %broadcast_in_dim3A_87, %broadcast_in_dim3A_95, %broadcast_in_dim3A_103, %broadcast_in_dim3A_111, %broadcast_in_dim3A_119, %broadcast_in_dim3A_127, %broadcast_in_dim3A_135, %broadcast_in_dim3A_143, %broadcast_in_dim3A_151, %broadcast_in_dim3A_159, %broadcast_in_dim3A_167, %broadcast_in_dim3A_175, %broadcast_in_dim3A_183, %broadcast_in_dim3A_191, %broadcast_in_dim3A_199, %broadcast_in_dim3A_207, %broadcast_in_dim3A_215, %broadcast_in_dim3A_223, %broadcast_in_dim3A_231, %broadcast_in_dim3A_239, %broadcast_in_dim3A_247, %broadcast_in_dim3A_255, %broadcast_in_dim3A_263, %broadcast_in_dim3A_271 in 0 : vector<1x400x128xf32>, vector<1x400x128xf32>, vector<1x400x128xf32>, vector<1x400x128xf32>, vector<1x400x128xf32>, vector<1x400x128xf32>, vector<1x400x128xf32>, vector<1x400x128xf32>, vector<1x400x128xf32>, vector<1x400x128xf32>, vector<1x400x128xf32>, vector<1x400x128xf32>, vector<1x400x128xf32>, vector<1x400x128xf32>, vector<1x400x128xf32>, vector<1x400x128xf32>, vector<1x400x128xf32>, vector<1x400x128xf32>, vector<1x400x128xf32>, vector<1x400x128xf32>, vector<1x400x128xf32>, vector<1x400x128xf32>, vector<1x400x128xf32>, vector<1x400x128xf32>, vector<1x400x128xf32>, vector<1x400x128xf32>, vector<1x400x128xf32>, vector<1x400x128xf32>, vector<1x400x128xf32>, vector<1x400x128xf32>, vector<1x400x128xf32>, vector<1x400x128xf32> -> vector<32x400x128xf32>
    %get3A_272 = arith.constant 0 : index
    %get3A_273 = arith.constant 0 : index
    %get3A_274 = vector.load %arg4[%get3A_272, %get3A_273] : memref<128x128xf32, #tpu.memory_space<vmem>>, vector<128x128xf32>
    %dot_general3A_275 = arith.constant dense<0.000000e+00> : vector<12800x128xf32>
    %dot_general3A_276 = tpu.matmul %reshape3A, %get3A_274, %dot_general3A_275 {dimension_numbers = #tpu.dot_dimension_numbers<[1], [0], [0], [1], [0, 0, 1, 1], [], []>, transpose_lhs_hint = false} : vector<12800x128xf32>, vector<128x128xf32>, vector<12800x128xf32> -> vector<12800x128xf32>
    %reshape3A_277 = vector.shape_cast %dot_general3A_276 : vector<12800x128xf32> to vector<32x400x128xf32>
    %broadcast_in_dim3A_278 = vector.shape_cast %add3A_13 : vector<400x128xf32> to vector<1x400x128xf32>
    %add3A_279 = vector.broadcast %broadcast_in_dim3A_278 : vector<1x400x128xf32> to vector<32x400x128xf32>
    %add3A_280 = arith.addf %reshape3A_277, %add3A_279 : vector<32x400x128xf32>
    %add3A_281 = arith.addf %add3A_280, %concatenate3A : vector<32x400x128xf32>
    %max3A = arith.constant 0.000000e+00 : f32
    %max3A_282 = vector.broadcast %max3A : f32 to vector<32x400x128xf32>
    %max3A_283 = arith.maximumf %add3A_281, %max3A_282 : vector<32x400x128xf32>
    %reshape3A_284 = vector.shape_cast %max3A_283 : vector<32x400x128xf32> to vector<12800x128xf32>
    %get3A_285 = arith.constant 0 : index
    %get3A_286 = arith.constant 0 : index
    %get3A_287 = vector.load %arg8[%get3A_285, %get3A_286] : memref<128x128xf32, #tpu.memory_space<vmem>>, vector<128x128xf32>
    %dot_general3A_288 = arith.constant dense<0.000000e+00> : vector<12800x128xf32>
    %dot_general3A_289 = tpu.matmul %reshape3A_284, %get3A_287, %dot_general3A_288 {dimension_numbers = #tpu.dot_dimension_numbers<[1], [0], [0], [1], [0, 0, 1, 1], [], []>, transpose_lhs_hint = false} : vector<12800x128xf32>, vector<128x128xf32>, vector<12800x128xf32> -> vector<12800x128xf32>
    %get3A_290 = arith.constant 0 : index
    %get3A_291 = arith.constant 0 : index
    %get3A_292 = vector.load %arg9[%get3A_290, %get3A_291] : memref<1x128xf32, #tpu.memory_space<vmem>>, vector<1x128xf32>
    %add3A_293 = vector.broadcast %get3A_292 : vector<1x128xf32> to vector<12800x128xf32>
    %add3A_294 = arith.addf %dot_general3A_289, %add3A_293 : vector<12800x128xf32>
    %max3A_295 = arith.constant 0.000000e+00 : f32
    %max3A_296 = vector.broadcast %max3A_295 : f32 to vector<12800x128xf32>
    %max3A_297 = arith.maximumf %add3A_294, %max3A_296 : vector<12800x128xf32>
    %get3A_298 = arith.constant 0 : index
    %get3A_299 = arith.constant 0 : index
    %get3A_300 = vector.load %arg10[%get3A_298, %get3A_299] : memref<128x128xf32, #tpu.memory_space<vmem>>, vector<128x128xf32>
    %dot_general3A_301 = arith.constant dense<0.000000e+00> : vector<12800x128xf32>
    %dot_general3A_302 = tpu.matmul %max3A_297, %get3A_300, %dot_general3A_301 {dimension_numbers = #tpu.dot_dimension_numbers<[1], [0], [0], [1], [0, 0, 1, 1], [], []>, transpose_lhs_hint = false} : vector<12800x128xf32>, vector<128x128xf32>, vector<12800x128xf32> -> vector<12800x128xf32>
    %reshape3A_303 = vector.shape_cast %dot_general3A_302 : vector<12800x128xf32> to vector<32x400x128xf32>
    %exp3A = math.exp %reshape3A_303 : vector<32x400x128xf32>
    %reduce_sum3A = arith.constant dense<0.000000e+00> : vector<400x128xf32>
    %reduce_sum3A_304 = vector.multi_reduction <add>, %exp3A, %reduce_sum3A [0] : vector<32x400x128xf32> to vector<400x128xf32>
    %mul3A = arith.mulf %exp3A, %get3A_2 : vector<32x400x128xf32>
    %reduce_sum3A_305 = arith.constant dense<0.000000e+00> : vector<400x128xf32>
    %reduce_sum3A_306 = vector.multi_reduction <add>, %mul3A, %reduce_sum3A_305 [0] : vector<32x400x128xf32> to vector<400x128xf32>
    %div3A = arith.divf %reduce_sum3A_306, %reduce_sum3A_304 : vector<400x128xf32>
    %swap3A = arith.constant 0 : index
    %swap3A_307 = arith.constant 0 : index
    %swap3A_308 = vector.load %arg11[%swap3A, %swap3A_307] : memref<400x128xf32, #tpu.memory_space<vmem>>, vector<400x128xf32>
    tpu.vector_store %arg11[%swap3A, %swap3A_307], %div3A {strides = array<i32>} : memref<400x128xf32, #tpu.memory_space<vmem>>, vector<400x128xf32>,
    return
  }
  func.func @transform_0(%arg0: i32) -> (i32, i32, i32) {
    %c0_i32 = arith.constant 0 : i32
    %c0_i32_0 = arith.constant 0 : i32
    %c0_i32_1 = arith.constant 0 : i32
    return %c0_i32, %arg0, %c0_i32_0 : i32, i32, i32
  }
  func.func @transform_1(%arg0: i32) -> (i32, i32) {
    %add3A = arith.constant 5 : i32
    %add3A_0 = arith.addi %arg0, %add3A : i32
    %c0_i32 = arith.constant 0 : i32
    %c0_i32_1 = arith.constant 0 : i32
    return %add3A_0, %c0_i32 : i32, i32
  }
  func.func @transform_2(%arg0: i32) -> (i32, i32) {
    %add3A = arith.constant 5 : i32
    %add3A_0 = arith.addi %arg0, %add3A : i32
    %c0_i32 = arith.constant 0 : i32
    %c0_i32_1 = arith.constant 0 : i32
    return %add3A_0, %c0_i32 : i32, i32
  }
  func.func @transform_3(%arg0: i32) -> (i32, i32) {
    %c0_i32 = arith.constant 0 : i32
    %c0_i32_0 = arith.constant 0 : i32
    %c0_i32_1 = arith.constant 0 : i32
    return %c0_i32, %c0_i32_0 : i32, i32
  }
  func.func @transform_4(%arg0: i32) -> (i32, i32) {
    %c0_i32 = arith.constant 0 : i32
    %c0_i32_0 = arith.constant 0 : i32
    %c0_i32_1 = arith.constant 0 : i32
    return %c0_i32, %c0_i32_0 : i32, i32
  }
  func.func @transform_5(%arg0: i32) -> (i32, i32, i32) {
    %c0_i32 = arith.constant 0 : i32
    %c0_i32_0 = arith.constant 0 : i32
    %c0_i32_1 = arith.constant 0 : i32
    %c0_i32_2 = arith.constant 0 : i32
    return %c0_i32, %c0_i32_0, %c0_i32_1 : i32, i32, i32
  }
  func.func @transform_6(%arg0: i32) -> (i32, i32) {
    %c0_i32 = arith.constant 0 : i32
    %c0_i32_0 = arith.constant 0 : i32
    %c0_i32_1 = arith.constant 0 : i32
    return %c0_i32, %c0_i32_0 : i32, i32
  }
  func.func @transform_7(%arg0: i32) -> (i32, i32) {
    %c0_i32 = arith.constant 0 : i32
    %c0_i32_0 = arith.constant 0 : i32
    %c0_i32_1 = arith.constant 0 : i32
    return %c0_i32, %c0_i32_0 : i32, i32
  }
  func.func @transform_8(%arg0: i32) -> (i32, i32) {
    %c0_i32 = arith.constant 0 : i32
    %c0_i32_0 = arith.constant 0 : i32
    %c0_i32_1 = arith.constant 0 : i32
    return %c0_i32, %c0_i32_0 : i32, i32
  }
  func.func @transform_9(%arg0: i32) -> (i32, i32) {
    %c0_i32 = arith.constant 0 : i32
    %c0_i32_0 = arith.constant 0 : i32
    %c0_i32_1 = arith.constant 0 : i32
    return %c0_i32, %c0_i32_0 : i32, i32
  }
  func.func @transform_10(%arg0: i32) -> (i32, i32) {
    %c0_i32 = arith.constant 0 : i32
    %c0_i32_0 = arith.constant 0 : i32
    return %arg0, %c0_i32 : i32, i32
  }
}

module attributes {stable_mosaic.version = 14 : i64} {
  func.func @_tc_body(%arg0: i32, %arg1: memref<32x400x128xf32, #tpu.memory_space<vmem>>, %arg2: memref<400x128xf32, #tpu.memory_space<vmem>>, %arg3: memref<400x32xf32, #tpu.memory_space<vmem>>, %arg4: memref<128x128xf32, #tpu.memory_space<vmem>>, %arg5: memref<128x128xf32, #tpu.memory_space<vmem>>, %arg6: memref<32x32x128xf32, #tpu.memory_space<vmem>>, %arg7: memref<1x128xf32, #tpu.memory_space<vmem>>, %arg8: memref<128x128xf32, #tpu.memory_space<vmem>>, %arg9: memref<1x128xf32, #tpu.memory_space<vmem>>, %arg10: memref<128x128xf32, #tpu.memory_space<vmem>>, %arg11: memref<400x128xf32, #tpu.memory_space<vmem>>) attributes {dimension_semantics = [#tpu.dimension_semantics<arbitrary>], iteration_bounds = array<i64: 7>, scalar_prefetch = 0 : i64, scratch_operands = 0 : i64, tpu.core_type = #tpu.core_type<tc>, window_params = [{transform_indices = @transform_0, window_bounds = array<i64: 32, 400, 128>}, {transform_indices = @transform_1, window_bounds = array<i64: 400, 128>}, {transform_indices = @transform_2, window_bounds = array<i64: 400, 32>}, {pipeline_mode = #tpu.pipeline_mode<synchronous>, transform_indices = @transform_3, window_bounds = array<i64: 128, 128>}, {pipeline_mode = #tpu.pipeline_mode<synchronous>, transform_indices = @transform_4, window_bounds = array<i64: 128, 128>}, {pipeline_mode = #tpu.pipeline_mode<synchronous>, transform_indices = @transform_5, window_bounds = array<i64: 32, 32, 128>}, {pipeline_mode = #tpu.pipeline_mode<synchronous>, transform_indices = @transform_6, window_bounds = array<i64: 1, 128>}, {pipeline_mode = #tpu.pipeline_mode<synchronous>, transform_indices = @transform_7, window_bounds = array<i64: 128, 128>}, {pipeline_mode = #tpu.pipeline_mode<synchronous>, transform_indices = @transform_8, window_bounds = array<i64: 1, 128>}, {pipeline_mode = #tpu.pipeline_mode<synchronous>, transform_indices = @transform_9, window_bounds = array<i64: 128, 128>}, {transform_indices = @transform_10, window_bounds = array<i64: 400, 128>}]} {
    %get3A = arith.constant 0 : index
    %get3A_0 = arith.constant 0 : index
    %get3A_1 = arith.constant 0 : index
    %get3A_2 = vector.load %arg1[%get3A, %get3A_0, %get3A_1] : memref<32x400x128xf32, #tpu.memory_space<vmem>>, vector<32x400x128xf32>
    %reshape3A = vector.shape_cast %get3A_2 : vector<32x400x128xf32> to vector<12800x128xf32>
    %get3A_3 = arith.constant 0 : index
    %get3A_4 = arith.constant 0 : index
    %get3A_5 = vector.load %arg2[%get3A_3, %get3A_4] : memref<400x128xf32, #tpu.memory_space<vmem>>, vector<400x128xf32>
    %get3A_6 = arith.constant 0 : index
    %get3A_7 = arith.constant 0 : index
    %get3A_8 = vector.load %arg5[%get3A_6, %get3A_7] : memref<128x128xf32, #tpu.memory_space<vmem>>, vector<128x128xf32>
    %dot_general3A = arith.constant dense<0.000000e+00> : vector<400x128xf32>
    %dot_general3A_9 = tpu.matmul %get3A_5, %get3A_8, %dot_general3A {dimension_numbers = #tpu.dot_dimension_numbers<[1], [0], [0], [1], [0, 0, 1, 1], [], []>, transpose_lhs_hint = false} : vector<400x128xf32>, vector<128x128xf32>, vector<400x128xf32> -> vector<400x128xf32>
    %get3A_10 = arith.constant 0 : index
    %get3A_11 = arith.constant 0 : index
    %get3A_12 = vector.load %arg7[%get3A_10, %get3A_11] : memref<1x128xf32, #tpu.memory_space<vmem>>, vector<1x128xf32>
    %add3A = vector.broadcast %get3A_12 : vector<1x128xf32> to vector<400x128xf32>
    %add3A_13 = arith.addf %dot_general3A_9, %add3A : vector<400x128xf32>
    %get3A_14 = arith.constant 0 : index
    %get3A_15 = arith.constant 0 : index
    %get3A_16 = vector.load %arg3[%get3A_14, %get3A_15] : memref<400x32xf32, #tpu.memory_space<vmem>>, vector<400x32xf32>
    %get3A_17 = arith.constant 0 : index
    %get3A_18 = arith.constant 0 : index
    %get3A_19 = arith.constant 0 : index
    %get3A_20 = vector.load %arg6[%get3A_17, %get3A_18, %get3A_19] : memref<32x32x128xf32, #tpu.memory_space<vmem>>, vector<1x32x128xf32>
    %get3A_21 = vector.shape_cast %get3A_20 : vector<1x32x128xf32> to vector<32x128xf32>
    %dot_general3A_22 = arith.constant dense<0.000000e+00> : vector<400x128xf32>
    %dot_general3A_23 = tpu.matmul %get3A_16, %get3A_21, %dot_general3A_22 {dimension_numbers = #tpu.dot_dimension_numbers<[1], [0], [0], [1], [0, 0, 1, 1], [], []>, transpose_lhs_hint = false} : vector<400x32xf32>, vector<32x128xf32>, vector<400x128xf32> -> vector<400x128xf32>
    %broadcast_in_dim3A = vector.shape_cast %dot_general3A_23 : vector<400x128xf32> to vector<1x400x128xf32>
    %get3A_24 = arith.constant 1 : index
    %get3A_25 = arith.constant 0 : index
    %get3A_26 = arith.constant 0 : index
    %get3A_27 = vector.load %arg6[%get3A_24, %get3A_25, %get3A_26] : memref<32x32x128xf32, #tpu.memory_space<vmem>>, vector<1x32x128xf32>
    %get3A_28 = vector.shape_cast %get3A_27 : vector<1x32x128xf32> to vector<32x128xf32>
    %dot_general3A_29 = arith.constant dense<0.000000e+00> : vector<400x128xf32>
    %dot_general3A_30 = tpu.matmul %get3A_16, %get3A_28, %dot_general3A_29 {dimension_numbers = #tpu.dot_dimension_numbers<[1], [0], [0], [1], [0, 0, 1, 1], [], []>, transpose_lhs_hint = false} : vector<400x32xf32>, vector<32x128xf32>, vector<400x128xf32> -> vector<400x128xf32>
    %broadcast_in_dim3A_31 = vector.shape_cast %dot_general3A_30 : vector<400x128xf32> to vector<1x400x128xf32>
    %get3A_32 = arith.constant 2 : index
    %get3A_33 = arith.constant 0 : index
    %get3A_34 = arith.constant 0 : index
    %get3A_35 = vector.load %arg6[%get3A_32, %get3A_33, %get3A_34] : memref<32x32x128xf32, #tpu.memory_space<vmem>>, vector<1x32x128xf32>
    %get3A_36 = vector.shape_cast %get3A_35 : vector<1x32x128xf32> to vector<32x128xf32>
    %dot_general3A_37 = arith.constant dense<0.000000e+00> : vector<400x128xf32>
    %dot_general3A_38 = tpu.matmul %get3A_16, %get3A_36, %dot_general3A_37 {dimension_numbers = #tpu.dot_dimension_numbers<[1], [0], [0], [1], [0, 0, 1, 1], [], []>, transpose_lhs_hint = false} : vector<400x32xf32>, vector<32x128xf32>, vector<400x128xf32> -> vector<400x128xf32>
    %broadcast_in_dim3A_39 = vector.shape_cast %dot_general3A_38 : vector<400x128xf32> to vector<1x400x128xf32>
    %get3A_40 = arith.constant 3 : index
    %get3A_41 = arith.constant 0 : index
    %get3A_42 = arith.constant 0 : index
    %get3A_43 = vector.load %arg6[%get3A_40, %get3A_41, %get3A_42] : memref<32x32x128xf32, #tpu.memory_space<vmem>>, vector<1x32x128xf32>
    %get3A_44 = vector.shape_cast %get3A_43 : vector<1x32x128xf32> to vector<32x128xf32>
    %dot_general3A_45 = arith.constant dense<0.000000e+00> : vector<400x128xf32>
    %dot_general3A_46 = tpu.matmul %get3A_16, %get3A_44, %dot_general3A_45 {dimension_numbers = #tpu.dot_dimension_numbers<[1], [0], [0], [1], [0, 0, 1, 1], [], []>, transpose_lhs_hint = false} : vector<400x32xf32>, vector<32x128xf32>, vector<400x128xf32> -> vector<400x128xf32>
    %broadcast_in_dim3A_47 = vector.shape_cast %dot_general3A_46 : vector<400x128xf32> to vector<1x400x128xf32>
    %get3A_48 = arith.constant 4 : index
    %get3A_49 = arith.constant 0 : index
    %get3A_50 = arith.constant 0 : index
    %get3A_51 = vector.load %arg6[%get3A_48, %get3A_49, %get3A_50] : memref<32x32x128xf32, #tpu.memory_space<vmem>>, vector<1x32x128xf32>
    %get3A_52 = vector.shape_cast %get3A_51 : vector<1x32x128xf32> to vector<32x128xf32>
    %dot_general3A_53 = arith.constant dense<0.000000e+00> : vector<400x128xf32>
    %dot_general3A_54 = tpu.matmul %get3A_16, %get3A_52, %dot_general3A_53 {dimension_numbers = #tpu.dot_dimension_numbers<[1], [0], [0], [1], [0, 0, 1, 1], [], []>, transpose_lhs_hint = false} : vector<400x32xf32>, vector<32x128xf32>, vector<400x128xf32> -> vector<400x128xf32>
    %broadcast_in_dim3A_55 = vector.shape_cast %dot_general3A_54 : vector<400x128xf32> to vector<1x400x128xf32>
    %get3A_56 = arith.constant 5 : index
    %get3A_57 = arith.constant 0 : index
    %get3A_58 = arith.constant 0 : index
    %get3A_59 = vector.load %arg6[%get3A_56, %get3A_57, %get3A_58] : memref<32x32x128xf32, #tpu.memory_space<vmem>>, vector<1x32x128xf32>
    %get3A_60 = vector.shape_cast %get3A_59 : vector<1x32x128xf32> to vector<32x128xf32>
    %dot_general3A_61 = arith.constant dense<0.000000e+00> : vector<400x128xf32>
    %dot_general3A_62 = tpu.matmul %get3A_16, %get3A_60, %dot_general3A_61 {dimension_numbers = #tpu.dot_dimension_numbers<[1], [0], [0], [1], [0, 0, 1, 1], [], []>, transpose_lhs_hint = false} : vector<400x32xf32>, vector<32x128xf32>, vector<400x128xf32> -> vector<400x128xf32>
    %broadcast_in_dim3A_63 = vector.shape_cast %dot_general3A_62 : vector<400x128xf32> to vector<1x400x128xf32>
    %get3A_64 = arith.constant 6 : index
    %get3A_65 = arith.constant 0 : index
    %get3A_66 = arith.constant 0 : index
    %get3A_67 = vector.load %arg6[%get3A_64, %get3A_65, %get3A_66] : memref<32x32x128xf32, #tpu.memory_space<vmem>>, vector<1x32x128xf32>
    %get3A_68 = vector.shape_cast %get3A_67 : vector<1x32x128xf32> to vector<32x128xf32>
    %dot_general3A_69 = arith.constant dense<0.000000e+00> : vector<400x128xf32>
    %dot_general3A_70 = tpu.matmul %get3A_16, %get3A_68, %dot_general3A_69 {dimension_numbers = #tpu.dot_dimension_numbers<[1], [0], [0], [1], [0, 0, 1, 1], [], []>, transpose_lhs_hint = false} : vector<400x32xf32>, vector<32x128xf32>, vector<400x128xf32> -> vector<400x128xf32>
    %broadcast_in_dim3A_71 = vector.shape_cast %dot_general3A_70 : vector<400x128xf32> to vector<1x400x128xf32>
    %get3A_72 = arith.constant 7 : index
    %get3A_73 = arith.constant 0 : index
    %get3A_74 = arith.constant 0 : index
    %get3A_75 = vector.load %arg6[%get3A_72, %get3A_73, %get3A_74] : memref<32x32x128xf32, #tpu.memory_space<vmem>>, vector<1x32x128xf32>
    %get3A_76 = vector.shape_cast %get3A_75 : vector<1x32x128xf32> to vector<32x128xf32>
    %dot_general3A_77 = arith.constant dense<0.000000e+00> : vector<400x128xf32>
    %dot_general3A_78 = tpu.matmul %get3A_16, %get3A_76, %dot_general3A_77 {dimension_numbers = #tpu.dot_dimension_numbers<[1], [0], [0], [1], [0, 0, 1, 1], [], []>, transpose_lhs_hint = false} : vector<400x32xf32>, vector<32x128xf32>, vector<400x128xf32> -> vector<400x128xf32>
    %broadcast_in_dim3A_79 = vector.shape_cast %dot_general3A_78 : vector<400x128xf32> to vector<1x400x128xf32>
    %get3A_80 = arith.constant 8 : index
    %get3A_81 = arith.constant 0 : index
    %get3A_82 = arith.constant 0 : index
    %get3A_83 = vector.load %arg6[%get3A_80, %get3A_81, %get3A_82] : memref<32x32x128xf32, #tpu.memory_space<vmem>>, vector<1x32x128xf32>
    %get3A_84 = vector.shape_cast %get3A_83 : vector<1x32x128xf32> to vector<32x128xf32>
    %dot_general3A_85 = arith.constant dense<0.000000e+00> : vector<400x128xf32>
    %dot_general3A_86 = tpu.matmul %get3A_16, %get3A_84, %dot_general3A_85 {dimension_numbers = #tpu.dot_dimension_numbers<[1], [0], [0], [1], [0, 0, 1, 1], [], []>, transpose_lhs_hint = false} : vector<400x32xf32>, vector<32x128xf32>, vector<400x128xf32> -> vector<400x128xf32>
    %broadcast_in_dim3A_87 = vector.shape_cast %dot_general3A_86 : vector<400x128xf32> to vector<1x400x128xf32>
    %get3A_88 = arith.constant 9 : index
    %get3A_89 = arith.constant 0 : index
    %get3A_90 = arith.constant 0 : index
    %get3A_91 = vector.load %arg6[%get3A_88, %get3A_89, %get3A_90] : memref<32x32x128xf32, #tpu.memory_space<vmem>>, vector<1x32x128xf32>
    %get3A_92 = vector.shape_cast %get3A_91 : vector<1x32x128xf32> to vector<32x128xf32>
    %dot_general3A_93 = arith.constant dense<0.000000e+00> : vector<400x128xf32>
    %dot_general3A_94 = tpu.matmul %get3A_16, %get3A_92, %dot_general3A_93 {dimension_numbers = #tpu.dot_dimension_numbers<[1], [0], [0], [1], [0, 0, 1, 1], [], []>, transpose_lhs_hint = false} : vector<400x32xf32>, vector<32x128xf32>, vector<400x128xf32> -> vector<400x128xf32>
    %broadcast_in_dim3A_95 = vector.shape_cast %dot_general3A_94 : vector<400x128xf32> to vector<1x400x128xf32>
    %get3A_96 = arith.constant 10 : index
    %get3A_97 = arith.constant 0 : index
    %get3A_98 = arith.constant 0 : index
    %get3A_99 = vector.load %arg6[%get3A_96, %get3A_97, %get3A_98] : memref<32x32x128xf32, #tpu.memory_space<vmem>>, vector<1x32x128xf32>
    %get3A_100 = vector.shape_cast %get3A_99 : vector<1x32x128xf32> to vector<32x128xf32>
    %dot_general3A_101 = arith.constant dense<0.000000e+00> : vector<400x128xf32>
    %dot_general3A_102 = tpu.matmul %get3A_16, %get3A_100, %dot_general3A_101 {dimension_numbers = #tpu.dot_dimension_numbers<[1], [0], [0], [1], [0, 0, 1, 1], [], []>, transpose_lhs_hint = false} : vector<400x32xf32>, vector<32x128xf32>, vector<400x128xf32> -> vector<400x128xf32>
    %broadcast_in_dim3A_103 = vector.shape_cast %dot_general3A_102 : vector<400x128xf32> to vector<1x400x128xf32>
    %get3A_104 = arith.constant 11 : index
    %get3A_105 = arith.constant 0 : index
    %get3A_106 = arith.constant 0 : index
    %get3A_107 = vector.load %arg6[%get3A_104, %get3A_105, %get3A_106] : memref<32x32x128xf32, #tpu.memory_space<vmem>>, vector<1x32x128xf32>
    %get3A_108 = vector.shape_cast %get3A_107 : vector<1x32x128xf32> to vector<32x128xf32>
    %dot_general3A_109 = arith.constant dense<0.000000e+00> : vector<400x128xf32>
    %dot_general3A_110 = tpu.matmul %get3A_16, %get3A_108, %dot_general3A_109 {dimension_numbers = #tpu.dot_dimension_numbers<[1], [0], [0], [1], [0, 0, 1, 1], [], []>, transpose_lhs_hint = false} : vector<400x32xf32>, vector<32x128xf32>, vector<400x128xf32> -> vector<400x128xf32>
    %broadcast_in_dim3A_111 = vector.shape_cast %dot_general3A_110 : vector<400x128xf32> to vector<1x400x128xf32>
    %get3A_112 = arith.constant 12 : index
    %get3A_113 = arith.constant 0 : index
    %get3A_114 = arith.constant 0 : index
    %get3A_115 = vector.load %arg6[%get3A_112, %get3A_113, %get3A_114] : memref<32x32x128xf32, #tpu.memory_space<vmem>>, vector<1x32x128xf32>
    %get3A_116 = vector.shape_cast %get3A_115 : vector<1x32x128xf32> to vector<32x128xf32>
    %dot_general3A_117 = arith.constant dense<0.000000e+00> : vector<400x128xf32>
    %dot_general3A_118 = tpu.matmul %get3A_16, %get3A_116, %dot_general3A_117 {dimension_numbers = #tpu.dot_dimension_numbers<[1], [0], [0], [1], [0, 0, 1, 1], [], []>, transpose_lhs_hint = false} : vector<400x32xf32>, vector<32x128xf32>, vector<400x128xf32> -> vector<400x128xf32>
    %broadcast_in_dim3A_119 = vector.shape_cast %dot_general3A_118 : vector<400x128xf32> to vector<1x400x128xf32>
    %get3A_120 = arith.constant 13 : index
    %get3A_121 = arith.constant 0 : index
    %get3A_122 = arith.constant 0 : index
    %get3A_123 = vector.load %arg6[%get3A_120, %get3A_121, %get3A_122] : memref<32x32x128xf32, #tpu.memory_space<vmem>>, vector<1x32x128xf32>
    %get3A_124 = vector.shape_cast %get3A_123 : vector<1x32x128xf32> to vector<32x128xf32>
    %dot_general3A_125 = arith.constant dense<0.000000e+00> : vector<400x128xf32>
    %dot_general3A_126 = tpu.matmul %get3A_16, %get3A_124, %dot_general3A_125 {dimension_numbers = #tpu.dot_dimension_numbers<[1], [0], [0], [1], [0, 0, 1, 1], [], []>, transpose_lhs_hint = false} : vector<400x32xf32>, vector<32x128xf32>, vector<400x128xf32> -> vector<400x128xf32>
    %broadcast_in_dim3A_127 = vector.shape_cast %dot_general3A_126 : vector<400x128xf32> to vector<1x400x128xf32>
    %get3A_128 = arith.constant 14 : index
    %get3A_129 = arith.constant 0 : index
    %get3A_130 = arith.constant 0 : index
    %get3A_131 = vector.load %arg6[%get3A_128, %get3A_129, %get3A_130] : memref<32x32x128xf32, #tpu.memory_space<vmem>>, vector<1x32x128xf32>
    %get3A_132 = vector.shape_cast %get3A_131 : vector<1x32x128xf32> to vector<32x128xf32>
    %dot_general3A_133 = arith.constant dense<0.000000e+00> : vector<400x128xf32>
    %dot_general3A_134 = tpu.matmul %get3A_16, %get3A_132, %dot_general3A_133 {dimension_numbers = #tpu.dot_dimension_numbers<[1], [0], [0], [1], [0, 0, 1, 1], [], []>, transpose_lhs_hint = false} : vector<400x32xf32>, vector<32x128xf32>, vector<400x128xf32> -> vector<400x128xf32>
    %broadcast_in_dim3A_135 = vector.shape_cast %dot_general3A_134 : vector<400x128xf32> to vector<1x400x128xf32>
    %get3A_136 = arith.constant 15 : index
    %get3A_137 = arith.constant 0 : index
    %get3A_138 = arith.constant 0 : index
    %get3A_139 = vector.load %arg6[%get3A_136, %get3A_137, %get3A_138] : memref<32x32x128xf32, #tpu.memory_space<vmem>>, vector<1x32x128xf32>
    %get3A_140 = vector.shape_cast %get3A_139 : vector<1x32x128xf32> to vector<32x128xf32>
    %dot_general3A_141 = arith.constant dense<0.000000e+00> : vector<400x128xf32>
    %dot_general3A_142 = tpu.matmul %get3A_16, %get3A_140, %dot_general3A_141 {dimension_numbers = #tpu.dot_dimension_numbers<[1], [0], [0], [1], [0, 0, 1, 1], [], []>, transpose_lhs_hint = false} : vector<400x32xf32>, vector<32x128xf32>, vector<400x128xf32> -> vector<400x128xf32>
    %broadcast_in_dim3A_143 = vector.shape_cast %dot_general3A_142 : vector<400x128xf32> to vector<1x400x128xf32>
    %get3A_144 = arith.constant 16 : index
    %get3A_145 = arith.constant 0 : index
    %get3A_146 = arith.constant 0 : index
    %get3A_147 = vector.load %arg6[%get3A_144, %get3A_145, %get3A_146] : memref<32x32x128xf32, #tpu.memory_space<vmem>>, vector<1x32x128xf32>
    %get3A_148 = vector.shape_cast %get3A_147 : vector<1x32x128xf32> to vector<32x128xf32>
    %dot_general3A_149 = arith.constant dense<0.000000e+00> : vector<400x128xf32>
    %dot_general3A_150 = tpu.matmul %get3A_16, %get3A_148, %dot_general3A_149 {dimension_numbers = #tpu.dot_dimension_numbers<[1], [0], [0], [1], [0, 0, 1, 1], [], []>, transpose_lhs_hint = false} : vector<400x32xf32>, vector<32x128xf32>, vector<400x128xf32> -> vector<400x128xf32>
    %broadcast_in_dim3A_151 = vector.shape_cast %dot_general3A_150 : vector<400x128xf32> to vector<1x400x128xf32>
    %get3A_152 = arith.constant 17 : index
    %get3A_153 = arith.constant 0 : index
    %get3A_154 = arith.constant 0 : index
    %get3A_155 = vector.load %arg6[%get3A_152, %get3A_153, %get3A_154] : memref<32x32x128xf32, #tpu.memory_space<vmem>>, vector<1x32x128xf32>
    %get3A_156 = vector.shape_cast %get3A_155 : vector<1x32x128xf32> to vector<32x128xf32>
    %dot_general3A_157 = arith.constant dense<0.000000e+00> : vector<400x128xf32>
    %dot_general3A_158 = tpu.matmul %get3A_16, %get3A_156, %dot_general3A_157 {dimension_numbers = #tpu.dot_dimension_numbers<[1], [0], [0], [1], [0, 0, 1, 1], [], []>, transpose_lhs_hint = false} : vector<400x32xf32>, vector<32x128xf32>, vector<400x128xf32> -> vector<400x128xf32>
    %broadcast_in_dim3A_159 = vector.shape_cast %dot_general3A_158 : vector<400x128xf32> to vector<1x400x128xf32>
    %get3A_160 = arith.constant 18 : index
    %get3A_161 = arith.constant 0 : index
    %get3A_162 = arith.constant 0 : index
    %get3A_163 = vector.load %arg6[%get3A_160, %get3A_161, %get3A_162] : memref<32x32x128xf32, #tpu.memory_space<vmem>>, vector<1x32x128xf32>
    %get3A_164 = vector.shape_cast %get3A_163 : vector<1x32x128xf32> to vector<32x128xf32>
    %dot_general3A_165 = arith.constant dense<0.000000e+00> : vector<400x128xf32>
    %dot_general3A_166 = tpu.matmul %get3A_16, %get3A_164, %dot_general3A_165 {dimension_numbers = #tpu.dot_dimension_numbers<[1], [0], [0], [1], [0, 0, 1, 1], [], []>, transpose_lhs_hint = false} : vector<400x32xf32>, vector<32x128xf32>, vector<400x128xf32> -> vector<400x128xf32>
    %broadcast_in_dim3A_167 = vector.shape_cast %dot_general3A_166 : vector<400x128xf32> to vector<1x400x128xf32>
    %get3A_168 = arith.constant 19 : index
    %get3A_169 = arith.constant 0 : index
    %get3A_170 = arith.constant 0 : index
    %get3A_171 = vector.load %arg6[%get3A_168, %get3A_169, %get3A_170] : memref<32x32x128xf32, #tpu.memory_space<vmem>>, vector<1x32x128xf32>
    %get3A_172 = vector.shape_cast %get3A_171 : vector<1x32x128xf32> to vector<32x128xf32>
    %dot_general3A_173 = arith.constant dense<0.000000e+00> : vector<400x128xf32>
    %dot_general3A_174 = tpu.matmul %get3A_16, %get3A_172, %dot_general3A_173 {dimension_numbers = #tpu.dot_dimension_numbers<[1], [0], [0], [1], [0, 0, 1, 1], [], []>, transpose_lhs_hint = false} : vector<400x32xf32>, vector<32x128xf32>, vector<400x128xf32> -> vector<400x128xf32>
    %broadcast_in_dim3A_175 = vector.shape_cast %dot_general3A_174 : vector<400x128xf32> to vector<1x400x128xf32>
    %get3A_176 = arith.constant 20 : index
    %get3A_177 = arith.constant 0 : index
    %get3A_178 = arith.constant 0 : index
    %get3A_179 = vector.load %arg6[%get3A_176, %get3A_177, %get3A_178] : memref<32x32x128xf32, #tpu.memory_space<vmem>>, vector<1x32x128xf32>
    %get3A_180 = vector.shape_cast %get3A_179 : vector<1x32x128xf32> to vector<32x128xf32>
    %dot_general3A_181 = arith.constant dense<0.000000e+00> : vector<400x128xf32>
    %dot_general3A_182 = tpu.matmul %get3A_16, %get3A_180, %dot_general3A_181 {dimension_numbers = #tpu.dot_dimension_numbers<[1], [0], [0], [1], [0, 0, 1, 1], [], []>, transpose_lhs_hint = false} : vector<400x32xf32>, vector<32x128xf32>, vector<400x128xf32> -> vector<400x128xf32>
    %broadcast_in_dim3A_183 = vector.shape_cast %dot_general3A_182 : vector<400x128xf32> to vector<1x400x128xf32>
    %get3A_184 = arith.constant 21 : index
    %get3A_185 = arith.constant 0 : index
    %get3A_186 = arith.constant 0 : index
    %get3A_187 = vector.load %arg6[%get3A_184, %get3A_185, %get3A_186] : memref<32x32x128xf32, #tpu.memory_space<vmem>>, vector<1x32x128xf32>
    %get3A_188 = vector.shape_cast %get3A_187 : vector<1x32x128xf32> to vector<32x128xf32>
    %dot_general3A_189 = arith.constant dense<0.000000e+00> : vector<400x128xf32>
    %dot_general3A_190 = tpu.matmul %get3A_16, %get3A_188, %dot_general3A_189 {dimension_numbers = #tpu.dot_dimension_numbers<[1], [0], [0], [1], [0, 0, 1, 1], [], []>, transpose_lhs_hint = false} : vector<400x32xf32>, vector<32x128xf32>, vector<400x128xf32> -> vector<400x128xf32>
    %broadcast_in_dim3A_191 = vector.shape_cast %dot_general3A_190 : vector<400x128xf32> to vector<1x400x128xf32>
    %get3A_192 = arith.constant 22 : index
    %get3A_193 = arith.constant 0 : index
    %get3A_194 = arith.constant 0 : index
    %get3A_195 = vector.load %arg6[%get3A_192, %get3A_193, %get3A_194] : memref<32x32x128xf32, #tpu.memory_space<vmem>>, vector<1x32x128xf32>
    %get3A_196 = vector.shape_cast %get3A_195 : vector<1x32x128xf32> to vector<32x128xf32>
    %dot_general3A_197 = arith.constant dense<0.000000e+00> : vector<400x128xf32>
    %dot_general3A_198 = tpu.matmul %get3A_16, %get3A_196, %dot_general3A_197 {dimension_numbers = #tpu.dot_dimension_numbers<[1], [0], [0], [1], [0, 0, 1, 1], [], []>, transpose_lhs_hint = false} : vector<400x32xf32>, vector<32x128xf32>, vector<400x128xf32> -> vector<400x128xf32>
    %broadcast_in_dim3A_199 = vector.shape_cast %dot_general3A_198 : vector<400x128xf32> to vector<1x400x128xf32>
    %get3A_200 = arith.constant 23 : index
    %get3A_201 = arith.constant 0 : index
    %get3A_202 = arith.constant 0 : index
    %get3A_203 = vector.load %arg6[%get3A_200, %get3A_201, %get3A_202] : memref<32x32x128xf32, #tpu.memory_space<vmem>>, vector<1x32x128xf32>
    %get3A_204 = vector.shape_cast %get3A_203 : vector<1x32x128xf32> to vector<32x128xf32>
    %dot_general3A_205 = arith.constant dense<0.000000e+00> : vector<400x128xf32>
    %dot_general3A_206 = tpu.matmul %get3A_16, %get3A_204, %dot_general3A_205 {dimension_numbers = #tpu.dot_dimension_numbers<[1], [0], [0], [1], [0, 0, 1, 1], [], []>, transpose_lhs_hint = false} : vector<400x32xf32>, vector<32x128xf32>, vector<400x128xf32> -> vector<400x128xf32>
    %broadcast_in_dim3A_207 = vector.shape_cast %dot_general3A_206 : vector<400x128xf32> to vector<1x400x128xf32>
    %get3A_208 = arith.constant 24 : index
    %get3A_209 = arith.constant 0 : index
    %get3A_210 = arith.constant 0 : index
    %get3A_211 = vector.load %arg6[%get3A_208, %get3A_209, %get3A_210] : memref<32x32x128xf32, #tpu.memory_space<vmem>>, vector<1x32x128xf32>
    %get3A_212 = vector.shape_cast %get3A_211 : vector<1x32x128xf32> to vector<32x128xf32>
    %dot_general3A_213 = arith.constant dense<0.000000e+00> : vector<400x128xf32>
    %dot_general3A_214 = tpu.matmul %get3A_16, %get3A_212, %dot_general3A_213 {dimension_numbers = #tpu.dot_dimension_numbers<[1], [0], [0], [1], [0, 0, 1, 1], [], []>, transpose_lhs_hint = false} : vector<400x32xf32>, vector<32x128xf32>, vector<400x128xf32> -> vector<400x128xf32>
    %broadcast_in_dim3A_215 = vector.shape_cast %dot_general3A_214 : vector<400x128xf32> to vector<1x400x128xf32>
    %get3A_216 = arith.constant 25 : index
    %get3A_217 = arith.constant 0 : index
    %get3A_218 = arith.constant 0 : index
    %get3A_219 = vector.load %arg6[%get3A_216, %get3A_217, %get3A_218] : memref<32x32x128xf32, #tpu.memory_space<vmem>>, vector<1x32x128xf32>
    %get3A_220 = vector.shape_cast %get3A_219 : vector<1x32x128xf32> to vector<32x128xf32>
    %dot_general3A_221 = arith.constant dense<0.000000e+00> : vector<400x128xf32>
    %dot_general3A_222 = tpu.matmul %get3A_16, %get3A_220, %dot_general3A_221 {dimension_numbers = #tpu.dot_dimension_numbers<[1], [0], [0], [1], [0, 0, 1, 1], [], []>, transpose_lhs_hint = false} : vector<400x32xf32>, vector<32x128xf32>, vector<400x128xf32> -> vector<400x128xf32>
    %broadcast_in_dim3A_223 = vector.shape_cast %dot_general3A_222 : vector<400x128xf32> to vector<1x400x128xf32>
    %get3A_224 = arith.constant 26 : index
    %get3A_225 = arith.constant 0 : index
    %get3A_226 = arith.constant 0 : index
    %get3A_227 = vector.load %arg6[%get3A_224, %get3A_225, %get3A_226] : memref<32x32x128xf32, #tpu.memory_space<vmem>>, vector<1x32x128xf32>
    %get3A_228 = vector.shape_cast %get3A_227 : vector<1x32x128xf32> to vector<32x128xf32>
    %dot_general3A_229 = arith.constant dense<0.000000e+00> : vector<400x128xf32>
    %dot_general3A_230 = tpu.matmul %get3A_16, %get3A_228, %dot_general3A_229 {dimension_numbers = #tpu.dot_dimension_numbers<[1], [0], [0], [1], [0, 0, 1, 1], [], []>, transpose_lhs_hint = false} : vector<400x32xf32>, vector<32x128xf32>, vector<400x128xf32> -> vector<400x128xf32>
    %broadcast_in_dim3A_231 = vector.shape_cast %dot_general3A_230 : vector<400x128xf32> to vector<1x400x128xf32>
    %get3A_232 = arith.constant 27 : index
    %get3A_233 = arith.constant 0 : index
    %get3A_234 = arith.constant 0 : index
    %get3A_235 = vector.load %arg6[%get3A_232, %get3A_233, %get3A_234] : memref<32x32x128xf32, #tpu.memory_space<vmem>>, vector<1x32x128xf32>
    %get3A_236 = vector.shape_cast %get3A_235 : vector<1x32x128xf32> to vector<32x128xf32>
    %dot_general3A_237 = arith.constant dense<0.000000e+00> : vector<400x128xf32>
    %dot_general3A_238 = tpu.matmul %get3A_16, %get3A_236, %dot_general3A_237 {dimension_numbers = #tpu.dot_dimension_numbers<[1], [0], [0], [1], [0, 0, 1, 1], [], []>, transpose_lhs_hint = false} : vector<400x32xf32>, vector<32x128xf32>, vector<400x128xf32> -> vector<400x128xf32>
    %broadcast_in_dim3A_239 = vector.shape_cast %dot_general3A_238 : vector<400x128xf32> to vector<1x400x128xf32>
    %get3A_240 = arith.constant 28 : index
    %get3A_241 = arith.constant 0 : index
    %get3A_242 = arith.constant 0 : index
    %get3A_243 = vector.load %arg6[%get3A_240, %get3A_241, %get3A_242] : memref<32x32x128xf32, #tpu.memory_space<vmem>>, vector<1x32x128xf32>
    %get3A_244 = vector.shape_cast %get3A_243 : vector<1x32x128xf32> to vector<32x128xf32>
    %dot_general3A_245 = arith.constant dense<0.000000e+00> : vector<400x128xf32>
    %dot_general3A_246 = tpu.matmul %get3A_16, %get3A_244, %dot_general3A_245 {dimension_numbers = #tpu.dot_dimension_numbers<[1], [0], [0], [1], [0, 0, 1, 1], [], []>, transpose_lhs_hint = false} : vector<400x32xf32>, vector<32x128xf32>, vector<400x128xf32> -> vector<400x128xf32>
    %broadcast_in_dim3A_247 = vector.shape_cast %dot_general3A_246 : vector<400x128xf32> to vector<1x400x128xf32>
    %get3A_248 = arith.constant 29 : index
    %get3A_249 = arith.constant 0 : index
    %get3A_250 = arith.constant 0 : index
    %get3A_251 = vector.load %arg6[%get3A_248, %get3A_249, %get3A_250] : memref<32x32x128xf32, #tpu.memory_space<vmem>>, vector<1x32x128xf32>
    %get3A_252 = vector.shape_cast %get3A_251 : vector<1x32x128xf32> to vector<32x128xf32>
    %dot_general3A_253 = arith.constant dense<0.000000e+00> : vector<400x128xf32>
    %dot_general3A_254 = tpu.matmul %get3A_16, %get3A_252, %dot_general3A_253 {dimension_numbers = #tpu.dot_dimension_numbers<[1], [0], [0], [1], [0, 0, 1, 1], [], []>, transpose_lhs_hint = false} : vector<400x32xf32>, vector<32x128xf32>, vector<400x128xf32> -> vector<400x128xf32>
    %broadcast_in_dim3A_255 = vector.shape_cast %dot_general3A_254 : vector<400x128xf32> to vector<1x400x128xf32>
    %get3A_256 = arith.constant 30 : index
    %get3A_257 = arith.constant 0 : index
    %get3A_258 = arith.constant 0 : index
    %get3A_259 = vector.load %arg6[%get3A_256, %get3A_257, %get3A_258] : memref<32x32x128xf32, #tpu.memory_space<vmem>>, vector<1x32x128xf32>
    %get3A_260 = vector.shape_cast %get3A_259 : vector<1x32x128xf32> to vector<32x128xf32>
    %dot_general3A_261 = arith.constant dense<0.000000e+00> : vector<400x128xf32>
    %dot_general3A_262 = tpu.matmul %get3A_16, %get3A_260, %dot_general3A_261 {dimension_numbers = #tpu.dot_dimension_numbers<[1], [0], [0], [1], [0, 0, 1, 1], [], []>, transpose_lhs_hint = false} : vector<400x32xf32>, vector<32x128xf32>, vector<400x128xf32> -> vector<400x128xf32>
    %broadcast_in_dim3A_263 = vector.shape_cast %dot_general3A_262 : vector<400x128xf32> to vector<1x400x128xf32>
    %get3A_264 = arith.constant 31 : index
    %get3A_265 = arith.constant 0 : index
    %get3A_266 = arith.constant 0 : index
    %get3A_267 = vector.load %arg6[%get3A_264, %get3A_265, %get3A_266] : memref<32x32x128xf32, #tpu.memory_space<vmem>>, vector<1x32x128xf32>
    %get3A_268 = vector.shape_cast %get3A_267 : vector<1x32x128xf32> to vector<32x128xf32>
    %dot_general3A_269 = arith.constant dense<0.000000e+00> : vector<400x128xf32>
    %dot_general3A_270 = tpu.matmul %get3A_16, %get3A_268, %dot_general3A_269 {dimension_numbers = #tpu.dot_dimension_numbers<[1], [0], [0], [1], [0, 0, 1, 1], [], []>, transpose_lhs_hint = false} : vector<400x32xf32>, vector<32x128xf32>, vector<400x128xf32> -> vector<400x128xf32>
    %broadcast_in_dim3A_271 = vector.shape_cast %dot_general3A_270 : vector<400x128xf32> to vector<1x400x128xf32>
    %concatenate3A = tpu.concatenate %broadcast_in_dim3A, %broadcast_in_dim3A_31, %broadcast_in_dim3A_39, %broadcast_in_dim3A_47, %broadcast_in_dim3A_55, %broadcast_in_dim3A_63, %broadcast_in_dim3A_71, %broadcast_in_dim3A_79, %broadcast_in_dim3A_87, %broadcast_in_dim3A_95, %broadcast_in_dim3A_103, %broadcast_in_dim3A_111, %broadcast_in_dim3A_119, %broadcast_in_dim3A_127, %broadcast_in_dim3A_135, %broadcast_in_dim3A_143, %broadcast_in_dim3A_151, %broadcast_in_dim3A_159, %broadcast_in_dim3A_167, %broadcast_in_dim3A_175, %broadcast_in_dim3A_183, %broadcast_in_dim3A_191, %broadcast_in_dim3A_199, %broadcast_in_dim3A_207, %broadcast_in_dim3A_215, %broadcast_in_dim3A_223, %broadcast_in_dim3A_231, %broadcast_in_dim3A_239, %broadcast_in_dim3A_247, %broadcast_in_dim3A_255, %broadcast_in_dim3A_263, %broadcast_in_dim3A_271 in 0 : vector<1x400x128xf32>, vector<1x400x128xf32>, vector<1x400x128xf32>, vector<1x400x128xf32>, vector<1x400x128xf32>, vector<1x400x128xf32>, vector<1x400x128xf32>, vector<1x400x128xf32>, vector<1x400x128xf32>, vector<1x400x128xf32>, vector<1x400x128xf32>, vector<1x400x128xf32>, vector<1x400x128xf32>, vector<1x400x128xf32>, vector<1x400x128xf32>, vector<1x400x128xf32>, vector<1x400x128xf32>, vector<1x400x128xf32>, vector<1x400x128xf32>, vector<1x400x128xf32>, vector<1x400x128xf32>, vector<1x400x128xf32>, vector<1x400x128xf32>, vector<1x400x128xf32>, vector<1x400x128xf32>, vector<1x400x128xf32>, vector<1x400x128xf32>, vector<1x400x128xf32>, vector<1x400x128xf32>, vector<1x400x128xf32>, vector<1x400x128xf32>, vector<1x400x128xf32> -> vector<32x400x128xf32>
    %get3A_272 = arith.constant 0 : index
    %get3A_273 = arith.constant 0 : index
    %get3A_274 = vector.load %arg4[%get3A_272, %get3A_273] : memref<128x128xf32, #tpu.memory_space<vmem>>, vector<128x128xf32>
    %dot_general3A_275 = arith.constant dense<0.000000e+00> : vector<12800x128xf32>
    %dot_general3A_276 = tpu.matmul %reshape3A, %get3A_274, %dot_general3A_275 {dimension_numbers = #tpu.dot_dimension_numbers<[1], [0], [0], [1], [0, 0, 1, 1], [], []>, transpose_lhs_hint = false} : vector<12800x128xf32>, vector<128x128xf32>, vector<12800x128xf32> -> vector<12800x128xf32>
    %reshape3A_277 = vector.shape_cast %dot_general3A_276 : vector<12800x128xf32> to vector<32x400x128xf32>
    %broadcast_in_dim3A_278 = vector.shape_cast %add3A_13 : vector<400x128xf32> to vector<1x400x128xf32>
    %add3A_279 = vector.broadcast %broadcast_in_dim3A_278 : vector<1x400x128xf32> to vector<32x400x128xf32>
    %add3A_280 = arith.addf %reshape3A_277, %add3A_279 : vector<32x400x128xf32>
    %add3A_281 = arith.addf %add3A_280, %concatenate3A : vector<32x400x128xf32>
    %max3A = arith.constant 0.000000e+00 : f32
    %max3A_282 = vector.broadcast %max3A : f32 to vector<32x400x128xf32>
    %max3A_283 = arith.maximumf %add3A_281, %max3A_282 : vector<32x400x128xf32>
    %reshape3A_284 = vector.shape_cast %max3A_283 : vector<32x400x128xf32> to vector<12800x128xf32>
    %get3A_285 = arith.constant 0 : index
    %get3A_286 = arith.constant 0 : index
    %get3A_287 = vector.load %arg8[%get3A_285, %get3A_286] : memref<128x128xf32, #tpu.memory_space<vmem>>, vector<128x128xf32>
    %dot_general3A_288 = arith.constant dense<0.000000e+00> : vector<12800x128xf32>
    %dot_general3A_289 = tpu.matmul %reshape3A_284, %get3A_287, %dot_general3A_288 {dimension_numbers = #tpu.dot_dimension_numbers<[1], [0], [0], [1], [0, 0, 1, 1], [], []>, transpose_lhs_hint = false} : vector<12800x128xf32>, vector<128x128xf32>, vector<12800x128xf32> -> vector<12800x128xf32>
    %get3A_290 = arith.constant 0 : index
    %get3A_291 = arith.constant 0 : index
    %get3A_292 = vector.load %arg9[%get3A_290, %get3A_291] : memref<1x128xf32, #tpu.memory_space<vmem>>, vector<1x128xf32>
    %add3A_293 = vector.broadcast %get3A_292 : vector<1x128xf32> to vector<12800x128xf32>
    %add3A_294 = arith.addf %dot_general3A_289, %add3A_293 : vector<12800x128xf32>
    %max3A_295 = arith.constant 0.000000e+00 : f32
    %max3A_296 = vector.broadcast %max3A_295 : f32 to vector<12800x128xf32>
    %max3A_297 = arith.maximumf %add3A_294, %max3A_296 : vector<12800x128xf32>
    %get3A_298 = arith.constant 0 : index
    %get3A_299 = arith.constant 0 : index
    %get3A_300 = vector.load %arg10[%get3A_298, %get3A_299] : memref<128x128xf32, #tpu.memory_space<vmem>>, vector<128x128xf32>
    %dot_general3A_301 = arith.constant dense<0.000000e+00> : vector<12800x128xf32>
    %dot_general3A_302 = tpu.matmul %max3A_297, %get3A_300, %dot_general3A_301 {dimension_numbers = #tpu.dot_dimension_numbers<[1], [0], [0], [1], [0, 0, 1, 1], [], []>, transpose_lhs_hint = false} : vector<12800x128xf32>, vector<128x128xf32>, vector<12800x128xf32> -> vector<12800x128xf32>
    %reshape3A_303 = vector.shape_cast %dot_general3A_302 : vector<12800x128xf32> to vector<32x400x128xf32>
    %exp3A = math.exp %reshape3A_303 : vector<32x400x128xf32>
    %reduce_sum3A = arith.constant dense<0.000000e+00> : vector<400x128xf32>
    %reduce_sum3A_304 = vector.multi_reduction <add>, %exp3A, %reduce_sum3A [0] : vector<32x400x128xf32> to vector<400x128xf32>
    %mul3A = arith.mulf %exp3A, %get3A_2 : vector<32x400x128xf32>
    %reduce_sum3A_305 = arith.constant dense<0.000000e+00> : vector<400x128xf32>
    %reduce_sum3A_306 = vector.multi_reduction <add>, %mul3A, %reduce_sum3A_305 [0] : vector<32x400x128xf32> to vector<400x128xf32>
    %div3A = arith.divf %reduce_sum3A_306, %reduce_sum3A_304 : vector<400x128xf32>
    %swap3A = arith.constant 0 : index
    %swap3A_307 = arith.constant 0 : index
    %swap3A_308 = vector.load %arg11[%swap3A, %swap3A_307] : memref<400x128xf32, #tpu.memory_space<vmem>>, vector<400x128xf32>
    tpu.vector_store %arg11[%swap3A, %swap3A_307], %div3A {strides = array<i32>} : memref<400x128xf32, #tpu.memory_space<vmem>>, vector<400x128xf32>,
    return
  }
  func.func @transform_0(%arg0: i32) -> (i32, i32, i32) {
    %c0_i32 = arith.constant 0 : i32
    %c0_i32_0 = arith.constant 0 : i32
    %c0_i32_1 = arith.constant 0 : i32
    return %c0_i32, %arg0, %c0_i32_0 : i32, i32, i32
  }
  func.func @transform_1(%arg0: i32) -> (i32, i32) {
    %add3A = arith.constant 11 : i32
    %add3A_0 = arith.addi %arg0, %add3A : i32
    %c0_i32 = arith.constant 0 : i32
    %c0_i32_1 = arith.constant 0 : i32
    return %add3A_0, %c0_i32 : i32, i32
  }
  func.func @transform_2(%arg0: i32) -> (i32, i32) {
    %add3A = arith.constant 11 : i32
    %add3A_0 = arith.addi %arg0, %add3A : i32
    %c0_i32 = arith.constant 0 : i32
    %c0_i32_1 = arith.constant 0 : i32
    return %add3A_0, %c0_i32 : i32, i32
  }
  func.func @transform_3(%arg0: i32) -> (i32, i32) {
    %c0_i32 = arith.constant 0 : i32
    %c0_i32_0 = arith.constant 0 : i32
    %c0_i32_1 = arith.constant 0 : i32
    return %c0_i32, %c0_i32_0 : i32, i32
  }
  func.func @transform_4(%arg0: i32) -> (i32, i32) {
    %c0_i32 = arith.constant 0 : i32
    %c0_i32_0 = arith.constant 0 : i32
    %c0_i32_1 = arith.constant 0 : i32
    return %c0_i32, %c0_i32_0 : i32, i32
  }
  func.func @transform_5(%arg0: i32) -> (i32, i32, i32) {
    %c0_i32 = arith.constant 0 : i32
    %c0_i32_0 = arith.constant 0 : i32
    %c0_i32_1 = arith.constant 0 : i32
    %c0_i32_2 = arith.constant 0 : i32
    return %c0_i32, %c0_i32_0, %c0_i32_1 : i32, i32, i32
  }
  func.func @transform_6(%arg0: i32) -> (i32, i32) {
    %c0_i32 = arith.constant 0 : i32
    %c0_i32_0 = arith.constant 0 : i32
    %c0_i32_1 = arith.constant 0 : i32
    return %c0_i32, %c0_i32_0 : i32, i32
  }
  func.func @transform_7(%arg0: i32) -> (i32, i32) {
    %c0_i32 = arith.constant 0 : i32
    %c0_i32_0 = arith.constant 0 : i32
    %c0_i32_1 = arith.constant 0 : i32
    return %c0_i32, %c0_i32_0 : i32, i32
  }
  func.func @transform_8(%arg0: i32) -> (i32, i32) {
    %c0_i32 = arith.constant 0 : i32
    %c0_i32_0 = arith.constant 0 : i32
    %c0_i32_1 = arith.constant 0 : i32
    return %c0_i32, %c0_i32_0 : i32, i32
  }
  func.func @transform_9(%arg0: i32) -> (i32, i32) {
    %c0_i32 = arith.constant 0 : i32
    %c0_i32_0 = arith.constant 0 : i32
    %c0_i32_1 = arith.constant 0 : i32
    return %c0_i32, %c0_i32_0 : i32, i32
  }
  func.func @transform_10(%arg0: i32) -> (i32, i32) {
    %c0_i32 = arith.constant 0 : i32
    %c0_i32_0 = arith.constant 0 : i32
    return %arg0, %c0_i32 : i32, i32
  }
}

</mosaic_0001>

<sc_bundles>
// kernel: kernel.10.cloned.1.call-start
scs
__scs_entry_jumppad:
0x0: {  	(pc) =	sbr.rel $0x88, $3  }
0x1: {  	(tag) =	ssettag $0x0;
	lr =	simm.s32 $0x1  }
0x2: {  	[smem:$0x3F98] =	sst lr;
	_ =	strace $0xD0000000  }
0x3: {  	_ = 	snop  }
0x4: {  	_ = 	snop  }
0x5: {  	_ = 	snop  }
0x6: {  	_ = 	snop  }
0x7: {  	_ = 	snop  }
__scs_overlays_trampoline_lowered:
0x8: {  	[smem:$0x3FA7] =	sst s0  }
0x9: {  	[smem:$0x3FA8] =	sst s1  }
0xa: {  	[smem:$0x3FA9] =	sst s2  }
0xb: {  	[smem:$0x3FAA] =	sst s3  }
0xc: {  	[smem:$0x3FAB] =	sst s4  }
0xd: {  	[smem:$0x3FAC] =	sst s5  }
0xe: {  	[smem:$0x3FAD] =	sst s6  }
0xf: {  	[smem:$0x3FAE] =	sst s7  }
0x10: {  	[smem:$0x3FAF] =	sst s8  }
0x11: {  	[smem:$0x3FB0] =	sst s9;
	s0 =	simm.s32 @!p0 $0x0  }
0x12: {  	s1 =	sld [smem:$0x3F96];
	s0 =	simm.s32 @p0 $0x1  }
0x13: {  	[smem:$0x3FB1] =	sst s0;
	s0 =	simm.s32 @!p1 $0x0  }
0x14: {  	s2 =	sld [smem:$0x3F95];
	s0 =	simm.s32 @p1 $0x1  }
0x15: {  	[smem:$0x3FB2] =	sst s0;
	s0 =	simm.s32 @!p2 $0x0  }
0x16: {  	s3 =	sld [smem:$0x3FDB];
	s0 =	simm.s32 @p2 $0x1  }
0x17: {  	s4 =	simm.s32 $0x1BF5;
	[smem:$0x3FB4] =	sst s0  }
0x18: {  	s0 =	sld [smem:$0x3F97];
	_ =	swait.ge [sflag:s4], $0x0  }
0x19: {  	s7 =	sld [smem:$0x3F98]  }
0x1a: {  	s8 =	sadd.s32 $0xFFFFE003, lr  }
0x1b: {  	s9 =	sadd.s32 $0xFFFFFEF7, lr;
	s5 =	simm.s32 $0xFFFFFFFF;
	p2 =	slt.u32 s8, $0xFFFFF086  }
0x1c: {  	p1 =	slt.u32 s9, $0xF7A;
	s5 =	simm.s32 @!p2 $0x0  }
0x1d: {  	s5 =	simm.s32 @p1 $0x1;
	p0 =	seq.s32 s7, s2  }
0x1e: {  	s7 =	smul.u32 @!p0 $0xF7A, s2;
	p2 =	seq.s32 @!p0 s5, $0x0  }
0x1f: {  	s9 =	smul.u32 $0xF7A, s1;
	s8 =	simm.s32 @!p0 $0x1BF5;
	p2 =	por !p2, p0  }
0x20: {  	[sflag:s8] =	ssyncset.s32 @!p0 $0xFFFFF086;
	s6 =	sadd.s32 @!p0 s3, s7;
	s7 =	simm.s32 @!p0 $0x108  }
0x21: {  	s3 =	sadd.s32 s3, s9;
	s6 =	sadd.s32 @!p0 $0x88, s6;
	s7 =	simm.s32 @p2 $0x1082  }
0x22: {  	[simem:s7], [sflag:s8] =	dma.local @!p0 [hbm:s6], $0xF7A  }
0x23: {  	s9 =	sor.u32 $0xD0000000, s2;
	s6 =	simm.s32 $0x108;
	_ =	swait.ge @!p0 [sflag:s8], $0x0  }
0x24: {  	s3 =	sadd.s32 $0x88, s3;
	s6 =	simm.s32 @!p1 $0x1082;
	[sflag:s4] =	ssyncset.s32 $0xFFFFF086  }
0x25: {  	[simem:s6], [sflag:s4] =	dma.local [hbm:s3], $0xF7A  }
0x26: {  	[smem:$0x3F98] =	sst s1;
	(tag) =	ssettag s2;
	_ =	strace s9  }
0x27: {  	s1 =	sld [smem:$0x3FA8]  }
0x28: {  	s2 =	sld [smem:$0x3FA9]  }
0x29: {  	s4 =	sld [smem:$0x3FAB]  }
0x2a: {  	p0 =	seq.s32 s5, $0x0;
	s5 =	sld [smem:$0x3FAC]  }
0x2b: {  	s6 =	sld [smem:$0x3FAD]  }
0x2c: {  	s7 =	sld [smem:$0x3FAE]  }
0x2d: {  	s3 =	simm.s32 $0x108;
	s8 =	sld [smem:$0x3FAF]  }
0x2e: {  	s3 =	simm.s32 @!p0 $0x1082;
	s9 =	sld [smem:$0x3FB0]  }
0x2f: {  	lr =	sadd.s32 s0, s3;
	s0 =	sld [smem:$0x3FA7]  }
0x30: {  	s3 =	sld [smem:$0x3FAA]  }
0x31: {  	[smem:$0x3FB3] =	sst s10  }
0x32: {  	s10 =	sld [smem:$0x3FB1];
	_ =	sdelay $0x3  }
0x33: {  	p0 =	seq.s32 s10, $0x1;
	s10 =	sld [smem:$0x3FB3];
	_ =	sdelay $0x3  }
0x34: {  	[smem:$0x3FB3] =	sst s10  }
0x35: {  	s10 =	sld [smem:$0x3FB2];
	_ =	sdelay $0x3  }
0x36: {  	p1 =	seq.s32 s10, $0x1;
	s10 =	sld [smem:$0x3FB3];
	_ =	sdelay $0x3  }
0x37: {  	[smem:$0x3FB3] =	sst s10  }
0x38: {  	s10 =	sld [smem:$0x3FB4]  }
0x39: {  	_ = 	snop;
	(pc) =	sbr.ind lr, $3  }
0x3a: {  	_ = 	snop  }
0x3b: {  	_ = 	snop  }
0x3c: {  	p2 =	seq.s32 s10, $0x1;
	s10 =	sld [smem:$0x3FB3]  }
0x3d: {  	_ =	shalt  }
0x3e: {  	_ =	shalt  }
0x3f: {  	_ =	shalt  }
0x40: {  	_ =	shalt  }
0x41: {  	_ =	shalt  }
0x42: {  	_ =	shalt  }
0x43: {  	_ =	shalt  }
0x44: {  	_ =	shalt  }
0x45: {  	_ =	shalt  }
0x46: {  	_ =	shalt  }
0x47: {  	_ =	shalt  }
0x48: {  	_ =	shalt  }
0x49: {  	_ =	shalt  }
0x4a: {  	_ =	shalt  }
0x4b: {  	_ =	shalt  }
0x4c: {  	_ =	shalt  }
0x4d: {  	_ =	shalt  }
0x4e: {  	_ =	shalt  }
0x4f: {  	_ =	shalt  }
0x50: {  	_ =	shalt  }
0x51: {  	_ =	shalt  }
0x52: {  	_ =	shalt  }
0x53: {  	_ =	shalt  }
0x54: {  	_ =	shalt  }
0x55: {  	_ =	shalt  }
0x56: {  	_ =	shalt  }
0x57: {  	_ =	shalt  }
0x58: {  	_ =	shalt  }
0x59: {  	_ =	shalt  }
0x5a: {  	_ =	shalt  }
0x5b: {  	_ =	shalt  }
0x5c: {  	_ =	shalt  }
0x5d: {  	_ =	shalt  }
0x5e: {  	_ =	shalt  }
0x5f: {  	_ =	shalt  }
0x60: {  	_ =	shalt  }
0x61: {  	_ =	shalt  }
0x62: {  	_ =	shalt  }
0x63: {  	_ =	shalt  }
0x64: {  	_ =	shalt  }
0x65: {  	_ =	shalt  }
0x66: {  	_ =	shalt  }
0x67: {  	_ =	shalt  }
0x68: {  	_ =	shalt  }
0x69: {  	_ =	shalt  }
0x6a: {  	_ =	shalt  }
0x6b: {  	_ =	shalt  }
0x6c: {  	_ =	shalt  }
0x6d: {  	_ =	shalt  }
0x6e: {  	_ =	shalt  }
0x6f: {  	_ =	shalt  }
0x70: {  	_ =	shalt  }
0x71: {  	_ =	shalt  }
0x72: {  	_ =	shalt  }
0x73: {  	_ =	shalt  }
0x74: {  	_ =	shalt  }
0x75: {  	_ =	shalt  }
0x76: {  	_ =	shalt  }
0x77: {  	_ =	shalt  }
0x78: {  	_ =	shalt  }
0x79: {  	_ =	shalt  }
0x7a: {  	_ =	shalt  }
0x7b: {  	_ =	shalt  }
0x7c: {  	_ =	shalt  }
0x7d: {  	_ =	shalt  }
0x7e: {  	_ =	shalt  }
0x7f: {  	_ =	shalt  }
0x80: {  	_ =	shalt  }
0x81: {  	_ =	shalt  }
0x82: {  	_ =	shalt  }
0x83: {  	_ =	shalt  }
0x84: {  	_ =	shalt  }
0x85: {  	_ =	shalt  }
0x86: {  	_ =	shalt  }
0x87: {  	_ =	shalt  }
.Lfunc_end0:
.L_simem_size_0:
called_computation_lowered:
.L_overlay_start_0:
0x88: {  	s2 =	sld [smem:$0x3FD9]  }
0x89: {  	s3 =	sld [smem:$0x3FFE];
	_ =	sdelay $0x1  }
0x8a: {  	s1 =	srdreg.scid  }
0x8b: {  	s0 =	sand.u32 $0x1, s1  }
0x8c: {  	s17 =	sshll.u32 s0, $0xA;
	s2 =	sadd.s32 s3, s2  }
0x8d: {  	s2 =	sadd.s32 s2, s17  }
0x8e: {  	[smem:$0x3FBF] =	sst s2  }
0x8f: {  	_ = 	snop  }
0x90: {  	s2 =	sld [smem:$0x3FC6];
	(tm) =	ssettm $0x1  }
0x91: {  	s18 =	sld [smem:$0x3FFB];
	_ =	sdelay $0x3  }
0x92: {  	_ =	strace s18  }
0x93: {  	s3 =	sld [smem:$0x3FFC];
	_ =	sdelay $0x3  }
0x94: {  	_ =	strace s3  }
0x95: {  	s3 =	sld [smem:$0x3FFD];
	_ =	sdelay $0x3  }
0x96: {  	_ =	strace s3  }
0x97: {  	_ =	strace $0x8FFFFFFF  }
0x98: {  	s19 =	sld [smem:$0x3FDB];
	_ =	sdelay $0x1  }
0x99: {  	s4 =	simm.s32 $_scs_section_size  }
0x9a: {  	s5 =	simm.s32 $_size__tile_overlayer_lowered;
	s6 =	simm.s32 $_tile_overlayer_lowered  }
0x9b: {  	s22 =	simm.s32 $0x1BFF;
	s21 =	sshll.u32 s6, $0x1;
	s3 =	sadd.s32 s4, s19  }
0x9c: {  	s7 =	simm.s32 $0x0;
	s20 =	sshll.u32 s5, $0x1;
	s5 =	sadd.s32 s21, s3  }
0x9d: {  	[timem:s7], [sflag:s22] =	dma.local [hbm:s5], s20  }
0x9e: {  	_ =	swait.ge [sflag:s22], s20  }
0x9f: {  	s4 =	ssub.s32 $0x0, s20;
	[sflag:s22] =	ssyncset.done $0x0  }
0xa0: {  	[sflag:s22] =	ssyncadd.s32 s4;
	_ =	sdelay $0x1  }
0xa1: {  	s23 =	simm.s32 $0x1B8B  }
0xa2: {  	_ =	swait.ge [sflag:s23], $0x1  }
0xa3: {  	[sflag:s23] =	ssyncset.done $0x0  }
0xa4: {  	s25 =	simm.s32 $0x1B8E;
	s24 =	sld [smem:$0x3FFE];
	[sflag:s23] =	ssyncadd.s32 $0xFFFFFFFF  }
0xa5: {  	s26 =	simm.s32 $execute0_lowered;
	[smem:$0x3FD2] =	sst s25  }
0xa6: {  	s5 =	sshll.u32 s26, $0x1;
	_ =	strace $0x80000046;
	[dreg:$0x1] =	wrdreg $0xFFFFFFFF  }
0xa7: {  	s28 =	simm.s32 $_size_execute0_lowered;
	s3 =	sadd.s32 s3, s5;
	[dreg:$0x0] =	wrdreg $0x0  }
0xa8: {  	s5 =	sshll.u32 s28, $0x1;
	[dreg:$0x2] =	wrdreg s3  }
0xa9: {  	[dreg:$0x3] =	wrdreg s5  }
0xaa: {  	[dreg:$0x4] =	wrdreg $0xC0  }
0xab: {  	_ =	task [dreg:s7], $0x5FFFF  }
0xac: {  	[dreg:$0x1] =	wrdreg $0xFFFFFFFF  }
0xad: {  	[dreg:$0x0] =	wrdreg $0x60  }
0xae: {  	[dreg:$0x2] =	wrdreg s24  }
0xaf: {  	[dreg:$0x3] =	wrdreg s2  }
0xb0: {  	[dreg:$0x4] =	wrdreg $0x9  }
0xb1: {  	_ =	task.clear_ibuf [dreg:s7], $0x5FFFF;
	_ =	strace $0x90000046  }
0xb2: {  	s29 =	simm.s32 $0x9;
	_ =	strace $0x80000048  }
0xb3: {  	_ =	swait.ge [sflag:s29], $0x1  }
0xb4: {  	[sflag:s29] =	ssyncadd.s32 $0xFFFFFFFF  }
0xb5: {  	_ =	strace $0x90000048  }
0xb6: {  	_ =	sfence  }
0xb7: {  	s30 =	sld [smem:$0x0];
	_ =	sdelay $0x2  }
0xb8: {  	s31 =	sshll.u32 s1, $0xD;
	s1 =	sshrl.u32 s1, $0x2  }
0xb9: {  	s3 =	sand.u32 $0x4000, s31;
	s1 =	sadd.s32 s1, s30  }
0xba: {  	s0 =	sor.u32 s3, s0;
	s1 =	sshll.u32 s1, $0x11  }
0xbb: {  	s0 =	sor.u32 s1, s0  }
0xbc: {  	s0 =	sadd.s32 $0x8F2B, s0  }
0xbd: {  	[sflag:s0] =	ssyncadd.remote.s32 $0x1  }
0xbe: {  	_ =	sfence.sel $0xFFFF  }
0xbf: {  	[dreg:$0x0] =	wrdreg $0xFFFFFFFF;
	(pc) =	sbr.abs _section_cstart, $3  }
0xc0: {  	[dreg:$0x1] =	wrdreg $0xFFFFFFFF  }
0xc1: {  	_ =	task.clear_ibuf [dreg:s7], $0x2FFFF;
	_ =	strace $0x9FFFFFFF  }
0xc2: {  	(tm) =	ssettm $0x7FFFFFFF  }
0xc3: {  	_ =	shalt  }
tec
execute0_lowered:
.L_overlay_start_1:
0x0: {  	(tag) =	ssettag $0x1  }
0x1: {  	s0 =	rddreg [dreg:$0x0]  }
0x2: {  	s2 =	rddreg [dreg:$0x1];
	s1 =	srdreg.scid  }
0x3: {  	s10 =	stileid.u32;
	s3 =	simm.s32 $0x0;
	s16 =	simm.s32 $0x6  }
0x4: {  	s28 =	simm.s32 $0xB200;
	s29 =	simm.s32 $0x1;
	s30 =	simm.s32 $0x2  }
0x5: {  	s31 =	simm.s32 $0x3;
	s1 =	sand.u32 $0x1, s1;
	s4 =	sshll.u32 s10, $0x1  }
0x6: {  	[smem:$0x7FF] =	sst s3;
	s11 =	sadd.s32 $0x2F000, s0;
	s10 =	smul.u32 $0x7D000, s10  }
0x7: {  	s4 =	sor.u32 s1, s4;
	s8 =	ssub.s32 $0x2, s1;
	s1 =	smul.u32 $0x3E800, s1  }
0x8: {  	_ =	strace $0x80000047;
	s5 =	sshll.u32 s4, $0x9;
	s7 =	smul.u32 $0x1400, s4  }
0x9: {  	s6 =	sshll.u32 s4, $0x6;
	s4 =	smul.u32 $0xA000, s4;
	s9 =	sshrl.u32 s8, $0x1  }
0xa: {  	s5 =	sadd.s32 s5, s0;
	s6 =	sadd.s32 s6, s0;
	s0 =	sadd.s32 $0x7000, s0  }
0xb: {  	s12 =	ssub.s32 s8, s9;
	s1 =	sadd.s32 s1, s10;
	s5 =	sadd.s32 $0x3000, s5  }
0xc: {  	s17 =	sadd.s32 $0x2800, s6;
	s4 =	sshrl.u32 s4, $0x3;
	s18 =	sadd.s32 s0, s7  }
0xd: {  	s20 =	sadd.s32 $0xA000, s1;
	s22 =	sadd.s32 $0x7800, s1;
	[dreg:$0x3] =	wrdreg s5  }
0xe: {  	s23 =	smax.u32 s12, $0x1;
	s25 =	sadd.s32 $0x5000, s1;
	[dreg:$0x4] =	wrdreg s17  }
0xf: {  	s26 =	sadd.s32 $0x2800, s1;
	s1 =	sshrl.u32 s1, $0x3;
	[dreg:$0x5] =	wrdreg s18  }
0x10: {  	s0 =	sadd.s32 s0, s4;
	s21 =	sshrl.u32 s20, $0x3;
	[dreg:$0x9] =	wrdreg s23  }
0x11: {  	s24 =	sshrl.u32 s22, $0x3;
	s6 =	sshrl.u32 s26, $0x3;
	s20 =	sadd.s32 s1, s11  }
0x12: {  	s17 =	simm.s32 $0x1000;
	s18 =	simm.s32 $0x50;
	s23 =	simm.s32 $0x6200  }
0x13: {  	s1 =	simm.s32 $0x5;
	s26 =	simm.s32 $0x0;
	s4 =	sadd.s32 $0x500, s0  }
.Ltmp0:
0x14: {  	s19 =	sadd.s32 $0xA00, s0;
	[dreg:$0x6] =	wrdreg s4;
	(pc) =	sbr.rel .LBB2_1-.Ltmp0, $4  }
0x15: {  	s0 =	sadd.s32 $0xF00, s0;
	s5 =	sadd.s32 s21, s11;
	[dreg:$0x7] =	wrdreg s19  }
0x16: {  	s22 =	sadd.s32 s6, s11;
	s21 =	simm.s32 $0x3A00;
	[dreg:$0x8] =	wrdreg s0  }
0x17: {  	s4 =	sadd.s32 s24, s11;
	s0 =	sshrl.u32 s25, $0x3;
	s19 =	simm.s32 $0x1200  }
0x18: {  	s25 =	simm.s32 $0x8A00;
	s24 =	sadd.s32 s0, s11;
	s0 =	simm.s32 $0x4  }
.LBB2_4:
0x19: {  	[tilespmem:s19], [sflag:$0x1] =	stream.indirect.gather [hbm4b:s2+s18], $0x80, s17, s18, $0xb8;
	[tilespmem:$0xDA00] =	vst v63  }
0x1a: {  	_ =	swait.ge [sflag:s29], $0x2800  }
0x1b: {  	[sflag:s29] =	ssyncset.done $0x0  }
0x1c: {  	s6 =	rddreg [dreg:$0x5];
	[sflag:s29] =	ssyncadd.s32 $0xFFFFD800  }
0x1d: {  	[hbm4b:s6+s3] =	stream.linear.scatter [tilespmem:s19], [sflag:$0x6], $0x2800, $0x38;
	[tilespmem:$0xDA00] =	vst v63  }
0x1e: {  	_ =	swait.ge [sflag:s16], $0x2800  }
0x1f: {  	[sflag:s16] =	ssyncset.done $0x0  }
0x20: {  	s9 =	simm.s32 $0x1080;
	[sflag:s16] =	ssyncadd.s32 $0xFFFFD800  }
0x21: {  	[tilespmem:s19], [sflag:$0x1] =	stream.indirect.gather [hbm4b:s2+s18], $0x80, s9, s18, $0xb8;
	[tilespmem:$0xDA00] =	vst v63  }
0x22: {  	_ =	swait.ge [sflag:s29], $0x2800  }
0x23: {  	[sflag:s29] =	ssyncset.done $0x0  }
0x24: {  	s10 =	rddreg [dreg:$0x6];
	[sflag:s29] =	ssyncadd.s32 $0xFFFFD800  }
0x25: {  	[hbm4b:s10+s3] =	stream.linear.scatter [tilespmem:s19], [sflag:$0x6], $0x2800, $0x38;
	[tilespmem:$0xDA00] =	vst v63  }
0x26: {  	_ =	swait.ge [sflag:s16], $0x2800  }
0x27: {  	[sflag:s16] =	ssyncset.done $0x0  }
0x28: {  	s11 =	simm.s32 $0x1100;
	[sflag:s16] =	ssyncadd.s32 $0xFFFFD800  }
0x29: {  	[tilespmem:s19], [sflag:$0x1] =	stream.indirect.gather [hbm4b:s2+s18], $0x80, s11, s18, $0xb8;
	[tilespmem:$0xDA00] =	vst v63  }
0x2a: {  	_ =	swait.ge [sflag:s29], $0x2800  }
0x2b: {  	[sflag:s29] =	ssyncset.done $0x0  }
0x2c: {  	s12 =	rddreg [dreg:$0x7];
	[sflag:s29] =	ssyncadd.s32 $0xFFFFD800  }
0x2d: {  	[hbm4b:s12+s3] =	stream.linear.scatter [tilespmem:s19], [sflag:$0x6], $0x2800, $0x38;
	[tilespmem:$0xDA00] =	vst v63  }
0x2e: {  	_ =	swait.ge [sflag:s16], $0x2800  }
0x2f: {  	[sflag:s16] =	ssyncset.done $0x0  }
0x30: {  	s13 =	simm.s32 $0x1180;
	[sflag:s16] =	ssyncadd.s32 $0xFFFFD800  }
0x31: {  	[tilespmem:s19], [sflag:$0x1] =	stream.indirect.gather [hbm4b:s2+s18], $0x80, s13, s18, $0xb8;
	[tilespmem:$0xDA00] =	vst v63  }
0x32: {  	_ =	swait.ge [sflag:s29], $0x2800  }
0x33: {  	[sflag:s29] =	ssyncset.done $0x0  }
0x34: {  	s14 =	rddreg [dreg:$0x8];
	[sflag:s29] =	ssyncadd.s32 $0xFFFFD800  }
0x35: {  	[hbm4b:s14+s3] =	stream.linear.scatter [tilespmem:s19], [sflag:$0x6], $0x2800, $0x38;
	[tilespmem:$0xDA00] =	vst v63  }
0x36: {  	_ =	swait.ge [sflag:s16], $0x2800  }
0x37: {  	s26 =	sadd.s32 $0x1, s26;
	s15 =	rddreg [dreg:$0x9]  }
0x38: {  	p0 =	sne.s32 s26, s15  }
.Ltmp1:
0x39: {  	_ = 	snop;
	(pc) =	sbr.rel @!p0 .LBB2_5-.Ltmp1, $3  }
0x3a: {  	_ =	sdelay $0x1  }
0x3b: {  	[sflag:s16] =	ssyncset.done $0x0  }
0x3c: {  	[sflag:s16] =	ssyncadd.s32 $0xFFFFD800  }
.LBB2_1:
0x3d: {  	s6 =	rddreg [dreg:$0x3]  }
0x3e: {  	[tilespmem:s3], [sflag:$0x6] =	stream.linear.gather [hbm4b:s6+s3], $0xC80, $0x38;
	[tilespmem:$0xDA00] =	vst v63  }
0x3f: {  	_ =	swait.ge [sflag:s16], $0xC80  }
0x40: {  	[sflag:s16] =	ssyncset.done $0x0  }
0x41: {  	s11 =	rddreg [dreg:$0x4];
	[sflag:s16] =	ssyncadd.s32 $0xFFFFF380  }
0x42: {  	[tilespmem:s17], [sflag:$0x6] =	stream.linear.gather [hbm4b:s11+s3], $0x200, $0x38;
	[tilespmem:$0xDA00] =	vst v63  }
0x43: {  	_ =	swait.ge [sflag:s16], $0x200  }
0x44: {  	[sflag:s16] =	ssyncset.done $0x0  }
0x45: {  	[sflag:s16] =	ssyncadd.s32 $0xFFFFFE00  }
0x46: {  	[tilespmem:s19], [sflag:$0x1] =	stream.indirect.gather [hbm4b:s2+s18], $0x80, s3, s18, $0xb8;
	[tilespmem:$0xDA00] =	vst v63  }
0x47: {  	s12 =	simm.s32 $0x80  }
0x48: {  	[tilespmem:s21], [sflag:$0x2] =	stream.indirect.gather [hbm4b:s2+s18], $0x80, s12, s18, $0xb8;
	[tilespmem:$0xDA00] =	vst v63  }
0x49: {  	s13 =	simm.s32 $0x100  }
0x4a: {  	[tilespmem:s23], [sflag:$0x3] =	stream.indirect.gather [hbm4b:s2+s18], $0x80, s13, s18, $0xb8;
	[tilespmem:$0xDA00] =	vst v63  }
0x4b: {  	s14 =	simm.s32 $0x180;
	s15 =	simm.s32 $0x200  }
0x4c: {  	[tilespmem:s25], [sflag:$0x4] =	stream.indirect.gather [hbm4b:s2+s18], $0x80, s14, s18, $0xb8;
	[tilespmem:$0xDA00] =	vst v63  }
0x4d: {  	s6 =	simm.s32 $0x0;
	s11 =	smov.u32 s5;
	s12 =	smov.u32 s4  }
0x4e: {  	[tilespmem:s28], [sflag:$0x5] =	stream.indirect.gather [hbm4b:s2+s18], $0x80, s15, s18, $0xb8;
	[tilespmem:$0xDA00] =	vst v63  }
0x4f: {  	s13 =	smov.u32 s24;
	s14 =	smov.u32 s22;
	s15 =	smov.u32 s20  }
.LBB2_2:
0x50: {  	_ =	swait.ge [sflag:s29], $0x2800  }
0x51: {  	[sflag:s29] =	ssyncset.done $0x0  }
0x52: {  	[sflag:s29] =	ssyncadd.s32 $0xFFFFD800  }
0x53: {  	[hbm4b:s15+s3] =	stream.linear.scatter [tilespmem:s19], [sflag:$0x6], $0x2800, $0x38;
	[tilespmem:$0xDA00] =	vst v63  }
0x54: {  	p0 =	seq.s32 s6, $0x2800;
	_ =	swait.ge [sflag:s16], $0x2800  }
0x55: {  	s7 =	sshra.s32 @!p0 s6, $0x2;
	s9 =	simm.s32 @!p0 $0x50;
	[sflag:s16] =	ssyncset.done $0x0  }
0x56: {  	s10 =	simm.s32 @!p0 $0x1200;
	s8 =	sadd.s32 @!p0 $0x280, s7;
	[sflag:s16] =	ssyncadd.s32 $0xFFFFD800  }
0x57: {  	[tilespmem:s10], [sflag:$0x1] =	stream.indirect.gather @!p0 [hbm4b:s2+s9], $0x80, s8, s9, $0xb8;
	[tilespmem:$0xDA00] =	vst v63  }
0x58: {  	_ =	swait.ge [sflag:s30], $0x2800  }
0x59: {  	[sflag:s30] =	ssyncset.done $0x0  }
0x5a: {  	[sflag:s30] =	ssyncadd.s32 $0xFFFFD800  }
0x5b: {  	[hbm4b:s14+s3] =	stream.linear.scatter [tilespmem:s21], [sflag:$0x6], $0x2800, $0x38;
	[tilespmem:$0xDA00] =	vst v63  }
0x5c: {  	_ =	swait.ge [sflag:s16], $0x2800  }
0x5d: {  	[sflag:s16] =	ssyncset.done $0x0  }
0x5e: {  	s8 =	sadd.s32 @!p0 $0x300, s7;
	s10 =	simm.s32 @!p0 $0x3A00;
	[sflag:s16] =	ssyncadd.s32 $0xFFFFD800  }
0x5f: {  	[tilespmem:s10], [sflag:$0x2] =	stream.indirect.gather @!p0 [hbm4b:s2+s9], $0x80, s8, s9, $0xb8;
	[tilespmem:$0xDA00] =	vst v63  }
0x60: {  	_ =	swait.ge [sflag:s31], $0x2800  }
0x61: {  	[sflag:s31] =	ssyncset.done $0x0  }
0x62: {  	[sflag:s31] =	ssyncadd.s32 $0xFFFFD800  }
0x63: {  	[hbm4b:s13+s3] =	stream.linear.scatter [tilespmem:s23], [sflag:$0x6], $0x2800, $0x38;
	[tilespmem:$0xDA00] =	vst v63  }
0x64: {  	_ =	swait.ge [sflag:s16], $0x2800  }
0x65: {  	[sflag:s16] =	ssyncset.done $0x0  }
0x66: {  	s8 =	sadd.s32 @!p0 $0x380, s7;
	s10 =	simm.s32 @!p0 $0x6200;
	[sflag:s16] =	ssyncadd.s32 $0xFFFFD800  }
0x67: {  	[tilespmem:s10], [sflag:$0x3] =	stream.indirect.gather @!p0 [hbm4b:s2+s9], $0x80, s8, s9, $0xb8;
	[tilespmem:$0xDA00] =	vst v63  }
0x68: {  	_ =	swait.ge [sflag:s0], $0x2800  }
0x69: {  	[sflag:s0] =	ssyncset.done $0x0  }
0x6a: {  	[sflag:s0] =	ssyncadd.s32 $0xFFFFD800  }
0x6b: {  	[hbm4b:s12+s3] =	stream.linear.scatter [tilespmem:s25], [sflag:$0x6], $0x2800, $0x38;
	[tilespmem:$0xDA00] =	vst v63  }
0x6c: {  	_ =	swait.ge [sflag:s16], $0x2800  }
0x6d: {  	[sflag:s16] =	ssyncset.done $0x0  }
0x6e: {  	s7 =	sadd.s32 @!p0 $0x400, s7;
	s8 =	simm.s32 @!p0 $0x8A00;
	[sflag:s16] =	ssyncadd.s32 $0xFFFFD800  }
0x6f: {  	[tilespmem:s8], [sflag:$0x4] =	stream.indirect.gather @!p0 [hbm4b:s2+s9], $0x80, s7, s9, $0xb8;
	[tilespmem:$0xDA00] =	vst v63  }
0x70: {  	_ =	swait.ge [sflag:s1], $0x2800  }
0x71: {  	[sflag:s1] =	ssyncset.done $0x0  }
.Ltmp2:
0x72: {  	[sflag:s1] =	ssyncadd.s32 $0xFFFFD800;
	(pc) =	sbr.rel @p0 .LBB2_4-.Ltmp2, $4  }
0x73: {  	[hbm4b:s11+s3] =	stream.linear.scatter [tilespmem:s28], [sflag:$0x6], $0x2800, $0x38;
	[tilespmem:$0xDA00] =	vst v63  }
0x74: {  	_ =	swait.ge [sflag:s16], $0x2800  }
0x75: {  	[sflag:s16] =	ssyncset.done $0x0  }
0x76: {  	[sflag:s16] =	ssyncadd.s32 $0xFFFFD800  }
.Ltmp3:
0x77: {  	(pc) =	sbr.rel .LBB2_2-.Ltmp3, $4  }
0x78: {  	s7 =	sshra.s32 s6, $0x2;
	s6 =	sadd.s32 $0xA00, s6  }
0x79: {  	s11 =	sadd.s32 $0x1900, s11;
	s12 =	sadd.s32 $0x1900, s12;
	s13 =	sadd.s32 $0x1900, s13  }
0x7a: {  	s14 =	sadd.s32 $0x1900, s14;
	s15 =	sadd.s32 $0x1900, s15;
	s7 =	sadd.s32 $0x480, s7  }
0x7b: {  	[tilespmem:s28], [sflag:$0x5] =	stream.indirect.gather [hbm4b:s2+s18], $0x80, s7, s18, $0xb8;
	[tilespmem:$0xDA00] =	vst v63  }
.LBB2_5:
0x7c: {  	_ =	sfence.sel $0x180000  }
0x7d: {  	[bflag:$0x0] =	sbarrier.arrive $0xFFFF  }
0x7e: {  	_ =	strace $0x90000047  }
0x7f: {  	s0 =	stileid.u32;
	[bflag:$0x2] =	sbarrier.arrive $0xFFFF  }
0x80: {  	p0 =	sne.s32 s0, $0x0;
	s0 =	rddreg [dreg:$0x2]  }
0x81: {  	s0 =	sadd.s32 @!p0 $0x100000, s0  }
0x82: {  	[sflag:s0] =	ssyncadd.tile.s32 @!p0 $0x1;
	_ =	shalt  }
.Lfunc_end2:
_tile_overlayer_lowered:
.L_overlay_start_2:
0x83: {  	(tag) =	ssettag $0x2  }
0x84: {  	s0 =	rddreg [dreg:$0x0];
	s2 =	stileid.u32  }
0x85: {  	s1 =	rddreg [dreg:$0x1];
	p0 =	sne.s32 s2, $0x0  }
0x86: {  	s3 =	rddreg [dreg:$0x2];
	[bflag:$0x3] =	sbarrier.arrive $0xFFFF;
	s2 =	simm.s32 @!p0 $0x1C06  }
0x87: {  	[timem:s3], [sflag:s2] =	dma.local @!p0 [hbm:s0], s1  }
0x88: {  	s0 =	simm.s32 @!p0 $0x6  }
0x89: {  	_ =	swait.ge @!p0 [sflag:s0], s1  }
0x8a: {  	s1 =	ssub.s32 @!p0 $0x0, s1;
	[sflag:s0] =	ssyncset.done @!p0 $0x0  }
0x8b: {  	[sflag:s0] =	ssyncadd.s32 @!p0 s1  }
0x8c: {  	[bflag:$0x3] =	sbarrier.arrive $0xFFFF  }
0x8d: {  	_ =	shalt  }

// kernel: kernel.13.cloned.1.call-start
scs
__scs_entry_jumppad:
0x0: {  	(pc) =	sbr.rel $0x88, $3  }
0x1: {  	(tag) =	ssettag $0x0;
	lr =	simm.s32 $0x1  }
0x2: {  	[smem:$0x3F98] =	sst lr;
	_ =	strace $0xD0000000  }
0x3: {  	_ = 	snop  }
0x4: {  	_ = 	snop  }
0x5: {  	_ = 	snop  }
0x6: {  	_ = 	snop  }
0x7: {  	_ = 	snop  }
__scs_overlays_trampoline_lowered:
0x8: {  	[smem:$0x3FA7] =	sst s0  }
0x9: {  	[smem:$0x3FA8] =	sst s1  }
0xa: {  	[smem:$0x3FA9] =	sst s2  }
0xb: {  	[smem:$0x3FAA] =	sst s3  }
0xc: {  	[smem:$0x3FAB] =	sst s4  }
0xd: {  	[smem:$0x3FAC] =	sst s5  }
0xe: {  	[smem:$0x3FAD] =	sst s6  }
0xf: {  	[smem:$0x3FAE] =	sst s7  }
0x10: {  	[smem:$0x3FAF] =	sst s8  }
0x11: {  	[smem:$0x3FB0] =	sst s9;
	s0 =	simm.s32 @!p0 $0x0  }
0x12: {  	s1 =	sld [smem:$0x3F96];
	s0 =	simm.s32 @p0 $0x1  }
0x13: {  	[smem:$0x3FB1] =	sst s0;
	s0 =	simm.s32 @!p1 $0x0  }
0x14: {  	s2 =	sld [smem:$0x3F95];
	s0 =	simm.s32 @p1 $0x1  }
0x15: {  	[smem:$0x3FB2] =	sst s0;
	s0 =	simm.s32 @!p2 $0x0  }
0x16: {  	s3 =	sld [smem:$0x3FDB];
	s0 =	simm.s32 @p2 $0x1  }
0x17: {  	s4 =	simm.s32 $0x1BF5;
	[smem:$0x3FB4] =	sst s0  }
0x18: {  	s0 =	sld [smem:$0x3F97];
	_ =	swait.ge [sflag:s4], $0x0  }
0x19: {  	s7 =	sld [smem:$0x3F98]  }
0x1a: {  	s8 =	sadd.s32 $0xFFFFE003, lr  }
0x1b: {  	s9 =	sadd.s32 $0xFFFFFEF7, lr;
	s5 =	simm.s32 $0xFFFFFFFF;
	p2 =	slt.u32 s8, $0xFFFFF086  }
0x1c: {  	p1 =	slt.u32 s9, $0xF7A;
	s5 =	simm.s32 @!p2 $0x0  }
0x1d: {  	s5 =	simm.s32 @p1 $0x1;
	p0 =	seq.s32 s7, s2  }
0x1e: {  	s7 =	smul.u32 @!p0 $0xF7A, s2;
	p2 =	seq.s32 @!p0 s5, $0x0  }
0x1f: {  	s9 =	smul.u32 $0xF7A, s1;
	s8 =	simm.s32 @!p0 $0x1BF5;
	p2 =	por !p2, p0  }
0x20: {  	[sflag:s8] =	ssyncset.s32 @!p0 $0xFFFFF086;
	s6 =	sadd.s32 @!p0 s3, s7;
	s7 =	simm.s32 @!p0 $0x108  }
0x21: {  	s3 =	sadd.s32 s3, s9;
	s6 =	sadd.s32 @!p0 $0x88, s6;
	s7 =	simm.s32 @p2 $0x1082  }
0x22: {  	[simem:s7], [sflag:s8] =	dma.local @!p0 [hbm:s6], $0xF7A  }
0x23: {  	s9 =	sor.u32 $0xD0000000, s2;
	s6 =	simm.s32 $0x108;
	_ =	swait.ge @!p0 [sflag:s8], $0x0  }
0x24: {  	s3 =	sadd.s32 $0x88, s3;
	s6 =	simm.s32 @!p1 $0x1082;
	[sflag:s4] =	ssyncset.s32 $0xFFFFF086  }
0x25: {  	[simem:s6], [sflag:s4] =	dma.local [hbm:s3], $0xF7A  }
0x26: {  	[smem:$0x3F98] =	sst s1;
	(tag) =	ssettag s2;
	_ =	strace s9  }
0x27: {  	s1 =	sld [smem:$0x3FA8]  }
0x28: {  	s2 =	sld [smem:$0x3FA9]  }
0x29: {  	s4 =	sld [smem:$0x3FAB]  }
0x2a: {  	p0 =	seq.s32 s5, $0x0;
	s5 =	sld [smem:$0x3FAC]  }
0x2b: {  	s6 =	sld [smem:$0x3FAD]  }
0x2c: {  	s7 =	sld [smem:$0x3FAE]  }
0x2d: {  	s3 =	simm.s32 $0x108;
	s8 =	sld [smem:$0x3FAF]  }
0x2e: {  	s3 =	simm.s32 @!p0 $0x1082;
	s9 =	sld [smem:$0x3FB0]  }
0x2f: {  	lr =	sadd.s32 s0, s3;
	s0 =	sld [smem:$0x3FA7]  }
0x30: {  	s3 =	sld [smem:$0x3FAA]  }
0x31: {  	[smem:$0x3FB3] =	sst s10  }
0x32: {  	s10 =	sld [smem:$0x3FB1];
	_ =	sdelay $0x3  }
0x33: {  	p0 =	seq.s32 s10, $0x1;
	s10 =	sld [smem:$0x3FB3];
	_ =	sdelay $0x3  }
0x34: {  	[smem:$0x3FB3] =	sst s10  }
0x35: {  	s10 =	sld [smem:$0x3FB2];
	_ =	sdelay $0x3  }
0x36: {  	p1 =	seq.s32 s10, $0x1;
	s10 =	sld [smem:$0x3FB3];
	_ =	sdelay $0x3  }
0x37: {  	[smem:$0x3FB3] =	sst s10  }
0x38: {  	s10 =	sld [smem:$0x3FB4]  }
0x39: {  	_ = 	snop;
	(pc) =	sbr.ind lr, $3  }
0x3a: {  	_ = 	snop  }
0x3b: {  	_ = 	snop  }
0x3c: {  	p2 =	seq.s32 s10, $0x1;
	s10 =	sld [smem:$0x3FB3]  }
0x3d: {  	_ =	shalt  }
0x3e: {  	_ =	shalt  }
0x3f: {  	_ =	shalt  }
0x40: {  	_ =	shalt  }
0x41: {  	_ =	shalt  }
0x42: {  	_ =	shalt  }
0x43: {  	_ =	shalt  }
0x44: {  	_ =	shalt  }
0x45: {  	_ =	shalt  }
0x46: {  	_ =	shalt  }
0x47: {  	_ =	shalt  }
0x48: {  	_ =	shalt  }
0x49: {  	_ =	shalt  }
0x4a: {  	_ =	shalt  }
0x4b: {  	_ =	shalt  }
0x4c: {  	_ =	shalt  }
0x4d: {  	_ =	shalt  }
0x4e: {  	_ =	shalt  }
0x4f: {  	_ =	shalt  }
0x50: {  	_ =	shalt  }
0x51: {  	_ =	shalt  }
0x52: {  	_ =	shalt  }
0x53: {  	_ =	shalt  }
0x54: {  	_ =	shalt  }
0x55: {  	_ =	shalt  }
0x56: {  	_ =	shalt  }
0x57: {  	_ =	shalt  }
0x58: {  	_ =	shalt  }
0x59: {  	_ =	shalt  }
0x5a: {  	_ =	shalt  }
0x5b: {  	_ =	shalt  }
0x5c: {  	_ =	shalt  }
0x5d: {  	_ =	shalt  }
0x5e: {  	_ =	shalt  }
0x5f: {  	_ =	shalt  }
0x60: {  	_ =	shalt  }
0x61: {  	_ =	shalt  }
0x62: {  	_ =	shalt  }
0x63: {  	_ =	shalt  }
0x64: {  	_ =	shalt  }
0x65: {  	_ =	shalt  }
0x66: {  	_ =	shalt  }
0x67: {  	_ =	shalt  }
0x68: {  	_ =	shalt  }
0x69: {  	_ =	shalt  }
0x6a: {  	_ =	shalt  }
0x6b: {  	_ =	shalt  }
0x6c: {  	_ =	shalt  }
0x6d: {  	_ =	shalt  }
0x6e: {  	_ =	shalt  }
0x6f: {  	_ =	shalt  }
0x70: {  	_ =	shalt  }
0x71: {  	_ =	shalt  }
0x72: {  	_ =	shalt  }
0x73: {  	_ =	shalt  }
0x74: {  	_ =	shalt  }
0x75: {  	_ =	shalt  }
0x76: {  	_ =	shalt  }
0x77: {  	_ =	shalt  }
0x78: {  	_ =	shalt  }
0x79: {  	_ =	shalt  }
0x7a: {  	_ =	shalt  }
0x7b: {  	_ =	shalt  }
0x7c: {  	_ =	shalt  }
0x7d: {  	_ =	shalt  }
0x7e: {  	_ =	shalt  }
0x7f: {  	_ =	shalt  }
0x80: {  	_ =	shalt  }
0x81: {  	_ =	shalt  }
0x82: {  	_ =	shalt  }
0x83: {  	_ =	shalt  }
0x84: {  	_ =	shalt  }
0x85: {  	_ =	shalt  }
0x86: {  	_ =	shalt  }
0x87: {  	_ =	shalt  }
.Lfunc_end0:
.L_simem_size_0:
called_computation.1_lowered:
.L_overlay_start_0:
0x88: {  	s2 =	sld [smem:$0x3FD9]  }
0x89: {  	s3 =	sld [smem:$0x3FFE];
	_ =	sdelay $0x1  }
0x8a: {  	s1 =	srdreg.scid  }
0x8b: {  	s0 =	sand.u32 $0x1, s1  }
0x8c: {  	s17 =	sshll.u32 s0, $0xA;
	s2 =	sadd.s32 s3, s2  }
0x8d: {  	s2 =	sadd.s32 s2, s17  }
0x8e: {  	[smem:$0x3FBF] =	sst s2  }
0x8f: {  	_ = 	snop  }
0x90: {  	s18 =	sld [smem:$0x3FC6];
	(tm) =	ssettm $0x1  }
0x91: {  	s19 =	sld [smem:$0x3FFB];
	_ =	sdelay $0x3  }
0x92: {  	_ =	strace s19  }
0x93: {  	s2 =	sld [smem:$0x3FFC];
	_ =	sdelay $0x3  }
0x94: {  	_ =	strace s2  }
0x95: {  	s2 =	sld [smem:$0x3FFD];
	_ =	sdelay $0x3  }
0x96: {  	_ =	strace s2  }
0x97: {  	_ =	strace $0x8FFFFFFF  }
0x98: {  	s20 =	sld [smem:$0x3FDB];
	_ =	sdelay $0x1  }
0x99: {  	s4 =	simm.s32 $_scs_section_size  }
0x9a: {  	s5 =	simm.s32 $_size__tile_overlayer_lowered;
	s6 =	simm.s32 $_tile_overlayer_lowered  }
0x9b: {  	s7 =	simm.s32 $0x1BFF;
	s21 =	sshll.u32 s6, $0x1;
	s4 =	sadd.s32 s4, s20  }
0x9c: {  	s22 =	simm.s32 $0x0;
	s5 =	sshll.u32 s5, $0x1;
	s6 =	sadd.s32 s21, s4  }
0x9d: {  	[timem:s22], [sflag:s7] =	dma.local [hbm:s6], s5  }
0x9e: {  	_ =	swait.ge [sflag:s7], s5  }
0x9f: {  	s5 =	ssub.s32 $0x0, s5;
	[sflag:s7] =	ssyncset.done $0x0  }
0xa0: {  	[sflag:s7] =	ssyncadd.s32 s5;
	_ =	sdelay $0x1  }
0xa1: {  	s23 =	simm.s32 $0x1B8B  }
0xa2: {  	_ =	swait.ge [sflag:s23], $0x1  }
0xa3: {  	[sflag:s23] =	ssyncset.done $0x0  }
0xa4: {  	[sflag:s23] =	ssyncadd.s32 $0xFFFFFFFF  }
0xa5: {  	s5 =	sld [smem:$0x0]  }
0xa6: {  	s6 =	sand.u32 $0xFFFFFFFE, s1  }
0xa7: {  	p0 =	sne.s32 s1, s6  }
0xa8: {  	s6 =	sshll.u32 @p0 s6, $0xE  }
0xa9: {  	s6 =	sadd.s32 @p0 $0x11B8D, s6;
	s7 =	sshll.u32 @p0 s5, $0x11  }
0xaa: {  	s6 =	sor.u32 @p0 s7, s6  }
0xab: {  	[sflag:s6] =	ssyncadd.remote.s32 @p0 $0x1;
	_ =	sdelay $0x1  }
0xac: {  	s6 =	simm.s32 @p0 $0x1B8D  }
0xad: {  	_ =	swait.eq @p0 [sflag:s6], $0x1  }
0xae: {  	[sflag:s6] =	ssyncadd.s32 @p0 $0xFFFFFFFF  }
0xaf: {  	s7 =	sshll.u32 @!p0 s1, $0xE  }
0xb0: {  	s7 =	sor.u32 @!p0 $0x4000, s7;
	s6 =	simm.s32 @!p0 $0x1B8D  }
0xb1: {  	s5 =	sshll.u32 @!p0 s5, $0x11;
	s7 =	sadd.s32 @!p0 $0x11B8D, s7;
	_ =	swait.eq @!p0 [sflag:s6], $0x1  }
0xb2: {  	s5 =	sor.u32 @!p0 s5, s7;
	[sflag:s6] =	ssyncadd.s32 @!p0 $0xFFFFFFFF  }
0xb3: {  	s25 =	simm.s32 $0x1B8E;
	s24 =	sld [smem:$0x3FFE];
	[sflag:s5] =	ssyncadd.remote.s32 @!p0 $0x1  }
0xb4: {  	s26 =	simm.s32 $execute0_lowered;
	[smem:$0x3FD2] =	sst s25  }
0xb5: {  	s6 =	sshll.u32 s26, $0x1;
	_ =	strace $0x80000049;
	[dreg:$0x1] =	wrdreg $0xFFFFFFFF  }
0xb6: {  	s28 =	simm.s32 $_size_execute0_lowered;
	s4 =	sadd.s32 s4, s6;
	[dreg:$0x0] =	wrdreg $0x0  }
0xb7: {  	s6 =	sshll.u32 s28, $0x1;
	[dreg:$0x2] =	wrdreg s4  }
0xb8: {  	[dreg:$0x3] =	wrdreg s6  }
0xb9: {  	[dreg:$0x4] =	wrdreg $0xC0  }
0xba: {  	_ =	task [dreg:s22], $0x5FFFF  }
0xbb: {  	[dreg:$0x1] =	wrdreg $0xFFFFFFFF  }
0xbc: {  	[dreg:$0x0] =	wrdreg $0x60  }
0xbd: {  	[dreg:$0x2] =	wrdreg s24  }
0xbe: {  	[dreg:$0x3] =	wrdreg s18  }
0xbf: {  	[dreg:$0x4] =	wrdreg $0xA  }
0xc0: {  	_ =	task.clear_ibuf [dreg:s22], $0x5FFFF;
	_ =	strace $0x90000049  }
0xc1: {  	s29 =	simm.s32 $0xA;
	_ =	strace $0x8000004B  }
0xc2: {  	_ =	swait.ge [sflag:s29], $0x1  }
0xc3: {  	[sflag:s29] =	ssyncadd.s32 $0xFFFFFFFF  }
0xc4: {  	_ =	strace $0x9000004B  }
0xc5: {  	_ =	sfence  }
0xc6: {  	s30 =	sld [smem:$0x0];
	_ =	sdelay $0x2  }
0xc7: {  	s31 =	sshll.u32 s1, $0xD;
	s1 =	sshrl.u32 s1, $0x2  }
0xc8: {  	s4 =	sand.u32 $0x4000, s31;
	s1 =	sadd.s32 s1, s30  }
0xc9: {  	s0 =	sor.u32 s4, s0;
	s1 =	sshll.u32 s1, $0x11  }
0xca: {  	s0 =	sor.u32 s1, s0  }
0xcb: {  	s0 =	sadd.s32 $0x8F2B, s0  }
0xcc: {  	[sflag:s0] =	ssyncadd.remote.s32 $0x1  }
0xcd: {  	_ =	sfence.sel $0xFFFF  }
0xce: {  	[dreg:$0x0] =	wrdreg $0xFFFFFFFF;
	(pc) =	sbr.abs _section_cstart, $3  }
0xcf: {  	[dreg:$0x1] =	wrdreg $0xFFFFFFFF  }
0xd0: {  	_ =	task.clear_ibuf [dreg:s22], $0x2FFFF;
	_ =	strace $0x9FFFFFFF  }
0xd1: {  	(tm) =	ssettm $0x7FFFFFFF  }
tec
execute0_lowered:
.L_overlay_start_1:
0x0: {  	(tag) =	ssettag $0x1  }
0x1: {  	s0 =	rddreg [dreg:$0x0]  }
0x2: {  	s2 =	rddreg [dreg:$0x1]  }
0x3: {  	s3 =	simm.s32 $0x0;
	s1 =	srdreg.scid;
	s5 =	stileid.u32  }
0x4: {  	s11 =	simm.s32 $0x6;
	s12 =	simm.s32 $0x50;
	s13 =	simm.s32 $0x1000  }
0x5: {  	s15 =	simm.s32 $0x3800;
	s17 =	simm.s32 $0x6000;
	s19 =	simm.s32 $0x8800  }
0x6: {  	s21 =	simm.s32 $0xB000;
	s22 =	simm.s32 $0x1;
	s28 =	simm.s32 $0x0  }
0x7: {  	[smem:$0x7FF] =	sst s3;
	s1 =	sand.u32 $0x1, s1;
	s4 =	smul.u32 $0x96000, s5  }
0x8: {  	s5 =	sshll.u32 s5, $0xA;
	s24 =	sadd.s32 $0x12D000, s0;
	s6 =	sshll.u32 s1, $0x9  }
0x9: {  	s7 =	smul.u32 $0x4B000, s1;
	s1 =	ssub.s32 $0x2, s1;
	s5 =	sor.u32 s6, s5  }
0xa: {  	_ =	strace $0x8000004A;
	s25 =	sshrl.u32 s1, $0x1;
	s5 =	sadd.s32 s5, s0  }
0xb: {  	s23 =	sadd.s32 s7, s4;
	s0 =	ssub.s32 s1, s25;
	s25 =	simm.s32 $0x4  }
0xc: {  	s8 =	sadd.s32 $0xA000, s23;
	s26 =	sadd.s32 $0x129000, s5;
	s5 =	smax.u32 s0, $0x1  }
0xd: {  	s30 =	sadd.s32 $0x7800, s23;
	s31 =	sadd.s32 $0x5000, s23;
	s9 =	sadd.s32 $0x2800, s23  }
.Ltmp0:
0xe: {  	s6 =	sshrl.u32 s23, $0x3;
	s23 =	simm.s32 $0x2;
	(pc) =	sbr.rel .LBB2_1-.Ltmp0, $4  }
0xf: {  	[dreg:$0x3] =	wrdreg s26;
	s29 =	sshrl.u32 s8, $0x3;
	s0 =	sshrl.u32 s30, $0x3  }
0x10: {  	s8 =	sshrl.u32 s31, $0x3;
	s9 =	sshrl.u32 s9, $0x3;
	s10 =	sadd.s32 s6, s24  }
0x11: {  	s26 =	simm.s32 $0x5;
	s1 =	sadd.s32 s29, s24;
	s0 =	sadd.s32 s0, s24  }
0x12: {  	s8 =	sadd.s32 s8, s24;
	s9 =	sadd.s32 s9, s24;
	s24 =	simm.s32 $0x3  }
.LBB2_4:
0x13: {  	s28 =	sadd.s32 $0x1, s28  }
0x14: {  	p0 =	sne.s32 s28, s5  }
.Ltmp1:
0x15: {  	_ = 	snop;
	(pc) =	sbr.rel @!p0 .LBB2_5-.Ltmp1, $1  }
0x16: {  	_ =	sdelay $0x3  }
.LBB2_1:
0x17: {  	s4 =	rddreg [dreg:$0x3]  }
0x18: {  	[tilespmem:s3], [sflag:$0x6] =	stream.linear.gather [hbm4b:s4+s3], $0xF00, $0x38;
	[tilespmem:$0xD800] =	vst v63  }
0x19: {  	_ =	swait.ge [sflag:s11], $0xF00  }
0x1a: {  	[sflag:s11] =	ssyncset.done $0x0  }
0x1b: {  	[sflag:s11] =	ssyncadd.s32 $0xFFFFF100  }
0x1c: {  	[tilespmem:s13], [sflag:$0x1] =	stream.indirect.gather [hbm4b:s2+s12], $0x80, s3, s12, $0xb8;
	[tilespmem:$0xD800] =	vst v63  }
0x1d: {  	s14 =	simm.s32 $0x80  }
0x1e: {  	[tilespmem:s15], [sflag:$0x2] =	stream.indirect.gather [hbm4b:s2+s12], $0x80, s14, s12, $0xb8;
	[tilespmem:$0xD800] =	vst v63  }
0x1f: {  	s16 =	simm.s32 $0x100;
	s18 =	simm.s32 $0x180;
	s20 =	simm.s32 $0x200  }
0x20: {  	[tilespmem:s17], [sflag:$0x3] =	stream.indirect.gather [hbm4b:s2+s12], $0x80, s16, s12, $0xb8;
	[tilespmem:$0xD800] =	vst v63  }
0x21: {  	s29 =	smov.u32 s10;
	s30 =	smov.u32 s9;
	s31 =	smov.u32 s8  }
0x22: {  	[tilespmem:s19], [sflag:$0x4] =	stream.indirect.gather [hbm4b:s2+s12], $0x80, s18, s12, $0xb8;
	[tilespmem:$0xD800] =	vst v63  }
0x23: {  	s7 =	smov.u32 s0;
	s6 =	smov.u32 s1;
	s14 =	simm.s32 $0x0  }
0x24: {  	[tilespmem:s21], [sflag:$0x5] =	stream.indirect.gather [hbm4b:s2+s12], $0x80, s20, s12, $0xb8;
	[tilespmem:$0xD800] =	vst v63  }
.LBB2_2:
0x25: {  	_ =	swait.ge [sflag:s22], $0x2800  }
0x26: {  	[sflag:s22] =	ssyncset.done $0x0  }
0x27: {  	[sflag:s22] =	ssyncadd.s32 $0xFFFFD800  }
0x28: {  	[hbm4b:s29+s3] =	stream.linear.scatter [tilespmem:s13], [sflag:$0x6], $0x2800, $0x38;
	[tilespmem:$0xD800] =	vst v63  }
0x29: {  	p0 =	seq.s32 s14, $0x3200;
	_ =	swait.ge [sflag:s11], $0x2800  }
0x2a: {  	s16 =	sshra.s32 @!p0 s14, $0x2;
	s20 =	simm.s32 @!p0 $0x50;
	[sflag:s11] =	ssyncset.done $0x0  }
0x2b: {  	s4 =	simm.s32 @!p0 $0x1000;
	s18 =	sadd.s32 @!p0 $0x280, s16;
	[sflag:s11] =	ssyncadd.s32 $0xFFFFD800  }
0x2c: {  	[tilespmem:s4], [sflag:$0x1] =	stream.indirect.gather @!p0 [hbm4b:s2+s20], $0x80, s18, s20, $0xb8;
	[tilespmem:$0xD800] =	vst v63  }
0x2d: {  	_ =	swait.ge [sflag:s23], $0x2800  }
0x2e: {  	[sflag:s23] =	ssyncset.done $0x0  }
0x2f: {  	[sflag:s23] =	ssyncadd.s32 $0xFFFFD800  }
0x30: {  	[hbm4b:s30+s3] =	stream.linear.scatter [tilespmem:s15], [sflag:$0x6], $0x2800, $0x38;
	[tilespmem:$0xD800] =	vst v63  }
0x31: {  	_ =	swait.ge [sflag:s11], $0x2800  }
0x32: {  	[sflag:s11] =	ssyncset.done $0x0  }
0x33: {  	s4 =	sadd.s32 @!p0 $0x300, s16;
	s18 =	simm.s32 @!p0 $0x3800;
	[sflag:s11] =	ssyncadd.s32 $0xFFFFD800  }
0x34: {  	[tilespmem:s18], [sflag:$0x2] =	stream.indirect.gather @!p0 [hbm4b:s2+s20], $0x80, s4, s20, $0xb8;
	[tilespmem:$0xD800] =	vst v63  }
0x35: {  	_ =	swait.ge [sflag:s24], $0x2800  }
0x36: {  	[sflag:s24] =	ssyncset.done $0x0  }
0x37: {  	[sflag:s24] =	ssyncadd.s32 $0xFFFFD800  }
0x38: {  	[hbm4b:s31+s3] =	stream.linear.scatter [tilespmem:s17], [sflag:$0x6], $0x2800, $0x38;
	[tilespmem:$0xD800] =	vst v63  }
0x39: {  	_ =	swait.ge [sflag:s11], $0x2800  }
0x3a: {  	[sflag:s11] =	ssyncset.done $0x0  }
0x3b: {  	s4 =	sadd.s32 @!p0 $0x380, s16;
	s18 =	simm.s32 @!p0 $0x6000;
	[sflag:s11] =	ssyncadd.s32 $0xFFFFD800  }
0x3c: {  	[tilespmem:s18], [sflag:$0x3] =	stream.indirect.gather @!p0 [hbm4b:s2+s20], $0x80, s4, s20, $0xb8;
	[tilespmem:$0xD800] =	vst v63  }
0x3d: {  	_ =	swait.ge [sflag:s25], $0x2800  }
0x3e: {  	[sflag:s25] =	ssyncset.done $0x0  }
0x3f: {  	[sflag:s25] =	ssyncadd.s32 $0xFFFFD800  }
0x40: {  	[hbm4b:s7+s3] =	stream.linear.scatter [tilespmem:s19], [sflag:$0x6], $0x2800, $0x38;
	[tilespmem:$0xD800] =	vst v63  }
0x41: {  	_ =	swait.ge [sflag:s11], $0x2800  }
0x42: {  	[sflag:s11] =	ssyncset.done $0x0  }
0x43: {  	s4 =	sadd.s32 @!p0 $0x400, s16;
	s16 =	simm.s32 @!p0 $0x8800;
	[sflag:s11] =	ssyncadd.s32 $0xFFFFD800  }
0x44: {  	[tilespmem:s16], [sflag:$0x4] =	stream.indirect.gather @!p0 [hbm4b:s2+s20], $0x80, s4, s20, $0xb8;
	[tilespmem:$0xD800] =	vst v63  }
0x45: {  	_ =	swait.ge [sflag:s26], $0x2800  }
0x46: {  	[sflag:s26] =	ssyncset.done $0x0  }
.Ltmp2:
0x47: {  	[sflag:s26] =	ssyncadd.s32 $0xFFFFD800;
	(pc) =	sbr.rel @p0 .LBB2_4-.Ltmp2, $4  }
0x48: {  	[hbm4b:s6+s3] =	stream.linear.scatter [tilespmem:s21], [sflag:$0x6], $0x2800, $0x38;
	[tilespmem:$0xD800] =	vst v63  }
0x49: {  	_ =	swait.ge [sflag:s11], $0x2800  }
0x4a: {  	[sflag:s11] =	ssyncset.done $0x0  }
0x4b: {  	[sflag:s11] =	ssyncadd.s32 $0xFFFFD800  }
.Ltmp3:
0x4c: {  	(pc) =	sbr.rel .LBB2_2-.Ltmp3, $4  }
0x4d: {  	s4 =	sshra.s32 s14, $0x2;
	s14 =	sadd.s32 $0xA00, s14  }
0x4e: {  	s6 =	sadd.s32 $0x1900, s6;
	s7 =	sadd.s32 $0x1900, s7;
	s31 =	sadd.s32 $0x1900, s31  }
0x4f: {  	s30 =	sadd.s32 $0x1900, s30;
	s29 =	sadd.s32 $0x1900, s29;
	s4 =	sadd.s32 $0x480, s4  }
0x50: {  	[tilespmem:s21], [sflag:$0x5] =	stream.indirect.gather [hbm4b:s2+s12], $0x80, s4, s12, $0xb8;
	[tilespmem:$0xD800] =	vst v63  }
.LBB2_5:
0x51: {  	_ =	sfence.sel $0x180000  }
0x52: {  	[bflag:$0x0] =	sbarrier.arrive $0xFFFF  }
0x53: {  	_ =	strace $0x9000004A  }
0x54: {  	s0 =	stileid.u32;
	[bflag:$0x2] =	sbarrier.arrive $0xFFFF  }
0x55: {  	p0 =	sne.s32 s0, $0x0;
	s0 =	rddreg [dreg:$0x2]  }
0x56: {  	s0 =	sadd.s32 @!p0 $0x100000, s0  }
0x57: {  	[sflag:s0] =	ssyncadd.tile.s32 @!p0 $0x1;
	_ =	shalt  }
.Lfunc_end2:
_tile_overlayer_lowered:
.L_overlay_start_2:
0x58: {  	(tag) =	ssettag $0x2  }
0x59: {  	s0 =	rddreg [dreg:$0x0];
	s2 =	stileid.u32  }
0x5a: {  	s1 =	rddreg [dreg:$0x1];
	p0 =	sne.s32 s2, $0x0  }
0x5b: {  	s3 =	rddreg [dreg:$0x2];
	[bflag:$0x3] =	sbarrier.arrive $0xFFFF;
	s2 =	simm.s32 @!p0 $0x1C06  }
0x5c: {  	[timem:s3], [sflag:s2] =	dma.local @!p0 [hbm:s0], s1  }
0x5d: {  	s0 =	simm.s32 @!p0 $0x6  }
0x5e: {  	_ =	swait.ge @!p0 [sflag:s0], s1  }
0x5f: {  	s1 =	ssub.s32 @!p0 $0x0, s1;
	[sflag:s0] =	ssyncset.done @!p0 $0x0  }
0x60: {  	[sflag:s0] =	ssyncadd.s32 @!p0 s1  }
0x61: {  	[bflag:$0x3] =	sbarrier.arrive $0xFFFF  }
0x62: {  	_ =	shalt  }

// kernel: kernel.16.cloned.1.call-start
scs
__scs_entry_jumppad:
0x0: {  	(pc) =	sbr.rel $0x88, $3  }
0x1: {  	(tag) =	ssettag $0x0;
	lr =	simm.s32 $0x1  }
0x2: {  	[smem:$0x3F98] =	sst lr;
	_ =	strace $0xD0000000  }
0x3: {  	_ = 	snop  }
0x4: {  	_ = 	snop  }
0x5: {  	_ = 	snop  }
0x6: {  	_ = 	snop  }
0x7: {  	_ = 	snop  }
__scs_overlays_trampoline_lowered:
0x8: {  	[smem:$0x3FA7] =	sst s0  }
0x9: {  	[smem:$0x3FA8] =	sst s1  }
0xa: {  	[smem:$0x3FA9] =	sst s2  }
0xb: {  	[smem:$0x3FAA] =	sst s3  }
0xc: {  	[smem:$0x3FAB] =	sst s4  }
0xd: {  	[smem:$0x3FAC] =	sst s5  }
0xe: {  	[smem:$0x3FAD] =	sst s6  }
0xf: {  	[smem:$0x3FAE] =	sst s7  }
0x10: {  	[smem:$0x3FAF] =	sst s8  }
0x11: {  	[smem:$0x3FB0] =	sst s9;
	s0 =	simm.s32 @!p0 $0x0  }
0x12: {  	s1 =	sld [smem:$0x3F96];
	s0 =	simm.s32 @p0 $0x1  }
0x13: {  	[smem:$0x3FB1] =	sst s0;
	s0 =	simm.s32 @!p1 $0x0  }
0x14: {  	s2 =	sld [smem:$0x3F95];
	s0 =	simm.s32 @p1 $0x1  }
0x15: {  	[smem:$0x3FB2] =	sst s0;
	s0 =	simm.s32 @!p2 $0x0  }
0x16: {  	s3 =	sld [smem:$0x3FDB];
	s0 =	simm.s32 @p2 $0x1  }
0x17: {  	s4 =	simm.s32 $0x1BF5;
	[smem:$0x3FB4] =	sst s0  }
0x18: {  	s0 =	sld [smem:$0x3F97];
	_ =	swait.ge [sflag:s4], $0x0  }
0x19: {  	s7 =	sld [smem:$0x3F98]  }
0x1a: {  	s8 =	sadd.s32 $0xFFFFE003, lr  }
0x1b: {  	s9 =	sadd.s32 $0xFFFFFEF7, lr;
	s5 =	simm.s32 $0xFFFFFFFF;
	p2 =	slt.u32 s8, $0xFFFFF086  }
0x1c: {  	p1 =	slt.u32 s9, $0xF7A;
	s5 =	simm.s32 @!p2 $0x0  }
0x1d: {  	s5 =	simm.s32 @p1 $0x1;
	p0 =	seq.s32 s7, s2  }
0x1e: {  	s7 =	smul.u32 @!p0 $0xF7A, s2;
	p2 =	seq.s32 @!p0 s5, $0x0  }
0x1f: {  	s9 =	smul.u32 $0xF7A, s1;
	s8 =	simm.s32 @!p0 $0x1BF5;
	p2 =	por !p2, p0  }
0x20: {  	[sflag:s8] =	ssyncset.s32 @!p0 $0xFFFFF086;
	s6 =	sadd.s32 @!p0 s3, s7;
	s7 =	simm.s32 @!p0 $0x108  }
0x21: {  	s3 =	sadd.s32 s3, s9;
	s6 =	sadd.s32 @!p0 $0x88, s6;
	s7 =	simm.s32 @p2 $0x1082  }
0x22: {  	[simem:s7], [sflag:s8] =	dma.local @!p0 [hbm:s6], $0xF7A  }
0x23: {  	s9 =	sor.u32 $0xD0000000, s2;
	s6 =	simm.s32 $0x108;
	_ =	swait.ge @!p0 [sflag:s8], $0x0  }
0x24: {  	s3 =	sadd.s32 $0x88, s3;
	s6 =	simm.s32 @!p1 $0x1082;
	[sflag:s4] =	ssyncset.s32 $0xFFFFF086  }
0x25: {  	[simem:s6], [sflag:s4] =	dma.local [hbm:s3], $0xF7A  }
0x26: {  	[smem:$0x3F98] =	sst s1;
	(tag) =	ssettag s2;
	_ =	strace s9  }
0x27: {  	s1 =	sld [smem:$0x3FA8]  }
0x28: {  	s2 =	sld [smem:$0x3FA9]  }
0x29: {  	s4 =	sld [smem:$0x3FAB]  }
0x2a: {  	p0 =	seq.s32 s5, $0x0;
	s5 =	sld [smem:$0x3FAC]  }
0x2b: {  	s6 =	sld [smem:$0x3FAD]  }
0x2c: {  	s7 =	sld [smem:$0x3FAE]  }
0x2d: {  	s3 =	simm.s32 $0x108;
	s8 =	sld [smem:$0x3FAF]  }
0x2e: {  	s3 =	simm.s32 @!p0 $0x1082;
	s9 =	sld [smem:$0x3FB0]  }
0x2f: {  	lr =	sadd.s32 s0, s3;
	s0 =	sld [smem:$0x3FA7]  }
0x30: {  	s3 =	sld [smem:$0x3FAA]  }
0x31: {  	[smem:$0x3FB3] =	sst s10  }
0x32: {  	s10 =	sld [smem:$0x3FB1];
	_ =	sdelay $0x3  }
0x33: {  	p0 =	seq.s32 s10, $0x1;
	s10 =	sld [smem:$0x3FB3];
	_ =	sdelay $0x3  }
0x34: {  	[smem:$0x3FB3] =	sst s10  }
0x35: {  	s10 =	sld [smem:$0x3FB2];
	_ =	sdelay $0x3  }
0x36: {  	p1 =	seq.s32 s10, $0x1;
	s10 =	sld [smem:$0x3FB3];
	_ =	sdelay $0x3  }
0x37: {  	[smem:$0x3FB3] =	sst s10  }
0x38: {  	s10 =	sld [smem:$0x3FB4]  }
0x39: {  	_ = 	snop;
	(pc) =	sbr.ind lr, $3  }
0x3a: {  	_ = 	snop  }
0x3b: {  	_ = 	snop  }
0x3c: {  	p2 =	seq.s32 s10, $0x1;
	s10 =	sld [smem:$0x3FB3]  }
0x3d: {  	_ =	shalt  }
0x3e: {  	_ =	shalt  }
0x3f: {  	_ =	shalt  }
0x40: {  	_ =	shalt  }
0x41: {  	_ =	shalt  }
0x42: {  	_ =	shalt  }
0x43: {  	_ =	shalt  }
0x44: {  	_ =	shalt  }
0x45: {  	_ =	shalt  }
0x46: {  	_ =	shalt  }
0x47: {  	_ =	shalt  }
0x48: {  	_ =	shalt  }
0x49: {  	_ =	shalt  }
0x4a: {  	_ =	shalt  }
0x4b: {  	_ =	shalt  }
0x4c: {  	_ =	shalt  }
0x4d: {  	_ =	shalt  }
0x4e: {  	_ =	shalt  }
0x4f: {  	_ =	shalt  }
0x50: {  	_ =	shalt  }
0x51: {  	_ =	shalt  }
0x52: {  	_ =	shalt  }
0x53: {  	_ =	shalt  }
0x54: {  	_ =	shalt  }
0x55: {  	_ =	shalt  }
0x56: {  	_ =	shalt  }
0x57: {  	_ =	shalt  }
0x58: {  	_ =	shalt  }
0x59: {  	_ =	shalt  }
0x5a: {  	_ =	shalt  }
0x5b: {  	_ =	shalt  }
0x5c: {  	_ =	shalt  }
0x5d: {  	_ =	shalt  }
0x5e: {  	_ =	shalt  }
0x5f: {  	_ =	shalt  }
0x60: {  	_ =	shalt  }
0x61: {  	_ =	shalt  }
0x62: {  	_ =	shalt  }
0x63: {  	_ =	shalt  }
0x64: {  	_ =	shalt  }
0x65: {  	_ =	shalt  }
0x66: {  	_ =	shalt  }
0x67: {  	_ =	shalt  }
0x68: {  	_ =	shalt  }
0x69: {  	_ =	shalt  }
0x6a: {  	_ =	shalt  }
0x6b: {  	_ =	shalt  }
0x6c: {  	_ =	shalt  }
0x6d: {  	_ =	shalt  }
0x6e: {  	_ =	shalt  }
0x6f: {  	_ =	shalt  }
0x70: {  	_ =	shalt  }
0x71: {  	_ =	shalt  }
0x72: {  	_ =	shalt  }
0x73: {  	_ =	shalt  }
0x74: {  	_ =	shalt  }
0x75: {  	_ =	shalt  }
0x76: {  	_ =	shalt  }
0x77: {  	_ =	shalt  }
0x78: {  	_ =	shalt  }
0x79: {  	_ =	shalt  }
0x7a: {  	_ =	shalt  }
0x7b: {  	_ =	shalt  }
0x7c: {  	_ =	shalt  }
0x7d: {  	_ =	shalt  }
0x7e: {  	_ =	shalt  }
0x7f: {  	_ =	shalt  }
0x80: {  	_ =	shalt  }
0x81: {  	_ =	shalt  }
0x82: {  	_ =	shalt  }
0x83: {  	_ =	shalt  }
0x84: {  	_ =	shalt  }
0x85: {  	_ =	shalt  }
0x86: {  	_ =	shalt  }
0x87: {  	_ =	shalt  }
.Lfunc_end0:
.L_simem_size_0:
called_computation.2_lowered:
.L_overlay_start_0:
0x88: {  	s2 =	sld [smem:$0x3FD9]  }
0x89: {  	s3 =	sld [smem:$0x3FFE];
	_ =	sdelay $0x1  }
0x8a: {  	s1 =	srdreg.scid  }
0x8b: {  	s0 =	sand.u32 $0x1, s1  }
0x8c: {  	s17 =	sshll.u32 s0, $0xA;
	s2 =	sadd.s32 s3, s2  }
0x8d: {  	s2 =	sadd.s32 s2, s17  }
0x8e: {  	[smem:$0x3FBF] =	sst s2  }
0x8f: {  	_ = 	snop  }
0x90: {  	s18 =	sld [smem:$0x3FC6];
	(tm) =	ssettm $0x1  }
0x91: {  	s19 =	sld [smem:$0x3FFB];
	_ =	sdelay $0x3  }
0x92: {  	_ =	strace s19  }
0x93: {  	s2 =	sld [smem:$0x3FFC];
	_ =	sdelay $0x3  }
0x94: {  	_ =	strace s2  }
0x95: {  	s2 =	sld [smem:$0x3FFD];
	_ =	sdelay $0x3  }
0x96: {  	_ =	strace s2  }
0x97: {  	_ =	strace $0x8FFFFFFF  }
0x98: {  	s20 =	sld [smem:$0x3FDB];
	_ =	sdelay $0x1  }
0x99: {  	s4 =	simm.s32 $_scs_section_size  }
0x9a: {  	s5 =	simm.s32 $_size__tile_overlayer_lowered;
	s6 =	simm.s32 $_tile_overlayer_lowered  }
0x9b: {  	s7 =	simm.s32 $0x1BFF;
	s21 =	sshll.u32 s6, $0x1;
	s4 =	sadd.s32 s4, s20  }
0x9c: {  	s22 =	simm.s32 $0x0;
	s5 =	sshll.u32 s5, $0x1;
	s6 =	sadd.s32 s21, s4  }
0x9d: {  	[timem:s22], [sflag:s7] =	dma.local [hbm:s6], s5  }
0x9e: {  	_ =	swait.ge [sflag:s7], s5  }
0x9f: {  	s5 =	ssub.s32 $0x0, s5;
	[sflag:s7] =	ssyncset.done $0x0  }
0xa0: {  	[sflag:s7] =	ssyncadd.s32 s5;
	_ =	sdelay $0x1  }
0xa1: {  	s23 =	simm.s32 $0x1B8B  }
0xa2: {  	_ =	swait.ge [sflag:s23], $0x1  }
0xa3: {  	[sflag:s23] =	ssyncset.done $0x0  }
0xa4: {  	[sflag:s23] =	ssyncadd.s32 $0xFFFFFFFF  }
0xa5: {  	s5 =	sld [smem:$0x0]  }
0xa6: {  	s6 =	sand.u32 $0xFFFFFFFE, s1  }
0xa7: {  	p0 =	sne.s32 s1, s6  }
0xa8: {  	s6 =	sshll.u32 @p0 s6, $0xE  }
0xa9: {  	s6 =	sadd.s32 @p0 $0x11B8D, s6;
	s7 =	sshll.u32 @p0 s5, $0x11  }
0xaa: {  	s6 =	sor.u32 @p0 s7, s6  }
0xab: {  	[sflag:s6] =	ssyncadd.remote.s32 @p0 $0x1;
	_ =	sdelay $0x1  }
0xac: {  	s6 =	simm.s32 @p0 $0x1B8D  }
0xad: {  	_ =	swait.eq @p0 [sflag:s6], $0x1  }
0xae: {  	[sflag:s6] =	ssyncadd.s32 @p0 $0xFFFFFFFF  }
0xaf: {  	s7 =	sshll.u32 @!p0 s1, $0xE  }
0xb0: {  	s7 =	sor.u32 @!p0 $0x4000, s7;
	s6 =	simm.s32 @!p0 $0x1B8D  }
0xb1: {  	s5 =	sshll.u32 @!p0 s5, $0x11;
	s7 =	sadd.s32 @!p0 $0x11B8D, s7;
	_ =	swait.eq @!p0 [sflag:s6], $0x1  }
0xb2: {  	s5 =	sor.u32 @!p0 s5, s7;
	[sflag:s6] =	ssyncadd.s32 @!p0 $0xFFFFFFFF  }
0xb3: {  	s25 =	simm.s32 $0x1B8E;
	s24 =	sld [smem:$0x3FFE];
	[sflag:s5] =	ssyncadd.remote.s32 @!p0 $0x1  }
0xb4: {  	s26 =	simm.s32 $execute0_lowered;
	[smem:$0x3FD2] =	sst s25  }
0xb5: {  	s6 =	sshll.u32 s26, $0x1;
	_ =	strace $0x8000004F;
	[dreg:$0x1] =	wrdreg $0xFFFFFFFF  }
0xb6: {  	s28 =	simm.s32 $_size_execute0_lowered;
	s4 =	sadd.s32 s4, s6;
	[dreg:$0x0] =	wrdreg $0x0  }
0xb7: {  	s6 =	sshll.u32 s28, $0x1;
	[dreg:$0x2] =	wrdreg s4  }
0xb8: {  	[dreg:$0x3] =	wrdreg s6  }
0xb9: {  	[dreg:$0x4] =	wrdreg $0xC0  }
0xba: {  	_ =	task [dreg:s22], $0x5FFFF  }
0xbb: {  	[dreg:$0x1] =	wrdreg $0xFFFFFFFF  }
0xbc: {  	[dreg:$0x0] =	wrdreg $0x60  }
0xbd: {  	[dreg:$0x2] =	wrdreg s24  }
0xbe: {  	[dreg:$0x3] =	wrdreg s18  }
0xbf: {  	[dreg:$0x4] =	wrdreg $0xB  }
0xc0: {  	_ =	task.clear_ibuf [dreg:s22], $0x5FFFF;
	_ =	strace $0x9000004F  }
0xc1: {  	s29 =	simm.s32 $0xB;
	_ =	strace $0x80000051  }
0xc2: {  	_ =	swait.ge [sflag:s29], $0x1  }
0xc3: {  	[sflag:s29] =	ssyncadd.s32 $0xFFFFFFFF  }
0xc4: {  	_ =	strace $0x90000051  }
0xc5: {  	_ =	sfence  }
0xc6: {  	s30 =	sld [smem:$0x0];
	_ =	sdelay $0x2  }
0xc7: {  	s31 =	sshll.u32 s1, $0xD;
	s1 =	sshrl.u32 s1, $0x2  }
0xc8: {  	s4 =	sand.u32 $0x4000, s31;
	s1 =	sadd.s32 s1, s30  }
0xc9: {  	s0 =	sor.u32 s4, s0;
	s1 =	sshll.u32 s1, $0x11  }
0xca: {  	s0 =	sor.u32 s1, s0  }
0xcb: {  	s0 =	sadd.s32 $0x8F2B, s0  }
0xcc: {  	[sflag:s0] =	ssyncadd.remote.s32 $0x1  }
0xcd: {  	_ =	sfence.sel $0xFFFF  }
0xce: {  	[dreg:$0x0] =	wrdreg $0xFFFFFFFF;
	(pc) =	sbr.abs _section_cstart, $3  }
0xcf: {  	[dreg:$0x1] =	wrdreg $0xFFFFFFFF  }
0xd0: {  	_ =	task.clear_ibuf [dreg:s22], $0x2FFFF;
	_ =	strace $0x9FFFFFFF  }
0xd1: {  	(tm) =	ssettm $0x7FFFFFFF  }
tec
execute0_lowered:
.L_overlay_start_1:
0x0: {  	(tag) =	ssettag $0x1  }
0x1: {  	s0 =	srdreg.scid;
	s4 =	rddreg [dreg:$0x0]  }
0x2: {  	s5 =	stileid.u32;
	s2 =	rddreg [dreg:$0x1];
	s3 =	simm.s32 $0x0  }
0x3: {  	s11 =	simm.s32 $0x6;
	s12 =	simm.s32 $0x50;
	s13 =	simm.s32 $0x1400  }
0x4: {  	s15 =	simm.s32 $0x3C00;
	s17 =	simm.s32 $0x6400;
	s19 =	simm.s32 $0x8C00  }
0x5: {  	s21 =	simm.s32 $0xB400;
	s22 =	simm.s32 $0x1;
	s23 =	simm.s32 $0x2  }
0x6: {  	s24 =	simm.s32 $0x3;
	s25 =	simm.s32 $0x4;
	s26 =	simm.s32 $0x5  }
0x7: {  	s0 =	sand.u32 $0x1, s0;
	s1 =	sshll.u32 s5, $0x1;
	s5 =	smul.u32 $0xAF000, s5  }
0x8: {  	s28 =	simm.s32 $0x0;
	s1 =	sor.u32 s0, s1;
	s6 =	smul.u32 $0x57800, s0  }
0x9: {  	[smem:$0x7FF] =	sst s3;
	s0 =	ssub.s32 $0x2, s0;
	s1 =	smul.u32 $0x280, s1  }
0xa: {  	s7 =	sadd.s32 $0x3BC000, s4;
	_ =	strace $0x80000050;
	s29 =	sshrl.u32 s0, $0x1  }
0xb: {  	s6 =	sadd.s32 s6, s5;
	s0 =	ssub.s32 s0, s29;
	s1 =	sadd.s32 s1, s4  }
0xc: {  	s5 =	sadd.s32 $0xA000, s6;
	s31 =	sadd.s32 $0x7800, s6;
	s8 =	sadd.s32 $0x5000, s6  }
.Ltmp0:
0xd: {  	s9 =	sadd.s32 $0x2800, s6;
	s6 =	sshrl.u32 s6, $0x3;
	(pc) =	sbr.rel .LBB2_1-.Ltmp0, $4  }
0xe: {  	s1 =	sadd.s32 $0x3B7000, s1;
	s30 =	sshrl.u32 s5, $0x3;
	s5 =	smax.u32 s0, $0x1  }
0xf: {  	s8 =	sshrl.u32 s8, $0x3;
	s9 =	sshrl.u32 s9, $0x3;
	s10 =	sadd.s32 s6, s7  }
0x10: {  	[dreg:$0x3] =	wrdreg s1;
	s0 =	sadd.s32 s30, s7;
	s1 =	sshrl.u32 s31, $0x3  }
0x11: {  	s8 =	sadd.s32 s8, s7;
	s9 =	sadd.s32 s9, s7;
	s1 =	sadd.s32 s1, s7  }
.LBB2_4:
0x12: {  	s28 =	sadd.s32 $0x1, s28  }
0x13: {  	p0 =	sne.s32 s28, s5  }
.Ltmp1:
0x14: {  	_ = 	snop;
	(pc) =	sbr.rel @!p0 .LBB2_5-.Ltmp1, $1  }
0x15: {  	_ =	sdelay $0x3  }
.LBB2_1:
0x16: {  	s4 =	rddreg [dreg:$0x3]  }
0x17: {  	[tilespmem:s3], [sflag:$0x6] =	stream.linear.gather [hbm4b:s4+s3], $0x1180, $0x38;
	[tilespmem:$0xDC00] =	vst v63  }
0x18: {  	_ =	swait.ge [sflag:s11], $0x1180  }
0x19: {  	[sflag:s11] =	ssyncset.done $0x0  }
0x1a: {  	[sflag:s11] =	ssyncadd.s32 $0xFFFFEE80  }
0x1b: {  	[tilespmem:s13], [sflag:$0x1] =	stream.indirect.gather [hbm4b:s2+s12], $0x80, s3, s12, $0xb8;
	[tilespmem:$0xDC00] =	vst v63  }
0x1c: {  	s14 =	simm.s32 $0x80  }
0x1d: {  	[tilespmem:s15], [sflag:$0x2] =	stream.indirect.gather [hbm4b:s2+s12], $0x80, s14, s12, $0xb8;
	[tilespmem:$0xDC00] =	vst v63  }
0x1e: {  	s16 =	simm.s32 $0x100;
	s18 =	simm.s32 $0x180;
	s20 =	simm.s32 $0x200  }
0x1f: {  	[tilespmem:s17], [sflag:$0x3] =	stream.indirect.gather [hbm4b:s2+s12], $0x80, s16, s12, $0xb8;
	[tilespmem:$0xDC00] =	vst v63  }
0x20: {  	s29 =	smov.u32 s10;
	s30 =	smov.u32 s9;
	s31 =	smov.u32 s8  }
0x21: {  	[tilespmem:s19], [sflag:$0x4] =	stream.indirect.gather [hbm4b:s2+s12], $0x80, s18, s12, $0xb8;
	[tilespmem:$0xDC00] =	vst v63  }
0x22: {  	s7 =	smov.u32 s1;
	s6 =	smov.u32 s0;
	s14 =	simm.s32 $0x0  }
0x23: {  	[tilespmem:s21], [sflag:$0x5] =	stream.indirect.gather [hbm4b:s2+s12], $0x80, s20, s12, $0xb8;
	[tilespmem:$0xDC00] =	vst v63  }
.LBB2_2:
0x24: {  	_ =	swait.ge [sflag:s22], $0x2800  }
0x25: {  	[sflag:s22] =	ssyncset.done $0x0  }
0x26: {  	[sflag:s22] =	ssyncadd.s32 $0xFFFFD800  }
0x27: {  	[hbm4b:s29+s3] =	stream.linear.scatter [tilespmem:s13], [sflag:$0x6], $0x2800, $0x38;
	[tilespmem:$0xDC00] =	vst v63  }
0x28: {  	p0 =	seq.s32 s14, $0x3C00;
	_ =	swait.ge [sflag:s11], $0x2800  }
0x29: {  	s16 =	sshra.s32 @!p0 s14, $0x2;
	s20 =	simm.s32 @!p0 $0x50;
	[sflag:s11] =	ssyncset.done $0x0  }
0x2a: {  	s4 =	simm.s32 @!p0 $0x1400;
	s18 =	sadd.s32 @!p0 $0x280, s16;
	[sflag:s11] =	ssyncadd.s32 $0xFFFFD800  }
0x2b: {  	[tilespmem:s4], [sflag:$0x1] =	stream.indirect.gather @!p0 [hbm4b:s2+s20], $0x80, s18, s20, $0xb8;
	[tilespmem:$0xDC00] =	vst v63  }
0x2c: {  	_ =	swait.ge [sflag:s23], $0x2800  }
0x2d: {  	[sflag:s23] =	ssyncset.done $0x0  }
0x2e: {  	[sflag:s23] =	ssyncadd.s32 $0xFFFFD800  }
0x2f: {  	[hbm4b:s30+s3] =	stream.linear.scatter [tilespmem:s15], [sflag:$0x6], $0x2800, $0x38;
	[tilespmem:$0xDC00] =	vst v63  }
0x30: {  	_ =	swait.ge [sflag:s11], $0x2800  }
0x31: {  	[sflag:s11] =	ssyncset.done $0x0  }
0x32: {  	s4 =	sadd.s32 @!p0 $0x300, s16;
	s18 =	simm.s32 @!p0 $0x3C00;
	[sflag:s11] =	ssyncadd.s32 $0xFFFFD800  }
0x33: {  	[tilespmem:s18], [sflag:$0x2] =	stream.indirect.gather @!p0 [hbm4b:s2+s20], $0x80, s4, s20, $0xb8;
	[tilespmem:$0xDC00] =	vst v63  }
0x34: {  	_ =	swait.ge [sflag:s24], $0x2800  }
0x35: {  	[sflag:s24] =	ssyncset.done $0x0  }
0x36: {  	[sflag:s24] =	ssyncadd.s32 $0xFFFFD800  }
0x37: {  	[hbm4b:s31+s3] =	stream.linear.scatter [tilespmem:s17], [sflag:$0x6], $0x2800, $0x38;
	[tilespmem:$0xDC00] =	vst v63  }
0x38: {  	_ =	swait.ge [sflag:s11], $0x2800  }
0x39: {  	[sflag:s11] =	ssyncset.done $0x0  }
0x3a: {  	s4 =	sadd.s32 @!p0 $0x380, s16;
	s18 =	simm.s32 @!p0 $0x6400;
	[sflag:s11] =	ssyncadd.s32 $0xFFFFD800  }
0x3b: {  	[tilespmem:s18], [sflag:$0x3] =	stream.indirect.gather @!p0 [hbm4b:s2+s20], $0x80, s4, s20, $0xb8;
	[tilespmem:$0xDC00] =	vst v63  }
0x3c: {  	_ =	swait.ge [sflag:s25], $0x2800  }
0x3d: {  	[sflag:s25] =	ssyncset.done $0x0  }
0x3e: {  	[sflag:s25] =	ssyncadd.s32 $0xFFFFD800  }
0x3f: {  	[hbm4b:s7+s3] =	stream.linear.scatter [tilespmem:s19], [sflag:$0x6], $0x2800, $0x38;
	[tilespmem:$0xDC00] =	vst v63  }
0x40: {  	_ =	swait.ge [sflag:s11], $0x2800  }
0x41: {  	[sflag:s11] =	ssyncset.done $0x0  }
0x42: {  	s4 =	sadd.s32 @!p0 $0x400, s16;
	s16 =	simm.s32 @!p0 $0x8C00;
	[sflag:s11] =	ssyncadd.s32 $0xFFFFD800  }
0x43: {  	[tilespmem:s16], [sflag:$0x4] =	stream.indirect.gather @!p0 [hbm4b:s2+s20], $0x80, s4, s20, $0xb8;
	[tilespmem:$0xDC00] =	vst v63  }
0x44: {  	_ =	swait.ge [sflag:s26], $0x2800  }
0x45: {  	[sflag:s26] =	ssyncset.done $0x0  }
.Ltmp2:
0x46: {  	[sflag:s26] =	ssyncadd.s32 $0xFFFFD800;
	(pc) =	sbr.rel @p0 .LBB2_4-.Ltmp2, $4  }
0x47: {  	[hbm4b:s6+s3] =	stream.linear.scatter [tilespmem:s21], [sflag:$0x6], $0x2800, $0x38;
	[tilespmem:$0xDC00] =	vst v63  }
0x48: {  	_ =	swait.ge [sflag:s11], $0x2800  }
0x49: {  	[sflag:s11] =	ssyncset.done $0x0  }
0x4a: {  	[sflag:s11] =	ssyncadd.s32 $0xFFFFD800  }
.Ltmp3:
0x4b: {  	(pc) =	sbr.rel .LBB2_2-.Ltmp3, $4  }
0x4c: {  	s4 =	sshra.s32 s14, $0x2;
	s14 =	sadd.s32 $0xA00, s14  }
0x4d: {  	s6 =	sadd.s32 $0x1900, s6;
	s7 =	sadd.s32 $0x1900, s7;
	s31 =	sadd.s32 $0x1900, s31  }
0x4e: {  	s30 =	sadd.s32 $0x1900, s30;
	s29 =	sadd.s32 $0x1900, s29;
	s4 =	sadd.s32 $0x480, s4  }
0x4f: {  	[tilespmem:s21], [sflag:$0x5] =	stream.indirect.gather [hbm4b:s2+s12], $0x80, s4, s12, $0xb8;
	[tilespmem:$0xDC00] =	vst v63  }
.LBB2_5:
0x50: {  	_ =	sfence.sel $0x180000  }
0x51: {  	[bflag:$0x0] =	sbarrier.arrive $0xFFFF  }
0x52: {  	_ =	strace $0x90000050  }
0x53: {  	s0 =	stileid.u32;
	[bflag:$0x2] =	sbarrier.arrive $0xFFFF  }
0x54: {  	p0 =	sne.s32 s0, $0x0;
	s0 =	rddreg [dreg:$0x2]  }
0x55: {  	s0 =	sadd.s32 @!p0 $0x100000, s0  }
0x56: {  	[sflag:s0] =	ssyncadd.tile.s32 @!p0 $0x1;
	_ =	shalt  }
.Lfunc_end2:
_tile_overlayer_lowered:
.L_overlay_start_2:
0x57: {  	(tag) =	ssettag $0x2  }
0x58: {  	s0 =	rddreg [dreg:$0x0];
	s2 =	stileid.u32  }
0x59: {  	s1 =	rddreg [dreg:$0x1];
	p0 =	sne.s32 s2, $0x0  }
0x5a: {  	s3 =	rddreg [dreg:$0x2];
	[bflag:$0x3] =	sbarrier.arrive $0xFFFF;
	s2 =	simm.s32 @!p0 $0x1C06  }
0x5b: {  	[timem:s3], [sflag:s2] =	dma.local @!p0 [hbm:s0], s1  }
0x5c: {  	s0 =	simm.s32 @!p0 $0x6  }
0x5d: {  	_ =	swait.ge @!p0 [sflag:s0], s1  }
0x5e: {  	s1 =	ssub.s32 @!p0 $0x0, s1;
	[sflag:s0] =	ssyncset.done @!p0 $0x0  }
0x5f: {  	[sflag:s0] =	ssyncadd.s32 @!p0 s1  }
0x60: {  	[bflag:$0x3] =	sbarrier.arrive $0xFFFF  }
0x61: {  	_ =	shalt  }

// kernel: kernel.19.cloned.1.call-start
scs
__scs_entry_jumppad:
0x0: {  	(pc) =	sbr.rel $0x88, $3  }
0x1: {  	(tag) =	ssettag $0x0;
	lr =	simm.s32 $0x1  }
0x2: {  	[smem:$0x3F98] =	sst lr;
	_ =	strace $0xD0000000  }
0x3: {  	_ = 	snop  }
0x4: {  	_ = 	snop  }
0x5: {  	_ = 	snop  }
0x6: {  	_ = 	snop  }
0x7: {  	_ = 	snop  }
__scs_overlays_trampoline_lowered:
0x8: {  	[smem:$0x3FA7] =	sst s0  }
0x9: {  	[smem:$0x3FA8] =	sst s1  }
0xa: {  	[smem:$0x3FA9] =	sst s2  }
0xb: {  	[smem:$0x3FAA] =	sst s3  }
0xc: {  	[smem:$0x3FAB] =	sst s4  }
0xd: {  	[smem:$0x3FAC] =	sst s5  }
0xe: {  	[smem:$0x3FAD] =	sst s6  }
0xf: {  	[smem:$0x3FAE] =	sst s7  }
0x10: {  	[smem:$0x3FAF] =	sst s8  }
0x11: {  	[smem:$0x3FB0] =	sst s9;
	s0 =	simm.s32 @!p0 $0x0  }
0x12: {  	s1 =	sld [smem:$0x3F96];
	s0 =	simm.s32 @p0 $0x1  }
0x13: {  	[smem:$0x3FB1] =	sst s0;
	s0 =	simm.s32 @!p1 $0x0  }
0x14: {  	s2 =	sld [smem:$0x3F95];
	s0 =	simm.s32 @p1 $0x1  }
0x15: {  	[smem:$0x3FB2] =	sst s0;
	s0 =	simm.s32 @!p2 $0x0  }
0x16: {  	s3 =	sld [smem:$0x3FDB];
	s0 =	simm.s32 @p2 $0x1  }
0x17: {  	s4 =	simm.s32 $0x1BF5;
	[smem:$0x3FB4] =	sst s0  }
0x18: {  	s0 =	sld [smem:$0x3F97];
	_ =	swait.ge [sflag:s4], $0x0  }
0x19: {  	s7 =	sld [smem:$0x3F98]  }
0x1a: {  	s8 =	sadd.s32 $0xFFFFE003, lr  }
0x1b: {  	s9 =	sadd.s32 $0xFFFFFEF7, lr;
	s5 =	simm.s32 $0xFFFFFFFF;
	p2 =	slt.u32 s8, $0xFFFFF086  }
0x1c: {  	p1 =	slt.u32 s9, $0xF7A;
	s5 =	simm.s32 @!p2 $0x0  }
0x1d: {  	s5 =	simm.s32 @p1 $0x1;
	p0 =	seq.s32 s7, s2  }
0x1e: {  	s7 =	smul.u32 @!p0 $0xF7A, s2;
	p2 =	seq.s32 @!p0 s5, $0x0  }
0x1f: {  	s9 =	smul.u32 $0xF7A, s1;
	s8 =	simm.s32 @!p0 $0x1BF5;
	p2 =	por !p2, p0  }
0x20: {  	[sflag:s8] =	ssyncset.s32 @!p0 $0xFFFFF086;
	s6 =	sadd.s32 @!p0 s3, s7;
	s7 =	simm.s32 @!p0 $0x108  }
0x21: {  	s3 =	sadd.s32 s3, s9;
	s6 =	sadd.s32 @!p0 $0x88, s6;
	s7 =	simm.s32 @p2 $0x1082  }
0x22: {  	[simem:s7], [sflag:s8] =	dma.local @!p0 [hbm:s6], $0xF7A  }
0x23: {  	s9 =	sor.u32 $0xD0000000, s2;
	s6 =	simm.s32 $0x108;
	_ =	swait.ge @!p0 [sflag:s8], $0x0  }
0x24: {  	s3 =	sadd.s32 $0x88, s3;
	s6 =	simm.s32 @!p1 $0x1082;
	[sflag:s4] =	ssyncset.s32 $0xFFFFF086  }
0x25: {  	[simem:s6], [sflag:s4] =	dma.local [hbm:s3], $0xF7A  }
0x26: {  	[smem:$0x3F98] =	sst s1;
	(tag) =	ssettag s2;
	_ =	strace s9  }
0x27: {  	s1 =	sld [smem:$0x3FA8]  }
0x28: {  	s2 =	sld [smem:$0x3FA9]  }
0x29: {  	s4 =	sld [smem:$0x3FAB]  }
0x2a: {  	p0 =	seq.s32 s5, $0x0;
	s5 =	sld [smem:$0x3FAC]  }
0x2b: {  	s6 =	sld [smem:$0x3FAD]  }
0x2c: {  	s7 =	sld [smem:$0x3FAE]  }
0x2d: {  	s3 =	simm.s32 $0x108;
	s8 =	sld [smem:$0x3FAF]  }
0x2e: {  	s3 =	simm.s32 @!p0 $0x1082;
	s9 =	sld [smem:$0x3FB0]  }
0x2f: {  	lr =	sadd.s32 s0, s3;
	s0 =	sld [smem:$0x3FA7]  }
0x30: {  	s3 =	sld [smem:$0x3FAA]  }
0x31: {  	[smem:$0x3FB3] =	sst s10  }
0x32: {  	s10 =	sld [smem:$0x3FB1];
	_ =	sdelay $0x3  }
0x33: {  	p0 =	seq.s32 s10, $0x1;
	s10 =	sld [smem:$0x3FB3];
	_ =	sdelay $0x3  }
0x34: {  	[smem:$0x3FB3] =	sst s10  }
0x35: {  	s10 =	sld [smem:$0x3FB2];
	_ =	sdelay $0x3  }
0x36: {  	p1 =	seq.s32 s10, $0x1;
	s10 =	sld [smem:$0x3FB3];
	_ =	sdelay $0x3  }
0x37: {  	[smem:$0x3FB3] =	sst s10  }
0x38: {  	s10 =	sld [smem:$0x3FB4]  }
0x39: {  	_ = 	snop;
	(pc) =	sbr.ind lr, $3  }
0x3a: {  	_ = 	snop  }
0x3b: {  	_ = 	snop  }
0x3c: {  	p2 =	seq.s32 s10, $0x1;
	s10 =	sld [smem:$0x3FB3]  }
0x3d: {  	_ =	shalt  }
0x3e: {  	_ =	shalt  }
0x3f: {  	_ =	shalt  }
0x40: {  	_ =	shalt  }
0x41: {  	_ =	shalt  }
0x42: {  	_ =	shalt  }
0x43: {  	_ =	shalt  }
0x44: {  	_ =	shalt  }
0x45: {  	_ =	shalt  }
0x46: {  	_ =	shalt  }
0x47: {  	_ =	shalt  }
0x48: {  	_ =	shalt  }
0x49: {  	_ =	shalt  }
0x4a: {  	_ =	shalt  }
0x4b: {  	_ =	shalt  }
0x4c: {  	_ =	shalt  }
0x4d: {  	_ =	shalt  }
0x4e: {  	_ =	shalt  }
0x4f: {  	_ =	shalt  }
0x50: {  	_ =	shalt  }
0x51: {  	_ =	shalt  }
0x52: {  	_ =	shalt  }
0x53: {  	_ =	shalt  }
0x54: {  	_ =	shalt  }
0x55: {  	_ =	shalt  }
0x56: {  	_ =	shalt  }
0x57: {  	_ =	shalt  }
0x58: {  	_ =	shalt  }
0x59: {  	_ =	shalt  }
0x5a: {  	_ =	shalt  }
0x5b: {  	_ =	shalt  }
0x5c: {  	_ =	shalt  }
0x5d: {  	_ =	shalt  }
0x5e: {  	_ =	shalt  }
0x5f: {  	_ =	shalt  }
0x60: {  	_ =	shalt  }
0x61: {  	_ =	shalt  }
0x62: {  	_ =	shalt  }
0x63: {  	_ =	shalt  }
0x64: {  	_ =	shalt  }
0x65: {  	_ =	shalt  }
0x66: {  	_ =	shalt  }
0x67: {  	_ =	shalt  }
0x68: {  	_ =	shalt  }
0x69: {  	_ =	shalt  }
0x6a: {  	_ =	shalt  }
0x6b: {  	_ =	shalt  }
0x6c: {  	_ =	shalt  }
0x6d: {  	_ =	shalt  }
0x6e: {  	_ =	shalt  }
0x6f: {  	_ =	shalt  }
0x70: {  	_ =	shalt  }
0x71: {  	_ =	shalt  }
0x72: {  	_ =	shalt  }
0x73: {  	_ =	shalt  }
0x74: {  	_ =	shalt  }
0x75: {  	_ =	shalt  }
0x76: {  	_ =	shalt  }
0x77: {  	_ =	shalt  }
0x78: {  	_ =	shalt  }
0x79: {  	_ =	shalt  }
0x7a: {  	_ =	shalt  }
0x7b: {  	_ =	shalt  }
0x7c: {  	_ =	shalt  }
0x7d: {  	_ =	shalt  }
0x7e: {  	_ =	shalt  }
0x7f: {  	_ =	shalt  }
0x80: {  	_ =	shalt  }
0x81: {  	_ =	shalt  }
0x82: {  	_ =	shalt  }
0x83: {  	_ =	shalt  }
0x84: {  	_ =	shalt  }
0x85: {  	_ =	shalt  }
0x86: {  	_ =	shalt  }
0x87: {  	_ =	shalt  }
.Lfunc_end0:
.L_simem_size_0:
called_computation.3_lowered:
.L_overlay_start_0:
0x88: {  	s2 =	sld [smem:$0x3FD9]  }
0x89: {  	s3 =	sld [smem:$0x3FFE];
	_ =	sdelay $0x1  }
0x8a: {  	s1 =	srdreg.scid  }
0x8b: {  	s0 =	sand.u32 $0x1, s1  }
0x8c: {  	s17 =	sshll.u32 s0, $0xA;
	s2 =	sadd.s32 s3, s2  }
0x8d: {  	s2 =	sadd.s32 s2, s17  }
0x8e: {  	[smem:$0x3FBF] =	sst s2  }
0x8f: {  	_ = 	snop  }
0x90: {  	s18 =	sld [smem:$0x3FC6]  }
0x91: {  	s4 =	sld [smem:$0x3FD0];
	(tm) =	ssettm $0x1  }
0x92: {  	s19 =	sld [smem:$0x3FFB];
	_ =	sdelay $0x3  }
0x93: {  	_ =	strace s19  }
0x94: {  	s2 =	sld [smem:$0x3FFC];
	_ =	sdelay $0x3  }
0x95: {  	_ =	strace s2  }
0x96: {  	s2 =	sld [smem:$0x3FFD];
	_ =	sdelay $0x3  }
0x97: {  	_ =	strace s2  }
0x98: {  	_ =	strace $0x8FFFFFFF  }
0x99: {  	s20 =	sld [smem:$0x3FDB];
	_ =	sdelay $0x1  }
0x9a: {  	s5 =	simm.s32 $_scs_section_size  }
0x9b: {  	s6 =	simm.s32 $_size__tile_overlayer_lowered;
	s7 =	simm.s32 $_tile_overlayer_lowered  }
0x9c: {  	s8 =	simm.s32 $0x1BFF;
	s21 =	sshll.u32 s7, $0x1;
	s5 =	sadd.s32 s5, s20  }
0x9d: {  	s22 =	simm.s32 $0x0;
	s6 =	sshll.u32 s6, $0x1;
	s7 =	sadd.s32 s21, s5  }
0x9e: {  	[timem:s22], [sflag:s8] =	dma.local [hbm:s7], s6  }
0x9f: {  	_ =	swait.ge [sflag:s8], s6  }
0xa0: {  	s6 =	ssub.s32 $0x0, s6;
	[sflag:s8] =	ssyncset.done $0x0  }
0xa1: {  	[sflag:s8] =	ssyncadd.s32 s6;
	_ =	sdelay $0x1  }
0xa2: {  	s23 =	simm.s32 $0x1B8B  }
0xa3: {  	_ =	swait.ge [sflag:s23], $0x1  }
0xa4: {  	[sflag:s23] =	ssyncset.done $0x0  }
0xa5: {  	[sflag:s23] =	ssyncadd.s32 $0xFFFFFFFF  }
0xa6: {  	s6 =	sld [smem:$0x0]  }
0xa7: {  	s7 =	sand.u32 $0xFFFFFFFE, s1  }
0xa8: {  	p0 =	sne.s32 s1, s7  }
0xa9: {  	s7 =	sshll.u32 @p0 s7, $0xE  }
0xaa: {  	s7 =	sadd.s32 @p0 $0x11B8D, s7;
	s8 =	sshll.u32 @p0 s6, $0x11  }
0xab: {  	s7 =	sor.u32 @p0 s8, s7  }
0xac: {  	[sflag:s7] =	ssyncadd.remote.s32 @p0 $0x1;
	_ =	sdelay $0x1  }
0xad: {  	s7 =	simm.s32 @p0 $0x1B8D  }
0xae: {  	_ =	swait.eq @p0 [sflag:s7], $0x1  }
0xaf: {  	[sflag:s7] =	ssyncadd.s32 @p0 $0xFFFFFFFF  }
0xb0: {  	s8 =	sshll.u32 @!p0 s1, $0xE  }
0xb1: {  	s8 =	sor.u32 @!p0 $0x4000, s8;
	s7 =	simm.s32 @!p0 $0x1B8D  }
0xb2: {  	s6 =	sshll.u32 @!p0 s6, $0x11;
	s8 =	sadd.s32 @!p0 $0x11B8D, s8;
	_ =	swait.eq @!p0 [sflag:s7], $0x1  }
0xb3: {  	s6 =	sor.u32 @!p0 s6, s8;
	[sflag:s7] =	ssyncadd.s32 @!p0 $0xFFFFFFFF  }
0xb4: {  	s25 =	simm.s32 $0x1B8E;
	s24 =	sld [smem:$0x3FFE];
	[sflag:s6] =	ssyncadd.remote.s32 @!p0 $0x1  }
0xb5: {  	s26 =	simm.s32 $execute0_lowered;
	[smem:$0x3FD2] =	sst s25  }
0xb6: {  	s7 =	sshll.u32 s26, $0x1;
	_ =	strace $0x8000004C;
	[dreg:$0x1] =	wrdreg $0xFFFFFFFF  }
0xb7: {  	s28 =	simm.s32 $_size_execute0_lowered;
	s5 =	sadd.s32 s5, s7;
	[dreg:$0x0] =	wrdreg $0x0  }
0xb8: {  	s7 =	sshll.u32 s28, $0x1;
	[dreg:$0x2] =	wrdreg s5  }
0xb9: {  	[dreg:$0x3] =	wrdreg s7  }
0xba: {  	[dreg:$0x4] =	wrdreg $0xC0  }
0xbb: {  	_ =	task [dreg:s22], $0x5FFFF  }
0xbc: {  	[dreg:$0x1] =	wrdreg $0xFFFFFFFF  }
0xbd: {  	[dreg:$0x0] =	wrdreg $0x60  }
0xbe: {  	[dreg:$0x2] =	wrdreg s4  }
0xbf: {  	[dreg:$0x3] =	wrdreg s18  }
0xc0: {  	[dreg:$0x4] =	wrdreg s24  }
0xc1: {  	[dreg:$0x5] =	wrdreg $0xC  }
0xc2: {  	_ =	task.clear_ibuf [dreg:s22], $0x6FFFF;
	_ =	strace $0x9000004C  }
0xc3: {  	s29 =	simm.s32 $0xC;
	_ =	strace $0x8000004E  }
0xc4: {  	_ =	swait.ge [sflag:s29], $0x1  }
0xc5: {  	[sflag:s29] =	ssyncadd.s32 $0xFFFFFFFF  }
0xc6: {  	_ =	strace $0x9000004E  }
0xc7: {  	_ =	sfence  }
0xc8: {  	s30 =	sld [smem:$0x0];
	_ =	sdelay $0x2  }
0xc9: {  	s31 =	sshll.u32 s1, $0xD;
	s1 =	sshrl.u32 s1, $0x2  }
0xca: {  	s4 =	sand.u32 $0x4000, s31;
	s1 =	sadd.s32 s1, s30  }
0xcb: {  	s0 =	sor.u32 s4, s0;
	s1 =	sshll.u32 s1, $0x11  }
0xcc: {  	s0 =	sor.u32 s1, s0  }
0xcd: {  	s0 =	sadd.s32 $0x8F2B, s0  }
0xce: {  	[sflag:s0] =	ssyncadd.remote.s32 $0x1  }
0xcf: {  	_ =	sfence.sel $0xFFFF  }
0xd0: {  	[dreg:$0x0] =	wrdreg $0xFFFFFFFF;
	(pc) =	sbr.abs _section_cstart, $3  }
0xd1: {  	[dreg:$0x1] =	wrdreg $0xFFFFFFFF  }
0xd2: {  	_ =	task.clear_ibuf [dreg:s22], $0x2FFFF;
	_ =	strace $0x9FFFFFFF  }
0xd3: {  	(tm) =	ssettm $0x7FFFFFFF  }
tec
execute0_lowered:
.L_overlay_start_1:
0x0: {  	(tag) =	ssettag $0x1  }
0x1: {  	s0 =	rddreg [dreg:$0x0]  }
0x2: {  	s2 =	rddreg [dreg:$0x1]  }
0x3: {  	s1 =	rddreg [dreg:$0x2]  }
0x4: {  	s4 =	srdreg.scid;
	s6 =	stileid.u32  }
0x5: {  	s3 =	simm.s32 $0x0;
	s11 =	simm.s32 $0x6;
	s12 =	simm.s32 $0x50  }
0x6: {  	s13 =	simm.s32 $0x1400;
	s15 =	simm.s32 $0x3C00;
	s17 =	simm.s32 $0x6400  }
0x7: {  	s19 =	simm.s32 $0x8C00;
	s21 =	simm.s32 $0xB400;
	s22 =	simm.s32 $0x1  }
0x8: {  	s23 =	simm.s32 $0x2;
	s24 =	simm.s32 $0x3;
	s28 =	simm.s32 $0x0  }
0x9: {  	s4 =	sand.u32 $0x1, s4;
	s5 =	smul.u32 $0xAF000, s6;
	[smem:$0x7FF] =	sst s3  }
0xa: {  	s6 =	sshll.u32 s6, $0x1;
	s10 =	sadd.s32 $0x259000, s1;
	s7 =	smul.u32 $0x57800, s4  }
0xb: {  	_ =	strace $0x8000004D;
	s6 =	sor.u32 s4, s6;
	s4 =	ssub.s32 $0x2, s4  }
0xc: {  	s6 =	smul.u32 $0x280, s6;
	s25 =	sshrl.u32 s4, $0x1;
	s7 =	sadd.s32 s7, s5  }
0xd: {  	s1 =	ssub.s32 s4, s25;
	s25 =	simm.s32 $0x4;
	s5 =	sadd.s32 $0xA000, s7  }
0xe: {  	s0 =	sadd.s32 s0, s6;
	s29 =	sadd.s32 $0x7800, s7;
	s30 =	sadd.s32 $0x5000, s7  }
.Ltmp0:
0xf: {  	s8 =	sadd.s32 $0x2800, s7;
	s31 =	sshrl.u32 s7, $0x3;
	(pc) =	sbr.rel .LBB2_1-.Ltmp0, $4  }
0x10: {  	[dreg:$0x4] =	wrdreg s0;
	s26 =	sshrl.u32 s5, $0x3;
	s5 =	smax.u32 s1, $0x1  }
0x11: {  	s0 =	sshrl.u32 s29, $0x3;
	s6 =	sshrl.u32 s30, $0x3;
	s9 =	sshrl.u32 s8, $0x3  }
0x12: {  	s1 =	sadd.s32 s26, s10;
	s0 =	sadd.s32 s0, s10;
	s8 =	sadd.s32 s6, s10  }
0x13: {  	s9 =	sadd.s32 s9, s10;
	s10 =	sadd.s32 s31, s10;
	s26 =	simm.s32 $0x5  }
.LBB2_4:
0x14: {  	s28 =	sadd.s32 $0x1, s28  }
0x15: {  	p0 =	sne.s32 s28, s5  }
.Ltmp1:
0x16: {  	_ = 	snop;
	(pc) =	sbr.rel @!p0 .LBB2_5-.Ltmp1, $1  }
0x17: {  	_ =	sdelay $0x3  }
.LBB2_1:
0x18: {  	s4 =	rddreg [dreg:$0x4]  }
0x19: {  	[tilespmem:s3], [sflag:$0x6] =	stream.linear.gather [hbm4b:s4+s3], $0x1180, $0x38;
	[tilespmem:$0xDC00] =	vst v63  }
0x1a: {  	_ =	swait.ge [sflag:s11], $0x1180  }
0x1b: {  	[sflag:s11] =	ssyncset.done $0x0  }
0x1c: {  	[sflag:s11] =	ssyncadd.s32 $0xFFFFEE80  }
0x1d: {  	[tilespmem:s13], [sflag:$0x1] =	stream.indirect.gather [hbm4b:s2+s12], $0x80, s3, s12, $0xb8;
	[tilespmem:$0xDC00] =	vst v63  }
0x1e: {  	s14 =	simm.s32 $0x80  }
0x1f: {  	[tilespmem:s15], [sflag:$0x2] =	stream.indirect.gather [hbm4b:s2+s12], $0x80, s14, s12, $0xb8;
	[tilespmem:$0xDC00] =	vst v63  }
0x20: {  	s16 =	simm.s32 $0x100;
	s18 =	simm.s32 $0x180;
	s20 =	simm.s32 $0x200  }
0x21: {  	[tilespmem:s17], [sflag:$0x3] =	stream.indirect.gather [hbm4b:s2+s12], $0x80, s16, s12, $0xb8;
	[tilespmem:$0xDC00] =	vst v63  }
0x22: {  	s29 =	smov.u32 s10;
	s30 =	smov.u32 s9;
	s31 =	smov.u32 s8  }
0x23: {  	[tilespmem:s19], [sflag:$0x4] =	stream.indirect.gather [hbm4b:s2+s12], $0x80, s18, s12, $0xb8;
	[tilespmem:$0xDC00] =	vst v63  }
0x24: {  	s7 =	smov.u32 s0;
	s6 =	smov.u32 s1;
	s14 =	simm.s32 $0x0  }
0x25: {  	[tilespmem:s21], [sflag:$0x5] =	stream.indirect.gather [hbm4b:s2+s12], $0x80, s20, s12, $0xb8;
	[tilespmem:$0xDC00] =	vst v63  }
.LBB2_2:
0x26: {  	_ =	swait.ge [sflag:s22], $0x2800  }
0x27: {  	[sflag:s22] =	ssyncset.done $0x0  }
0x28: {  	[sflag:s22] =	ssyncadd.s32 $0xFFFFD800  }
0x29: {  	[hbm4b:s29+s3] =	stream.linear.scatter [tilespmem:s13], [sflag:$0x6], $0x2800, $0x38;
	[tilespmem:$0xDC00] =	vst v63  }
0x2a: {  	p0 =	seq.s32 s14, $0x3C00;
	_ =	swait.ge [sflag:s11], $0x2800  }
0x2b: {  	s16 =	sshra.s32 @!p0 s14, $0x2;
	s20 =	simm.s32 @!p0 $0x50;
	[sflag:s11] =	ssyncset.done $0x0  }
0x2c: {  	s4 =	simm.s32 @!p0 $0x1400;
	s18 =	sadd.s32 @!p0 $0x280, s16;
	[sflag:s11] =	ssyncadd.s32 $0xFFFFD800  }
0x2d: {  	[tilespmem:s4], [sflag:$0x1] =	stream.indirect.gather @!p0 [hbm4b:s2+s20], $0x80, s18, s20, $0xb8;
	[tilespmem:$0xDC00] =	vst v63  }
0x2e: {  	_ =	swait.ge [sflag:s23], $0x2800  }
0x2f: {  	[sflag:s23] =	ssyncset.done $0x0  }
0x30: {  	[sflag:s23] =	ssyncadd.s32 $0xFFFFD800  }
0x31: {  	[hbm4b:s30+s3] =	stream.linear.scatter [tilespmem:s15], [sflag:$0x6], $0x2800, $0x38;
	[tilespmem:$0xDC00] =	vst v63  }
0x32: {  	_ =	swait.ge [sflag:s11], $0x2800  }
0x33: {  	[sflag:s11] =	ssyncset.done $0x0  }
0x34: {  	s4 =	sadd.s32 @!p0 $0x300, s16;
	s18 =	simm.s32 @!p0 $0x3C00;
	[sflag:s11] =	ssyncadd.s32 $0xFFFFD800  }
0x35: {  	[tilespmem:s18], [sflag:$0x2] =	stream.indirect.gather @!p0 [hbm4b:s2+s20], $0x80, s4, s20, $0xb8;
	[tilespmem:$0xDC00] =	vst v63  }
0x36: {  	_ =	swait.ge [sflag:s24], $0x2800  }
0x37: {  	[sflag:s24] =	ssyncset.done $0x0  }
0x38: {  	[sflag:s24] =	ssyncadd.s32 $0xFFFFD800  }
0x39: {  	[hbm4b:s31+s3] =	stream.linear.scatter [tilespmem:s17], [sflag:$0x6], $0x2800, $0x38;
	[tilespmem:$0xDC00] =	vst v63  }
0x3a: {  	_ =	swait.ge [sflag:s11], $0x2800  }
0x3b: {  	[sflag:s11] =	ssyncset.done $0x0  }
0x3c: {  	s4 =	sadd.s32 @!p0 $0x380, s16;
	s18 =	simm.s32 @!p0 $0x6400;
	[sflag:s11] =	ssyncadd.s32 $0xFFFFD800  }
0x3d: {  	[tilespmem:s18], [sflag:$0x3] =	stream.indirect.gather @!p0 [hbm4b:s2+s20], $0x80, s4, s20, $0xb8;
	[tilespmem:$0xDC00] =	vst v63  }
0x3e: {  	_ =	swait.ge [sflag:s25], $0x2800  }
0x3f: {  	[sflag:s25] =	ssyncset.done $0x0  }
0x40: {  	[sflag:s25] =	ssyncadd.s32 $0xFFFFD800  }
0x41: {  	[hbm4b:s7+s3] =	stream.linear.scatter [tilespmem:s19], [sflag:$0x6], $0x2800, $0x38;
	[tilespmem:$0xDC00] =	vst v63  }
0x42: {  	_ =	swait.ge [sflag:s11], $0x2800  }
0x43: {  	[sflag:s11] =	ssyncset.done $0x0  }
0x44: {  	s4 =	sadd.s32 @!p0 $0x400, s16;
	s16 =	simm.s32 @!p0 $0x8C00;
	[sflag:s11] =	ssyncadd.s32 $0xFFFFD800  }
0x45: {  	[tilespmem:s16], [sflag:$0x4] =	stream.indirect.gather @!p0 [hbm4b:s2+s20], $0x80, s4, s20, $0xb8;
	[tilespmem:$0xDC00] =	vst v63  }
0x46: {  	_ =	swait.ge [sflag:s26], $0x2800  }
0x47: {  	[sflag:s26] =	ssyncset.done $0x0  }
.Ltmp2:
0x48: {  	[sflag:s26] =	ssyncadd.s32 $0xFFFFD800;
	(pc) =	sbr.rel @p0 .LBB2_4-.Ltmp2, $4  }
0x49: {  	[hbm4b:s6+s3] =	stream.linear.scatter [tilespmem:s21], [sflag:$0x6], $0x2800, $0x38;
	[tilespmem:$0xDC00] =	vst v63  }
0x4a: {  	_ =	swait.ge [sflag:s11], $0x2800  }
0x4b: {  	[sflag:s11] =	ssyncset.done $0x0  }
0x4c: {  	[sflag:s11] =	ssyncadd.s32 $0xFFFFD800  }
.Ltmp3:
0x4d: {  	(pc) =	sbr.rel .LBB2_2-.Ltmp3, $4  }
0x4e: {  	s4 =	sshra.s32 s14, $0x2;
	s14 =	sadd.s32 $0xA00, s14  }
0x4f: {  	s6 =	sadd.s32 $0x1900, s6;
	s7 =	sadd.s32 $0x1900, s7;
	s31 =	sadd.s32 $0x1900, s31  }
0x50: {  	s30 =	sadd.s32 $0x1900, s30;
	s29 =	sadd.s32 $0x1900, s29;
	s4 =	sadd.s32 $0x480, s4  }
0x51: {  	[tilespmem:s21], [sflag:$0x5] =	stream.indirect.gather [hbm4b:s2+s12], $0x80, s4, s12, $0xb8;
	[tilespmem:$0xDC00] =	vst v63  }
.LBB2_5:
0x52: {  	_ =	sfence.sel $0x180000  }
0x53: {  	[bflag:$0x0] =	sbarrier.arrive $0xFFFF  }
0x54: {  	_ =	strace $0x9000004D  }
0x55: {  	s0 =	stileid.u32;
	[bflag:$0x2] =	sbarrier.arrive $0xFFFF  }
0x56: {  	p0 =	sne.s32 s0, $0x0;
	s0 =	rddreg [dreg:$0x3]  }
0x57: {  	s0 =	sadd.s32 @!p0 $0x100000, s0  }
0x58: {  	[sflag:s0] =	ssyncadd.tile.s32 @!p0 $0x1;
	_ =	shalt  }
.Lfunc_end2:
_tile_overlayer_lowered:
.L_overlay_start_2:
0x59: {  	(tag) =	ssettag $0x2  }
0x5a: {  	s0 =	rddreg [dreg:$0x0];
	s2 =	stileid.u32  }
0x5b: {  	s1 =	rddreg [dreg:$0x1];
	p0 =	sne.s32 s2, $0x0  }
0x5c: {  	s3 =	rddreg [dreg:$0x2];
	[bflag:$0x3] =	sbarrier.arrive $0xFFFF;
	s2 =	simm.s32 @!p0 $0x1C06  }
0x5d: {  	[timem:s3], [sflag:s2] =	dma.local @!p0 [hbm:s0], s1  }
0x5e: {  	s0 =	simm.s32 @!p0 $0x6  }
0x5f: {  	_ =	swait.ge @!p0 [sflag:s0], s1  }
0x60: {  	s1 =	ssub.s32 @!p0 $0x0, s1;
	[sflag:s0] =	ssyncset.done @!p0 $0x0  }
0x61: {  	[sflag:s0] =	ssyncadd.s32 @!p0 s1  }
0x62: {  	[bflag:$0x3] =	sbarrier.arrive $0xFFFF  }
0x63: {  	_ =	shalt  }

</sc_bundles>
